<compile_context>
chip_gen: v7x
topology: tpu7x:2x2x1
jax: 0.10.2.dev20260603
libtpu: 0.0.44.dev20260713+nightly
codegen_flags: <defaults>
</compile_context>

<pallas_src>
import functools
import numpy as np
import jax
import jax.numpy as jnp
from jax import lax
from jax.experimental import pallas as pl
from jax.experimental.pallas import tpu as pltpu
from jax.experimental.pallas import tpu_sc as plsc

B = 1
S = 2048
D = 1024
H = 16
HD = D // H
HEAVY = int(0.1 * S)
RECENT = int(0.1 * S)
CACHE = HEAVY + RECENT
NCAND = HEAVY + 1
CV = 13
SPAD = 2064
MASK_MIN = -1e9
ROW_BLK = 256
NBLK = S // ROW_BLK
I32_MAX = np.int32(2**31 - 1)



def _proj_rope_body(h_ref, wt_ref, p_ref, cos_ref, sin_ref, o_ref):
    hb = h_ref[...]
    q = jnp.dot(hb, wt_ref[...], preferred_element_type=jnp.float32)
    qp = jnp.dot(q, p_ref[...], preferred_element_type=jnp.float32)
    o_ref[...] = q * cos_ref[...] + qp * sin_ref[...]


def _proj_body(h_ref, wt_ref, o_ref):
    o_ref[...] = jnp.dot(h_ref[...], wt_ref[...],
                         preferred_element_type=jnp.float32)


def _scores_body(q_ref, kt_ref, s_ref, ss_ref):
    i = pl.program_id(1)
    q = q_ref[0]
    kt = kt_ref[0]
    w = jnp.dot(q, kt, preferred_element_type=jnp.float32) * (1.0 / np.sqrt(HD))
    rows = lax.broadcasted_iota(jnp.int32, (ROW_BLK, S), 0) + i * ROW_BLK
    cols = lax.broadcasted_iota(jnp.int32, (ROW_BLK, S), 1)
    w = w + jnp.where(cols <= rows, 0.0, MASK_MIN)
    m = jnp.max(w, axis=-1, keepdims=True)
    e = jnp.exp(w - m)
    sc = e / jnp.sum(e, axis=-1, keepdims=True)
    s_ref[0] = sc
    init_rows = jnp.where(rows < CACHE, 1.0, 0.0)
    ss_ref[0, 0, 0] = jnp.sum(sc * init_rows, axis=0)


def _final_attn_body(s_ref, ev_ref, v_ref, o_ref):
    i = pl.program_id(1)
    sc = s_ref[0]
    ev = ev_ref[0]
    rows = lax.broadcasted_iota(jnp.int32, (ROW_BLK, S), 0) + i * ROW_BLK
    keep = rows <= ev
    mf = jnp.where(keep, sc, 0.0)
    probs = mf / jnp.sum(mf, axis=-1, keepdims=True)
    o_ref[0] = jnp.dot(probs, v_ref[0], preferred_element_type=jnp.float32)



def _sc_evict_body(scores_hbm, ssinit_hbm, evict_hbm,
                   ss_v, row_a, row_b, row_c, row_d, cand_v, evict_v,
                   sem_a, sem_b, sem_c, sem_d):
    cid = lax.axis_index("c")
    sid = lax.axis_index("s")
    h = sid * 2 + cid
    lanes = lax.iota(jnp.int32, 16)
    lane0 = lanes == 0
    inf16 = jnp.full((16,), jnp.inf, jnp.float32)
    big16 = jnp.full((16,), I32_MAX, jnp.int32)

    @pl.when(h < H)
    def _():
        pltpu.sync_copy(ssinit_hbm.at[h], ss_v)
        row_a[pl.ds(2048, 16)] = jnp.zeros((16,), jnp.float32)
        row_b[pl.ds(2048, 16)] = jnp.zeros((16,), jnp.float32)
        row_c[pl.ds(2048, 16)] = jnp.zeros((16,), jnp.float32)
        row_d[pl.ds(2048, 16)] = jnp.zeros((16,), jnp.float32)
        for i in range(CV):
            vals = lanes + (16 * i)
            if i == CV - 1:
                vals = jnp.where(lanes < (NCAND - 16 * i), vals, S - 1)
            cand_v[pl.ds(16 * i, 16)] = vals
        for i in range(S // 16):
            evict_v[pl.ds(16 * i, 16)] = big16

        def fetch(t, row_v, sem):
            pltpu.make_async_copy(scores_hbm.at[h, t],
                                  row_v.at[pl.ds(0, S)], sem).start()

        def wait(t, row_v, sem):
            pltpu.make_async_copy(scores_hbm.at[h, t],
                                  row_v.at[pl.ds(0, S)], sem).wait()

        def process(t, row_v):
            base = t - (RECENT - 1)
            cpos = [cand_v[pl.ds(16 * i, 16)] for i in range(CV)]
            s_c = [plsc.load_gather(row_v, [cpos[i]]) for i in range(CV)]
            ridx = [jnp.full((16,), base + 16 * i, jnp.int32) + lanes
                    for i in range(CV)]
            s_r = [plsc.load_gather(row_v, [ridx[i]]) for i in range(CV)]
            acc = s_c[0]
            for i in range(1, CV):
                acc = acc + s_c[i]
            for i in range(CV):
                acc = acc + s_r[i]
            tot = jnp.sum(acc)
            inv_v = 1.0 / jnp.full((16,), tot, jnp.float32)
            gc = []
            for i in range(CV):
                g = plsc.load_gather(ss_v, [cpos[i]])
                g = g + s_c[i] * inv_v
                plsc.store_scatter(ss_v, [cpos[i]], g)
                gc.append(g)
            for i in range(CV):
                g = plsc.load_gather(ss_v, [ridx[i]])
                plsc.store_scatter(ss_v, [ridx[i]], g + s_r[i] * inv_v)
            gc[CV - 1] = jnp.where(lanes < (NCAND - 16 * (CV - 1)),
                                   gc[CV - 1], inf16)
            mn = gc[0]
            for i in range(1, CV):
                mn = jnp.minimum(mn, gc[i])
            minv_v = jnp.full((16,), jnp.min(mn), jnp.float32)
            cacc = big16
            for i in range(CV):
                combo = lax.shift_left(cpos[i], 8) + (lanes + 16 * i)
                cacc = jnp.minimum(cacc,
                                   jnp.where(gc[i] == minv_v, combo, big16))
            c_v = jnp.full((16,), jnp.min(cacc), jnp.int32)
            p_v = lax.shift_right_logical(c_v, 8)
            k_v = c_v & 255
            plsc.store_scatter(evict_v, [p_v],
                               jnp.full((16,), t, jnp.int32), mask=lane0)
            plsc.store_scatter(cand_v, [k_v],
                               jnp.full((16,), base, jnp.int32), mask=lane0)

        bufs = [(row_a, sem_a), (row_b, sem_b), (row_c, sem_c), (row_d, sem_d)]
        for off, (rv, sm) in enumerate(bufs):
            fetch(CACHE + off, rv, sm)

        def quad(i, carry):
            t = CACHE + 4 * i
            for off, (rv, sm) in enumerate(bufs):
                wait(t + off, rv, sm)
                process(t + off, rv)
                fetch(t + off + 4, rv, sm)
            return carry

        nquads = (S - 1 - CACHE) // 4
        lax.fori_loop(0, nquads, quad, 0)
        t_last = CACHE + 4 * nquads
        for off in range(S - 1 - CACHE - 4 * nquads):
            rv, sm = bufs[off]
            wait(t_last + off, rv, sm)
            process(t_last + off, rv)
        rv, sm = bufs[3]
        wait(t_last + 3, rv, sm)
        pltpu.sync_copy(evict_v, evict_hbm.at[h])


def _sc_evict(scores, ssinit):
    mesh = plsc.VectorSubcoreMesh(core_axis_name="c", subcore_axis_name="s")
    k = functools.partial(
        pl.kernel, mesh=mesh,
        compiler_params=pltpu.CompilerParams(needs_layout_passes=False),
        out_type=jax.ShapeDtypeStruct((H, S), jnp.int32),
        scratch_types=[
            pltpu.VMEM((SPAD,), jnp.float32),
            pltpu.VMEM((SPAD,), jnp.float32),
            pltpu.VMEM((SPAD,), jnp.float32),
            pltpu.VMEM((SPAD,), jnp.float32),
            pltpu.VMEM((SPAD,), jnp.float32),
            pltpu.VMEM((16 * CV,), jnp.int32),
            pltpu.VMEM((S,), jnp.int32),
            pltpu.SemaphoreType.DMA,
            pltpu.SemaphoreType.DMA,
            pltpu.SemaphoreType.DMA,
            pltpu.SemaphoreType.DMA,
        ],
    )(_sc_evict_body)
    return k(scores, ssinit)



def _rot_perm():
    p = np.zeros((D, D), np.float32)
    for h in range(H):
        o = h * HD
        half = HD // 2
        for r in range(half):
            p[o + half + r, o + r] = -1.0
            p[o + r, o + half + r] = 1.0
    return jnp.asarray(p)


def _cos_sin():
    inv_freq = 1.0 / (10000.0 ** (np.arange(0, HD, 2, dtype=np.float32) / HD))
    t = np.arange(S, dtype=np.float32)
    freqs = np.outer(t, inv_freq)
    emb = np.concatenate([freqs, freqs], axis=-1)
    cos = np.tile(np.cos(emb), (1, H)).astype(np.float32)
    sin = np.tile(np.sin(emb), (1, H)).astype(np.float32)
    return jnp.asarray(cos), jnp.asarray(sin)


def kernel(hidden_states, attention_mask, position_ids, Wq, Wk, Wv, Wo):
    hs = hidden_states[0]
    cosT, sinT = _cos_sin()
    P = _rot_perm()

    rope_call = pl.pallas_call(
        _proj_rope_body,
        grid=(NBLK,),
        in_specs=[
            pl.BlockSpec((ROW_BLK, D), lambda i: (i, 0)),
            pl.BlockSpec((D, D), lambda i: (0, 0)),
            pl.BlockSpec((D, D), lambda i: (0, 0)),
            pl.BlockSpec((ROW_BLK, D), lambda i: (i, 0)),
            pl.BlockSpec((ROW_BLK, D), lambda i: (i, 0)),
        ],
        out_specs=pl.BlockSpec((ROW_BLK, D), lambda i: (i, 0)),
        out_shape=jax.ShapeDtypeStruct((S, D), jnp.float32),
    )
    q = rope_call(hs, Wq.T, P, cosT, sinT)
    kk = rope_call(hs, Wk.T, P, cosT, sinT)

    v = pl.pallas_call(
        _proj_body,
        grid=(NBLK,),
        in_specs=[
            pl.BlockSpec((ROW_BLK, D), lambda i: (i, 0)),
            pl.BlockSpec((D, D), lambda i: (0, 0)),
        ],
        out_specs=pl.BlockSpec((ROW_BLK, D), lambda i: (i, 0)),
        out_shape=jax.ShapeDtypeStruct((S, D), jnp.float32),
    )(hs, Wv.T)

    qh = jnp.transpose(q.reshape(S, H, HD), (1, 0, 2))
    kht = jnp.transpose(kk.reshape(S, H, HD), (1, 2, 0))
    vh = jnp.transpose(v.reshape(S, H, HD), (1, 0, 2))

    scores, ss_parts = pl.pallas_call(
        _scores_body,
        grid=(H, NBLK),
        in_specs=[
            pl.BlockSpec((1, ROW_BLK, HD), lambda h, i: (h, i, 0)),
            pl.BlockSpec((1, HD, S), lambda h, i: (h, 0, 0)),
        ],
        out_specs=[
            pl.BlockSpec((1, ROW_BLK, S), lambda h, i: (h, i, 0)),
            pl.BlockSpec((1, 1, 1, S), lambda h, i: (h, i, 0, 0)),
        ],
        out_shape=[
            jax.ShapeDtypeStruct((H, S, S), jnp.float32),
            jax.ShapeDtypeStruct((H, NBLK, 1, S), jnp.float32),
        ],
    )(qh, kht)

    ss_init = jnp.sum(ss_parts[:, :, 0], axis=1)
    ss_init = jnp.pad(ss_init, ((0, 0), (0, SPAD - S)))

    evict = _sc_evict(scores, ss_init)
    evict3 = evict.reshape(H, 1, S)

    ctx = pl.pallas_call(
        _final_attn_body,
        grid=(H, NBLK),
        in_specs=[
            pl.BlockSpec((1, ROW_BLK, S), lambda h, i: (h, i, 0)),
            pl.BlockSpec((1, 1, S), lambda h, i: (h, 0, 0)),
            pl.BlockSpec((1, S, HD), lambda h, i: (h, 0, 0)),
        ],
        out_specs=pl.BlockSpec((1, ROW_BLK, HD), lambda h, i: (h, i, 0)),
        out_shape=jax.ShapeDtypeStruct((H, S, HD), jnp.float32),
    )(scores, evict3, vh)

    merged = jnp.transpose(ctx, (1, 0, 2)).reshape(S, D)

    out = pl.pallas_call(
        _proj_body,
        grid=(NBLK,),
        in_specs=[
            pl.BlockSpec((ROW_BLK, D), lambda i: (i, 0)),
            pl.BlockSpec((D, D), lambda i: (0, 0)),
        ],
        out_specs=pl.BlockSpec((ROW_BLK, D), lambda i: (i, 0)),
        out_shape=jax.ShapeDtypeStruct((S, D), jnp.float32),
    )(merged, Wo.T)

    return out[None]

# --- scband reference (transcript-rebuilt; emitter-appended) ---
"""Pipeline reference for scband-llama-attention-heavy-hitter-55353538511456 (READ-ONLY COPY).

The authoritative reference and input builder live on the scoring server;
editing this copy changes nothing except your own understanding.
"""

import jax, jax.numpy as jnp
import numpy as np

B = 1
S = 2048
D = 1024
H = 16
HD = D // H
HEAVY_RATIO = 0.1
RECENT_RATIO = 0.1
PENALTY = 1.0
MASK_MIN = -1e9


def setup_inputs(seed: int = 0):
    key = jax.random.key(seed)
    ks = jax.random.split(key, 5)
    hidden_states = jax.random.normal(ks[0], (B, S, D), jnp.float32)
    i = jnp.arange(S)
    causal = jnp.where(i[None, :] <= i[:, None], 0.0, MASK_MIN).astype(jnp.float32)
    attention_mask = jnp.broadcast_to(causal[None, None], (B, 1, S, S)).astype(jnp.float32)
    position_ids = jnp.broadcast_to(jnp.arange(S, dtype=jnp.int32)[None, :], (B, S))
    Wq = jax.random.normal(ks[1], (D, D), jnp.float32) * 0.02
    Wk = jax.random.normal(ks[2], (D, D), jnp.float32) * 0.02
    Wv = jax.random.normal(ks[3], (D, D), jnp.float32) * 0.02
    Wo = jax.random.normal(ks[4], (D, D), jnp.float32) * 0.02
    return {"hidden_states": hidden_states, "attention_mask": attention_mask,
            "position_ids": position_ids, "Wq": Wq, "Wk": Wk, "Wv": Wv, "Wo": Wo}


def rotate_half(x):
    h = x.shape[-1] // 2
    return jnp.concatenate([-x[..., h:], x[..., :h]], axis=-1)


def rotary_cos_sin(seq_len, dim):
    inv_freq = 1.0 / (10000.0 ** (jnp.arange(0, dim, 2, dtype=jnp.float32) / dim))
    t = jnp.arange(seq_len, dtype=jnp.float32)
    freqs = jnp.outer(t, inv_freq)
    emb = jnp.concatenate([freqs, freqs], axis=-1)
    return jnp.cos(emb), jnp.sin(emb)


def apply_rotary_pos_emb(q, k, cos, sin, position_ids):
    cos_p = cos[position_ids][:, None]  # [B,1,S,HD]
    sin_p = sin[position_ids][:, None]
    q_embed = q * cos_p + rotate_half(q) * sin_p
    k_embed = k * cos_p + rotate_half(k) * sin_p
    return q_embed, k_embed


def heavy_hitter_mask(attn_weights, heavy_budget, recent_budget, penalty):
    seq_length = attn_weights.shape[-1]
    cache_budget = heavy_budget + recent_budget
    attn_scores = jax.nn.softmax(attn_weights.astype(jnp.float32), axis=-1).astype(attn_weights.dtype)
    select_score = jnp.zeros(attn_scores[:, :, 0, :].shape, jnp.float32)

    def body1(t, ss):
        return penalty * ss + attn_scores[:, :, t, :].astype(jnp.float32)

    select_score = jax.lax.fori_loop(0, cache_budget, body1, select_score)
    attn_mask = jnp.ones(attn_weights.shape, dtype=bool)
    pos = jnp.arange(seq_length)

    def body2(t, carry):
        ss, am = carry
        current_score = attn_scores[:, :, t, :].astype(jnp.float32)
        current_mask = am[:, :, t, :]
        current_score = current_score * current_mask
        current_score = current_score / jnp.sum(current_score, axis=-1, keepdims=True)
        if penalty != 0.0:
            ss = penalty * ss + current_score
        else:
            ss = jnp.where(ss == jnp.inf, ss, 0.0) + current_score
        local_index = t - recent_budget
        if heavy_budget > 0:
            masked = jnp.where(pos[None, None, :] <= local_index, ss, jnp.inf)
            min_index = jnp.argmin(masked, axis=-1)[..., None]
            onehot = pos[None, None, :] == min_index
            ss = jnp.where(onehot, jnp.inf, ss)
            new_row = jnp.where(onehot, False, current_mask)
            am = am.at[:, :, t + 1, :].set(new_row)
        return (ss, am)

    select_score, attn_mask = jax.lax.fori_loop(cache_budget, seq_length - 1, body2, (select_score, attn_mask))
    return attn_mask


def _forward(hidden_states, attention_mask, position_ids, Wq, Wk, Wv, Wo):
    bsz, q_len, _ = hidden_states.shape
    heavy_budget = int(HEAVY_RATIO * q_len)
    recent_budget = int(RECENT_RATIO * q_len)
    query_states = jnp.transpose((hidden_states @ Wq.T).reshape(bsz, q_len, H, HD), (0, 2, 1, 3))
    key_states = jnp.transpose((hidden_states @ Wk.T).reshape(bsz, q_len, H, HD), (0, 2, 1, 3))
    value_states = jnp.transpose((hidden_states @ Wv.T).reshape(bsz, q_len, H, HD), (0, 2, 1, 3))
    cos, sin = rotary_cos_sin(q_len, HD)
    query_states, key_states = apply_rotary_pos_emb(query_states, key_states, cos, sin, position_ids)
    attn_weights = (query_states @ jnp.transpose(key_states, (0, 1, 3, 2))) / np.sqrt(HD)
    attn_weights = attn_weights + attention_mask
    attn_weights = jnp.maximum(attn_weights, jnp.finfo(attn_weights.dtype).min)
    mask_bottom = heavy_hitter_mask(jax.lax.stop_gradient(attn_weights), heavy_budget, recent_budget, PENALTY)
    attn_weights = jnp.where(mask_bottom, attn_weights, jnp.min(attention_mask))
    attn_probs = jax.nn.softmax(attn_weights.astype(jnp.float32), axis=-1).astype(query_states.dtype)
    attn_output = attn_probs @ value_states
    attn_output = jnp.transpose(attn_output, (0, 2, 1, 3)).reshape(bsz, q_len, D)
    return attn_output @ Wo.T


def reference(hidden_states, attention_mask, position_ids, Wq, Wk, Wv, Wo):
    return _forward(hidden_states, attention_mask, position_ids, Wq, Wk, Wv, Wo)

if __name__ == "__main__":
    import jax
    _d = setup_inputs()
    print(jax.jit(kernel)(*tuple(_d.values())))

</pallas_src>

<mosaic_0001>
#map = affine_map<(d0, d1) -> (0, 0, 0)>
#map1 = affine_map<(d0, d1) -> (0, 0)>
module attributes {stable_mosaic.version = 14 : i64} {
  func.func @_sc_evict_body(%arg0: i32, %arg1: i32, %arg2: memref<16x2048x2048xf32, #tpu.memory_space<hbm>>, %arg3: memref<16x2064xf32, #tpu.memory_space<hbm>>, %arg4: memref<16x2048xi32, #tpu.memory_space<hbm>>, %arg5: memref<2064xf32, #tpu.memory_space<vmem>>, %arg6: memref<2064xf32, #tpu.memory_space<vmem>>, %arg7: memref<2064xf32, #tpu.memory_space<vmem>>, %arg8: memref<2064xf32, #tpu.memory_space<vmem>>, %arg9: memref<2064xf32, #tpu.memory_space<vmem>>, %arg10: memref<208xi32, #tpu.memory_space<vmem>>, %arg11: memref<2048xi32, #tpu.memory_space<vmem>>, %arg12: memref<!tpu.dma_semaphore, #tpu.memory_space<semaphore_mem>>, %arg13: memref<!tpu.dma_semaphore, #tpu.memory_space<semaphore_mem>>, %arg14: memref<!tpu.dma_semaphore, #tpu.memory_space<semaphore_mem>>, %arg15: memref<!tpu.dma_semaphore, #tpu.memory_space<semaphore_mem>>) attributes {dimension_semantics = [#tpu.dimension_semantics<core_parallel>, #tpu.dimension_semantics<subcore_parallel>], iteration_bounds = array<i64: 2, 16>, scalar_prefetch = 0 : i64, scratch_operands = 11 : i64, tpu.core_type = #tpu.core_type<sc_vector_subcore>, window_params = [{transform_indices = #map}, {transform_indices = #map1}, {transform_indices = #map1}]} {
    %mul3A = arith.constant 2 : i32
    %mul3A_0 = arith.muli %arg1, %mul3A : i32
    %add3A = arith.addi %mul3A_0, %arg0 : i32
    %iota3A = tpu.iota {dimensions = array<i32: 0>} : vector<16xi32>
    %eq3A = arith.constant 0 : i32
    %eq3A_1 = vector.broadcast %eq3A : i32 to vector<16xi32>
    %eq3A_2 = arith.cmpi eq, %iota3A, %eq3A_1 : vector<16xi32>
    %broadcast_in_dim3A = arith.constant 0x7F800000 : f32
    %broadcast_in_dim3A_3 = vector.broadcast %broadcast_in_dim3A : f32 to vector<16xf32>
    %broadcast_in_dim3A_4 = arith.constant 2147483647 : i32
    %broadcast_in_dim3A_5 = vector.broadcast %broadcast_in_dim3A_4 : i32 to vector<16xi32>
    %lt3A = arith.constant 16 : i32
    %lt3A_6 = arith.cmpi slt, %add3A, %lt3A : i32
    %convert_element_type3A = arith.extui %lt3A_6 : i1 to i32
    %cond3A = arith.constant 0 : i32
    %cond3A_7 = arith.cmpi ne, %convert_element_type3A, %cond3A : i32
    scf.if %cond3A_7 {
      "tpu.region"() ({
        %run_scoped3A = tpu.sem_alloc : memref<!tpu.dma_semaphore, #tpu.memory_space<semaphore_mem>>
        %dma_start3A_1546 = arith.constant 0 : i32
        %dma_start3A_1547 = tpu.memref_slice %arg3[%add3A, %dma_start3A_1546] : memref<16x2064xf32, #tpu.memory_space<hbm>> -> memref<1x2064xf32, #tpu.memory_space<hbm>>
        %dma_start3A_1548 = tpu.memref_squeeze %dma_start3A_1547 : memref<1x2064xf32, #tpu.memory_space<hbm>> -> memref<2064xf32, #tpu.memory_space<hbm>>
        %dma_start3A_1549 = arith.constant 0 : i32
        %dma_start3A_1550 = tpu.memref_slice %arg3[%add3A, %dma_start3A_1549] : memref<16x2064xf32, #tpu.memory_space<hbm>> -> memref<1x2064xf32, #tpu.memory_space<hbm>>
        %dma_start3A_1551 = tpu.memref_squeeze %dma_start3A_1550 : memref<1x2064xf32, #tpu.memory_space<hbm>> -> memref<2064xf32, #tpu.memory_space<hbm>>
        tpu.enqueue_dma source(%dma_start3A_1551 : memref<2064xf32, #tpu.memory_space<hbm>>) target(%arg5 : memref<2064xf32, #tpu.memory_space<vmem>>) target_semaphore(%run_scoped3A : memref<!tpu.dma_semaphore, #tpu.memory_space<semaphore_mem>>)
        %dma_wait3A_1552 = arith.constant 0 : i32
        %dma_wait3A_1553 = tpu.memref_slice %arg3[%add3A, %dma_wait3A_1552] : memref<16x2064xf32, #tpu.memory_space<hbm>> -> memref<1x2064xf32, #tpu.memory_space<hbm>>
        %dma_wait3A_1554 = tpu.memref_squeeze %dma_wait3A_1553 : memref<1x2064xf32, #tpu.memory_space<hbm>> -> memref<2064xf32, #tpu.memory_space<hbm>>
        %dma_wait3A_1555 = arith.constant 0 : i32
        %dma_wait3A_1556 = tpu.memref_slice %arg3[%add3A, %dma_wait3A_1555] : memref<16x2064xf32, #tpu.memory_space<hbm>> -> memref<1x2064xf32, #tpu.memory_space<hbm>>
        %dma_wait3A_1557 = tpu.memref_squeeze %dma_wait3A_1556 : memref<1x2064xf32, #tpu.memory_space<hbm>> -> memref<2064xf32, #tpu.memory_space<hbm>>
        tpu.wait_dma2 semaphore(%run_scoped3A : memref<!tpu.dma_semaphore, #tpu.memory_space<semaphore_mem>>) src(%dma_wait3A_1557 : memref<2064xf32, #tpu.memory_space<hbm>>) dst(%arg5 : memref<2064xf32, #tpu.memory_space<vmem>>)
        tpu.yield
      }) : () -> ()
      %broadcast_in_dim3A_8 = arith.constant 0.000000e+00 : f32
      %broadcast_in_dim3A_9 = vector.broadcast %broadcast_in_dim3A_8 : f32 to vector<16xf32>
      %swap3A = arith.constant 2048 : index
      %swap3A_10 = tpu.vector_load %arg6[%swap3A] {strides = array<i32>} : memref<2064xf32, #tpu.memory_space<vmem>>, vector<16xf32>,
      tpu.vector_store %arg6[%swap3A], %broadcast_in_dim3A_9 {strides = array<i32>} : memref<2064xf32, #tpu.memory_space<vmem>>, vector<16xf32>,
      %broadcast_in_dim3A_11 = arith.constant 0.000000e+00 : f32
      %broadcast_in_dim3A_12 = vector.broadcast %broadcast_in_dim3A_11 : f32 to vector<16xf32>
      %swap3A_13 = arith.constant 2048 : index
      %swap3A_14 = tpu.vector_load %arg7[%swap3A_13] {strides = array<i32>} : memref<2064xf32, #tpu.memory_space<vmem>>, vector<16xf32>,
      tpu.vector_store %arg7[%swap3A_13], %broadcast_in_dim3A_12 {strides = array<i32>} : memref<2064xf32, #tpu.memory_space<vmem>>, vector<16xf32>,
      %broadcast_in_dim3A_15 = arith.constant 0.000000e+00 : f32
      %broadcast_in_dim3A_16 = vector.broadcast %broadcast_in_dim3A_15 : f32 to vector<16xf32>
      %swap3A_17 = arith.constant 2048 : index
      %swap3A_18 = tpu.vector_load %arg8[%swap3A_17] {strides = array<i32>} : memref<2064xf32, #tpu.memory_space<vmem>>, vector<16xf32>,
      tpu.vector_store %arg8[%swap3A_17], %broadcast_in_dim3A_16 {strides = array<i32>} : memref<2064xf32, #tpu.memory_space<vmem>>, vector<16xf32>,
      %broadcast_in_dim3A_19 = arith.constant 0.000000e+00 : f32
      %broadcast_in_dim3A_20 = vector.broadcast %broadcast_in_dim3A_19 : f32 to vector<16xf32>
      %swap3A_21 = arith.constant 2048 : index
      %swap3A_22 = tpu.vector_load %arg9[%swap3A_21] {strides = array<i32>} : memref<2064xf32, #tpu.memory_space<vmem>>, vector<16xf32>,
      tpu.vector_store %arg9[%swap3A_21], %broadcast_in_dim3A_20 {strides = array<i32>} : memref<2064xf32, #tpu.memory_space<vmem>>, vector<16xf32>,
      %add3A_23 = arith.constant 0 : i32
      %add3A_24 = vector.broadcast %add3A_23 : i32 to vector<16xi32>
      %add3A_25 = arith.addi %iota3A, %add3A_24 : vector<16xi32>
      %swap3A_26 = arith.constant 0 : index
      %swap3A_27 = tpu.vector_load %arg10[%swap3A_26] {strides = array<i32>} : memref<208xi32, #tpu.memory_space<vmem>>, vector<16xi32>,
      tpu.vector_store %arg10[%swap3A_26], %add3A_25 {strides = array<i32>} : memref<208xi32, #tpu.memory_space<vmem>>, vector<16xi32>,
      %add3A_28 = arith.constant 16 : i32
      %add3A_29 = vector.broadcast %add3A_28 : i32 to vector<16xi32>
      %add3A_30 = arith.addi %iota3A, %add3A_29 : vector<16xi32>
      %swap3A_31 = arith.constant 16 : index
      %swap3A_32 = tpu.vector_load %arg10[%swap3A_31] {strides = array<i32>} : memref<208xi32, #tpu.memory_space<vmem>>, vector<16xi32>,
      tpu.vector_store %arg10[%swap3A_31], %add3A_30 {strides = array<i32>} : memref<208xi32, #tpu.memory_space<vmem>>, vector<16xi32>,
      %add3A_33 = arith.constant 32 : i32
      %add3A_34 = vector.broadcast %add3A_33 : i32 to vector<16xi32>
      %add3A_35 = arith.addi %iota3A, %add3A_34 : vector<16xi32>
      %swap3A_36 = arith.constant 32 : index
      %swap3A_37 = tpu.vector_load %arg10[%swap3A_36] {strides = array<i32>} : memref<208xi32, #tpu.memory_space<vmem>>, vector<16xi32>,
      tpu.vector_store %arg10[%swap3A_36], %add3A_35 {strides = array<i32>} : memref<208xi32, #tpu.memory_space<vmem>>, vector<16xi32>,
      %add3A_38 = arith.constant 48 : i32
      %add3A_39 = vector.broadcast %add3A_38 : i32 to vector<16xi32>
      %add3A_40 = arith.addi %iota3A, %add3A_39 : vector<16xi32>
      %swap3A_41 = arith.constant 48 : index
      %swap3A_42 = tpu.vector_load %arg10[%swap3A_41] {strides = array<i32>} : memref<208xi32, #tpu.memory_space<vmem>>, vector<16xi32>,
      tpu.vector_store %arg10[%swap3A_41], %add3A_40 {strides = array<i32>} : memref<208xi32, #tpu.memory_space<vmem>>, vector<16xi32>,
      %add3A_43 = arith.constant 64 : i32
      %add3A_44 = vector.broadcast %add3A_43 : i32 to vector<16xi32>
      %add3A_45 = arith.addi %iota3A, %add3A_44 : vector<16xi32>
      %swap3A_46 = arith.constant 64 : index
      %swap3A_47 = tpu.vector_load %arg10[%swap3A_46] {strides = array<i32>} : memref<208xi32, #tpu.memory_space<vmem>>, vector<16xi32>,
      tpu.vector_store %arg10[%swap3A_46], %add3A_45 {strides = array<i32>} : memref<208xi32, #tpu.memory_space<vmem>>, vector<16xi32>,
      %add3A_48 = arith.constant 80 : i32
      %add3A_49 = vector.broadcast %add3A_48 : i32 to vector<16xi32>
      %add3A_50 = arith.addi %iota3A, %add3A_49 : vector<16xi32>
      %swap3A_51 = arith.constant 80 : index
      %swap3A_52 = tpu.vector_load %arg10[%swap3A_51] {strides = array<i32>} : memref<208xi32, #tpu.memory_space<vmem>>, vector<16xi32>,
      tpu.vector_store %arg10[%swap3A_51], %add3A_50 {strides = array<i32>} : memref<208xi32, #tpu.memory_space<vmem>>, vector<16xi32>,
      %add3A_53 = arith.constant 96 : i32
      %add3A_54 = vector.broadcast %add3A_53 : i32 to vector<16xi32>
      %add3A_55 = arith.addi %iota3A, %add3A_54 : vector<16xi32>
      %swap3A_56 = arith.constant 96 : index
      %swap3A_57 = tpu.vector_load %arg10[%swap3A_56] {strides = array<i32>} : memref<208xi32, #tpu.memory_space<vmem>>, vector<16xi32>,
      tpu.vector_store %arg10[%swap3A_56], %add3A_55 {strides = array<i32>} : memref<208xi32, #tpu.memory_space<vmem>>, vector<16xi32>,
      %add3A_58 = arith.constant 112 : i32
      %add3A_59 = vector.broadcast %add3A_58 : i32 to vector<16xi32>
      %add3A_60 = arith.addi %iota3A, %add3A_59 : vector<16xi32>
      %swap3A_61 = arith.constant 112 : index
      %swap3A_62 = tpu.vector_load %arg10[%swap3A_61] {strides = array<i32>} : memref<208xi32, #tpu.memory_space<vmem>>, vector<16xi32>,
      tpu.vector_store %arg10[%swap3A_61], %add3A_60 {strides = array<i32>} : memref<208xi32, #tpu.memory_space<vmem>>, vector<16xi32>,
      %add3A_63 = arith.constant 128 : i32
      %add3A_64 = vector.broadcast %add3A_63 : i32 to vector<16xi32>
      %add3A_65 = arith.addi %iota3A, %add3A_64 : vector<16xi32>
      %swap3A_66 = arith.constant 128 : index
      %swap3A_67 = tpu.vector_load %arg10[%swap3A_66] {strides = array<i32>} : memref<208xi32, #tpu.memory_space<vmem>>, vector<16xi32>,
      tpu.vector_store %arg10[%swap3A_66], %add3A_65 {strides = array<i32>} : memref<208xi32, #tpu.memory_space<vmem>>, vector<16xi32>,
      %add3A_68 = arith.constant 144 : i32
      %add3A_69 = vector.broadcast %add3A_68 : i32 to vector<16xi32>
      %add3A_70 = arith.addi %iota3A, %add3A_69 : vector<16xi32>
      %swap3A_71 = arith.constant 144 : index
      %swap3A_72 = tpu.vector_load %arg10[%swap3A_71] {strides = array<i32>} : memref<208xi32, #tpu.memory_space<vmem>>, vector<16xi32>,
      tpu.vector_store %arg10[%swap3A_71], %add3A_70 {strides = array<i32>} : memref<208xi32, #tpu.memory_space<vmem>>, vector<16xi32>,
      %add3A_73 = arith.constant 160 : i32
      %add3A_74 = vector.broadcast %add3A_73 : i32 to vector<16xi32>
      %add3A_75 = arith.addi %iota3A, %add3A_74 : vector<16xi32>
      %swap3A_76 = arith.constant 160 : index
      %swap3A_77 = tpu.vector_load %arg10[%swap3A_76] {strides = array<i32>} : memref<208xi32, #tpu.memory_space<vmem>>, vector<16xi32>,
      tpu.vector_store %arg10[%swap3A_76], %add3A_75 {strides = array<i32>} : memref<208xi32, #tpu.memory_space<vmem>>, vector<16xi32>,
      %add3A_78 = arith.constant 176 : i32
      %add3A_79 = vector.broadcast %add3A_78 : i32 to vector<16xi32>
      %add3A_80 = arith.addi %iota3A, %add3A_79 : vector<16xi32>
      %swap3A_81 = arith.constant 176 : index
      %swap3A_82 = tpu.vector_load %arg10[%swap3A_81] {strides = array<i32>} : memref<208xi32, #tpu.memory_space<vmem>>, vector<16xi32>,
      tpu.vector_store %arg10[%swap3A_81], %add3A_80 {strides = array<i32>} : memref<208xi32, #tpu.memory_space<vmem>>, vector<16xi32>,
      %add3A_83 = arith.constant 192 : i32
      %add3A_84 = vector.broadcast %add3A_83 : i32 to vector<16xi32>
      %add3A_85 = arith.addi %iota3A, %add3A_84 : vector<16xi32>
      %lt3A_86 = arith.constant 13 : i32
      %lt3A_87 = vector.broadcast %lt3A_86 : i32 to vector<16xi32>
      %lt3A_88 = arith.cmpi slt, %iota3A, %lt3A_87 : vector<16xi32>
      %jit3A = arith.constant 2047 : i32
      %broadcast_in_dim3A_89 = vector.broadcast %jit3A : i32 to vector<16xi32>
      %select_n3A = arith.select %lt3A_88, %add3A_85, %broadcast_in_dim3A_89 : vector<16xi1>, vector<16xi32>
      %swap3A_90 = arith.constant 192 : index
      %swap3A_91 = tpu.vector_load %arg10[%swap3A_90] {strides = array<i32>} : memref<208xi32, #tpu.memory_space<vmem>>, vector<16xi32>,
      tpu.vector_store %arg10[%swap3A_90], %select_n3A {strides = array<i32>} : memref<208xi32, #tpu.memory_space<vmem>>, vector<16xi32>,
      %swap3A_92 = arith.constant 0 : index
      %swap3A_93 = tpu.vector_load %arg11[%swap3A_92] {strides = array<i32>} : memref<2048xi32, #tpu.memory_space<vmem>>, vector<16xi32>,
      tpu.vector_store %arg11[%swap3A_92], %broadcast_in_dim3A_5 {strides = array<i32>} : memref<2048xi32, #tpu.memory_space<vmem>>, vector<16xi32>,
      %swap3A_94 = arith.constant 16 : index
      %swap3A_95 = tpu.vector_load %arg11[%swap3A_94] {strides = array<i32>} : memref<2048xi32, #tpu.memory_space<vmem>>, vector<16xi32>,
      tpu.vector_store %arg11[%swap3A_94], %broadcast_in_dim3A_5 {strides = array<i32>} : memref<2048xi32, #tpu.memory_space<vmem>>, vector<16xi32>,
      %swap3A_96 = arith.constant 32 : index
      %swap3A_97 = tpu.vector_load %arg11[%swap3A_96] {strides = array<i32>} : memref<2048xi32, #tpu.memory_space<vmem>>, vector<16xi32>,
      tpu.vector_store %arg11[%swap3A_96], %broadcast_in_dim3A_5 {strides = array<i32>} : memref<2048xi32, #tpu.memory_space<vmem>>, vector<16xi32>,
      %swap3A_98 = arith.constant 48 : index
      %swap3A_99 = tpu.vector_load %arg11[%swap3A_98] {strides = array<i32>} : memref<2048xi32, #tpu.memory_space<vmem>>, vector<16xi32>,
      tpu.vector_store %arg11[%swap3A_98], %broadcast_in_dim3A_5 {strides = array<i32>} : memref<2048xi32, #tpu.memory_space<vmem>>, vector<16xi32>,
      %swap3A_100 = arith.constant 64 : index
      %swap3A_101 = tpu.vector_load %arg11[%swap3A_100] {strides = array<i32>} : memref<2048xi32, #tpu.memory_space<vmem>>, vector<16xi32>,
      tpu.vector_store %arg11[%swap3A_100], %broadcast_in_dim3A_5 {strides = array<i32>} : memref<2048xi32, #tpu.memory_space<vmem>>, vector<16xi32>,
      %swap3A_102 = arith.constant 80 : index
      %swap3A_103 = tpu.vector_load %arg11[%swap3A_102] {strides = array<i32>} : memref<2048xi32, #tpu.memory_space<vmem>>, vector<16xi32>,
      tpu.vector_store %arg11[%swap3A_102], %broadcast_in_dim3A_5 {strides = array<i32>} : memref<2048xi32, #tpu.memory_space<vmem>>, vector<16xi32>,
      %swap3A_104 = arith.constant 96 : index
      %swap3A_105 = tpu.vector_load %arg11[%swap3A_104] {strides = array<i32>} : memref<2048xi32, #tpu.memory_space<vmem>>, vector<16xi32>,
      tpu.vector_store %arg11[%swap3A_104], %broadcast_in_dim3A_5 {strides = array<i32>} : memref<2048xi32, #tpu.memory_space<vmem>>, vector<16xi32>,
      %swap3A_106 = arith.constant 112 : index
      %swap3A_107 = tpu.vector_load %arg11[%swap3A_106] {strides = array<i32>} : memref<2048xi32, #tpu.memory_space<vmem>>, vector<16xi32>,
      tpu.vector_store %arg11[%swap3A_106], %broadcast_in_dim3A_5 {strides = array<i32>} : memref<2048xi32, #tpu.memory_space<vmem>>, vector<16xi32>,
      %swap3A_108 = arith.constant 128 : index
      %swap3A_109 = tpu.vector_load %arg11[%swap3A_108] {strides = array<i32>} : memref<2048xi32, #tpu.memory_space<vmem>>, vector<16xi32>,
      tpu.vector_store %arg11[%swap3A_108], %broadcast_in_dim3A_5 {strides = array<i32>} : memref<2048xi32, #tpu.memory_space<vmem>>, vector<16xi32>,
      %swap3A_110 = arith.constant 144 : index
      %swap3A_111 = tpu.vector_load %arg11[%swap3A_110] {strides = array<i32>} : memref<2048xi32, #tpu.memory_space<vmem>>, vector<16xi32>,
      tpu.vector_store %arg11[%swap3A_110], %broadcast_in_dim3A_5 {strides = array<i32>} : memref<2048xi32, #tpu.memory_space<vmem>>, vector<16xi32>,
      %swap3A_112 = arith.constant 160 : index
      %swap3A_113 = tpu.vector_load %arg11[%swap3A_112] {strides = array<i32>} : memref<2048xi32, #tpu.memory_space<vmem>>, vector<16xi32>,
      tpu.vector_store %arg11[%swap3A_112], %broadcast_in_dim3A_5 {strides = array<i32>} : memref<2048xi32, #tpu.memory_space<vmem>>, vector<16xi32>,
      %swap3A_114 = arith.constant 176 : index
      %swap3A_115 = tpu.vector_load %arg11[%swap3A_114] {strides = array<i32>} : memref<2048xi32, #tpu.memory_space<vmem>>, vector<16xi32>,
      tpu.vector_store %arg11[%swap3A_114], %broadcast_in_dim3A_5 {strides = array<i32>} : memref<2048xi32, #tpu.memory_space<vmem>>, vector<16xi32>,
      %swap3A_116 = arith.constant 192 : index
      %swap3A_117 = tpu.vector_load %arg11[%swap3A_116] {strides = array<i32>} : memref<2048xi32, #tpu.memory_space<vmem>>, vector<16xi32>,
      tpu.vector_store %arg11[%swap3A_116], %broadcast_in_dim3A_5 {strides = array<i32>} : memref<2048xi32, #tpu.memory_space<vmem>>, vector<16xi32>,
      %swap3A_118 = arith.constant 208 : index
      %swap3A_119 = tpu.vector_load %arg11[%swap3A_118] {strides = array<i32>} : memref<2048xi32, #tpu.memory_space<vmem>>, vector<16xi32>,
      tpu.vector_store %arg11[%swap3A_118], %broadcast_in_dim3A_5 {strides = array<i32>} : memref<2048xi32, #tpu.memory_space<vmem>>, vector<16xi32>,
      %swap3A_120 = arith.constant 224 : index
      %swap3A_121 = tpu.vector_load %arg11[%swap3A_120] {strides = array<i32>} : memref<2048xi32, #tpu.memory_space<vmem>>, vector<16xi32>,
      tpu.vector_store %arg11[%swap3A_120], %broadcast_in_dim3A_5 {strides = array<i32>} : memref<2048xi32, #tpu.memory_space<vmem>>, vector<16xi32>,
      %swap3A_122 = arith.constant 240 : index
      %swap3A_123 = tpu.vector_load %arg11[%swap3A_122] {strides = array<i32>} : memref<2048xi32, #tpu.memory_space<vmem>>, vector<16xi32>,
      tpu.vector_store %arg11[%swap3A_122], %broadcast_in_dim3A_5 {strides = array<i32>} : memref<2048xi32, #tpu.memory_space<vmem>>, vector<16xi32>,
      %swap3A_124 = arith.constant 256 : index
      %swap3A_125 = tpu.vector_load %arg11[%swap3A_124] {strides = array<i32>} : memref<2048xi32, #tpu.memory_space<vmem>>, vector<16xi32>,
      tpu.vector_store %arg11[%swap3A_124], %broadcast_in_dim3A_5 {strides = array<i32>} : memref<2048xi32, #tpu.memory_space<vmem>>, vector<16xi32>,
      %swap3A_126 = arith.constant 272 : index
      %swap3A_127 = tpu.vector_load %arg11[%swap3A_126] {strides = array<i32>} : memref<2048xi32, #tpu.memory_space<vmem>>, vector<16xi32>,
      tpu.vector_store %arg11[%swap3A_126], %broadcast_in_dim3A_5 {strides = array<i32>} : memref<2048xi32, #tpu.memory_space<vmem>>, vector<16xi32>,
      %swap3A_128 = arith.constant 288 : index
      %swap3A_129 = tpu.vector_load %arg11[%swap3A_128] {strides = array<i32>} : memref<2048xi32, #tpu.memory_space<vmem>>, vector<16xi32>,
      tpu.vector_store %arg11[%swap3A_128], %broadcast_in_dim3A_5 {strides = array<i32>} : memref<2048xi32, #tpu.memory_space<vmem>>, vector<16xi32>,
      %swap3A_130 = arith.constant 304 : index
      %swap3A_131 = tpu.vector_load %arg11[%swap3A_130] {strides = array<i32>} : memref<2048xi32, #tpu.memory_space<vmem>>, vector<16xi32>,
      tpu.vector_store %arg11[%swap3A_130], %broadcast_in_dim3A_5 {strides = array<i32>} : memref<2048xi32, #tpu.memory_space<vmem>>, vector<16xi32>,
      %swap3A_132 = arith.constant 320 : index
      %swap3A_133 = tpu.vector_load %arg11[%swap3A_132] {strides = array<i32>} : memref<2048xi32, #tpu.memory_space<vmem>>, vector<16xi32>,
      tpu.vector_store %arg11[%swap3A_132], %broadcast_in_dim3A_5 {strides = array<i32>} : memref<2048xi32, #tpu.memory_space<vmem>>, vector<16xi32>,
      %swap3A_134 = arith.constant 336 : index
      %swap3A_135 = tpu.vector_load %arg11[%swap3A_134] {strides = array<i32>} : memref<2048xi32, #tpu.memory_space<vmem>>, vector<16xi32>,
      tpu.vector_store %arg11[%swap3A_134], %broadcast_in_dim3A_5 {strides = array<i32>} : memref<2048xi32, #tpu.memory_space<vmem>>, vector<16xi32>,
      %swap3A_136 = arith.constant 352 : index
      %swap3A_137 = tpu.vector_load %arg11[%swap3A_136] {strides = array<i32>} : memref<2048xi32, #tpu.memory_space<vmem>>, vector<16xi32>,
      tpu.vector_store %arg11[%swap3A_136], %broadcast_in_dim3A_5 {strides = array<i32>} : memref<2048xi32, #tpu.memory_space<vmem>>, vector<16xi32>,
      %swap3A_138 = arith.constant 368 : index
      %swap3A_139 = tpu.vector_load %arg11[%swap3A_138] {strides = array<i32>} : memref<2048xi32, #tpu.memory_space<vmem>>, vector<16xi32>,
      tpu.vector_store %arg11[%swap3A_138], %broadcast_in_dim3A_5 {strides = array<i32>} : memref<2048xi32, #tpu.memory_space<vmem>>, vector<16xi32>,
      %swap3A_140 = arith.constant 384 : index
      %swap3A_141 = tpu.vector_load %arg11[%swap3A_140] {strides = array<i32>} : memref<2048xi32, #tpu.memory_space<vmem>>, vector<16xi32>,
      tpu.vector_store %arg11[%swap3A_140], %broadcast_in_dim3A_5 {strides = array<i32>} : memref<2048xi32, #tpu.memory_space<vmem>>, vector<16xi32>,
      %swap3A_142 = arith.constant 400 : index
      %swap3A_143 = tpu.vector_load %arg11[%swap3A_142] {strides = array<i32>} : memref<2048xi32, #tpu.memory_space<vmem>>, vector<16xi32>,
      tpu.vector_store %arg11[%swap3A_142], %broadcast_in_dim3A_5 {strides = array<i32>} : memref<2048xi32, #tpu.memory_space<vmem>>, vector<16xi32>,
      %swap3A_144 = arith.constant 416 : index
      %swap3A_145 = tpu.vector_load %arg11[%swap3A_144] {strides = array<i32>} : memref<2048xi32, #tpu.memory_space<vmem>>, vector<16xi32>,
      tpu.vector_store %arg11[%swap3A_144], %broadcast_in_dim3A_5 {strides = array<i32>} : memref<2048xi32, #tpu.memory_space<vmem>>, vector<16xi32>,
      %swap3A_146 = arith.constant 432 : index
      %swap3A_147 = tpu.vector_load %arg11[%swap3A_146] {strides = array<i32>} : memref<2048xi32, #tpu.memory_space<vmem>>, vector<16xi32>,
      tpu.vector_store %arg11[%swap3A_146], %broadcast_in_dim3A_5 {strides = array<i32>} : memref<2048xi32, #tpu.memory_space<vmem>>, vector<16xi32>,
      %swap3A_148 = arith.constant 448 : index
      %swap3A_149 = tpu.vector_load %arg11[%swap3A_148] {strides = array<i32>} : memref<2048xi32, #tpu.memory_space<vmem>>, vector<16xi32>,
      tpu.vector_store %arg11[%swap3A_148], %broadcast_in_dim3A_5 {strides = array<i32>} : memref<2048xi32, #tpu.memory_space<vmem>>, vector<16xi32>,
      %swap3A_150 = arith.constant 464 : index
      %swap3A_151 = tpu.vector_load %arg11[%swap3A_150] {strides = array<i32>} : memref<2048xi32, #tpu.memory_space<vmem>>, vector<16xi32>,
      tpu.vector_store %arg11[%swap3A_150], %broadcast_in_dim3A_5 {strides = array<i32>} : memref<2048xi32, #tpu.memory_space<vmem>>, vector<16xi32>,
      %swap3A_152 = arith.constant 480 : index
      %swap3A_153 = tpu.vector_load %arg11[%swap3A_152] {strides = array<i32>} : memref<2048xi32, #tpu.memory_space<vmem>>, vector<16xi32>,
      tpu.vector_store %arg11[%swap3A_152], %broadcast_in_dim3A_5 {strides = array<i32>} : memref<2048xi32, #tpu.memory_space<vmem>>, vector<16xi32>,
      %swap3A_154 = arith.constant 496 : index
      %swap3A_155 = tpu.vector_load %arg11[%swap3A_154] {strides = array<i32>} : memref<2048xi32, #tpu.memory_space<vmem>>, vector<16xi32>,
      tpu.vector_store %arg11[%swap3A_154], %broadcast_in_dim3A_5 {strides = array<i32>} : memref<2048xi32, #tpu.memory_space<vmem>>, vector<16xi32>,
      %swap3A_156 = arith.constant 512 : index
      %swap3A_157 = tpu.vector_load %arg11[%swap3A_156] {strides = array<i32>} : memref<2048xi32, #tpu.memory_space<vmem>>, vector<16xi32>,
      tpu.vector_store %arg11[%swap3A_156], %broadcast_in_dim3A_5 {strides = array<i32>} : memref<2048xi32, #tpu.memory_space<vmem>>, vector<16xi32>,
      %swap3A_158 = arith.constant 528 : index
      %swap3A_159 = tpu.vector_load %arg11[%swap3A_158] {strides = array<i32>} : memref<2048xi32, #tpu.memory_space<vmem>>, vector<16xi32>,
      tpu.vector_store %arg11[%swap3A_158], %broadcast_in_dim3A_5 {strides = array<i32>} : memref<2048xi32, #tpu.memory_space<vmem>>, vector<16xi32>,
      %swap3A_160 = arith.constant 544 : index
      %swap3A_161 = tpu.vector_load %arg11[%swap3A_160] {strides = array<i32>} : memref<2048xi32, #tpu.memory_space<vmem>>, vector<16xi32>,
      tpu.vector_store %arg11[%swap3A_160], %broadcast_in_dim3A_5 {strides = array<i32>} : memref<2048xi32, #tpu.memory_space<vmem>>, vector<16xi32>,
      %swap3A_162 = arith.constant 560 : index
      %swap3A_163 = tpu.vector_load %arg11[%swap3A_162] {strides = array<i32>} : memref<2048xi32, #tpu.memory_space<vmem>>, vector<16xi32>,
      tpu.vector_store %arg11[%swap3A_162], %broadcast_in_dim3A_5 {strides = array<i32>} : memref<2048xi32, #tpu.memory_space<vmem>>, vector<16xi32>,
      %swap3A_164 = arith.constant 576 : index
      %swap3A_165 = tpu.vector_load %arg11[%swap3A_164] {strides = array<i32>} : memref<2048xi32, #tpu.memory_space<vmem>>, vector<16xi32>,
      tpu.vector_store %arg11[%swap3A_164], %broadcast_in_dim3A_5 {strides = array<i32>} : memref<2048xi32, #tpu.memory_space<vmem>>, vector<16xi32>,
      %swap3A_166 = arith.constant 592 : index
      %swap3A_167 = tpu.vector_load %arg11[%swap3A_166] {strides = array<i32>} : memref<2048xi32, #tpu.memory_space<vmem>>, vector<16xi32>,
      tpu.vector_store %arg11[%swap3A_166], %broadcast_in_dim3A_5 {strides = array<i32>} : memref<2048xi32, #tpu.memory_space<vmem>>, vector<16xi32>,
      %swap3A_168 = arith.constant 608 : index
      %swap3A_169 = tpu.vector_load %arg11[%swap3A_168] {strides = array<i32>} : memref<2048xi32, #tpu.memory_space<vmem>>, vector<16xi32>,
      tpu.vector_store %arg11[%swap3A_168], %broadcast_in_dim3A_5 {strides = array<i32>} : memref<2048xi32, #tpu.memory_space<vmem>>, vector<16xi32>,
      %swap3A_170 = arith.constant 624 : index
      %swap3A_171 = tpu.vector_load %arg11[%swap3A_170] {strides = array<i32>} : memref<2048xi32, #tpu.memory_space<vmem>>, vector<16xi32>,
      tpu.vector_store %arg11[%swap3A_170], %broadcast_in_dim3A_5 {strides = array<i32>} : memref<2048xi32, #tpu.memory_space<vmem>>, vector<16xi32>,
      %swap3A_172 = arith.constant 640 : index
      %swap3A_173 = tpu.vector_load %arg11[%swap3A_172] {strides = array<i32>} : memref<2048xi32, #tpu.memory_space<vmem>>, vector<16xi32>,
      tpu.vector_store %arg11[%swap3A_172], %broadcast_in_dim3A_5 {strides = array<i32>} : memref<2048xi32, #tpu.memory_space<vmem>>, vector<16xi32>,
      %swap3A_174 = arith.constant 656 : index
      %swap3A_175 = tpu.vector_load %arg11[%swap3A_174] {strides = array<i32>} : memref<2048xi32, #tpu.memory_space<vmem>>, vector<16xi32>,
      tpu.vector_store %arg11[%swap3A_174], %broadcast_in_dim3A_5 {strides = array<i32>} : memref<2048xi32, #tpu.memory_space<vmem>>, vector<16xi32>,
      %swap3A_176 = arith.constant 672 : index
      %swap3A_177 = tpu.vector_load %arg11[%swap3A_176] {strides = array<i32>} : memref<2048xi32, #tpu.memory_space<vmem>>, vector<16xi32>,
      tpu.vector_store %arg11[%swap3A_176], %broadcast_in_dim3A_5 {strides = array<i32>} : memref<2048xi32, #tpu.memory_space<vmem>>, vector<16xi32>,
      %swap3A_178 = arith.constant 688 : index
      %swap3A_179 = tpu.vector_load %arg11[%swap3A_178] {strides = array<i32>} : memref<2048xi32, #tpu.memory_space<vmem>>, vector<16xi32>,
      tpu.vector_store %arg11[%swap3A_178], %broadcast_in_dim3A_5 {strides = array<i32>} : memref<2048xi32, #tpu.memory_space<vmem>>, vector<16xi32>,
      %swap3A_180 = arith.constant 704 : index
      %swap3A_181 = tpu.vector_load %arg11[%swap3A_180] {strides = array<i32>} : memref<2048xi32, #tpu.memory_space<vmem>>, vector<16xi32>,
      tpu.vector_store %arg11[%swap3A_180], %broadcast_in_dim3A_5 {strides = array<i32>} : memref<2048xi32, #tpu.memory_space<vmem>>, vector<16xi32>,
      %swap3A_182 = arith.constant 720 : index
      %swap3A_183 = tpu.vector_load %arg11[%swap3A_182] {strides = array<i32>} : memref<2048xi32, #tpu.memory_space<vmem>>, vector<16xi32>,
      tpu.vector_store %arg11[%swap3A_182], %broadcast_in_dim3A_5 {strides = array<i32>} : memref<2048xi32, #tpu.memory_space<vmem>>, vector<16xi32>,
      %swap3A_184 = arith.constant 736 : index
      %swap3A_185 = tpu.vector_load %arg11[%swap3A_184] {strides = array<i32>} : memref<2048xi32, #tpu.memory_space<vmem>>, vector<16xi32>,
      tpu.vector_store %arg11[%swap3A_184], %broadcast_in_dim3A_5 {strides = array<i32>} : memref<2048xi32, #tpu.memory_space<vmem>>, vector<16xi32>,
      %swap3A_186 = arith.constant 752 : index
      %swap3A_187 = tpu.vector_load %arg11[%swap3A_186] {strides = array<i32>} : memref<2048xi32, #tpu.memory_space<vmem>>, vector<16xi32>,
      tpu.vector_store %arg11[%swap3A_186], %broadcast_in_dim3A_5 {strides = array<i32>} : memref<2048xi32, #tpu.memory_space<vmem>>, vector<16xi32>,
      %swap3A_188 = arith.constant 768 : index
      %swap3A_189 = tpu.vector_load %arg11[%swap3A_188] {strides = array<i32>} : memref<2048xi32, #tpu.memory_space<vmem>>, vector<16xi32>,
      tpu.vector_store %arg11[%swap3A_188], %broadcast_in_dim3A_5 {strides = array<i32>} : memref<2048xi32, #tpu.memory_space<vmem>>, vector<16xi32>,
      %swap3A_190 = arith.constant 784 : index
      %swap3A_191 = tpu.vector_load %arg11[%swap3A_190] {strides = array<i32>} : memref<2048xi32, #tpu.memory_space<vmem>>, vector<16xi32>,
      tpu.vector_store %arg11[%swap3A_190], %broadcast_in_dim3A_5 {strides = array<i32>} : memref<2048xi32, #tpu.memory_space<vmem>>, vector<16xi32>,
      %swap3A_192 = arith.constant 800 : index
      %swap3A_193 = tpu.vector_load %arg11[%swap3A_192] {strides = array<i32>} : memref<2048xi32, #tpu.memory_space<vmem>>, vector<16xi32>,
      tpu.vector_store %arg11[%swap3A_192], %broadcast_in_dim3A_5 {strides = array<i32>} : memref<2048xi32, #tpu.memory_space<vmem>>, vector<16xi32>,
      %swap3A_194 = arith.constant 816 : index
      %swap3A_195 = tpu.vector_load %arg11[%swap3A_194] {strides = array<i32>} : memref<2048xi32, #tpu.memory_space<vmem>>, vector<16xi32>,
      tpu.vector_store %arg11[%swap3A_194], %broadcast_in_dim3A_5 {strides = array<i32>} : memref<2048xi32, #tpu.memory_space<vmem>>, vector<16xi32>,
      %swap3A_196 = arith.constant 832 : index
      %swap3A_197 = tpu.vector_load %arg11[%swap3A_196] {strides = array<i32>} : memref<2048xi32, #tpu.memory_space<vmem>>, vector<16xi32>,
      tpu.vector_store %arg11[%swap3A_196], %broadcast_in_dim3A_5 {strides = array<i32>} : memref<2048xi32, #tpu.memory_space<vmem>>, vector<16xi32>,
      %swap3A_198 = arith.constant 848 : index
      %swap3A_199 = tpu.vector_load %arg11[%swap3A_198] {strides = array<i32>} : memref<2048xi32, #tpu.memory_space<vmem>>, vector<16xi32>,
      tpu.vector_store %arg11[%swap3A_198], %broadcast_in_dim3A_5 {strides = array<i32>} : memref<2048xi32, #tpu.memory_space<vmem>>, vector<16xi32>,
      %swap3A_200 = arith.constant 864 : index
      %swap3A_201 = tpu.vector_load %arg11[%swap3A_200] {strides = array<i32>} : memref<2048xi32, #tpu.memory_space<vmem>>, vector<16xi32>,
      tpu.vector_store %arg11[%swap3A_200], %broadcast_in_dim3A_5 {strides = array<i32>} : memref<2048xi32, #tpu.memory_space<vmem>>, vector<16xi32>,
      %swap3A_202 = arith.constant 880 : index
      %swap3A_203 = tpu.vector_load %arg11[%swap3A_202] {strides = array<i32>} : memref<2048xi32, #tpu.memory_space<vmem>>, vector<16xi32>,
      tpu.vector_store %arg11[%swap3A_202], %broadcast_in_dim3A_5 {strides = array<i32>} : memref<2048xi32, #tpu.memory_space<vmem>>, vector<16xi32>,
      %swap3A_204 = arith.constant 896 : index
      %swap3A_205 = tpu.vector_load %arg11[%swap3A_204] {strides = array<i32>} : memref<2048xi32, #tpu.memory_space<vmem>>, vector<16xi32>,
      tpu.vector_store %arg11[%swap3A_204], %broadcast_in_dim3A_5 {strides = array<i32>} : memref<2048xi32, #tpu.memory_space<vmem>>, vector<16xi32>,
      %swap3A_206 = arith.constant 912 : index
      %swap3A_207 = tpu.vector_load %arg11[%swap3A_206] {strides = array<i32>} : memref<2048xi32, #tpu.memory_space<vmem>>, vector<16xi32>,
      tpu.vector_store %arg11[%swap3A_206], %broadcast_in_dim3A_5 {strides = array<i32>} : memref<2048xi32, #tpu.memory_space<vmem>>, vector<16xi32>,
      %swap3A_208 = arith.constant 928 : index
      %swap3A_209 = tpu.vector_load %arg11[%swap3A_208] {strides = array<i32>} : memref<2048xi32, #tpu.memory_space<vmem>>, vector<16xi32>,
      tpu.vector_store %arg11[%swap3A_208], %broadcast_in_dim3A_5 {strides = array<i32>} : memref<2048xi32, #tpu.memory_space<vmem>>, vector<16xi32>,
      %swap3A_210 = arith.constant 944 : index
      %swap3A_211 = tpu.vector_load %arg11[%swap3A_210] {strides = array<i32>} : memref<2048xi32, #tpu.memory_space<vmem>>, vector<16xi32>,
      tpu.vector_store %arg11[%swap3A_210], %broadcast_in_dim3A_5 {strides = array<i32>} : memref<2048xi32, #tpu.memory_space<vmem>>, vector<16xi32>,
      %swap3A_212 = arith.constant 960 : index
      %swap3A_213 = tpu.vector_load %arg11[%swap3A_212] {strides = array<i32>} : memref<2048xi32, #tpu.memory_space<vmem>>, vector<16xi32>,
      tpu.vector_store %arg11[%swap3A_212], %broadcast_in_dim3A_5 {strides = array<i32>} : memref<2048xi32, #tpu.memory_space<vmem>>, vector<16xi32>,
      %swap3A_214 = arith.constant 976 : index
      %swap3A_215 = tpu.vector_load %arg11[%swap3A_214] {strides = array<i32>} : memref<2048xi32, #tpu.memory_space<vmem>>, vector<16xi32>,
      tpu.vector_store %arg11[%swap3A_214], %broadcast_in_dim3A_5 {strides = array<i32>} : memref<2048xi32, #tpu.memory_space<vmem>>, vector<16xi32>,
      %swap3A_216 = arith.constant 992 : index
      %swap3A_217 = tpu.vector_load %arg11[%swap3A_216] {strides = array<i32>} : memref<2048xi32, #tpu.memory_space<vmem>>, vector<16xi32>,
      tpu.vector_store %arg11[%swap3A_216], %broadcast_in_dim3A_5 {strides = array<i32>} : memref<2048xi32, #tpu.memory_space<vmem>>, vector<16xi32>,
      %swap3A_218 = arith.constant 1008 : index
      %swap3A_219 = tpu.vector_load %arg11[%swap3A_218] {strides = array<i32>} : memref<2048xi32, #tpu.memory_space<vmem>>, vector<16xi32>,
      tpu.vector_store %arg11[%swap3A_218], %broadcast_in_dim3A_5 {strides = array<i32>} : memref<2048xi32, #tpu.memory_space<vmem>>, vector<16xi32>,
      %swap3A_220 = arith.constant 1024 : index
      %swap3A_221 = tpu.vector_load %arg11[%swap3A_220] {strides = array<i32>} : memref<2048xi32, #tpu.memory_space<vmem>>, vector<16xi32>,
      tpu.vector_store %arg11[%swap3A_220], %broadcast_in_dim3A_5 {strides = array<i32>} : memref<2048xi32, #tpu.memory_space<vmem>>, vector<16xi32>,
      %swap3A_222 = arith.constant 1040 : index
      %swap3A_223 = tpu.vector_load %arg11[%swap3A_222] {strides = array<i32>} : memref<2048xi32, #tpu.memory_space<vmem>>, vector<16xi32>,
      tpu.vector_store %arg11[%swap3A_222], %broadcast_in_dim3A_5 {strides = array<i32>} : memref<2048xi32, #tpu.memory_space<vmem>>, vector<16xi32>,
      %swap3A_224 = arith.constant 1056 : index
      %swap3A_225 = tpu.vector_load %arg11[%swap3A_224] {strides = array<i32>} : memref<2048xi32, #tpu.memory_space<vmem>>, vector<16xi32>,
      tpu.vector_store %arg11[%swap3A_224], %broadcast_in_dim3A_5 {strides = array<i32>} : memref<2048xi32, #tpu.memory_space<vmem>>, vector<16xi32>,
      %swap3A_226 = arith.constant 1072 : index
      %swap3A_227 = tpu.vector_load %arg11[%swap3A_226] {strides = array<i32>} : memref<2048xi32, #tpu.memory_space<vmem>>, vector<16xi32>,
      tpu.vector_store %arg11[%swap3A_226], %broadcast_in_dim3A_5 {strides = array<i32>} : memref<2048xi32, #tpu.memory_space<vmem>>, vector<16xi32>,
      %swap3A_228 = arith.constant 1088 : index
      %swap3A_229 = tpu.vector_load %arg11[%swap3A_228] {strides = array<i32>} : memref<2048xi32, #tpu.memory_space<vmem>>, vector<16xi32>,
      tpu.vector_store %arg11[%swap3A_228], %broadcast_in_dim3A_5 {strides = array<i32>} : memref<2048xi32, #tpu.memory_space<vmem>>, vector<16xi32>,
      %swap3A_230 = arith.constant 1104 : index
      %swap3A_231 = tpu.vector_load %arg11[%swap3A_230] {strides = array<i32>} : memref<2048xi32, #tpu.memory_space<vmem>>, vector<16xi32>,
      tpu.vector_store %arg11[%swap3A_230], %broadcast_in_dim3A_5 {strides = array<i32>} : memref<2048xi32, #tpu.memory_space<vmem>>, vector<16xi32>,
      %swap3A_232 = arith.constant 1120 : index
      %swap3A_233 = tpu.vector_load %arg11[%swap3A_232] {strides = array<i32>} : memref<2048xi32, #tpu.memory_space<vmem>>, vector<16xi32>,
      tpu.vector_store %arg11[%swap3A_232], %broadcast_in_dim3A_5 {strides = array<i32>} : memref<2048xi32, #tpu.memory_space<vmem>>, vector<16xi32>,
      %swap3A_234 = arith.constant 1136 : index
      %swap3A_235 = tpu.vector_load %arg11[%swap3A_234] {strides = array<i32>} : memref<2048xi32, #tpu.memory_space<vmem>>, vector<16xi32>,
      tpu.vector_store %arg11[%swap3A_234], %broadcast_in_dim3A_5 {strides = array<i32>} : memref<2048xi32, #tpu.memory_space<vmem>>, vector<16xi32>,
      %swap3A_236 = arith.constant 1152 : index
      %swap3A_237 = tpu.vector_load %arg11[%swap3A_236] {strides = array<i32>} : memref<2048xi32, #tpu.memory_space<vmem>>, vector<16xi32>,
      tpu.vector_store %arg11[%swap3A_236], %broadcast_in_dim3A_5 {strides = array<i32>} : memref<2048xi32, #tpu.memory_space<vmem>>, vector<16xi32>,
      %swap3A_238 = arith.constant 1168 : index
      %swap3A_239 = tpu.vector_load %arg11[%swap3A_238] {strides = array<i32>} : memref<2048xi32, #tpu.memory_space<vmem>>, vector<16xi32>,
      tpu.vector_store %arg11[%swap3A_238], %broadcast_in_dim3A_5 {strides = array<i32>} : memref<2048xi32, #tpu.memory_space<vmem>>, vector<16xi32>,
      %swap3A_240 = arith.constant 1184 : index
      %swap3A_241 = tpu.vector_load %arg11[%swap3A_240] {strides = array<i32>} : memref<2048xi32, #tpu.memory_space<vmem>>, vector<16xi32>,
      tpu.vector_store %arg11[%swap3A_240], %broadcast_in_dim3A_5 {strides = array<i32>} : memref<2048xi32, #tpu.memory_space<vmem>>, vector<16xi32>,
      %swap3A_242 = arith.constant 1200 : index
      %swap3A_243 = tpu.vector_load %arg11[%swap3A_242] {strides = array<i32>} : memref<2048xi32, #tpu.memory_space<vmem>>, vector<16xi32>,
      tpu.vector_store %arg11[%swap3A_242], %broadcast_in_dim3A_5 {strides = array<i32>} : memref<2048xi32, #tpu.memory_space<vmem>>, vector<16xi32>,
      %swap3A_244 = arith.constant 1216 : index
      %swap3A_245 = tpu.vector_load %arg11[%swap3A_244] {strides = array<i32>} : memref<2048xi32, #tpu.memory_space<vmem>>, vector<16xi32>,
      tpu.vector_store %arg11[%swap3A_244], %broadcast_in_dim3A_5 {strides = array<i32>} : memref<2048xi32, #tpu.memory_space<vmem>>, vector<16xi32>,
      %swap3A_246 = arith.constant 1232 : index
      %swap3A_247 = tpu.vector_load %arg11[%swap3A_246] {strides = array<i32>} : memref<2048xi32, #tpu.memory_space<vmem>>, vector<16xi32>,
      tpu.vector_store %arg11[%swap3A_246], %broadcast_in_dim3A_5 {strides = array<i32>} : memref<2048xi32, #tpu.memory_space<vmem>>, vector<16xi32>,
      %swap3A_248 = arith.constant 1248 : index
      %swap3A_249 = tpu.vector_load %arg11[%swap3A_248] {strides = array<i32>} : memref<2048xi32, #tpu.memory_space<vmem>>, vector<16xi32>,
      tpu.vector_store %arg11[%swap3A_248], %broadcast_in_dim3A_5 {strides = array<i32>} : memref<2048xi32, #tpu.memory_space<vmem>>, vector<16xi32>,
      %swap3A_250 = arith.constant 1264 : index
      %swap3A_251 = tpu.vector_load %arg11[%swap3A_250] {strides = array<i32>} : memref<2048xi32, #tpu.memory_space<vmem>>, vector<16xi32>,
      tpu.vector_store %arg11[%swap3A_250], %broadcast_in_dim3A_5 {strides = array<i32>} : memref<2048xi32, #tpu.memory_space<vmem>>, vector<16xi32>,
      %swap3A_252 = arith.constant 1280 : index
      %swap3A_253 = tpu.vector_load %arg11[%swap3A_252] {strides = array<i32>} : memref<2048xi32, #tpu.memory_space<vmem>>, vector<16xi32>,
      tpu.vector_store %arg11[%swap3A_252], %broadcast_in_dim3A_5 {strides = array<i32>} : memref<2048xi32, #tpu.memory_space<vmem>>, vector<16xi32>,
      %swap3A_254 = arith.constant 1296 : index
      %swap3A_255 = tpu.vector_load %arg11[%swap3A_254] {strides = array<i32>} : memref<2048xi32, #tpu.memory_space<vmem>>, vector<16xi32>,
      tpu.vector_store %arg11[%swap3A_254], %broadcast_in_dim3A_5 {strides = array<i32>} : memref<2048xi32, #tpu.memory_space<vmem>>, vector<16xi32>,
      %swap3A_256 = arith.constant 1312 : index
      %swap3A_257 = tpu.vector_load %arg11[%swap3A_256] {strides = array<i32>} : memref<2048xi32, #tpu.memory_space<vmem>>, vector<16xi32>,
      tpu.vector_store %arg11[%swap3A_256], %broadcast_in_dim3A_5 {strides = array<i32>} : memref<2048xi32, #tpu.memory_space<vmem>>, vector<16xi32>,
      %swap3A_258 = arith.constant 1328 : index
      %swap3A_259 = tpu.vector_load %arg11[%swap3A_258] {strides = array<i32>} : memref<2048xi32, #tpu.memory_space<vmem>>, vector<16xi32>,
      tpu.vector_store %arg11[%swap3A_258], %broadcast_in_dim3A_5 {strides = array<i32>} : memref<2048xi32, #tpu.memory_space<vmem>>, vector<16xi32>,
      %swap3A_260 = arith.constant 1344 : index
      %swap3A_261 = tpu.vector_load %arg11[%swap3A_260] {strides = array<i32>} : memref<2048xi32, #tpu.memory_space<vmem>>, vector<16xi32>,
      tpu.vector_store %arg11[%swap3A_260], %broadcast_in_dim3A_5 {strides = array<i32>} : memref<2048xi32, #tpu.memory_space<vmem>>, vector<16xi32>,
      %swap3A_262 = arith.constant 1360 : index
      %swap3A_263 = tpu.vector_load %arg11[%swap3A_262] {strides = array<i32>} : memref<2048xi32, #tpu.memory_space<vmem>>, vector<16xi32>,
      tpu.vector_store %arg11[%swap3A_262], %broadcast_in_dim3A_5 {strides = array<i32>} : memref<2048xi32, #tpu.memory_space<vmem>>, vector<16xi32>,
      %swap3A_264 = arith.constant 1376 : index
      %swap3A_265 = tpu.vector_load %arg11[%swap3A_264] {strides = array<i32>} : memref<2048xi32, #tpu.memory_space<vmem>>, vector<16xi32>,
      tpu.vector_store %arg11[%swap3A_264], %broadcast_in_dim3A_5 {strides = array<i32>} : memref<2048xi32, #tpu.memory_space<vmem>>, vector<16xi32>,
      %swap3A_266 = arith.constant 1392 : index
      %swap3A_267 = tpu.vector_load %arg11[%swap3A_266] {strides = array<i32>} : memref<2048xi32, #tpu.memory_space<vmem>>, vector<16xi32>,
      tpu.vector_store %arg11[%swap3A_266], %broadcast_in_dim3A_5 {strides = array<i32>} : memref<2048xi32, #tpu.memory_space<vmem>>, vector<16xi32>,
      %swap3A_268 = arith.constant 1408 : index
      %swap3A_269 = tpu.vector_load %arg11[%swap3A_268] {strides = array<i32>} : memref<2048xi32, #tpu.memory_space<vmem>>, vector<16xi32>,
      tpu.vector_store %arg11[%swap3A_268], %broadcast_in_dim3A_5 {strides = array<i32>} : memref<2048xi32, #tpu.memory_space<vmem>>, vector<16xi32>,
      %swap3A_270 = arith.constant 1424 : index
      %swap3A_271 = tpu.vector_load %arg11[%swap3A_270] {strides = array<i32>} : memref<2048xi32, #tpu.memory_space<vmem>>, vector<16xi32>,
      tpu.vector_store %arg11[%swap3A_270], %broadcast_in_dim3A_5 {strides = array<i32>} : memref<2048xi32, #tpu.memory_space<vmem>>, vector<16xi32>,
      %swap3A_272 = arith.constant 1440 : index
      %swap3A_273 = tpu.vector_load %arg11[%swap3A_272] {strides = array<i32>} : memref<2048xi32, #tpu.memory_space<vmem>>, vector<16xi32>,
      tpu.vector_store %arg11[%swap3A_272], %broadcast_in_dim3A_5 {strides = array<i32>} : memref<2048xi32, #tpu.memory_space<vmem>>, vector<16xi32>,
      %swap3A_274 = arith.constant 1456 : index
      %swap3A_275 = tpu.vector_load %arg11[%swap3A_274] {strides = array<i32>} : memref<2048xi32, #tpu.memory_space<vmem>>, vector<16xi32>,
      tpu.vector_store %arg11[%swap3A_274], %broadcast_in_dim3A_5 {strides = array<i32>} : memref<2048xi32, #tpu.memory_space<vmem>>, vector<16xi32>,
      %swap3A_276 = arith.constant 1472 : index
      %swap3A_277 = tpu.vector_load %arg11[%swap3A_276] {strides = array<i32>} : memref<2048xi32, #tpu.memory_space<vmem>>, vector<16xi32>,
      tpu.vector_store %arg11[%swap3A_276], %broadcast_in_dim3A_5 {strides = array<i32>} : memref<2048xi32, #tpu.memory_space<vmem>>, vector<16xi32>,
      %swap3A_278 = arith.constant 1488 : index
      %swap3A_279 = tpu.vector_load %arg11[%swap3A_278] {strides = array<i32>} : memref<2048xi32, #tpu.memory_space<vmem>>, vector<16xi32>,
      tpu.vector_store %arg11[%swap3A_278], %broadcast_in_dim3A_5 {strides = array<i32>} : memref<2048xi32, #tpu.memory_space<vmem>>, vector<16xi32>,
      %swap3A_280 = arith.constant 1504 : index
      %swap3A_281 = tpu.vector_load %arg11[%swap3A_280] {strides = array<i32>} : memref<2048xi32, #tpu.memory_space<vmem>>, vector<16xi32>,
      tpu.vector_store %arg11[%swap3A_280], %broadcast_in_dim3A_5 {strides = array<i32>} : memref<2048xi32, #tpu.memory_space<vmem>>, vector<16xi32>,
      %swap3A_282 = arith.constant 1520 : index
      %swap3A_283 = tpu.vector_load %arg11[%swap3A_282] {strides = array<i32>} : memref<2048xi32, #tpu.memory_space<vmem>>, vector<16xi32>,
      tpu.vector_store %arg11[%swap3A_282], %broadcast_in_dim3A_5 {strides = array<i32>} : memref<2048xi32, #tpu.memory_space<vmem>>, vector<16xi32>,
      %swap3A_284 = arith.constant 1536 : index
      %swap3A_285 = tpu.vector_load %arg11[%swap3A_284] {strides = array<i32>} : memref<2048xi32, #tpu.memory_space<vmem>>, vector<16xi32>,
      tpu.vector_store %arg11[%swap3A_284], %broadcast_in_dim3A_5 {strides = array<i32>} : memref<2048xi32, #tpu.memory_space<vmem>>, vector<16xi32>,
      %swap3A_286 = arith.constant 1552 : index
      %swap3A_287 = tpu.vector_load %arg11[%swap3A_286] {strides = array<i32>} : memref<2048xi32, #tpu.memory_space<vmem>>, vector<16xi32>,
      tpu.vector_store %arg11[%swap3A_286], %broadcast_in_dim3A_5 {strides = array<i32>} : memref<2048xi32, #tpu.memory_space<vmem>>, vector<16xi32>,
      %swap3A_288 = arith.constant 1568 : index
      %swap3A_289 = tpu.vector_load %arg11[%swap3A_288] {strides = array<i32>} : memref<2048xi32, #tpu.memory_space<vmem>>, vector<16xi32>,
      tpu.vector_store %arg11[%swap3A_288], %broadcast_in_dim3A_5 {strides = array<i32>} : memref<2048xi32, #tpu.memory_space<vmem>>, vector<16xi32>,
      %swap3A_290 = arith.constant 1584 : index
      %swap3A_291 = tpu.vector_load %arg11[%swap3A_290] {strides = array<i32>} : memref<2048xi32, #tpu.memory_space<vmem>>, vector<16xi32>,
      tpu.vector_store %arg11[%swap3A_290], %broadcast_in_dim3A_5 {strides = array<i32>} : memref<2048xi32, #tpu.memory_space<vmem>>, vector<16xi32>,
      %swap3A_292 = arith.constant 1600 : index
      %swap3A_293 = tpu.vector_load %arg11[%swap3A_292] {strides = array<i32>} : memref<2048xi32, #tpu.memory_space<vmem>>, vector<16xi32>,
      tpu.vector_store %arg11[%swap3A_292], %broadcast_in_dim3A_5 {strides = array<i32>} : memref<2048xi32, #tpu.memory_space<vmem>>, vector<16xi32>,
      %swap3A_294 = arith.constant 1616 : index
      %swap3A_295 = tpu.vector_load %arg11[%swap3A_294] {strides = array<i32>} : memref<2048xi32, #tpu.memory_space<vmem>>, vector<16xi32>,
      tpu.vector_store %arg11[%swap3A_294], %broadcast_in_dim3A_5 {strides = array<i32>} : memref<2048xi32, #tpu.memory_space<vmem>>, vector<16xi32>,
      %swap3A_296 = arith.constant 1632 : index
      %swap3A_297 = tpu.vector_load %arg11[%swap3A_296] {strides = array<i32>} : memref<2048xi32, #tpu.memory_space<vmem>>, vector<16xi32>,
      tpu.vector_store %arg11[%swap3A_296], %broadcast_in_dim3A_5 {strides = array<i32>} : memref<2048xi32, #tpu.memory_space<vmem>>, vector<16xi32>,
      %swap3A_298 = arith.constant 1648 : index
      %swap3A_299 = tpu.vector_load %arg11[%swap3A_298] {strides = array<i32>} : memref<2048xi32, #tpu.memory_space<vmem>>, vector<16xi32>,
      tpu.vector_store %arg11[%swap3A_298], %broadcast_in_dim3A_5 {strides = array<i32>} : memref<2048xi32, #tpu.memory_space<vmem>>, vector<16xi32>,
      %swap3A_300 = arith.constant 1664 : index
      %swap3A_301 = tpu.vector_load %arg11[%swap3A_300] {strides = array<i32>} : memref<2048xi32, #tpu.memory_space<vmem>>, vector<16xi32>,
      tpu.vector_store %arg11[%swap3A_300], %broadcast_in_dim3A_5 {strides = array<i32>} : memref<2048xi32, #tpu.memory_space<vmem>>, vector<16xi32>,
      %swap3A_302 = arith.constant 1680 : index
      %swap3A_303 = tpu.vector_load %arg11[%swap3A_302] {strides = array<i32>} : memref<2048xi32, #tpu.memory_space<vmem>>, vector<16xi32>,
      tpu.vector_store %arg11[%swap3A_302], %broadcast_in_dim3A_5 {strides = array<i32>} : memref<2048xi32, #tpu.memory_space<vmem>>, vector<16xi32>,
      %swap3A_304 = arith.constant 1696 : index
      %swap3A_305 = tpu.vector_load %arg11[%swap3A_304] {strides = array<i32>} : memref<2048xi32, #tpu.memory_space<vmem>>, vector<16xi32>,
      tpu.vector_store %arg11[%swap3A_304], %broadcast_in_dim3A_5 {strides = array<i32>} : memref<2048xi32, #tpu.memory_space<vmem>>, vector<16xi32>,
      %swap3A_306 = arith.constant 1712 : index
      %swap3A_307 = tpu.vector_load %arg11[%swap3A_306] {strides = array<i32>} : memref<2048xi32, #tpu.memory_space<vmem>>, vector<16xi32>,
      tpu.vector_store %arg11[%swap3A_306], %broadcast_in_dim3A_5 {strides = array<i32>} : memref<2048xi32, #tpu.memory_space<vmem>>, vector<16xi32>,
      %swap3A_308 = arith.constant 1728 : index
      %swap3A_309 = tpu.vector_load %arg11[%swap3A_308] {strides = array<i32>} : memref<2048xi32, #tpu.memory_space<vmem>>, vector<16xi32>,
      tpu.vector_store %arg11[%swap3A_308], %broadcast_in_dim3A_5 {strides = array<i32>} : memref<2048xi32, #tpu.memory_space<vmem>>, vector<16xi32>,
      %swap3A_310 = arith.constant 1744 : index
      %swap3A_311 = tpu.vector_load %arg11[%swap3A_310] {strides = array<i32>} : memref<2048xi32, #tpu.memory_space<vmem>>, vector<16xi32>,
      tpu.vector_store %arg11[%swap3A_310], %broadcast_in_dim3A_5 {strides = array<i32>} : memref<2048xi32, #tpu.memory_space<vmem>>, vector<16xi32>,
      %swap3A_312 = arith.constant 1760 : index
      %swap3A_313 = tpu.vector_load %arg11[%swap3A_312] {strides = array<i32>} : memref<2048xi32, #tpu.memory_space<vmem>>, vector<16xi32>,
      tpu.vector_store %arg11[%swap3A_312], %broadcast_in_dim3A_5 {strides = array<i32>} : memref<2048xi32, #tpu.memory_space<vmem>>, vector<16xi32>,
      %swap3A_314 = arith.constant 1776 : index
      %swap3A_315 = tpu.vector_load %arg11[%swap3A_314] {strides = array<i32>} : memref<2048xi32, #tpu.memory_space<vmem>>, vector<16xi32>,
      tpu.vector_store %arg11[%swap3A_314], %broadcast_in_dim3A_5 {strides = array<i32>} : memref<2048xi32, #tpu.memory_space<vmem>>, vector<16xi32>,
      %swap3A_316 = arith.constant 1792 : index
      %swap3A_317 = tpu.vector_load %arg11[%swap3A_316] {strides = array<i32>} : memref<2048xi32, #tpu.memory_space<vmem>>, vector<16xi32>,
      tpu.vector_store %arg11[%swap3A_316], %broadcast_in_dim3A_5 {strides = array<i32>} : memref<2048xi32, #tpu.memory_space<vmem>>, vector<16xi32>,
      %swap3A_318 = arith.constant 1808 : index
      %swap3A_319 = tpu.vector_load %arg11[%swap3A_318] {strides = array<i32>} : memref<2048xi32, #tpu.memory_space<vmem>>, vector<16xi32>,
      tpu.vector_store %arg11[%swap3A_318], %broadcast_in_dim3A_5 {strides = array<i32>} : memref<2048xi32, #tpu.memory_space<vmem>>, vector<16xi32>,
      %swap3A_320 = arith.constant 1824 : index
      %swap3A_321 = tpu.vector_load %arg11[%swap3A_320] {strides = array<i32>} : memref<2048xi32, #tpu.memory_space<vmem>>, vector<16xi32>,
      tpu.vector_store %arg11[%swap3A_320], %broadcast_in_dim3A_5 {strides = array<i32>} : memref<2048xi32, #tpu.memory_space<vmem>>, vector<16xi32>,
      %swap3A_322 = arith.constant 1840 : index
      %swap3A_323 = tpu.vector_load %arg11[%swap3A_322] {strides = array<i32>} : memref<2048xi32, #tpu.memory_space<vmem>>, vector<16xi32>,
      tpu.vector_store %arg11[%swap3A_322], %broadcast_in_dim3A_5 {strides = array<i32>} : memref<2048xi32, #tpu.memory_space<vmem>>, vector<16xi32>,
      %swap3A_324 = arith.constant 1856 : index
      %swap3A_325 = tpu.vector_load %arg11[%swap3A_324] {strides = array<i32>} : memref<2048xi32, #tpu.memory_space<vmem>>, vector<16xi32>,
      tpu.vector_store %arg11[%swap3A_324], %broadcast_in_dim3A_5 {strides = array<i32>} : memref<2048xi32, #tpu.memory_space<vmem>>, vector<16xi32>,
      %swap3A_326 = arith.constant 1872 : index
      %swap3A_327 = tpu.vector_load %arg11[%swap3A_326] {strides = array<i32>} : memref<2048xi32, #tpu.memory_space<vmem>>, vector<16xi32>,
      tpu.vector_store %arg11[%swap3A_326], %broadcast_in_dim3A_5 {strides = array<i32>} : memref<2048xi32, #tpu.memory_space<vmem>>, vector<16xi32>,
      %swap3A_328 = arith.constant 1888 : index
      %swap3A_329 = tpu.vector_load %arg11[%swap3A_328] {strides = array<i32>} : memref<2048xi32, #tpu.memory_space<vmem>>, vector<16xi32>,
      tpu.vector_store %arg11[%swap3A_328], %broadcast_in_dim3A_5 {strides = array<i32>} : memref<2048xi32, #tpu.memory_space<vmem>>, vector<16xi32>,
      %swap3A_330 = arith.constant 1904 : index
      %swap3A_331 = tpu.vector_load %arg11[%swap3A_330] {strides = array<i32>} : memref<2048xi32, #tpu.memory_space<vmem>>, vector<16xi32>,
      tpu.vector_store %arg11[%swap3A_330], %broadcast_in_dim3A_5 {strides = array<i32>} : memref<2048xi32, #tpu.memory_space<vmem>>, vector<16xi32>,
      %swap3A_332 = arith.constant 1920 : index
      %swap3A_333 = tpu.vector_load %arg11[%swap3A_332] {strides = array<i32>} : memref<2048xi32, #tpu.memory_space<vmem>>, vector<16xi32>,
      tpu.vector_store %arg11[%swap3A_332], %broadcast_in_dim3A_5 {strides = array<i32>} : memref<2048xi32, #tpu.memory_space<vmem>>, vector<16xi32>,
      %swap3A_334 = arith.constant 1936 : index
      %swap3A_335 = tpu.vector_load %arg11[%swap3A_334] {strides = array<i32>} : memref<2048xi32, #tpu.memory_space<vmem>>, vector<16xi32>,
      tpu.vector_store %arg11[%swap3A_334], %broadcast_in_dim3A_5 {strides = array<i32>} : memref<2048xi32, #tpu.memory_space<vmem>>, vector<16xi32>,
      %swap3A_336 = arith.constant 1952 : index
      %swap3A_337 = tpu.vector_load %arg11[%swap3A_336] {strides = array<i32>} : memref<2048xi32, #tpu.memory_space<vmem>>, vector<16xi32>,
      tpu.vector_store %arg11[%swap3A_336], %broadcast_in_dim3A_5 {strides = array<i32>} : memref<2048xi32, #tpu.memory_space<vmem>>, vector<16xi32>,
      %swap3A_338 = arith.constant 1968 : index
      %swap3A_339 = tpu.vector_load %arg11[%swap3A_338] {strides = array<i32>} : memref<2048xi32, #tpu.memory_space<vmem>>, vector<16xi32>,
      tpu.vector_store %arg11[%swap3A_338], %broadcast_in_dim3A_5 {strides = array<i32>} : memref<2048xi32, #tpu.memory_space<vmem>>, vector<16xi32>,
      %swap3A_340 = arith.constant 1984 : index
      %swap3A_341 = tpu.vector_load %arg11[%swap3A_340] {strides = array<i32>} : memref<2048xi32, #tpu.memory_space<vmem>>, vector<16xi32>,
      tpu.vector_store %arg11[%swap3A_340], %broadcast_in_dim3A_5 {strides = array<i32>} : memref<2048xi32, #tpu.memory_space<vmem>>, vector<16xi32>,
      %swap3A_342 = arith.constant 2000 : index
      %swap3A_343 = tpu.vector_load %arg11[%swap3A_342] {strides = array<i32>} : memref<2048xi32, #tpu.memory_space<vmem>>, vector<16xi32>,
      tpu.vector_store %arg11[%swap3A_342], %broadcast_in_dim3A_5 {strides = array<i32>} : memref<2048xi32, #tpu.memory_space<vmem>>, vector<16xi32>,
      %swap3A_344 = arith.constant 2016 : index
      %swap3A_345 = tpu.vector_load %arg11[%swap3A_344] {strides = array<i32>} : memref<2048xi32, #tpu.memory_space<vmem>>, vector<16xi32>,
      tpu.vector_store %arg11[%swap3A_344], %broadcast_in_dim3A_5 {strides = array<i32>} : memref<2048xi32, #tpu.memory_space<vmem>>, vector<16xi32>,
      %swap3A_346 = arith.constant 2032 : index
      %swap3A_347 = tpu.vector_load %arg11[%swap3A_346] {strides = array<i32>} : memref<2048xi32, #tpu.memory_space<vmem>>, vector<16xi32>,
      tpu.vector_store %arg11[%swap3A_346], %broadcast_in_dim3A_5 {strides = array<i32>} : memref<2048xi32, #tpu.memory_space<vmem>>, vector<16xi32>,
      %dma_start3A = arith.constant 408 : i32
      %dma_start3A_348 = arith.constant 0 : i32
      %dma_start3A_349 = tpu.memref_slice %arg6[%dma_start3A_348] : memref<2064xf32, #tpu.memory_space<vmem>> -> memref<2048xf32, #tpu.memory_space<vmem>>
      %dma_start3A_350 = arith.constant 0 : i32
      %dma_start3A_351 = tpu.memref_slice %arg2[%add3A, %dma_start3A, %dma_start3A_350] : memref<16x2048x2048xf32, #tpu.memory_space<hbm>> -> memref<1x1x2048xf32, #tpu.memory_space<hbm>>
      %dma_start3A_352 = tpu.memref_squeeze %dma_start3A_351 : memref<1x1x2048xf32, #tpu.memory_space<hbm>> -> memref<2048xf32, #tpu.memory_space<hbm>>
      %dma_start3A_353 = arith.constant 0 : i32
      %dma_start3A_354 = tpu.memref_slice %arg6[%dma_start3A_353] : memref<2064xf32, #tpu.memory_space<vmem>> -> memref<2048xf32, #tpu.memory_space<vmem>>
      %dma_start3A_355 = arith.constant 0 : i32
      %dma_start3A_356 = tpu.memref_slice %arg2[%add3A, %dma_start3A, %dma_start3A_355] : memref<16x2048x2048xf32, #tpu.memory_space<hbm>> -> memref<1x1x2048xf32, #tpu.memory_space<hbm>>
      %dma_start3A_357 = tpu.memref_squeeze %dma_start3A_356 : memref<1x1x2048xf32, #tpu.memory_space<hbm>> -> memref<2048xf32, #tpu.memory_space<hbm>>
      tpu.enqueue_dma source(%dma_start3A_357 : memref<2048xf32, #tpu.memory_space<hbm>>) target(%dma_start3A_354 : memref<2048xf32, #tpu.memory_space<vmem>>) target_semaphore(%arg12 : memref<!tpu.dma_semaphore, #tpu.memory_space<semaphore_mem>>)
      %dma_start3A_358 = arith.constant 409 : i32
      %dma_start3A_359 = arith.constant 0 : i32
      %dma_start3A_360 = tpu.memref_slice %arg7[%dma_start3A_359] : memref<2064xf32, #tpu.memory_space<vmem>> -> memref<2048xf32, #tpu.memory_space<vmem>>
      %dma_start3A_361 = arith.constant 0 : i32
      %dma_start3A_362 = tpu.memref_slice %arg2[%add3A, %dma_start3A_358, %dma_start3A_361] : memref<16x2048x2048xf32, #tpu.memory_space<hbm>> -> memref<1x1x2048xf32, #tpu.memory_space<hbm>>
      %dma_start3A_363 = tpu.memref_squeeze %dma_start3A_362 : memref<1x1x2048xf32, #tpu.memory_space<hbm>> -> memref<2048xf32, #tpu.memory_space<hbm>>
      %dma_start3A_364 = arith.constant 0 : i32
      %dma_start3A_365 = tpu.memref_slice %arg7[%dma_start3A_364] : memref<2064xf32, #tpu.memory_space<vmem>> -> memref<2048xf32, #tpu.memory_space<vmem>>
      %dma_start3A_366 = arith.constant 0 : i32
      %dma_start3A_367 = tpu.memref_slice %arg2[%add3A, %dma_start3A_358, %dma_start3A_366] : memref<16x2048x2048xf32, #tpu.memory_space<hbm>> -> memref<1x1x2048xf32, #tpu.memory_space<hbm>>
      %dma_start3A_368 = tpu.memref_squeeze %dma_start3A_367 : memref<1x1x2048xf32, #tpu.memory_space<hbm>> -> memref<2048xf32, #tpu.memory_space<hbm>>
      tpu.enqueue_dma source(%dma_start3A_368 : memref<2048xf32, #tpu.memory_space<hbm>>) target(%dma_start3A_365 : memref<2048xf32, #tpu.memory_space<vmem>>) target_semaphore(%arg13 : memref<!tpu.dma_semaphore, #tpu.memory_space<semaphore_mem>>)
      %dma_start3A_369 = arith.constant 410 : i32
      %dma_start3A_370 = arith.constant 0 : i32
      %dma_start3A_371 = tpu.memref_slice %arg8[%dma_start3A_370] : memref<2064xf32, #tpu.memory_space<vmem>> -> memref<2048xf32, #tpu.memory_space<vmem>>
      %dma_start3A_372 = arith.constant 0 : i32
      %dma_start3A_373 = tpu.memref_slice %arg2[%add3A, %dma_start3A_369, %dma_start3A_372] : memref<16x2048x2048xf32, #tpu.memory_space<hbm>> -> memref<1x1x2048xf32, #tpu.memory_space<hbm>>
      %dma_start3A_374 = tpu.memref_squeeze %dma_start3A_373 : memref<1x1x2048xf32, #tpu.memory_space<hbm>> -> memref<2048xf32, #tpu.memory_space<hbm>>
      %dma_start3A_375 = arith.constant 0 : i32
      %dma_start3A_376 = tpu.memref_slice %arg8[%dma_start3A_375] : memref<2064xf32, #tpu.memory_space<vmem>> -> memref<2048xf32, #tpu.memory_space<vmem>>
      %dma_start3A_377 = arith.constant 0 : i32
      %dma_start3A_378 = tpu.memref_slice %arg2[%add3A, %dma_start3A_369, %dma_start3A_377] : memref<16x2048x2048xf32, #tpu.memory_space<hbm>> -> memref<1x1x2048xf32, #tpu.memory_space<hbm>>
      %dma_start3A_379 = tpu.memref_squeeze %dma_start3A_378 : memref<1x1x2048xf32, #tpu.memory_space<hbm>> -> memref<2048xf32, #tpu.memory_space<hbm>>
      tpu.enqueue_dma source(%dma_start3A_379 : memref<2048xf32, #tpu.memory_space<hbm>>) target(%dma_start3A_376 : memref<2048xf32, #tpu.memory_space<vmem>>) target_semaphore(%arg14 : memref<!tpu.dma_semaphore, #tpu.memory_space<semaphore_mem>>)
      %dma_start3A_380 = arith.constant 411 : i32
      %dma_start3A_381 = arith.constant 0 : i32
      %dma_start3A_382 = tpu.memref_slice %arg9[%dma_start3A_381] : memref<2064xf32, #tpu.memory_space<vmem>> -> memref<2048xf32, #tpu.memory_space<vmem>>
      %dma_start3A_383 = arith.constant 0 : i32
      %dma_start3A_384 = tpu.memref_slice %arg2[%add3A, %dma_start3A_380, %dma_start3A_383] : memref<16x2048x2048xf32, #tpu.memory_space<hbm>> -> memref<1x1x2048xf32, #tpu.memory_space<hbm>>
      %dma_start3A_385 = tpu.memref_squeeze %dma_start3A_384 : memref<1x1x2048xf32, #tpu.memory_space<hbm>> -> memref<2048xf32, #tpu.memory_space<hbm>>
      %dma_start3A_386 = arith.constant 0 : i32
      %dma_start3A_387 = tpu.memref_slice %arg9[%dma_start3A_386] : memref<2064xf32, #tpu.memory_space<vmem>> -> memref<2048xf32, #tpu.memory_space<vmem>>
      %dma_start3A_388 = arith.constant 0 : i32
      %dma_start3A_389 = tpu.memref_slice %arg2[%add3A, %dma_start3A_380, %dma_start3A_388] : memref<16x2048x2048xf32, #tpu.memory_space<hbm>> -> memref<1x1x2048xf32, #tpu.memory_space<hbm>>
      %dma_start3A_390 = tpu.memref_squeeze %dma_start3A_389 : memref<1x1x2048xf32, #tpu.memory_space<hbm>> -> memref<2048xf32, #tpu.memory_space<hbm>>
      tpu.enqueue_dma source(%dma_start3A_390 : memref<2048xf32, #tpu.memory_space<hbm>>) target(%dma_start3A_387 : memref<2048xf32, #tpu.memory_space<vmem>>) target_semaphore(%arg15 : memref<!tpu.dma_semaphore, #tpu.memory_space<semaphore_mem>>)
      %scan3A = arith.constant 0 : i32
      %scan3A_391 = arith.constant 0 : i32
      %scan3A_392 = arith.constant 409 : i32
      %scan3A_393 = arith.addi %scan3A_391, %scan3A_392 : i32
      %scan3A_394 = arith.constant 1 : i32
      scf.for %scan3A_1546 = %scan3A_391 to %scan3A_393 step %scan3A_394  : i32 {
        %mul3A_1547 = arith.constant 4 : i32
        %mul3A_1548 = arith.muli %mul3A_1547, %scan3A_1546 : i32
        %add3A_1549 = arith.constant 408 : i32
        %add3A_1550 = arith.addi %add3A_1549, %mul3A_1548 : i32
        %add3A_1551 = arith.constant 0 : i32
        %add3A_1552 = arith.addi %add3A_1550, %add3A_1551 : i32
        %dma_wait3A_1553 = arith.constant 0 : i32
        %dma_wait3A_1554 = tpu.memref_slice %arg6[%dma_wait3A_1553] : memref<2064xf32, #tpu.memory_space<vmem>> -> memref<2048xf32, #tpu.memory_space<vmem>>
        %dma_wait3A_1555 = arith.constant 0 : i32
        %dma_wait3A_1556 = tpu.memref_slice %arg2[%add3A, %add3A_1552, %dma_wait3A_1555] : memref<16x2048x2048xf32, #tpu.memory_space<hbm>> -> memref<1x1x2048xf32, #tpu.memory_space<hbm>>
        %dma_wait3A_1557 = tpu.memref_squeeze %dma_wait3A_1556 : memref<1x1x2048xf32, #tpu.memory_space<hbm>> -> memref<2048xf32, #tpu.memory_space<hbm>>
        %dma_wait3A_1558 = arith.constant 0 : i32
        %dma_wait3A_1559 = tpu.memref_slice %arg6[%dma_wait3A_1558] : memref<2064xf32, #tpu.memory_space<vmem>> -> memref<2048xf32, #tpu.memory_space<vmem>>
        %dma_wait3A_1560 = arith.constant 0 : i32
        %dma_wait3A_1561 = tpu.memref_slice %arg2[%add3A, %add3A_1552, %dma_wait3A_1560] : memref<16x2048x2048xf32, #tpu.memory_space<hbm>> -> memref<1x1x2048xf32, #tpu.memory_space<hbm>>
        %dma_wait3A_1562 = tpu.memref_squeeze %dma_wait3A_1561 : memref<1x1x2048xf32, #tpu.memory_space<hbm>> -> memref<2048xf32, #tpu.memory_space<hbm>>
        tpu.wait_dma2 semaphore(%arg12 : memref<!tpu.dma_semaphore, #tpu.memory_space<semaphore_mem>>) src(%dma_wait3A_1562 : memref<2048xf32, #tpu.memory_space<hbm>>) dst(%dma_wait3A_1559 : memref<2048xf32, #tpu.memory_space<vmem>>)
        %add3A_1563 = arith.constant 0 : i32
        %add3A_1564 = arith.addi %add3A_1550, %add3A_1563 : i32
        %sub3A = arith.constant 203 : i32
        %sub3A_1565 = arith.subi %add3A_1564, %sub3A : i32
        %get3A_1566 = arith.constant 0 : index
        %get3A_1567 = tpu.vector_load %arg10[%get3A_1566] {strides = array<i32>} : memref<208xi32, #tpu.memory_space<vmem>>, vector<16xi32>,
        %get3A_1568 = arith.constant 16 : index
        %get3A_1569 = tpu.vector_load %arg10[%get3A_1568] {strides = array<i32>} : memref<208xi32, #tpu.memory_space<vmem>>, vector<16xi32>,
        %get3A_1570 = arith.constant 32 : index
        %get3A_1571 = tpu.vector_load %arg10[%get3A_1570] {strides = array<i32>} : memref<208xi32, #tpu.memory_space<vmem>>, vector<16xi32>,
        %get3A_1572 = arith.constant 48 : index
        %get3A_1573 = tpu.vector_load %arg10[%get3A_1572] {strides = array<i32>} : memref<208xi32, #tpu.memory_space<vmem>>, vector<16xi32>,
        %get3A_1574 = arith.constant 64 : index
        %get3A_1575 = tpu.vector_load %arg10[%get3A_1574] {strides = array<i32>} : memref<208xi32, #tpu.memory_space<vmem>>, vector<16xi32>,
        %get3A_1576 = arith.constant 80 : index
        %get3A_1577 = tpu.vector_load %arg10[%get3A_1576] {strides = array<i32>} : memref<208xi32, #tpu.memory_space<vmem>>, vector<16xi32>,
        %get3A_1578 = arith.constant 96 : index
        %get3A_1579 = tpu.vector_load %arg10[%get3A_1578] {strides = array<i32>} : memref<208xi32, #tpu.memory_space<vmem>>, vector<16xi32>,
        %get3A_1580 = arith.constant 112 : index
        %get3A_1581 = tpu.vector_load %arg10[%get3A_1580] {strides = array<i32>} : memref<208xi32, #tpu.memory_space<vmem>>, vector<16xi32>,
        %get3A_1582 = arith.constant 128 : index
        %get3A_1583 = tpu.vector_load %arg10[%get3A_1582] {strides = array<i32>} : memref<208xi32, #tpu.memory_space<vmem>>, vector<16xi32>,
        %get3A_1584 = arith.constant 144 : index
        %get3A_1585 = tpu.vector_load %arg10[%get3A_1584] {strides = array<i32>} : memref<208xi32, #tpu.memory_space<vmem>>, vector<16xi32>,
        %get3A_1586 = arith.constant 160 : index
        %get3A_1587 = tpu.vector_load %arg10[%get3A_1586] {strides = array<i32>} : memref<208xi32, #tpu.memory_space<vmem>>, vector<16xi32>,
        %get3A_1588 = arith.constant 176 : index
        %get3A_1589 = tpu.vector_load %arg10[%get3A_1588] {strides = array<i32>} : memref<208xi32, #tpu.memory_space<vmem>>, vector<16xi32>,
        %get3A_1590 = arith.constant 192 : index
        %get3A_1591 = tpu.vector_load %arg10[%get3A_1590] {strides = array<i32>} : memref<208xi32, #tpu.memory_space<vmem>>, vector<16xi32>,
        %gather3A_1592 = tpu.vector_load_idx %arg6[%get3A_1567] : memref<2064xf32, #tpu.memory_space<vmem>>[vector<16xi32>], vector<16xf32>,
        %gather3A_1593 = tpu.vector_load_idx %arg6[%get3A_1569] : memref<2064xf32, #tpu.memory_space<vmem>>[vector<16xi32>], vector<16xf32>,
        %gather3A_1594 = tpu.vector_load_idx %arg6[%get3A_1571] : memref<2064xf32, #tpu.memory_space<vmem>>[vector<16xi32>], vector<16xf32>,
        %gather3A_1595 = tpu.vector_load_idx %arg6[%get3A_1573] : memref<2064xf32, #tpu.memory_space<vmem>>[vector<16xi32>], vector<16xf32>,
        %gather3A_1596 = tpu.vector_load_idx %arg6[%get3A_1575] : memref<2064xf32, #tpu.memory_space<vmem>>[vector<16xi32>], vector<16xf32>,
        %gather3A_1597 = tpu.vector_load_idx %arg6[%get3A_1577] : memref<2064xf32, #tpu.memory_space<vmem>>[vector<16xi32>], vector<16xf32>,
        %gather3A_1598 = tpu.vector_load_idx %arg6[%get3A_1579] : memref<2064xf32, #tpu.memory_space<vmem>>[vector<16xi32>], vector<16xf32>,
        %gather3A_1599 = tpu.vector_load_idx %arg6[%get3A_1581] : memref<2064xf32, #tpu.memory_space<vmem>>[vector<16xi32>], vector<16xf32>,
        %gather3A_1600 = tpu.vector_load_idx %arg6[%get3A_1583] : memref<2064xf32, #tpu.memory_space<vmem>>[vector<16xi32>], vector<16xf32>,
        %gather3A_1601 = tpu.vector_load_idx %arg6[%get3A_1585] : memref<2064xf32, #tpu.memory_space<vmem>>[vector<16xi32>], vector<16xf32>,
        %gather3A_1602 = tpu.vector_load_idx %arg6[%get3A_1587] : memref<2064xf32, #tpu.memory_space<vmem>>[vector<16xi32>], vector<16xf32>,
        %gather3A_1603 = tpu.vector_load_idx %arg6[%get3A_1589] : memref<2064xf32, #tpu.memory_space<vmem>>[vector<16xi32>], vector<16xf32>,
        %gather3A_1604 = tpu.vector_load_idx %arg6[%get3A_1591] : memref<2064xf32, #tpu.memory_space<vmem>>[vector<16xi32>], vector<16xf32>,
        %add3A_1605 = arith.constant 0 : i32
        %add3A_1606 = arith.addi %sub3A_1565, %add3A_1605 : i32
        %broadcast_in_dim3A_1607 = vector.broadcast %add3A_1606 : i32 to vector<16xi32>
        %add3A_1608 = arith.addi %broadcast_in_dim3A_1607, %iota3A : vector<16xi32>
        %add3A_1609 = arith.constant 16 : i32
        %add3A_1610 = arith.addi %sub3A_1565, %add3A_1609 : i32
        %broadcast_in_dim3A_1611 = vector.broadcast %add3A_1610 : i32 to vector<16xi32>
        %add3A_1612 = arith.addi %broadcast_in_dim3A_1611, %iota3A : vector<16xi32>
        %add3A_1613 = arith.constant 32 : i32
        %add3A_1614 = arith.addi %sub3A_1565, %add3A_1613 : i32
        %broadcast_in_dim3A_1615 = vector.broadcast %add3A_1614 : i32 to vector<16xi32>
        %add3A_1616 = arith.addi %broadcast_in_dim3A_1615, %iota3A : vector<16xi32>
        %add3A_1617 = arith.constant 48 : i32
        %add3A_1618 = arith.addi %sub3A_1565, %add3A_1617 : i32
        %broadcast_in_dim3A_1619 = vector.broadcast %add3A_1618 : i32 to vector<16xi32>
        %add3A_1620 = arith.addi %broadcast_in_dim3A_1619, %iota3A : vector<16xi32>
        %add3A_1621 = arith.constant 64 : i32
        %add3A_1622 = arith.addi %sub3A_1565, %add3A_1621 : i32
        %broadcast_in_dim3A_1623 = vector.broadcast %add3A_1622 : i32 to vector<16xi32>
        %add3A_1624 = arith.addi %broadcast_in_dim3A_1623, %iota3A : vector<16xi32>
        %add3A_1625 = arith.constant 80 : i32
        %add3A_1626 = arith.addi %sub3A_1565, %add3A_1625 : i32
        %broadcast_in_dim3A_1627 = vector.broadcast %add3A_1626 : i32 to vector<16xi32>
        %add3A_1628 = arith.addi %broadcast_in_dim3A_1627, %iota3A : vector<16xi32>
        %add3A_1629 = arith.constant 96 : i32
        %add3A_1630 = arith.addi %sub3A_1565, %add3A_1629 : i32
        %broadcast_in_dim3A_1631 = vector.broadcast %add3A_1630 : i32 to vector<16xi32>
        %add3A_1632 = arith.addi %broadcast_in_dim3A_1631, %iota3A : vector<16xi32>
        %add3A_1633 = arith.constant 112 : i32
        %add3A_1634 = arith.addi %sub3A_1565, %add3A_1633 : i32
        %broadcast_in_dim3A_1635 = vector.broadcast %add3A_1634 : i32 to vector<16xi32>
        %add3A_1636 = arith.addi %broadcast_in_dim3A_1635, %iota3A : vector<16xi32>
        %add3A_1637 = arith.constant 128 : i32
        %add3A_1638 = arith.addi %sub3A_1565, %add3A_1637 : i32
        %broadcast_in_dim3A_1639 = vector.broadcast %add3A_1638 : i32 to vector<16xi32>
        %add3A_1640 = arith.addi %broadcast_in_dim3A_1639, %iota3A : vector<16xi32>
        %add3A_1641 = arith.constant 144 : i32
        %add3A_1642 = arith.addi %sub3A_1565, %add3A_1641 : i32
        %broadcast_in_dim3A_1643 = vector.broadcast %add3A_1642 : i32 to vector<16xi32>
        %add3A_1644 = arith.addi %broadcast_in_dim3A_1643, %iota3A : vector<16xi32>
        %add3A_1645 = arith.constant 160 : i32
        %add3A_1646 = arith.addi %sub3A_1565, %add3A_1645 : i32
        %broadcast_in_dim3A_1647 = vector.broadcast %add3A_1646 : i32 to vector<16xi32>
        %add3A_1648 = arith.addi %broadcast_in_dim3A_1647, %iota3A : vector<16xi32>
        %add3A_1649 = arith.constant 176 : i32
        %add3A_1650 = arith.addi %sub3A_1565, %add3A_1649 : i32
        %broadcast_in_dim3A_1651 = vector.broadcast %add3A_1650 : i32 to vector<16xi32>
        %add3A_1652 = arith.addi %broadcast_in_dim3A_1651, %iota3A : vector<16xi32>
        %add3A_1653 = arith.constant 192 : i32
        %add3A_1654 = arith.addi %sub3A_1565, %add3A_1653 : i32
        %broadcast_in_dim3A_1655 = vector.broadcast %add3A_1654 : i32 to vector<16xi32>
        %add3A_1656 = arith.addi %broadcast_in_dim3A_1655, %iota3A : vector<16xi32>
        %gather3A_1657 = tpu.vector_load_idx %arg6[%add3A_1608] : memref<2064xf32, #tpu.memory_space<vmem>>[vector<16xi32>], vector<16xf32>,
        %gather3A_1658 = tpu.vector_load_idx %arg6[%add3A_1612] : memref<2064xf32, #tpu.memory_space<vmem>>[vector<16xi32>], vector<16xf32>,
        %gather3A_1659 = tpu.vector_load_idx %arg6[%add3A_1616] : memref<2064xf32, #tpu.memory_space<vmem>>[vector<16xi32>], vector<16xf32>,
        %gather3A_1660 = tpu.vector_load_idx %arg6[%add3A_1620] : memref<2064xf32, #tpu.memory_space<vmem>>[vector<16xi32>], vector<16xf32>,
        %gather3A_1661 = tpu.vector_load_idx %arg6[%add3A_1624] : memref<2064xf32, #tpu.memory_space<vmem>>[vector<16xi32>], vector<16xf32>,
        %gather3A_1662 = tpu.vector_load_idx %arg6[%add3A_1628] : memref<2064xf32, #tpu.memory_space<vmem>>[vector<16xi32>], vector<16xf32>,
        %gather3A_1663 = tpu.vector_load_idx %arg6[%add3A_1632] : memref<2064xf32, #tpu.memory_space<vmem>>[vector<16xi32>], vector<16xf32>,
        %gather3A_1664 = tpu.vector_load_idx %arg6[%add3A_1636] : memref<2064xf32, #tpu.memory_space<vmem>>[vector<16xi32>], vector<16xf32>,
        %gather3A_1665 = tpu.vector_load_idx %arg6[%add3A_1640] : memref<2064xf32, #tpu.memory_space<vmem>>[vector<16xi32>], vector<16xf32>,
        %gather3A_1666 = tpu.vector_load_idx %arg6[%add3A_1644] : memref<2064xf32, #tpu.memory_space<vmem>>[vector<16xi32>], vector<16xf32>,
        %gather3A_1667 = tpu.vector_load_idx %arg6[%add3A_1648] : memref<2064xf32, #tpu.memory_space<vmem>>[vector<16xi32>], vector<16xf32>,
        %gather3A_1668 = tpu.vector_load_idx %arg6[%add3A_1652] : memref<2064xf32, #tpu.memory_space<vmem>>[vector<16xi32>], vector<16xf32>,
        %gather3A_1669 = tpu.vector_load_idx %arg6[%add3A_1656] : memref<2064xf32, #tpu.memory_space<vmem>>[vector<16xi32>], vector<16xf32>,
        %add3A_1670 = arith.addf %gather3A_1592, %gather3A_1593 : vector<16xf32>
        %add3A_1671 = arith.addf %add3A_1670, %gather3A_1594 : vector<16xf32>
        %add3A_1672 = arith.addf %add3A_1671, %gather3A_1595 : vector<16xf32>
        %add3A_1673 = arith.addf %add3A_1672, %gather3A_1596 : vector<16xf32>
        %add3A_1674 = arith.addf %add3A_1673, %gather3A_1597 : vector<16xf32>
        %add3A_1675 = arith.addf %add3A_1674, %gather3A_1598 : vector<16xf32>
        %add3A_1676 = arith.addf %add3A_1675, %gather3A_1599 : vector<16xf32>
        %add3A_1677 = arith.addf %add3A_1676, %gather3A_1600 : vector<16xf32>
        %add3A_1678 = arith.addf %add3A_1677, %gather3A_1601 : vector<16xf32>
        %add3A_1679 = arith.addf %add3A_1678, %gather3A_1602 : vector<16xf32>
        %add3A_1680 = arith.addf %add3A_1679, %gather3A_1603 : vector<16xf32>
        %add3A_1681 = arith.addf %add3A_1680, %gather3A_1604 : vector<16xf32>
        %add3A_1682 = arith.addf %add3A_1681, %gather3A_1657 : vector<16xf32>
        %add3A_1683 = arith.addf %add3A_1682, %gather3A_1658 : vector<16xf32>
        %add3A_1684 = arith.addf %add3A_1683, %gather3A_1659 : vector<16xf32>
        %add3A_1685 = arith.addf %add3A_1684, %gather3A_1660 : vector<16xf32>
        %add3A_1686 = arith.addf %add3A_1685, %gather3A_1661 : vector<16xf32>
        %add3A_1687 = arith.addf %add3A_1686, %gather3A_1662 : vector<16xf32>
        %add3A_1688 = arith.addf %add3A_1687, %gather3A_1663 : vector<16xf32>
        %add3A_1689 = arith.addf %add3A_1688, %gather3A_1664 : vector<16xf32>
        %add3A_1690 = arith.addf %add3A_1689, %gather3A_1665 : vector<16xf32>
        %add3A_1691 = arith.addf %add3A_1690, %gather3A_1666 : vector<16xf32>
        %add3A_1692 = arith.addf %add3A_1691, %gather3A_1667 : vector<16xf32>
        %add3A_1693 = arith.addf %add3A_1692, %gather3A_1668 : vector<16xf32>
        %add3A_1694 = arith.addf %add3A_1693, %gather3A_1669 : vector<16xf32>
        %reduce_sum3A_1695 = arith.constant true
        %reduce_sum3A_1696 = vector.broadcast %reduce_sum3A_1695 : i1 to vector<16xi1>
        %reduce_sum3A_1697 = tpu.scan <sum>, %add3A_1694 masked %reduce_sum3A_1696 : vector<16xf32>, vector<16xi1> -> vector<16xf32>
        %reduce_sum3A_1698 = vector.extract %reduce_sum3A_1697[15] : f32 from vector<16xf32>
        %broadcast_in_dim3A_1699 = vector.broadcast %reduce_sum3A_1698 : f32 to vector<16xf32>
        %div3A_1700 = arith.constant 1.000000e+00 : f32
        %div3A_1701 = vector.broadcast %div3A_1700 : f32 to vector<16xf32>
        %div3A_1702 = arith.divf %div3A_1701, %broadcast_in_dim3A_1699 : vector<16xf32>
        %gather3A_1703 = tpu.vector_load_idx %arg5[%get3A_1567] : memref<2064xf32, #tpu.memory_space<vmem>>[vector<16xi32>], vector<16xf32>,
        %mul3A_1704 = arith.mulf %gather3A_1592, %div3A_1702 : vector<16xf32>
        %add3A_1705 = arith.addf %gather3A_1703, %mul3A_1704 : vector<16xf32>
        tpu.vector_store_idx %arg5[%get3A_1567], %add3A_1705 : memref<2064xf32, #tpu.memory_space<vmem>>[vector<16xi32>], vector<16xf32>,
        %gather3A_1706 = tpu.vector_load_idx %arg5[%get3A_1569] : memref<2064xf32, #tpu.memory_space<vmem>>[vector<16xi32>], vector<16xf32>,
        %mul3A_1707 = arith.mulf %gather3A_1593, %div3A_1702 : vector<16xf32>
        %add3A_1708 = arith.addf %gather3A_1706, %mul3A_1707 : vector<16xf32>
        tpu.vector_store_idx %arg5[%get3A_1569], %add3A_1708 : memref<2064xf32, #tpu.memory_space<vmem>>[vector<16xi32>], vector<16xf32>,
        %gather3A_1709 = tpu.vector_load_idx %arg5[%get3A_1571] : memref<2064xf32, #tpu.memory_space<vmem>>[vector<16xi32>], vector<16xf32>,
        %mul3A_1710 = arith.mulf %gather3A_1594, %div3A_1702 : vector<16xf32>
        %add3A_1711 = arith.addf %gather3A_1709, %mul3A_1710 : vector<16xf32>
        tpu.vector_store_idx %arg5[%get3A_1571], %add3A_1711 : memref<2064xf32, #tpu.memory_space<vmem>>[vector<16xi32>], vector<16xf32>,
        %gather3A_1712 = tpu.vector_load_idx %arg5[%get3A_1573] : memref<2064xf32, #tpu.memory_space<vmem>>[vector<16xi32>], vector<16xf32>,
        %mul3A_1713 = arith.mulf %gather3A_1595, %div3A_1702 : vector<16xf32>
        %add3A_1714 = arith.addf %gather3A_1712, %mul3A_1713 : vector<16xf32>
        tpu.vector_store_idx %arg5[%get3A_1573], %add3A_1714 : memref<2064xf32, #tpu.memory_space<vmem>>[vector<16xi32>], vector<16xf32>,
        %gather3A_1715 = tpu.vector_load_idx %arg5[%get3A_1575] : memref<2064xf32, #tpu.memory_space<vmem>>[vector<16xi32>], vector<16xf32>,
        %mul3A_1716 = arith.mulf %gather3A_1596, %div3A_1702 : vector<16xf32>
        %add3A_1717 = arith.addf %gather3A_1715, %mul3A_1716 : vector<16xf32>
        tpu.vector_store_idx %arg5[%get3A_1575], %add3A_1717 : memref<2064xf32, #tpu.memory_space<vmem>>[vector<16xi32>], vector<16xf32>,
        %gather3A_1718 = tpu.vector_load_idx %arg5[%get3A_1577] : memref<2064xf32, #tpu.memory_space<vmem>>[vector<16xi32>], vector<16xf32>,
        %mul3A_1719 = arith.mulf %gather3A_1597, %div3A_1702 : vector<16xf32>
        %add3A_1720 = arith.addf %gather3A_1718, %mul3A_1719 : vector<16xf32>
        tpu.vector_store_idx %arg5[%get3A_1577], %add3A_1720 : memref<2064xf32, #tpu.memory_space<vmem>>[vector<16xi32>], vector<16xf32>,
        %gather3A_1721 = tpu.vector_load_idx %arg5[%get3A_1579] : memref<2064xf32, #tpu.memory_space<vmem>>[vector<16xi32>], vector<16xf32>,
        %mul3A_1722 = arith.mulf %gather3A_1598, %div3A_1702 : vector<16xf32>
        %add3A_1723 = arith.addf %gather3A_1721, %mul3A_1722 : vector<16xf32>
        tpu.vector_store_idx %arg5[%get3A_1579], %add3A_1723 : memref<2064xf32, #tpu.memory_space<vmem>>[vector<16xi32>], vector<16xf32>,
        %gather3A_1724 = tpu.vector_load_idx %arg5[%get3A_1581] : memref<2064xf32, #tpu.memory_space<vmem>>[vector<16xi32>], vector<16xf32>,
        %mul3A_1725 = arith.mulf %gather3A_1599, %div3A_1702 : vector<16xf32>
        %add3A_1726 = arith.addf %gather3A_1724, %mul3A_1725 : vector<16xf32>
        tpu.vector_store_idx %arg5[%get3A_1581], %add3A_1726 : memref<2064xf32, #tpu.memory_space<vmem>>[vector<16xi32>], vector<16xf32>,
        %gather3A_1727 = tpu.vector_load_idx %arg5[%get3A_1583] : memref<2064xf32, #tpu.memory_space<vmem>>[vector<16xi32>], vector<16xf32>,
        %mul3A_1728 = arith.mulf %gather3A_1600, %div3A_1702 : vector<16xf32>
        %add3A_1729 = arith.addf %gather3A_1727, %mul3A_1728 : vector<16xf32>
        tpu.vector_store_idx %arg5[%get3A_1583], %add3A_1729 : memref<2064xf32, #tpu.memory_space<vmem>>[vector<16xi32>], vector<16xf32>,
        %gather3A_1730 = tpu.vector_load_idx %arg5[%get3A_1585] : memref<2064xf32, #tpu.memory_space<vmem>>[vector<16xi32>], vector<16xf32>,
        %mul3A_1731 = arith.mulf %gather3A_1601, %div3A_1702 : vector<16xf32>
        %add3A_1732 = arith.addf %gather3A_1730, %mul3A_1731 : vector<16xf32>
        tpu.vector_store_idx %arg5[%get3A_1585], %add3A_1732 : memref<2064xf32, #tpu.memory_space<vmem>>[vector<16xi32>], vector<16xf32>,
        %gather3A_1733 = tpu.vector_load_idx %arg5[%get3A_1587] : memref<2064xf32, #tpu.memory_space<vmem>>[vector<16xi32>], vector<16xf32>,
        %mul3A_1734 = arith.mulf %gather3A_1602, %div3A_1702 : vector<16xf32>
        %add3A_1735 = arith.addf %gather3A_1733, %mul3A_1734 : vector<16xf32>
        tpu.vector_store_idx %arg5[%get3A_1587], %add3A_1735 : memref<2064xf32, #tpu.memory_space<vmem>>[vector<16xi32>], vector<16xf32>,
        %gather3A_1736 = tpu.vector_load_idx %arg5[%get3A_1589] : memref<2064xf32, #tpu.memory_space<vmem>>[vector<16xi32>], vector<16xf32>,
        %mul3A_1737 = arith.mulf %gather3A_1603, %div3A_1702 : vector<16xf32>
        %add3A_1738 = arith.addf %gather3A_1736, %mul3A_1737 : vector<16xf32>
        tpu.vector_store_idx %arg5[%get3A_1589], %add3A_1738 : memref<2064xf32, #tpu.memory_space<vmem>>[vector<16xi32>], vector<16xf32>,
        %gather3A_1739 = tpu.vector_load_idx %arg5[%get3A_1591] : memref<2064xf32, #tpu.memory_space<vmem>>[vector<16xi32>], vector<16xf32>,
        %mul3A_1740 = arith.mulf %gather3A_1604, %div3A_1702 : vector<16xf32>
        %add3A_1741 = arith.addf %gather3A_1739, %mul3A_1740 : vector<16xf32>
        tpu.vector_store_idx %arg5[%get3A_1591], %add3A_1741 : memref<2064xf32, #tpu.memory_space<vmem>>[vector<16xi32>], vector<16xf32>,
        %gather3A_1742 = tpu.vector_load_idx %arg5[%add3A_1608] : memref<2064xf32, #tpu.memory_space<vmem>>[vector<16xi32>], vector<16xf32>,
        %mul3A_1743 = arith.mulf %gather3A_1657, %div3A_1702 : vector<16xf32>
        %add3A_1744 = arith.addf %gather3A_1742, %mul3A_1743 : vector<16xf32>
        tpu.vector_store_idx %arg5[%add3A_1608], %add3A_1744 : memref<2064xf32, #tpu.memory_space<vmem>>[vector<16xi32>], vector<16xf32>,
        %gather3A_1745 = tpu.vector_load_idx %arg5[%add3A_1612] : memref<2064xf32, #tpu.memory_space<vmem>>[vector<16xi32>], vector<16xf32>,
        %mul3A_1746 = arith.mulf %gather3A_1658, %div3A_1702 : vector<16xf32>
        %add3A_1747 = arith.addf %gather3A_1745, %mul3A_1746 : vector<16xf32>
        tpu.vector_store_idx %arg5[%add3A_1612], %add3A_1747 : memref<2064xf32, #tpu.memory_space<vmem>>[vector<16xi32>], vector<16xf32>,
        %gather3A_1748 = tpu.vector_load_idx %arg5[%add3A_1616] : memref<2064xf32, #tpu.memory_space<vmem>>[vector<16xi32>], vector<16xf32>,
        %mul3A_1749 = arith.mulf %gather3A_1659, %div3A_1702 : vector<16xf32>
        %add3A_1750 = arith.addf %gather3A_1748, %mul3A_1749 : vector<16xf32>
        tpu.vector_store_idx %arg5[%add3A_1616], %add3A_1750 : memref<2064xf32, #tpu.memory_space<vmem>>[vector<16xi32>], vector<16xf32>,
        %gather3A_1751 = tpu.vector_load_idx %arg5[%add3A_1620] : memref<2064xf32, #tpu.memory_space<vmem>>[vector<16xi32>], vector<16xf32>,
        %mul3A_1752 = arith.mulf %gather3A_1660, %div3A_1702 : vector<16xf32>
        %add3A_1753 = arith.addf %gather3A_1751, %mul3A_1752 : vector<16xf32>
        tpu.vector_store_idx %arg5[%add3A_1620], %add3A_1753 : memref<2064xf32, #tpu.memory_space<vmem>>[vector<16xi32>], vector<16xf32>,
        %gather3A_1754 = tpu.vector_load_idx %arg5[%add3A_1624] : memref<2064xf32, #tpu.memory_space<vmem>>[vector<16xi32>], vector<16xf32>,
        %mul3A_1755 = arith.mulf %gather3A_1661, %div3A_1702 : vector<16xf32>
        %add3A_1756 = arith.addf %gather3A_1754, %mul3A_1755 : vector<16xf32>
        tpu.vector_store_idx %arg5[%add3A_1624], %add3A_1756 : memref<2064xf32, #tpu.memory_space<vmem>>[vector<16xi32>], vector<16xf32>,
        %gather3A_1757 = tpu.vector_load_idx %arg5[%add3A_1628] : memref<2064xf32, #tpu.memory_space<vmem>>[vector<16xi32>], vector<16xf32>,
        %mul3A_1758 = arith.mulf %gather3A_1662, %div3A_1702 : vector<16xf32>
        %add3A_1759 = arith.addf %gather3A_1757, %mul3A_1758 : vector<16xf32>
        tpu.vector_store_idx %arg5[%add3A_1628], %add3A_1759 : memref<2064xf32, #tpu.memory_space<vmem>>[vector<16xi32>], vector<16xf32>,
        %gather3A_1760 = tpu.vector_load_idx %arg5[%add3A_1632] : memref<2064xf32, #tpu.memory_space<vmem>>[vector<16xi32>], vector<16xf32>,
        %mul3A_1761 = arith.mulf %gather3A_1663, %div3A_1702 : vector<16xf32>
        %add3A_1762 = arith.addf %gather3A_1760, %mul3A_1761 : vector<16xf32>
        tpu.vector_store_idx %arg5[%add3A_1632], %add3A_1762 : memref<2064xf32, #tpu.memory_space<vmem>>[vector<16xi32>], vector<16xf32>,
        %gather3A_1763 = tpu.vector_load_idx %arg5[%add3A_1636] : memref<2064xf32, #tpu.memory_space<vmem>>[vector<16xi32>], vector<16xf32>,
        %mul3A_1764 = arith.mulf %gather3A_1664, %div3A_1702 : vector<16xf32>
        %add3A_1765 = arith.addf %gather3A_1763, %mul3A_1764 : vector<16xf32>
        tpu.vector_store_idx %arg5[%add3A_1636], %add3A_1765 : memref<2064xf32, #tpu.memory_space<vmem>>[vector<16xi32>], vector<16xf32>,
        %gather3A_1766 = tpu.vector_load_idx %arg5[%add3A_1640] : memref<2064xf32, #tpu.memory_space<vmem>>[vector<16xi32>], vector<16xf32>,
        %mul3A_1767 = arith.mulf %gather3A_1665, %div3A_1702 : vector<16xf32>
        %add3A_1768 = arith.addf %gather3A_1766, %mul3A_1767 : vector<16xf32>
        tpu.vector_store_idx %arg5[%add3A_1640], %add3A_1768 : memref<2064xf32, #tpu.memory_space<vmem>>[vector<16xi32>], vector<16xf32>,
        %gather3A_1769 = tpu.vector_load_idx %arg5[%add3A_1644] : memref<2064xf32, #tpu.memory_space<vmem>>[vector<16xi32>], vector<16xf32>,
        %mul3A_1770 = arith.mulf %gather3A_1666, %div3A_1702 : vector<16xf32>
        %add3A_1771 = arith.addf %gather3A_1769, %mul3A_1770 : vector<16xf32>
        tpu.vector_store_idx %arg5[%add3A_1644], %add3A_1771 : memref<2064xf32, #tpu.memory_space<vmem>>[vector<16xi32>], vector<16xf32>,
        %gather3A_1772 = tpu.vector_load_idx %arg5[%add3A_1648] : memref<2064xf32, #tpu.memory_space<vmem>>[vector<16xi32>], vector<16xf32>,
        %mul3A_1773 = arith.mulf %gather3A_1667, %div3A_1702 : vector<16xf32>
        %add3A_1774 = arith.addf %gather3A_1772, %mul3A_1773 : vector<16xf32>
        tpu.vector_store_idx %arg5[%add3A_1648], %add3A_1774 : memref<2064xf32, #tpu.memory_space<vmem>>[vector<16xi32>], vector<16xf32>,
        %gather3A_1775 = tpu.vector_load_idx %arg5[%add3A_1652] : memref<2064xf32, #tpu.memory_space<vmem>>[vector<16xi32>], vector<16xf32>,
        %mul3A_1776 = arith.mulf %gather3A_1668, %div3A_1702 : vector<16xf32>
        %add3A_1777 = arith.addf %gather3A_1775, %mul3A_1776 : vector<16xf32>
        tpu.vector_store_idx %arg5[%add3A_1652], %add3A_1777 : memref<2064xf32, #tpu.memory_space<vmem>>[vector<16xi32>], vector<16xf32>,
        %gather3A_1778 = tpu.vector_load_idx %arg5[%add3A_1656] : memref<2064xf32, #tpu.memory_space<vmem>>[vector<16xi32>], vector<16xf32>,
        %mul3A_1779 = arith.mulf %gather3A_1669, %div3A_1702 : vector<16xf32>
        %add3A_1780 = arith.addf %gather3A_1778, %mul3A_1779 : vector<16xf32>
        tpu.vector_store_idx %arg5[%add3A_1656], %add3A_1780 : memref<2064xf32, #tpu.memory_space<vmem>>[vector<16xi32>], vector<16xf32>,
        %lt3A_1781 = arith.constant 13 : i32
        %lt3A_1782 = vector.broadcast %lt3A_1781 : i32 to vector<16xi32>
        %lt3A_1783 = arith.cmpi slt, %iota3A, %lt3A_1782 : vector<16xi32>
        %select_n3A_1784 = arith.select %lt3A_1783, %add3A_1741, %broadcast_in_dim3A_3 : vector<16xi1>, vector<16xf32>
        %min3A_1785 = arith.minimumf %add3A_1705, %add3A_1708 : vector<16xf32>
        %min3A_1786 = arith.minimumf %min3A_1785, %add3A_1711 : vector<16xf32>
        %min3A_1787 = arith.minimumf %min3A_1786, %add3A_1714 : vector<16xf32>
        %min3A_1788 = arith.minimumf %min3A_1787, %add3A_1717 : vector<16xf32>
        %min3A_1789 = arith.minimumf %min3A_1788, %add3A_1720 : vector<16xf32>
        %min3A_1790 = arith.minimumf %min3A_1789, %add3A_1723 : vector<16xf32>
        %min3A_1791 = arith.minimumf %min3A_1790, %add3A_1726 : vector<16xf32>
        %min3A_1792 = arith.minimumf %min3A_1791, %add3A_1729 : vector<16xf32>
        %min3A_1793 = arith.minimumf %min3A_1792, %add3A_1732 : vector<16xf32>
        %min3A_1794 = arith.minimumf %min3A_1793, %add3A_1735 : vector<16xf32>
        %min3A_1795 = arith.minimumf %min3A_1794, %add3A_1738 : vector<16xf32>
        %min3A_1796 = arith.minimumf %min3A_1795, %select_n3A_1784 : vector<16xf32>
        %reduce_min3A_1797 = arith.constant true
        %reduce_min3A_1798 = vector.broadcast %reduce_min3A_1797 : i1 to vector<16xi1>
        %reduce_min3A_1799 = tpu.scan <min>, %min3A_1796 masked %reduce_min3A_1798 : vector<16xf32>, vector<16xi1> -> vector<16xf32>
        %reduce_min3A_1800 = vector.extract %reduce_min3A_1799[15] : f32 from vector<16xf32>
        %broadcast_in_dim3A_1801 = vector.broadcast %reduce_min3A_1800 : f32 to vector<16xf32>
        %shift_left3A_1802 = arith.constant 8 : i32
        %shift_left3A_1803 = vector.broadcast %shift_left3A_1802 : i32 to vector<16xi32>
        %shift_left3A_1804 = arith.shli %get3A_1567, %shift_left3A_1803 : vector<16xi32>
        %add3A_1805 = arith.constant 0 : i32
        %add3A_1806 = vector.broadcast %add3A_1805 : i32 to vector<16xi32>
        %add3A_1807 = arith.addi %iota3A, %add3A_1806 : vector<16xi32>
        %add3A_1808 = arith.addi %shift_left3A_1804, %add3A_1807 : vector<16xi32>
        %eq3A_1809 = arith.cmpf oeq, %add3A_1705, %broadcast_in_dim3A_1801 : vector<16xf32>
        %select_n3A_1810 = arith.select %eq3A_1809, %add3A_1808, %broadcast_in_dim3A_5 : vector<16xi1>, vector<16xi32>
        %min3A_1811 = arith.minsi %broadcast_in_dim3A_5, %select_n3A_1810 : vector<16xi32>
        %shift_left3A_1812 = arith.constant 8 : i32
        %shift_left3A_1813 = vector.broadcast %shift_left3A_1812 : i32 to vector<16xi32>
        %shift_left3A_1814 = arith.shli %get3A_1569, %shift_left3A_1813 : vector<16xi32>
        %add3A_1815 = arith.constant 16 : i32
        %add3A_1816 = vector.broadcast %add3A_1815 : i32 to vector<16xi32>
        %add3A_1817 = arith.addi %iota3A, %add3A_1816 : vector<16xi32>
        %add3A_1818 = arith.addi %shift_left3A_1814, %add3A_1817 : vector<16xi32>
        %eq3A_1819 = arith.cmpf oeq, %add3A_1708, %broadcast_in_dim3A_1801 : vector<16xf32>
        %select_n3A_1820 = arith.select %eq3A_1819, %add3A_1818, %broadcast_in_dim3A_5 : vector<16xi1>, vector<16xi32>
        %min3A_1821 = arith.minsi %min3A_1811, %select_n3A_1820 : vector<16xi32>
        %shift_left3A_1822 = arith.constant 8 : i32
        %shift_left3A_1823 = vector.broadcast %shift_left3A_1822 : i32 to vector<16xi32>
        %shift_left3A_1824 = arith.shli %get3A_1571, %shift_left3A_1823 : vector<16xi32>
        %add3A_1825 = arith.constant 32 : i32
        %add3A_1826 = vector.broadcast %add3A_1825 : i32 to vector<16xi32>
        %add3A_1827 = arith.addi %iota3A, %add3A_1826 : vector<16xi32>
        %add3A_1828 = arith.addi %shift_left3A_1824, %add3A_1827 : vector<16xi32>
        %eq3A_1829 = arith.cmpf oeq, %add3A_1711, %broadcast_in_dim3A_1801 : vector<16xf32>
        %select_n3A_1830 = arith.select %eq3A_1829, %add3A_1828, %broadcast_in_dim3A_5 : vector<16xi1>, vector<16xi32>
        %min3A_1831 = arith.minsi %min3A_1821, %select_n3A_1830 : vector<16xi32>
        %shift_left3A_1832 = arith.constant 8 : i32
        %shift_left3A_1833 = vector.broadcast %shift_left3A_1832 : i32 to vector<16xi32>
        %shift_left3A_1834 = arith.shli %get3A_1573, %shift_left3A_1833 : vector<16xi32>
        %add3A_1835 = arith.constant 48 : i32
        %add3A_1836 = vector.broadcast %add3A_1835 : i32 to vector<16xi32>
        %add3A_1837 = arith.addi %iota3A, %add3A_1836 : vector<16xi32>
        %add3A_1838 = arith.addi %shift_left3A_1834, %add3A_1837 : vector<16xi32>
        %eq3A_1839 = arith.cmpf oeq, %add3A_1714, %broadcast_in_dim3A_1801 : vector<16xf32>
        %select_n3A_1840 = arith.select %eq3A_1839, %add3A_1838, %broadcast_in_dim3A_5 : vector<16xi1>, vector<16xi32>
        %min3A_1841 = arith.minsi %min3A_1831, %select_n3A_1840 : vector<16xi32>
        %shift_left3A_1842 = arith.constant 8 : i32
        %shift_left3A_1843 = vector.broadcast %shift_left3A_1842 : i32 to vector<16xi32>
        %shift_left3A_1844 = arith.shli %get3A_1575, %shift_left3A_1843 : vector<16xi32>
        %add3A_1845 = arith.constant 64 : i32
        %add3A_1846 = vector.broadcast %add3A_1845 : i32 to vector<16xi32>
        %add3A_1847 = arith.addi %iota3A, %add3A_1846 : vector<16xi32>
        %add3A_1848 = arith.addi %shift_left3A_1844, %add3A_1847 : vector<16xi32>
        %eq3A_1849 = arith.cmpf oeq, %add3A_1717, %broadcast_in_dim3A_1801 : vector<16xf32>
        %select_n3A_1850 = arith.select %eq3A_1849, %add3A_1848, %broadcast_in_dim3A_5 : vector<16xi1>, vector<16xi32>
        %min3A_1851 = arith.minsi %min3A_1841, %select_n3A_1850 : vector<16xi32>
        %shift_left3A_1852 = arith.constant 8 : i32
        %shift_left3A_1853 = vector.broadcast %shift_left3A_1852 : i32 to vector<16xi32>
        %shift_left3A_1854 = arith.shli %get3A_1577, %shift_left3A_1853 : vector<16xi32>
        %add3A_1855 = arith.constant 80 : i32
        %add3A_1856 = vector.broadcast %add3A_1855 : i32 to vector<16xi32>
        %add3A_1857 = arith.addi %iota3A, %add3A_1856 : vector<16xi32>
        %add3A_1858 = arith.addi %shift_left3A_1854, %add3A_1857 : vector<16xi32>
        %eq3A_1859 = arith.cmpf oeq, %add3A_1720, %broadcast_in_dim3A_1801 : vector<16xf32>
        %select_n3A_1860 = arith.select %eq3A_1859, %add3A_1858, %broadcast_in_dim3A_5 : vector<16xi1>, vector<16xi32>
        %min3A_1861 = arith.minsi %min3A_1851, %select_n3A_1860 : vector<16xi32>
        %shift_left3A_1862 = arith.constant 8 : i32
        %shift_left3A_1863 = vector.broadcast %shift_left3A_1862 : i32 to vector<16xi32>
        %shift_left3A_1864 = arith.shli %get3A_1579, %shift_left3A_1863 : vector<16xi32>
        %add3A_1865 = arith.constant 96 : i32
        %add3A_1866 = vector.broadcast %add3A_1865 : i32 to vector<16xi32>
        %add3A_1867 = arith.addi %iota3A, %add3A_1866 : vector<16xi32>
        %add3A_1868 = arith.addi %shift_left3A_1864, %add3A_1867 : vector<16xi32>
        %eq3A_1869 = arith.cmpf oeq, %add3A_1723, %broadcast_in_dim3A_1801 : vector<16xf32>
        %select_n3A_1870 = arith.select %eq3A_1869, %add3A_1868, %broadcast_in_dim3A_5 : vector<16xi1>, vector<16xi32>
        %min3A_1871 = arith.minsi %min3A_1861, %select_n3A_1870 : vector<16xi32>
        %shift_left3A_1872 = arith.constant 8 : i32
        %shift_left3A_1873 = vector.broadcast %shift_left3A_1872 : i32 to vector<16xi32>
        %shift_left3A_1874 = arith.shli %get3A_1581, %shift_left3A_1873 : vector<16xi32>
        %add3A_1875 = arith.constant 112 : i32
        %add3A_1876 = vector.broadcast %add3A_1875 : i32 to vector<16xi32>
        %add3A_1877 = arith.addi %iota3A, %add3A_1876 : vector<16xi32>
        %add3A_1878 = arith.addi %shift_left3A_1874, %add3A_1877 : vector<16xi32>
        %eq3A_1879 = arith.cmpf oeq, %add3A_1726, %broadcast_in_dim3A_1801 : vector<16xf32>
        %select_n3A_1880 = arith.select %eq3A_1879, %add3A_1878, %broadcast_in_dim3A_5 : vector<16xi1>, vector<16xi32>
        %min3A_1881 = arith.minsi %min3A_1871, %select_n3A_1880 : vector<16xi32>
        %shift_left3A_1882 = arith.constant 8 : i32
        %shift_left3A_1883 = vector.broadcast %shift_left3A_1882 : i32 to vector<16xi32>
        %shift_left3A_1884 = arith.shli %get3A_1583, %shift_left3A_1883 : vector<16xi32>
        %add3A_1885 = arith.constant 128 : i32
        %add3A_1886 = vector.broadcast %add3A_1885 : i32 to vector<16xi32>
        %add3A_1887 = arith.addi %iota3A, %add3A_1886 : vector<16xi32>
        %add3A_1888 = arith.addi %shift_left3A_1884, %add3A_1887 : vector<16xi32>
        %eq3A_1889 = arith.cmpf oeq, %add3A_1729, %broadcast_in_dim3A_1801 : vector<16xf32>
        %select_n3A_1890 = arith.select %eq3A_1889, %add3A_1888, %broadcast_in_dim3A_5 : vector<16xi1>, vector<16xi32>
        %min3A_1891 = arith.minsi %min3A_1881, %select_n3A_1890 : vector<16xi32>
        %shift_left3A_1892 = arith.constant 8 : i32
        %shift_left3A_1893 = vector.broadcast %shift_left3A_1892 : i32 to vector<16xi32>
        %shift_left3A_1894 = arith.shli %get3A_1585, %shift_left3A_1893 : vector<16xi32>
        %add3A_1895 = arith.constant 144 : i32
        %add3A_1896 = vector.broadcast %add3A_1895 : i32 to vector<16xi32>
        %add3A_1897 = arith.addi %iota3A, %add3A_1896 : vector<16xi32>
        %add3A_1898 = arith.addi %shift_left3A_1894, %add3A_1897 : vector<16xi32>
        %eq3A_1899 = arith.cmpf oeq, %add3A_1732, %broadcast_in_dim3A_1801 : vector<16xf32>
        %select_n3A_1900 = arith.select %eq3A_1899, %add3A_1898, %broadcast_in_dim3A_5 : vector<16xi1>, vector<16xi32>
        %min3A_1901 = arith.minsi %min3A_1891, %select_n3A_1900 : vector<16xi32>
        %shift_left3A_1902 = arith.constant 8 : i32
        %shift_left3A_1903 = vector.broadcast %shift_left3A_1902 : i32 to vector<16xi32>
        %shift_left3A_1904 = arith.shli %get3A_1587, %shift_left3A_1903 : vector<16xi32>
        %add3A_1905 = arith.constant 160 : i32
        %add3A_1906 = vector.broadcast %add3A_1905 : i32 to vector<16xi32>
        %add3A_1907 = arith.addi %iota3A, %add3A_1906 : vector<16xi32>
        %add3A_1908 = arith.addi %shift_left3A_1904, %add3A_1907 : vector<16xi32>
        %eq3A_1909 = arith.cmpf oeq, %add3A_1735, %broadcast_in_dim3A_1801 : vector<16xf32>
        %select_n3A_1910 = arith.select %eq3A_1909, %add3A_1908, %broadcast_in_dim3A_5 : vector<16xi1>, vector<16xi32>
        %min3A_1911 = arith.minsi %min3A_1901, %select_n3A_1910 : vector<16xi32>
        %shift_left3A_1912 = arith.constant 8 : i32
        %shift_left3A_1913 = vector.broadcast %shift_left3A_1912 : i32 to vector<16xi32>
        %shift_left3A_1914 = arith.shli %get3A_1589, %shift_left3A_1913 : vector<16xi32>
        %add3A_1915 = arith.constant 176 : i32
        %add3A_1916 = vector.broadcast %add3A_1915 : i32 to vector<16xi32>
        %add3A_1917 = arith.addi %iota3A, %add3A_1916 : vector<16xi32>
        %add3A_1918 = arith.addi %shift_left3A_1914, %add3A_1917 : vector<16xi32>
        %eq3A_1919 = arith.cmpf oeq, %add3A_1738, %broadcast_in_dim3A_1801 : vector<16xf32>
        %select_n3A_1920 = arith.select %eq3A_1919, %add3A_1918, %broadcast_in_dim3A_5 : vector<16xi1>, vector<16xi32>
        %min3A_1921 = arith.minsi %min3A_1911, %select_n3A_1920 : vector<16xi32>
        %shift_left3A_1922 = arith.constant 8 : i32
        %shift_left3A_1923 = vector.broadcast %shift_left3A_1922 : i32 to vector<16xi32>
        %shift_left3A_1924 = arith.shli %get3A_1591, %shift_left3A_1923 : vector<16xi32>
        %add3A_1925 = arith.constant 192 : i32
        %add3A_1926 = vector.broadcast %add3A_1925 : i32 to vector<16xi32>
        %add3A_1927 = arith.addi %iota3A, %add3A_1926 : vector<16xi32>
        %add3A_1928 = arith.addi %shift_left3A_1924, %add3A_1927 : vector<16xi32>
        %eq3A_1929 = arith.cmpf oeq, %select_n3A_1784, %broadcast_in_dim3A_1801 : vector<16xf32>
        %select_n3A_1930 = arith.select %eq3A_1929, %add3A_1928, %broadcast_in_dim3A_5 : vector<16xi1>, vector<16xi32>
        %min3A_1931 = arith.minsi %min3A_1921, %select_n3A_1930 : vector<16xi32>
        %reduce_min3A_1932 = arith.constant true
        %reduce_min3A_1933 = vector.broadcast %reduce_min3A_1932 : i1 to vector<16xi1>
        %reduce_min3A_1934 = arith.constant -2147483648 : i32
        %reduce_min3A_1935 = vector.broadcast %reduce_min3A_1934 : i32 to vector<16xi32>
        %reduce_min3A_1936 = arith.xori %min3A_1931, %reduce_min3A_1935 : vector<16xi32>
        %reduce_min3A_1937 = tpu.scan <min>, %reduce_min3A_1936 masked %reduce_min3A_1933 : vector<16xi32>, vector<16xi1> -> vector<16xi32>
        %reduce_min3A_1938 = arith.xori %reduce_min3A_1937, %reduce_min3A_1935 : vector<16xi32>
        %reduce_min3A_1939 = vector.extract %reduce_min3A_1938[15] : i32 from vector<16xi32>
        %broadcast_in_dim3A_1940 = vector.broadcast %reduce_min3A_1939 : i32 to vector<16xi32>
        %shift_right_logical3A_1941 = arith.constant 8 : i32
        %shift_right_logical3A_1942 = vector.broadcast %shift_right_logical3A_1941 : i32 to vector<16xi32>
        %shift_right_logical3A_1943 = arith.shrui %broadcast_in_dim3A_1940, %shift_right_logical3A_1942 : vector<16xi32>
        %and3A_1944 = arith.constant 255 : i32
        %and3A_1945 = vector.broadcast %and3A_1944 : i32 to vector<16xi32>
        %and3A_1946 = arith.andi %broadcast_in_dim3A_1940, %and3A_1945 : vector<16xi32>
        %broadcast_in_dim3A_1947 = vector.broadcast %add3A_1564 : i32 to vector<16xi32>
        tpu.vector_store_idx %arg11[%shift_right_logical3A_1943], %broadcast_in_dim3A_1947 masked %eq3A_2 : memref<2048xi32, #tpu.memory_space<vmem>>[vector<16xi32>], vector<16xi32>, vector<16xi1>
        %broadcast_in_dim3A_1948 = vector.broadcast %sub3A_1565 : i32 to vector<16xi32>
        tpu.vector_store_idx %arg10[%and3A_1946], %broadcast_in_dim3A_1948 masked %eq3A_2 : memref<208xi32, #tpu.memory_space<vmem>>[vector<16xi32>], vector<16xi32>, vector<16xi1>
        %add3A_1949 = arith.constant 0 : i32
        %add3A_1950 = arith.addi %add3A_1550, %add3A_1949 : i32
        %add3A_1951 = arith.constant 4 : i32
        %add3A_1952 = arith.addi %add3A_1950, %add3A_1951 : i32
        %dma_start3A_1953 = arith.constant 0 : i32
        %dma_start3A_1954 = tpu.memref_slice %arg6[%dma_start3A_1953] : memref<2064xf32, #tpu.memory_space<vmem>> -> memref<2048xf32, #tpu.memory_space<vmem>>
        %dma_start3A_1955 = arith.constant 0 : i32
        %dma_start3A_1956 = tpu.memref_slice %arg2[%add3A, %add3A_1952, %dma_start3A_1955] : memref<16x2048x2048xf32, #tpu.memory_space<hbm>> -> memref<1x1x2048xf32, #tpu.memory_space<hbm>>
        %dma_start3A_1957 = tpu.memref_squeeze %dma_start3A_1956 : memref<1x1x2048xf32, #tpu.memory_space<hbm>> -> memref<2048xf32, #tpu.memory_space<hbm>>
        %dma_start3A_1958 = arith.constant 0 : i32
        %dma_start3A_1959 = tpu.memref_slice %arg6[%dma_start3A_1958] : memref<2064xf32, #tpu.memory_space<vmem>> -> memref<2048xf32, #tpu.memory_space<vmem>>
        %dma_start3A_1960 = arith.constant 0 : i32
        %dma_start3A_1961 = tpu.memref_slice %arg2[%add3A, %add3A_1952, %dma_start3A_1960] : memref<16x2048x2048xf32, #tpu.memory_space<hbm>> -> memref<1x1x2048xf32, #tpu.memory_space<hbm>>
        %dma_start3A_1962 = tpu.memref_squeeze %dma_start3A_1961 : memref<1x1x2048xf32, #tpu.memory_space<hbm>> -> memref<2048xf32, #tpu.memory_space<hbm>>
        tpu.enqueue_dma source(%dma_start3A_1962 : memref<2048xf32, #tpu.memory_space<hbm>>) target(%dma_start3A_1959 : memref<2048xf32, #tpu.memory_space<vmem>>) target_semaphore(%arg12 : memref<!tpu.dma_semaphore, #tpu.memory_space<semaphore_mem>>)
        %add3A_1963 = arith.constant 1 : i32
        %add3A_1964 = arith.addi %add3A_1550, %add3A_1963 : i32
        %dma_wait3A_1965 = arith.constant 0 : i32
        %dma_wait3A_1966 = tpu.memref_slice %arg7[%dma_wait3A_1965] : memref<2064xf32, #tpu.memory_space<vmem>> -> memref<2048xf32, #tpu.memory_space<vmem>>
        %dma_wait3A_1967 = arith.constant 0 : i32
        %dma_wait3A_1968 = tpu.memref_slice %arg2[%add3A, %add3A_1964, %dma_wait3A_1967] : memref<16x2048x2048xf32, #tpu.memory_space<hbm>> -> memref<1x1x2048xf32, #tpu.memory_space<hbm>>
        %dma_wait3A_1969 = tpu.memref_squeeze %dma_wait3A_1968 : memref<1x1x2048xf32, #tpu.memory_space<hbm>> -> memref<2048xf32, #tpu.memory_space<hbm>>
        %dma_wait3A_1970 = arith.constant 0 : i32
        %dma_wait3A_1971 = tpu.memref_slice %arg7[%dma_wait3A_1970] : memref<2064xf32, #tpu.memory_space<vmem>> -> memref<2048xf32, #tpu.memory_space<vmem>>
        %dma_wait3A_1972 = arith.constant 0 : i32
        %dma_wait3A_1973 = tpu.memref_slice %arg2[%add3A, %add3A_1964, %dma_wait3A_1972] : memref<16x2048x2048xf32, #tpu.memory_space<hbm>> -> memref<1x1x2048xf32, #tpu.memory_space<hbm>>
        %dma_wait3A_1974 = tpu.memref_squeeze %dma_wait3A_1973 : memref<1x1x2048xf32, #tpu.memory_space<hbm>> -> memref<2048xf32, #tpu.memory_space<hbm>>
        tpu.wait_dma2 semaphore(%arg13 : memref<!tpu.dma_semaphore, #tpu.memory_space<semaphore_mem>>) src(%dma_wait3A_1974 : memref<2048xf32, #tpu.memory_space<hbm>>) dst(%dma_wait3A_1971 : memref<2048xf32, #tpu.memory_space<vmem>>)
        %add3A_1975 = arith.constant 1 : i32
        %add3A_1976 = arith.addi %add3A_1550, %add3A_1975 : i32
        %sub3A_1977 = arith.constant 203 : i32
        %sub3A_1978 = arith.subi %add3A_1976, %sub3A_1977 : i32
        %get3A_1979 = arith.constant 0 : index
        %get3A_1980 = tpu.vector_load %arg10[%get3A_1979] {strides = array<i32>} : memref<208xi32, #tpu.memory_space<vmem>>, vector<16xi32>,
        %get3A_1981 = arith.constant 16 : index
        %get3A_1982 = tpu.vector_load %arg10[%get3A_1981] {strides = array<i32>} : memref<208xi32, #tpu.memory_space<vmem>>, vector<16xi32>,
        %get3A_1983 = arith.constant 32 : index
        %get3A_1984 = tpu.vector_load %arg10[%get3A_1983] {strides = array<i32>} : memref<208xi32, #tpu.memory_space<vmem>>, vector<16xi32>,
        %get3A_1985 = arith.constant 48 : index
        %get3A_1986 = tpu.vector_load %arg10[%get3A_1985] {strides = array<i32>} : memref<208xi32, #tpu.memory_space<vmem>>, vector<16xi32>,
        %get3A_1987 = arith.constant 64 : index
        %get3A_1988 = tpu.vector_load %arg10[%get3A_1987] {strides = array<i32>} : memref<208xi32, #tpu.memory_space<vmem>>, vector<16xi32>,
        %get3A_1989 = arith.constant 80 : index
        %get3A_1990 = tpu.vector_load %arg10[%get3A_1989] {strides = array<i32>} : memref<208xi32, #tpu.memory_space<vmem>>, vector<16xi32>,
        %get3A_1991 = arith.constant 96 : index
        %get3A_1992 = tpu.vector_load %arg10[%get3A_1991] {strides = array<i32>} : memref<208xi32, #tpu.memory_space<vmem>>, vector<16xi32>,
        %get3A_1993 = arith.constant 112 : index
        %get3A_1994 = tpu.vector_load %arg10[%get3A_1993] {strides = array<i32>} : memref<208xi32, #tpu.memory_space<vmem>>, vector<16xi32>,
        %get3A_1995 = arith.constant 128 : index
        %get3A_1996 = tpu.vector_load %arg10[%get3A_1995] {strides = array<i32>} : memref<208xi32, #tpu.memory_space<vmem>>, vector<16xi32>,
        %get3A_1997 = arith.constant 144 : index
        %get3A_1998 = tpu.vector_load %arg10[%get3A_1997] {strides = array<i32>} : memref<208xi32, #tpu.memory_space<vmem>>, vector<16xi32>,
        %get3A_1999 = arith.constant 160 : index
        %get3A_2000 = tpu.vector_load %arg10[%get3A_1999] {strides = array<i32>} : memref<208xi32, #tpu.memory_space<vmem>>, vector<16xi32>,
        %get3A_2001 = arith.constant 176 : index
        %get3A_2002 = tpu.vector_load %arg10[%get3A_2001] {strides = array<i32>} : memref<208xi32, #tpu.memory_space<vmem>>, vector<16xi32>,
        %get3A_2003 = arith.constant 192 : index
        %get3A_2004 = tpu.vector_load %arg10[%get3A_2003] {strides = array<i32>} : memref<208xi32, #tpu.memory_space<vmem>>, vector<16xi32>,
        %gather3A_2005 = tpu.vector_load_idx %arg7[%get3A_1980] : memref<2064xf32, #tpu.memory_space<vmem>>[vector<16xi32>], vector<16xf32>,
        %gather3A_2006 = tpu.vector_load_idx %arg7[%get3A_1982] : memref<2064xf32, #tpu.memory_space<vmem>>[vector<16xi32>], vector<16xf32>,
        %gather3A_2007 = tpu.vector_load_idx %arg7[%get3A_1984] : memref<2064xf32, #tpu.memory_space<vmem>>[vector<16xi32>], vector<16xf32>,
        %gather3A_2008 = tpu.vector_load_idx %arg7[%get3A_1986] : memref<2064xf32, #tpu.memory_space<vmem>>[vector<16xi32>], vector<16xf32>,
        %gather3A_2009 = tpu.vector_load_idx %arg7[%get3A_1988] : memref<2064xf32, #tpu.memory_space<vmem>>[vector<16xi32>], vector<16xf32>,
        %gather3A_2010 = tpu.vector_load_idx %arg7[%get3A_1990] : memref<2064xf32, #tpu.memory_space<vmem>>[vector<16xi32>], vector<16xf32>,
        %gather3A_2011 = tpu.vector_load_idx %arg7[%get3A_1992] : memref<2064xf32, #tpu.memory_space<vmem>>[vector<16xi32>], vector<16xf32>,
        %gather3A_2012 = tpu.vector_load_idx %arg7[%get3A_1994] : memref<2064xf32, #tpu.memory_space<vmem>>[vector<16xi32>], vector<16xf32>,
        %gather3A_2013 = tpu.vector_load_idx %arg7[%get3A_1996] : memref<2064xf32, #tpu.memory_space<vmem>>[vector<16xi32>], vector<16xf32>,
        %gather3A_2014 = tpu.vector_load_idx %arg7[%get3A_1998] : memref<2064xf32, #tpu.memory_space<vmem>>[vector<16xi32>], vector<16xf32>,
        %gather3A_2015 = tpu.vector_load_idx %arg7[%get3A_2000] : memref<2064xf32, #tpu.memory_space<vmem>>[vector<16xi32>], vector<16xf32>,
        %gather3A_2016 = tpu.vector_load_idx %arg7[%get3A_2002] : memref<2064xf32, #tpu.memory_space<vmem>>[vector<16xi32>], vector<16xf32>,
        %gather3A_2017 = tpu.vector_load_idx %arg7[%get3A_2004] : memref<2064xf32, #tpu.memory_space<vmem>>[vector<16xi32>], vector<16xf32>,
        %add3A_2018 = arith.constant 0 : i32
        %add3A_2019 = arith.addi %sub3A_1978, %add3A_2018 : i32
        %broadcast_in_dim3A_2020 = vector.broadcast %add3A_2019 : i32 to vector<16xi32>
        %add3A_2021 = arith.addi %broadcast_in_dim3A_2020, %iota3A : vector<16xi32>
        %add3A_2022 = arith.constant 16 : i32
        %add3A_2023 = arith.addi %sub3A_1978, %add3A_2022 : i32
        %broadcast_in_dim3A_2024 = vector.broadcast %add3A_2023 : i32 to vector<16xi32>
        %add3A_2025 = arith.addi %broadcast_in_dim3A_2024, %iota3A : vector<16xi32>
        %add3A_2026 = arith.constant 32 : i32
        %add3A_2027 = arith.addi %sub3A_1978, %add3A_2026 : i32
        %broadcast_in_dim3A_2028 = vector.broadcast %add3A_2027 : i32 to vector<16xi32>
        %add3A_2029 = arith.addi %broadcast_in_dim3A_2028, %iota3A : vector<16xi32>
        %add3A_2030 = arith.constant 48 : i32
        %add3A_2031 = arith.addi %sub3A_1978, %add3A_2030 : i32
        %broadcast_in_dim3A_2032 = vector.broadcast %add3A_2031 : i32 to vector<16xi32>
        %add3A_2033 = arith.addi %broadcast_in_dim3A_2032, %iota3A : vector<16xi32>
        %add3A_2034 = arith.constant 64 : i32
        %add3A_2035 = arith.addi %sub3A_1978, %add3A_2034 : i32
        %broadcast_in_dim3A_2036 = vector.broadcast %add3A_2035 : i32 to vector<16xi32>
        %add3A_2037 = arith.addi %broadcast_in_dim3A_2036, %iota3A : vector<16xi32>
        %add3A_2038 = arith.constant 80 : i32
        %add3A_2039 = arith.addi %sub3A_1978, %add3A_2038 : i32
        %broadcast_in_dim3A_2040 = vector.broadcast %add3A_2039 : i32 to vector<16xi32>
        %add3A_2041 = arith.addi %broadcast_in_dim3A_2040, %iota3A : vector<16xi32>
        %add3A_2042 = arith.constant 96 : i32
        %add3A_2043 = arith.addi %sub3A_1978, %add3A_2042 : i32
        %broadcast_in_dim3A_2044 = vector.broadcast %add3A_2043 : i32 to vector<16xi32>
        %add3A_2045 = arith.addi %broadcast_in_dim3A_2044, %iota3A : vector<16xi32>
        %add3A_2046 = arith.constant 112 : i32
        %add3A_2047 = arith.addi %sub3A_1978, %add3A_2046 : i32
        %broadcast_in_dim3A_2048 = vector.broadcast %add3A_2047 : i32 to vector<16xi32>
        %add3A_2049 = arith.addi %broadcast_in_dim3A_2048, %iota3A : vector<16xi32>
        %add3A_2050 = arith.constant 128 : i32
        %add3A_2051 = arith.addi %sub3A_1978, %add3A_2050 : i32
        %broadcast_in_dim3A_2052 = vector.broadcast %add3A_2051 : i32 to vector<16xi32>
        %add3A_2053 = arith.addi %broadcast_in_dim3A_2052, %iota3A : vector<16xi32>
        %add3A_2054 = arith.constant 144 : i32
        %add3A_2055 = arith.addi %sub3A_1978, %add3A_2054 : i32
        %broadcast_in_dim3A_2056 = vector.broadcast %add3A_2055 : i32 to vector<16xi32>
        %add3A_2057 = arith.addi %broadcast_in_dim3A_2056, %iota3A : vector<16xi32>
        %add3A_2058 = arith.constant 160 : i32
        %add3A_2059 = arith.addi %sub3A_1978, %add3A_2058 : i32
        %broadcast_in_dim3A_2060 = vector.broadcast %add3A_2059 : i32 to vector<16xi32>
        %add3A_2061 = arith.addi %broadcast_in_dim3A_2060, %iota3A : vector<16xi32>
        %add3A_2062 = arith.constant 176 : i32
        %add3A_2063 = arith.addi %sub3A_1978, %add3A_2062 : i32
        %broadcast_in_dim3A_2064 = vector.broadcast %add3A_2063 : i32 to vector<16xi32>
        %add3A_2065 = arith.addi %broadcast_in_dim3A_2064, %iota3A : vector<16xi32>
        %add3A_2066 = arith.constant 192 : i32
        %add3A_2067 = arith.addi %sub3A_1978, %add3A_2066 : i32
        %broadcast_in_dim3A_2068 = vector.broadcast %add3A_2067 : i32 to vector<16xi32>
        %add3A_2069 = arith.addi %broadcast_in_dim3A_2068, %iota3A : vector<16xi32>
        %gather3A_2070 = tpu.vector_load_idx %arg7[%add3A_2021] : memref<2064xf32, #tpu.memory_space<vmem>>[vector<16xi32>], vector<16xf32>,
        %gather3A_2071 = tpu.vector_load_idx %arg7[%add3A_2025] : memref<2064xf32, #tpu.memory_space<vmem>>[vector<16xi32>], vector<16xf32>,
        %gather3A_2072 = tpu.vector_load_idx %arg7[%add3A_2029] : memref<2064xf32, #tpu.memory_space<vmem>>[vector<16xi32>], vector<16xf32>,
        %gather3A_2073 = tpu.vector_load_idx %arg7[%add3A_2033] : memref<2064xf32, #tpu.memory_space<vmem>>[vector<16xi32>], vector<16xf32>,
        %gather3A_2074 = tpu.vector_load_idx %arg7[%add3A_2037] : memref<2064xf32, #tpu.memory_space<vmem>>[vector<16xi32>], vector<16xf32>,
        %gather3A_2075 = tpu.vector_load_idx %arg7[%add3A_2041] : memref<2064xf32, #tpu.memory_space<vmem>>[vector<16xi32>], vector<16xf32>,
        %gather3A_2076 = tpu.vector_load_idx %arg7[%add3A_2045] : memref<2064xf32, #tpu.memory_space<vmem>>[vector<16xi32>], vector<16xf32>,
        %gather3A_2077 = tpu.vector_load_idx %arg7[%add3A_2049] : memref<2064xf32, #tpu.memory_space<vmem>>[vector<16xi32>], vector<16xf32>,
        %gather3A_2078 = tpu.vector_load_idx %arg7[%add3A_2053] : memref<2064xf32, #tpu.memory_space<vmem>>[vector<16xi32>], vector<16xf32>,
        %gather3A_2079 = tpu.vector_load_idx %arg7[%add3A_2057] : memref<2064xf32, #tpu.memory_space<vmem>>[vector<16xi32>], vector<16xf32>,
        %gather3A_2080 = tpu.vector_load_idx %arg7[%add3A_2061] : memref<2064xf32, #tpu.memory_space<vmem>>[vector<16xi32>], vector<16xf32>,
        %gather3A_2081 = tpu.vector_load_idx %arg7[%add3A_2065] : memref<2064xf32, #tpu.memory_space<vmem>>[vector<16xi32>], vector<16xf32>,
        %gather3A_2082 = tpu.vector_load_idx %arg7[%add3A_2069] : memref<2064xf32, #tpu.memory_space<vmem>>[vector<16xi32>], vector<16xf32>,
        %add3A_2083 = arith.addf %gather3A_2005, %gather3A_2006 : vector<16xf32>
        %add3A_2084 = arith.addf %add3A_2083, %gather3A_2007 : vector<16xf32>
        %add3A_2085 = arith.addf %add3A_2084, %gather3A_2008 : vector<16xf32>
        %add3A_2086 = arith.addf %add3A_2085, %gather3A_2009 : vector<16xf32>
        %add3A_2087 = arith.addf %add3A_2086, %gather3A_2010 : vector<16xf32>
        %add3A_2088 = arith.addf %add3A_2087, %gather3A_2011 : vector<16xf32>
        %add3A_2089 = arith.addf %add3A_2088, %gather3A_2012 : vector<16xf32>
        %add3A_2090 = arith.addf %add3A_2089, %gather3A_2013 : vector<16xf32>
        %add3A_2091 = arith.addf %add3A_2090, %gather3A_2014 : vector<16xf32>
        %add3A_2092 = arith.addf %add3A_2091, %gather3A_2015 : vector<16xf32>
        %add3A_2093 = arith.addf %add3A_2092, %gather3A_2016 : vector<16xf32>
        %add3A_2094 = arith.addf %add3A_2093, %gather3A_2017 : vector<16xf32>
        %add3A_2095 = arith.addf %add3A_2094, %gather3A_2070 : vector<16xf32>
        %add3A_2096 = arith.addf %add3A_2095, %gather3A_2071 : vector<16xf32>
        %add3A_2097 = arith.addf %add3A_2096, %gather3A_2072 : vector<16xf32>
        %add3A_2098 = arith.addf %add3A_2097, %gather3A_2073 : vector<16xf32>
        %add3A_2099 = arith.addf %add3A_2098, %gather3A_2074 : vector<16xf32>
        %add3A_2100 = arith.addf %add3A_2099, %gather3A_2075 : vector<16xf32>
        %add3A_2101 = arith.addf %add3A_2100, %gather3A_2076 : vector<16xf32>
        %add3A_2102 = arith.addf %add3A_2101, %gather3A_2077 : vector<16xf32>
        %add3A_2103 = arith.addf %add3A_2102, %gather3A_2078 : vector<16xf32>
        %add3A_2104 = arith.addf %add3A_2103, %gather3A_2079 : vector<16xf32>
        %add3A_2105 = arith.addf %add3A_2104, %gather3A_2080 : vector<16xf32>
        %add3A_2106 = arith.addf %add3A_2105, %gather3A_2081 : vector<16xf32>
        %add3A_2107 = arith.addf %add3A_2106, %gather3A_2082 : vector<16xf32>
        %reduce_sum3A_2108 = arith.constant true
        %reduce_sum3A_2109 = vector.broadcast %reduce_sum3A_2108 : i1 to vector<16xi1>
        %reduce_sum3A_2110 = tpu.scan <sum>, %add3A_2107 masked %reduce_sum3A_2109 : vector<16xf32>, vector<16xi1> -> vector<16xf32>
        %reduce_sum3A_2111 = vector.extract %reduce_sum3A_2110[15] : f32 from vector<16xf32>
        %broadcast_in_dim3A_2112 = vector.broadcast %reduce_sum3A_2111 : f32 to vector<16xf32>
        %div3A_2113 = arith.constant 1.000000e+00 : f32
        %div3A_2114 = vector.broadcast %div3A_2113 : f32 to vector<16xf32>
        %div3A_2115 = arith.divf %div3A_2114, %broadcast_in_dim3A_2112 : vector<16xf32>
        %gather3A_2116 = tpu.vector_load_idx %arg5[%get3A_1980] : memref<2064xf32, #tpu.memory_space<vmem>>[vector<16xi32>], vector<16xf32>,
        %mul3A_2117 = arith.mulf %gather3A_2005, %div3A_2115 : vector<16xf32>
        %add3A_2118 = arith.addf %gather3A_2116, %mul3A_2117 : vector<16xf32>
        tpu.vector_store_idx %arg5[%get3A_1980], %add3A_2118 : memref<2064xf32, #tpu.memory_space<vmem>>[vector<16xi32>], vector<16xf32>,
        %gather3A_2119 = tpu.vector_load_idx %arg5[%get3A_1982] : memref<2064xf32, #tpu.memory_space<vmem>>[vector<16xi32>], vector<16xf32>,
        %mul3A_2120 = arith.mulf %gather3A_2006, %div3A_2115 : vector<16xf32>
        %add3A_2121 = arith.addf %gather3A_2119, %mul3A_2120 : vector<16xf32>
        tpu.vector_store_idx %arg5[%get3A_1982], %add3A_2121 : memref<2064xf32, #tpu.memory_space<vmem>>[vector<16xi32>], vector<16xf32>,
        %gather3A_2122 = tpu.vector_load_idx %arg5[%get3A_1984] : memref<2064xf32, #tpu.memory_space<vmem>>[vector<16xi32>], vector<16xf32>,
        %mul3A_2123 = arith.mulf %gather3A_2007, %div3A_2115 : vector<16xf32>
        %add3A_2124 = arith.addf %gather3A_2122, %mul3A_2123 : vector<16xf32>
        tpu.vector_store_idx %arg5[%get3A_1984], %add3A_2124 : memref<2064xf32, #tpu.memory_space<vmem>>[vector<16xi32>], vector<16xf32>,
        %gather3A_2125 = tpu.vector_load_idx %arg5[%get3A_1986] : memref<2064xf32, #tpu.memory_space<vmem>>[vector<16xi32>], vector<16xf32>,
        %mul3A_2126 = arith.mulf %gather3A_2008, %div3A_2115 : vector<16xf32>
        %add3A_2127 = arith.addf %gather3A_2125, %mul3A_2126 : vector<16xf32>
        tpu.vector_store_idx %arg5[%get3A_1986], %add3A_2127 : memref<2064xf32, #tpu.memory_space<vmem>>[vector<16xi32>], vector<16xf32>,
        %gather3A_2128 = tpu.vector_load_idx %arg5[%get3A_1988] : memref<2064xf32, #tpu.memory_space<vmem>>[vector<16xi32>], vector<16xf32>,
        %mul3A_2129 = arith.mulf %gather3A_2009, %div3A_2115 : vector<16xf32>
        %add3A_2130 = arith.addf %gather3A_2128, %mul3A_2129 : vector<16xf32>
        tpu.vector_store_idx %arg5[%get3A_1988], %add3A_2130 : memref<2064xf32, #tpu.memory_space<vmem>>[vector<16xi32>], vector<16xf32>,
        %gather3A_2131 = tpu.vector_load_idx %arg5[%get3A_1990] : memref<2064xf32, #tpu.memory_space<vmem>>[vector<16xi32>], vector<16xf32>,
        %mul3A_2132 = arith.mulf %gather3A_2010, %div3A_2115 : vector<16xf32>
        %add3A_2133 = arith.addf %gather3A_2131, %mul3A_2132 : vector<16xf32>
        tpu.vector_store_idx %arg5[%get3A_1990], %add3A_2133 : memref<2064xf32, #tpu.memory_space<vmem>>[vector<16xi32>], vector<16xf32>,
        %gather3A_2134 = tpu.vector_load_idx %arg5[%get3A_1992] : memref<2064xf32, #tpu.memory_space<vmem>>[vector<16xi32>], vector<16xf32>,
        %mul3A_2135 = arith.mulf %gather3A_2011, %div3A_2115 : vector<16xf32>
        %add3A_2136 = arith.addf %gather3A_2134, %mul3A_2135 : vector<16xf32>
        tpu.vector_store_idx %arg5[%get3A_1992], %add3A_2136 : memref<2064xf32, #tpu.memory_space<vmem>>[vector<16xi32>], vector<16xf32>,
        %gather3A_2137 = tpu.vector_load_idx %arg5[%get3A_1994] : memref<2064xf32, #tpu.memory_space<vmem>>[vector<16xi32>], vector<16xf32>,
        %mul3A_2138 = arith.mulf %gather3A_2012, %div3A_2115 : vector<16xf32>
        %add3A_2139 = arith.addf %gather3A_2137, %mul3A_2138 : vector<16xf32>
        tpu.vector_store_idx %arg5[%get3A_1994], %add3A_2139 : memref<2064xf32, #tpu.memory_space<vmem>>[vector<16xi32>], vector<16xf32>,
        %gather3A_2140 = tpu.vector_load_idx %arg5[%get3A_1996] : memref<2064xf32, #tpu.memory_space<vmem>>[vector<16xi32>], vector<16xf32>,
        %mul3A_2141 = arith.mulf %gather3A_2013, %div3A_2115 : vector<16xf32>
        %add3A_2142 = arith.addf %gather3A_2140, %mul3A_2141 : vector<16xf32>
        tpu.vector_store_idx %arg5[%get3A_1996], %add3A_2142 : memref<2064xf32, #tpu.memory_space<vmem>>[vector<16xi32>], vector<16xf32>,
        %gather3A_2143 = tpu.vector_load_idx %arg5[%get3A_1998] : memref<2064xf32, #tpu.memory_space<vmem>>[vector<16xi32>], vector<16xf32>,
        %mul3A_2144 = arith.mulf %gather3A_2014, %div3A_2115 : vector<16xf32>
        %add3A_2145 = arith.addf %gather3A_2143, %mul3A_2144 : vector<16xf32>
        tpu.vector_store_idx %arg5[%get3A_1998], %add3A_2145 : memref<2064xf32, #tpu.memory_space<vmem>>[vector<16xi32>], vector<16xf32>,
        %gather3A_2146 = tpu.vector_load_idx %arg5[%get3A_2000] : memref<2064xf32, #tpu.memory_space<vmem>>[vector<16xi32>], vector<16xf32>,
        %mul3A_2147 = arith.mulf %gather3A_2015, %div3A_2115 : vector<16xf32>
        %add3A_2148 = arith.addf %gather3A_2146, %mul3A_2147 : vector<16xf32>
        tpu.vector_store_idx %arg5[%get3A_2000], %add3A_2148 : memref<2064xf32, #tpu.memory_space<vmem>>[vector<16xi32>], vector<16xf32>,
        %gather3A_2149 = tpu.vector_load_idx %arg5[%get3A_2002] : memref<2064xf32, #tpu.memory_space<vmem>>[vector<16xi32>], vector<16xf32>,
        %mul3A_2150 = arith.mulf %gather3A_2016, %div3A_2115 : vector<16xf32>
        %add3A_2151 = arith.addf %gather3A_2149, %mul3A_2150 : vector<16xf32>
        tpu.vector_store_idx %arg5[%get3A_2002], %add3A_2151 : memref<2064xf32, #tpu.memory_space<vmem>>[vector<16xi32>], vector<16xf32>,
        %gather3A_2152 = tpu.vector_load_idx %arg5[%get3A_2004] : memref<2064xf32, #tpu.memory_space<vmem>>[vector<16xi32>], vector<16xf32>,
        %mul3A_2153 = arith.mulf %gather3A_2017, %div3A_2115 : vector<16xf32>
        %add3A_2154 = arith.addf %gather3A_2152, %mul3A_2153 : vector<16xf32>
        tpu.vector_store_idx %arg5[%get3A_2004], %add3A_2154 : memref<2064xf32, #tpu.memory_space<vmem>>[vector<16xi32>], vector<16xf32>,
        %gather3A_2155 = tpu.vector_load_idx %arg5[%add3A_2021] : memref<2064xf32, #tpu.memory_space<vmem>>[vector<16xi32>], vector<16xf32>,
        %mul3A_2156 = arith.mulf %gather3A_2070, %div3A_2115 : vector<16xf32>
        %add3A_2157 = arith.addf %gather3A_2155, %mul3A_2156 : vector<16xf32>
        tpu.vector_store_idx %arg5[%add3A_2021], %add3A_2157 : memref<2064xf32, #tpu.memory_space<vmem>>[vector<16xi32>], vector<16xf32>,
        %gather3A_2158 = tpu.vector_load_idx %arg5[%add3A_2025] : memref<2064xf32, #tpu.memory_space<vmem>>[vector<16xi32>], vector<16xf32>,
        %mul3A_2159 = arith.mulf %gather3A_2071, %div3A_2115 : vector<16xf32>
        %add3A_2160 = arith.addf %gather3A_2158, %mul3A_2159 : vector<16xf32>
        tpu.vector_store_idx %arg5[%add3A_2025], %add3A_2160 : memref<2064xf32, #tpu.memory_space<vmem>>[vector<16xi32>], vector<16xf32>,
        %gather3A_2161 = tpu.vector_load_idx %arg5[%add3A_2029] : memref<2064xf32, #tpu.memory_space<vmem>>[vector<16xi32>], vector<16xf32>,
        %mul3A_2162 = arith.mulf %gather3A_2072, %div3A_2115 : vector<16xf32>
        %add3A_2163 = arith.addf %gather3A_2161, %mul3A_2162 : vector<16xf32>
        tpu.vector_store_idx %arg5[%add3A_2029], %add3A_2163 : memref<2064xf32, #tpu.memory_space<vmem>>[vector<16xi32>], vector<16xf32>,
        %gather3A_2164 = tpu.vector_load_idx %arg5[%add3A_2033] : memref<2064xf32, #tpu.memory_space<vmem>>[vector<16xi32>], vector<16xf32>,
        %mul3A_2165 = arith.mulf %gather3A_2073, %div3A_2115 : vector<16xf32>
        %add3A_2166 = arith.addf %gather3A_2164, %mul3A_2165 : vector<16xf32>
        tpu.vector_store_idx %arg5[%add3A_2033], %add3A_2166 : memref<2064xf32, #tpu.memory_space<vmem>>[vector<16xi32>], vector<16xf32>,
        %gather3A_2167 = tpu.vector_load_idx %arg5[%add3A_2037] : memref<2064xf32, #tpu.memory_space<vmem>>[vector<16xi32>], vector<16xf32>,
        %mul3A_2168 = arith.mulf %gather3A_2074, %div3A_2115 : vector<16xf32>
        %add3A_2169 = arith.addf %gather3A_2167, %mul3A_2168 : vector<16xf32>
        tpu.vector_store_idx %arg5[%add3A_2037], %add3A_2169 : memref<2064xf32, #tpu.memory_space<vmem>>[vector<16xi32>], vector<16xf32>,
        %gather3A_2170 = tpu.vector_load_idx %arg5[%add3A_2041] : memref<2064xf32, #tpu.memory_space<vmem>>[vector<16xi32>], vector<16xf32>,
        %mul3A_2171 = arith.mulf %gather3A_2075, %div3A_2115 : vector<16xf32>
        %add3A_2172 = arith.addf %gather3A_2170, %mul3A_2171 : vector<16xf32>
        tpu.vector_store_idx %arg5[%add3A_2041], %add3A_2172 : memref<2064xf32, #tpu.memory_space<vmem>>[vector<16xi32>], vector<16xf32>,
        %gather3A_2173 = tpu.vector_load_idx %arg5[%add3A_2045] : memref<2064xf32, #tpu.memory_space<vmem>>[vector<16xi32>], vector<16xf32>,
        %mul3A_2174 = arith.mulf %gather3A_2076, %div3A_2115 : vector<16xf32>
        %add3A_2175 = arith.addf %gather3A_2173, %mul3A_2174 : vector<16xf32>
        tpu.vector_store_idx %arg5[%add3A_2045], %add3A_2175 : memref<2064xf32, #tpu.memory_space<vmem>>[vector<16xi32>], vector<16xf32>,
        %gather3A_2176 = tpu.vector_load_idx %arg5[%add3A_2049] : memref<2064xf32, #tpu.memory_space<vmem>>[vector<16xi32>], vector<16xf32>,
        %mul3A_2177 = arith.mulf %gather3A_2077, %div3A_2115 : vector<16xf32>
        %add3A_2178 = arith.addf %gather3A_2176, %mul3A_2177 : vector<16xf32>
        tpu.vector_store_idx %arg5[%add3A_2049], %add3A_2178 : memref<2064xf32, #tpu.memory_space<vmem>>[vector<16xi32>], vector<16xf32>,
        %gather3A_2179 = tpu.vector_load_idx %arg5[%add3A_2053] : memref<2064xf32, #tpu.memory_space<vmem>>[vector<16xi32>], vector<16xf32>,
        %mul3A_2180 = arith.mulf %gather3A_2078, %div3A_2115 : vector<16xf32>
        %add3A_2181 = arith.addf %gather3A_2179, %mul3A_2180 : vector<16xf32>
        tpu.vector_store_idx %arg5[%add3A_2053], %add3A_2181 : memref<2064xf32, #tpu.memory_space<vmem>>[vector<16xi32>], vector<16xf32>,
        %gather3A_2182 = tpu.vector_load_idx %arg5[%add3A_2057] : memref<2064xf32, #tpu.memory_space<vmem>>[vector<16xi32>], vector<16xf32>,
        %mul3A_2183 = arith.mulf %gather3A_2079, %div3A_2115 : vector<16xf32>
        %add3A_2184 = arith.addf %gather3A_2182, %mul3A_2183 : vector<16xf32>
        tpu.vector_store_idx %arg5[%add3A_2057], %add3A_2184 : memref<2064xf32, #tpu.memory_space<vmem>>[vector<16xi32>], vector<16xf32>,
        %gather3A_2185 = tpu.vector_load_idx %arg5[%add3A_2061] : memref<2064xf32, #tpu.memory_space<vmem>>[vector<16xi32>], vector<16xf32>,
        %mul3A_2186 = arith.mulf %gather3A_2080, %div3A_2115 : vector<16xf32>
        %add3A_2187 = arith.addf %gather3A_2185, %mul3A_2186 : vector<16xf32>
        tpu.vector_store_idx %arg5[%add3A_2061], %add3A_2187 : memref<2064xf32, #tpu.memory_space<vmem>>[vector<16xi32>], vector<16xf32>,
        %gather3A_2188 = tpu.vector_load_idx %arg5[%add3A_2065] : memref<2064xf32, #tpu.memory_space<vmem>>[vector<16xi32>], vector<16xf32>,
        %mul3A_2189 = arith.mulf %gather3A_2081, %div3A_2115 : vector<16xf32>
        %add3A_2190 = arith.addf %gather3A_2188, %mul3A_2189 : vector<16xf32>
        tpu.vector_store_idx %arg5[%add3A_2065], %add3A_2190 : memref<2064xf32, #tpu.memory_space<vmem>>[vector<16xi32>], vector<16xf32>,
        %gather3A_2191 = tpu.vector_load_idx %arg5[%add3A_2069] : memref<2064xf32, #tpu.memory_space<vmem>>[vector<16xi32>], vector<16xf32>,
        %mul3A_2192 = arith.mulf %gather3A_2082, %div3A_2115 : vector<16xf32>
        %add3A_2193 = arith.addf %gather3A_2191, %mul3A_2192 : vector<16xf32>
        tpu.vector_store_idx %arg5[%add3A_2069], %add3A_2193 : memref<2064xf32, #tpu.memory_space<vmem>>[vector<16xi32>], vector<16xf32>,
        %lt3A_2194 = arith.constant 13 : i32
        %lt3A_2195 = vector.broadcast %lt3A_2194 : i32 to vector<16xi32>
        %lt3A_2196 = arith.cmpi slt, %iota3A, %lt3A_2195 : vector<16xi32>
        %select_n3A_2197 = arith.select %lt3A_2196, %add3A_2154, %broadcast_in_dim3A_3 : vector<16xi1>, vector<16xf32>
        %min3A_2198 = arith.minimumf %add3A_2118, %add3A_2121 : vector<16xf32>
        %min3A_2199 = arith.minimumf %min3A_2198, %add3A_2124 : vector<16xf32>
        %min3A_2200 = arith.minimumf %min3A_2199, %add3A_2127 : vector<16xf32>
        %min3A_2201 = arith.minimumf %min3A_2200, %add3A_2130 : vector<16xf32>
        %min3A_2202 = arith.minimumf %min3A_2201, %add3A_2133 : vector<16xf32>
        %min3A_2203 = arith.minimumf %min3A_2202, %add3A_2136 : vector<16xf32>
        %min3A_2204 = arith.minimumf %min3A_2203, %add3A_2139 : vector<16xf32>
        %min3A_2205 = arith.minimumf %min3A_2204, %add3A_2142 : vector<16xf32>
        %min3A_2206 = arith.minimumf %min3A_2205, %add3A_2145 : vector<16xf32>
        %min3A_2207 = arith.minimumf %min3A_2206, %add3A_2148 : vector<16xf32>
        %min3A_2208 = arith.minimumf %min3A_2207, %add3A_2151 : vector<16xf32>
        %min3A_2209 = arith.minimumf %min3A_2208, %select_n3A_2197 : vector<16xf32>
        %reduce_min3A_2210 = arith.constant true
        %reduce_min3A_2211 = vector.broadcast %reduce_min3A_2210 : i1 to vector<16xi1>
        %reduce_min3A_2212 = tpu.scan <min>, %min3A_2209 masked %reduce_min3A_2211 : vector<16xf32>, vector<16xi1> -> vector<16xf32>
        %reduce_min3A_2213 = vector.extract %reduce_min3A_2212[15] : f32 from vector<16xf32>
        %broadcast_in_dim3A_2214 = vector.broadcast %reduce_min3A_2213 : f32 to vector<16xf32>
        %shift_left3A_2215 = arith.constant 8 : i32
        %shift_left3A_2216 = vector.broadcast %shift_left3A_2215 : i32 to vector<16xi32>
        %shift_left3A_2217 = arith.shli %get3A_1980, %shift_left3A_2216 : vector<16xi32>
        %add3A_2218 = arith.constant 0 : i32
        %add3A_2219 = vector.broadcast %add3A_2218 : i32 to vector<16xi32>
        %add3A_2220 = arith.addi %iota3A, %add3A_2219 : vector<16xi32>
        %add3A_2221 = arith.addi %shift_left3A_2217, %add3A_2220 : vector<16xi32>
        %eq3A_2222 = arith.cmpf oeq, %add3A_2118, %broadcast_in_dim3A_2214 : vector<16xf32>
        %select_n3A_2223 = arith.select %eq3A_2222, %add3A_2221, %broadcast_in_dim3A_5 : vector<16xi1>, vector<16xi32>
        %min3A_2224 = arith.minsi %broadcast_in_dim3A_5, %select_n3A_2223 : vector<16xi32>
        %shift_left3A_2225 = arith.constant 8 : i32
        %shift_left3A_2226 = vector.broadcast %shift_left3A_2225 : i32 to vector<16xi32>
        %shift_left3A_2227 = arith.shli %get3A_1982, %shift_left3A_2226 : vector<16xi32>
        %add3A_2228 = arith.constant 16 : i32
        %add3A_2229 = vector.broadcast %add3A_2228 : i32 to vector<16xi32>
        %add3A_2230 = arith.addi %iota3A, %add3A_2229 : vector<16xi32>
        %add3A_2231 = arith.addi %shift_left3A_2227, %add3A_2230 : vector<16xi32>
        %eq3A_2232 = arith.cmpf oeq, %add3A_2121, %broadcast_in_dim3A_2214 : vector<16xf32>
        %select_n3A_2233 = arith.select %eq3A_2232, %add3A_2231, %broadcast_in_dim3A_5 : vector<16xi1>, vector<16xi32>
        %min3A_2234 = arith.minsi %min3A_2224, %select_n3A_2233 : vector<16xi32>
        %shift_left3A_2235 = arith.constant 8 : i32
        %shift_left3A_2236 = vector.broadcast %shift_left3A_2235 : i32 to vector<16xi32>
        %shift_left3A_2237 = arith.shli %get3A_1984, %shift_left3A_2236 : vector<16xi32>
        %add3A_2238 = arith.constant 32 : i32
        %add3A_2239 = vector.broadcast %add3A_2238 : i32 to vector<16xi32>
        %add3A_2240 = arith.addi %iota3A, %add3A_2239 : vector<16xi32>
        %add3A_2241 = arith.addi %shift_left3A_2237, %add3A_2240 : vector<16xi32>
        %eq3A_2242 = arith.cmpf oeq, %add3A_2124, %broadcast_in_dim3A_2214 : vector<16xf32>
        %select_n3A_2243 = arith.select %eq3A_2242, %add3A_2241, %broadcast_in_dim3A_5 : vector<16xi1>, vector<16xi32>
        %min3A_2244 = arith.minsi %min3A_2234, %select_n3A_2243 : vector<16xi32>
        %shift_left3A_2245 = arith.constant 8 : i32
        %shift_left3A_2246 = vector.broadcast %shift_left3A_2245 : i32 to vector<16xi32>
        %shift_left3A_2247 = arith.shli %get3A_1986, %shift_left3A_2246 : vector<16xi32>
        %add3A_2248 = arith.constant 48 : i32
        %add3A_2249 = vector.broadcast %add3A_2248 : i32 to vector<16xi32>
        %add3A_2250 = arith.addi %iota3A, %add3A_2249 : vector<16xi32>
        %add3A_2251 = arith.addi %shift_left3A_2247, %add3A_2250 : vector<16xi32>
        %eq3A_2252 = arith.cmpf oeq, %add3A_2127, %broadcast_in_dim3A_2214 : vector<16xf32>
        %select_n3A_2253 = arith.select %eq3A_2252, %add3A_2251, %broadcast_in_dim3A_5 : vector<16xi1>, vector<16xi32>
        %min3A_2254 = arith.minsi %min3A_2244, %select_n3A_2253 : vector<16xi32>
        %shift_left3A_2255 = arith.constant 8 : i32
        %shift_left3A_2256 = vector.broadcast %shift_left3A_2255 : i32 to vector<16xi32>
        %shift_left3A_2257 = arith.shli %get3A_1988, %shift_left3A_2256 : vector<16xi32>
        %add3A_2258 = arith.constant 64 : i32
        %add3A_2259 = vector.broadcast %add3A_2258 : i32 to vector<16xi32>
        %add3A_2260 = arith.addi %iota3A, %add3A_2259 : vector<16xi32>
        %add3A_2261 = arith.addi %shift_left3A_2257, %add3A_2260 : vector<16xi32>
        %eq3A_2262 = arith.cmpf oeq, %add3A_2130, %broadcast_in_dim3A_2214 : vector<16xf32>
        %select_n3A_2263 = arith.select %eq3A_2262, %add3A_2261, %broadcast_in_dim3A_5 : vector<16xi1>, vector<16xi32>
        %min3A_2264 = arith.minsi %min3A_2254, %select_n3A_2263 : vector<16xi32>
        %shift_left3A_2265 = arith.constant 8 : i32
        %shift_left3A_2266 = vector.broadcast %shift_left3A_2265 : i32 to vector<16xi32>
        %shift_left3A_2267 = arith.shli %get3A_1990, %shift_left3A_2266 : vector<16xi32>
        %add3A_2268 = arith.constant 80 : i32
        %add3A_2269 = vector.broadcast %add3A_2268 : i32 to vector<16xi32>
        %add3A_2270 = arith.addi %iota3A, %add3A_2269 : vector<16xi32>
        %add3A_2271 = arith.addi %shift_left3A_2267, %add3A_2270 : vector<16xi32>
        %eq3A_2272 = arith.cmpf oeq, %add3A_2133, %broadcast_in_dim3A_2214 : vector<16xf32>
        %select_n3A_2273 = arith.select %eq3A_2272, %add3A_2271, %broadcast_in_dim3A_5 : vector<16xi1>, vector<16xi32>
        %min3A_2274 = arith.minsi %min3A_2264, %select_n3A_2273 : vector<16xi32>
        %shift_left3A_2275 = arith.constant 8 : i32
        %shift_left3A_2276 = vector.broadcast %shift_left3A_2275 : i32 to vector<16xi32>
        %shift_left3A_2277 = arith.shli %get3A_1992, %shift_left3A_2276 : vector<16xi32>
        %add3A_2278 = arith.constant 96 : i32
        %add3A_2279 = vector.broadcast %add3A_2278 : i32 to vector<16xi32>
        %add3A_2280 = arith.addi %iota3A, %add3A_2279 : vector<16xi32>
        %add3A_2281 = arith.addi %shift_left3A_2277, %add3A_2280 : vector<16xi32>
        %eq3A_2282 = arith.cmpf oeq, %add3A_2136, %broadcast_in_dim3A_2214 : vector<16xf32>
        %select_n3A_2283 = arith.select %eq3A_2282, %add3A_2281, %broadcast_in_dim3A_5 : vector<16xi1>, vector<16xi32>
        %min3A_2284 = arith.minsi %min3A_2274, %select_n3A_2283 : vector<16xi32>
        %shift_left3A_2285 = arith.constant 8 : i32
        %shift_left3A_2286 = vector.broadcast %shift_left3A_2285 : i32 to vector<16xi32>
        %shift_left3A_2287 = arith.shli %get3A_1994, %shift_left3A_2286 : vector<16xi32>
        %add3A_2288 = arith.constant 112 : i32
        %add3A_2289 = vector.broadcast %add3A_2288 : i32 to vector<16xi32>
        %add3A_2290 = arith.addi %iota3A, %add3A_2289 : vector<16xi32>
        %add3A_2291 = arith.addi %shift_left3A_2287, %add3A_2290 : vector<16xi32>
        %eq3A_2292 = arith.cmpf oeq, %add3A_2139, %broadcast_in_dim3A_2214 : vector<16xf32>
        %select_n3A_2293 = arith.select %eq3A_2292, %add3A_2291, %broadcast_in_dim3A_5 : vector<16xi1>, vector<16xi32>
        %min3A_2294 = arith.minsi %min3A_2284, %select_n3A_2293 : vector<16xi32>
        %shift_left3A_2295 = arith.constant 8 : i32
        %shift_left3A_2296 = vector.broadcast %shift_left3A_2295 : i32 to vector<16xi32>
        %shift_left3A_2297 = arith.shli %get3A_1996, %shift_left3A_2296 : vector<16xi32>
        %add3A_2298 = arith.constant 128 : i32
        %add3A_2299 = vector.broadcast %add3A_2298 : i32 to vector<16xi32>
        %add3A_2300 = arith.addi %iota3A, %add3A_2299 : vector<16xi32>
        %add3A_2301 = arith.addi %shift_left3A_2297, %add3A_2300 : vector<16xi32>
        %eq3A_2302 = arith.cmpf oeq, %add3A_2142, %broadcast_in_dim3A_2214 : vector<16xf32>
        %select_n3A_2303 = arith.select %eq3A_2302, %add3A_2301, %broadcast_in_dim3A_5 : vector<16xi1>, vector<16xi32>
        %min3A_2304 = arith.minsi %min3A_2294, %select_n3A_2303 : vector<16xi32>
        %shift_left3A_2305 = arith.constant 8 : i32
        %shift_left3A_2306 = vector.broadcast %shift_left3A_2305 : i32 to vector<16xi32>
        %shift_left3A_2307 = arith.shli %get3A_1998, %shift_left3A_2306 : vector<16xi32>
        %add3A_2308 = arith.constant 144 : i32
        %add3A_2309 = vector.broadcast %add3A_2308 : i32 to vector<16xi32>
        %add3A_2310 = arith.addi %iota3A, %add3A_2309 : vector<16xi32>
        %add3A_2311 = arith.addi %shift_left3A_2307, %add3A_2310 : vector<16xi32>
        %eq3A_2312 = arith.cmpf oeq, %add3A_2145, %broadcast_in_dim3A_2214 : vector<16xf32>
        %select_n3A_2313 = arith.select %eq3A_2312, %add3A_2311, %broadcast_in_dim3A_5 : vector<16xi1>, vector<16xi32>
        %min3A_2314 = arith.minsi %min3A_2304, %select_n3A_2313 : vector<16xi32>
        %shift_left3A_2315 = arith.constant 8 : i32
        %shift_left3A_2316 = vector.broadcast %shift_left3A_2315 : i32 to vector<16xi32>
        %shift_left3A_2317 = arith.shli %get3A_2000, %shift_left3A_2316 : vector<16xi32>
        %add3A_2318 = arith.constant 160 : i32
        %add3A_2319 = vector.broadcast %add3A_2318 : i32 to vector<16xi32>
        %add3A_2320 = arith.addi %iota3A, %add3A_2319 : vector<16xi32>
        %add3A_2321 = arith.addi %shift_left3A_2317, %add3A_2320 : vector<16xi32>
        %eq3A_2322 = arith.cmpf oeq, %add3A_2148, %broadcast_in_dim3A_2214 : vector<16xf32>
        %select_n3A_2323 = arith.select %eq3A_2322, %add3A_2321, %broadcast_in_dim3A_5 : vector<16xi1>, vector<16xi32>
        %min3A_2324 = arith.minsi %min3A_2314, %select_n3A_2323 : vector<16xi32>
        %shift_left3A_2325 = arith.constant 8 : i32
        %shift_left3A_2326 = vector.broadcast %shift_left3A_2325 : i32 to vector<16xi32>
        %shift_left3A_2327 = arith.shli %get3A_2002, %shift_left3A_2326 : vector<16xi32>
        %add3A_2328 = arith.constant 176 : i32
        %add3A_2329 = vector.broadcast %add3A_2328 : i32 to vector<16xi32>
        %add3A_2330 = arith.addi %iota3A, %add3A_2329 : vector<16xi32>
        %add3A_2331 = arith.addi %shift_left3A_2327, %add3A_2330 : vector<16xi32>
        %eq3A_2332 = arith.cmpf oeq, %add3A_2151, %broadcast_in_dim3A_2214 : vector<16xf32>
        %select_n3A_2333 = arith.select %eq3A_2332, %add3A_2331, %broadcast_in_dim3A_5 : vector<16xi1>, vector<16xi32>
        %min3A_2334 = arith.minsi %min3A_2324, %select_n3A_2333 : vector<16xi32>
        %shift_left3A_2335 = arith.constant 8 : i32
        %shift_left3A_2336 = vector.broadcast %shift_left3A_2335 : i32 to vector<16xi32>
        %shift_left3A_2337 = arith.shli %get3A_2004, %shift_left3A_2336 : vector<16xi32>
        %add3A_2338 = arith.constant 192 : i32
        %add3A_2339 = vector.broadcast %add3A_2338 : i32 to vector<16xi32>
        %add3A_2340 = arith.addi %iota3A, %add3A_2339 : vector<16xi32>
        %add3A_2341 = arith.addi %shift_left3A_2337, %add3A_2340 : vector<16xi32>
        %eq3A_2342 = arith.cmpf oeq, %select_n3A_2197, %broadcast_in_dim3A_2214 : vector<16xf32>
        %select_n3A_2343 = arith.select %eq3A_2342, %add3A_2341, %broadcast_in_dim3A_5 : vector<16xi1>, vector<16xi32>
        %min3A_2344 = arith.minsi %min3A_2334, %select_n3A_2343 : vector<16xi32>
        %reduce_min3A_2345 = arith.constant true
        %reduce_min3A_2346 = vector.broadcast %reduce_min3A_2345 : i1 to vector<16xi1>
        %reduce_min3A_2347 = arith.constant -2147483648 : i32
        %reduce_min3A_2348 = vector.broadcast %reduce_min3A_2347 : i32 to vector<16xi32>
        %reduce_min3A_2349 = arith.xori %min3A_2344, %reduce_min3A_2348 : vector<16xi32>
        %reduce_min3A_2350 = tpu.scan <min>, %reduce_min3A_2349 masked %reduce_min3A_2346 : vector<16xi32>, vector<16xi1> -> vector<16xi32>
        %reduce_min3A_2351 = arith.xori %reduce_min3A_2350, %reduce_min3A_2348 : vector<16xi32>
        %reduce_min3A_2352 = vector.extract %reduce_min3A_2351[15] : i32 from vector<16xi32>
        %broadcast_in_dim3A_2353 = vector.broadcast %reduce_min3A_2352 : i32 to vector<16xi32>
        %shift_right_logical3A_2354 = arith.constant 8 : i32
        %shift_right_logical3A_2355 = vector.broadcast %shift_right_logical3A_2354 : i32 to vector<16xi32>
        %shift_right_logical3A_2356 = arith.shrui %broadcast_in_dim3A_2353, %shift_right_logical3A_2355 : vector<16xi32>
        %and3A_2357 = arith.constant 255 : i32
        %and3A_2358 = vector.broadcast %and3A_2357 : i32 to vector<16xi32>
        %and3A_2359 = arith.andi %broadcast_in_dim3A_2353, %and3A_2358 : vector<16xi32>
        %broadcast_in_dim3A_2360 = vector.broadcast %add3A_1976 : i32 to vector<16xi32>
        tpu.vector_store_idx %arg11[%shift_right_logical3A_2356], %broadcast_in_dim3A_2360 masked %eq3A_2 : memref<2048xi32, #tpu.memory_space<vmem>>[vector<16xi32>], vector<16xi32>, vector<16xi1>
        %broadcast_in_dim3A_2361 = vector.broadcast %sub3A_1978 : i32 to vector<16xi32>
        tpu.vector_store_idx %arg10[%and3A_2359], %broadcast_in_dim3A_2361 masked %eq3A_2 : memref<208xi32, #tpu.memory_space<vmem>>[vector<16xi32>], vector<16xi32>, vector<16xi1>
        %add3A_2362 = arith.constant 1 : i32
        %add3A_2363 = arith.addi %add3A_1550, %add3A_2362 : i32
        %add3A_2364 = arith.constant 4 : i32
        %add3A_2365 = arith.addi %add3A_2363, %add3A_2364 : i32
        %dma_start3A_2366 = arith.constant 0 : i32
        %dma_start3A_2367 = tpu.memref_slice %arg7[%dma_start3A_2366] : memref<2064xf32, #tpu.memory_space<vmem>> -> memref<2048xf32, #tpu.memory_space<vmem>>
        %dma_start3A_2368 = arith.constant 0 : i32
        %dma_start3A_2369 = tpu.memref_slice %arg2[%add3A, %add3A_2365, %dma_start3A_2368] : memref<16x2048x2048xf32, #tpu.memory_space<hbm>> -> memref<1x1x2048xf32, #tpu.memory_space<hbm>>
        %dma_start3A_2370 = tpu.memref_squeeze %dma_start3A_2369 : memref<1x1x2048xf32, #tpu.memory_space<hbm>> -> memref<2048xf32, #tpu.memory_space<hbm>>
        %dma_start3A_2371 = arith.constant 0 : i32
        %dma_start3A_2372 = tpu.memref_slice %arg7[%dma_start3A_2371] : memref<2064xf32, #tpu.memory_space<vmem>> -> memref<2048xf32, #tpu.memory_space<vmem>>
        %dma_start3A_2373 = arith.constant 0 : i32
        %dma_start3A_2374 = tpu.memref_slice %arg2[%add3A, %add3A_2365, %dma_start3A_2373] : memref<16x2048x2048xf32, #tpu.memory_space<hbm>> -> memref<1x1x2048xf32, #tpu.memory_space<hbm>>
        %dma_start3A_2375 = tpu.memref_squeeze %dma_start3A_2374 : memref<1x1x2048xf32, #tpu.memory_space<hbm>> -> memref<2048xf32, #tpu.memory_space<hbm>>
        tpu.enqueue_dma source(%dma_start3A_2375 : memref<2048xf32, #tpu.memory_space<hbm>>) target(%dma_start3A_2372 : memref<2048xf32, #tpu.memory_space<vmem>>) target_semaphore(%arg13 : memref<!tpu.dma_semaphore, #tpu.memory_space<semaphore_mem>>)
        %add3A_2376 = arith.constant 2 : i32
        %add3A_2377 = arith.addi %add3A_1550, %add3A_2376 : i32
        %dma_wait3A_2378 = arith.constant 0 : i32
        %dma_wait3A_2379 = tpu.memref_slice %arg8[%dma_wait3A_2378] : memref<2064xf32, #tpu.memory_space<vmem>> -> memref<2048xf32, #tpu.memory_space<vmem>>
        %dma_wait3A_2380 = arith.constant 0 : i32
        %dma_wait3A_2381 = tpu.memref_slice %arg2[%add3A, %add3A_2377, %dma_wait3A_2380] : memref<16x2048x2048xf32, #tpu.memory_space<hbm>> -> memref<1x1x2048xf32, #tpu.memory_space<hbm>>
        %dma_wait3A_2382 = tpu.memref_squeeze %dma_wait3A_2381 : memref<1x1x2048xf32, #tpu.memory_space<hbm>> -> memref<2048xf32, #tpu.memory_space<hbm>>
        %dma_wait3A_2383 = arith.constant 0 : i32
        %dma_wait3A_2384 = tpu.memref_slice %arg8[%dma_wait3A_2383] : memref<2064xf32, #tpu.memory_space<vmem>> -> memref<2048xf32, #tpu.memory_space<vmem>>
        %dma_wait3A_2385 = arith.constant 0 : i32
        %dma_wait3A_2386 = tpu.memref_slice %arg2[%add3A, %add3A_2377, %dma_wait3A_2385] : memref<16x2048x2048xf32, #tpu.memory_space<hbm>> -> memref<1x1x2048xf32, #tpu.memory_space<hbm>>
        %dma_wait3A_2387 = tpu.memref_squeeze %dma_wait3A_2386 : memref<1x1x2048xf32, #tpu.memory_space<hbm>> -> memref<2048xf32, #tpu.memory_space<hbm>>
        tpu.wait_dma2 semaphore(%arg14 : memref<!tpu.dma_semaphore, #tpu.memory_space<semaphore_mem>>) src(%dma_wait3A_2387 : memref<2048xf32, #tpu.memory_space<hbm>>) dst(%dma_wait3A_2384 : memref<2048xf32, #tpu.memory_space<vmem>>)
        %add3A_2388 = arith.constant 2 : i32
        %add3A_2389 = arith.addi %add3A_1550, %add3A_2388 : i32
        %sub3A_2390 = arith.constant 203 : i32
        %sub3A_2391 = arith.subi %add3A_2389, %sub3A_2390 : i32
        %get3A_2392 = arith.constant 0 : index
        %get3A_2393 = tpu.vector_load %arg10[%get3A_2392] {strides = array<i32>} : memref<208xi32, #tpu.memory_space<vmem>>, vector<16xi32>,
        %get3A_2394 = arith.constant 16 : index
        %get3A_2395 = tpu.vector_load %arg10[%get3A_2394] {strides = array<i32>} : memref<208xi32, #tpu.memory_space<vmem>>, vector<16xi32>,
        %get3A_2396 = arith.constant 32 : index
        %get3A_2397 = tpu.vector_load %arg10[%get3A_2396] {strides = array<i32>} : memref<208xi32, #tpu.memory_space<vmem>>, vector<16xi32>,
        %get3A_2398 = arith.constant 48 : index
        %get3A_2399 = tpu.vector_load %arg10[%get3A_2398] {strides = array<i32>} : memref<208xi32, #tpu.memory_space<vmem>>, vector<16xi32>,
        %get3A_2400 = arith.constant 64 : index
        %get3A_2401 = tpu.vector_load %arg10[%get3A_2400] {strides = array<i32>} : memref<208xi32, #tpu.memory_space<vmem>>, vector<16xi32>,
        %get3A_2402 = arith.constant 80 : index
        %get3A_2403 = tpu.vector_load %arg10[%get3A_2402] {strides = array<i32>} : memref<208xi32, #tpu.memory_space<vmem>>, vector<16xi32>,
        %get3A_2404 = arith.constant 96 : index
        %get3A_2405 = tpu.vector_load %arg10[%get3A_2404] {strides = array<i32>} : memref<208xi32, #tpu.memory_space<vmem>>, vector<16xi32>,
        %get3A_2406 = arith.constant 112 : index
        %get3A_2407 = tpu.vector_load %arg10[%get3A_2406] {strides = array<i32>} : memref<208xi32, #tpu.memory_space<vmem>>, vector<16xi32>,
        %get3A_2408 = arith.constant 128 : index
        %get3A_2409 = tpu.vector_load %arg10[%get3A_2408] {strides = array<i32>} : memref<208xi32, #tpu.memory_space<vmem>>, vector<16xi32>,
        %get3A_2410 = arith.constant 144 : index
        %get3A_2411 = tpu.vector_load %arg10[%get3A_2410] {strides = array<i32>} : memref<208xi32, #tpu.memory_space<vmem>>, vector<16xi32>,
        %get3A_2412 = arith.constant 160 : index
        %get3A_2413 = tpu.vector_load %arg10[%get3A_2412] {strides = array<i32>} : memref<208xi32, #tpu.memory_space<vmem>>, vector<16xi32>,
        %get3A_2414 = arith.constant 176 : index
        %get3A_2415 = tpu.vector_load %arg10[%get3A_2414] {strides = array<i32>} : memref<208xi32, #tpu.memory_space<vmem>>, vector<16xi32>,
        %get3A_2416 = arith.constant 192 : index
        %get3A_2417 = tpu.vector_load %arg10[%get3A_2416] {strides = array<i32>} : memref<208xi32, #tpu.memory_space<vmem>>, vector<16xi32>,
        %gather3A_2418 = tpu.vector_load_idx %arg8[%get3A_2393] : memref<2064xf32, #tpu.memory_space<vmem>>[vector<16xi32>], vector<16xf32>,
        %gather3A_2419 = tpu.vector_load_idx %arg8[%get3A_2395] : memref<2064xf32, #tpu.memory_space<vmem>>[vector<16xi32>], vector<16xf32>,
        %gather3A_2420 = tpu.vector_load_idx %arg8[%get3A_2397] : memref<2064xf32, #tpu.memory_space<vmem>>[vector<16xi32>], vector<16xf32>,
        %gather3A_2421 = tpu.vector_load_idx %arg8[%get3A_2399] : memref<2064xf32, #tpu.memory_space<vmem>>[vector<16xi32>], vector<16xf32>,
        %gather3A_2422 = tpu.vector_load_idx %arg8[%get3A_2401] : memref<2064xf32, #tpu.memory_space<vmem>>[vector<16xi32>], vector<16xf32>,
        %gather3A_2423 = tpu.vector_load_idx %arg8[%get3A_2403] : memref<2064xf32, #tpu.memory_space<vmem>>[vector<16xi32>], vector<16xf32>,
        %gather3A_2424 = tpu.vector_load_idx %arg8[%get3A_2405] : memref<2064xf32, #tpu.memory_space<vmem>>[vector<16xi32>], vector<16xf32>,
        %gather3A_2425 = tpu.vector_load_idx %arg8[%get3A_2407] : memref<2064xf32, #tpu.memory_space<vmem>>[vector<16xi32>], vector<16xf32>,
        %gather3A_2426 = tpu.vector_load_idx %arg8[%get3A_2409] : memref<2064xf32, #tpu.memory_space<vmem>>[vector<16xi32>], vector<16xf32>,
        %gather3A_2427 = tpu.vector_load_idx %arg8[%get3A_2411] : memref<2064xf32, #tpu.memory_space<vmem>>[vector<16xi32>], vector<16xf32>,
        %gather3A_2428 = tpu.vector_load_idx %arg8[%get3A_2413] : memref<2064xf32, #tpu.memory_space<vmem>>[vector<16xi32>], vector<16xf32>,
        %gather3A_2429 = tpu.vector_load_idx %arg8[%get3A_2415] : memref<2064xf32, #tpu.memory_space<vmem>>[vector<16xi32>], vector<16xf32>,
        %gather3A_2430 = tpu.vector_load_idx %arg8[%get3A_2417] : memref<2064xf32, #tpu.memory_space<vmem>>[vector<16xi32>], vector<16xf32>,
        %add3A_2431 = arith.constant 0 : i32
        %add3A_2432 = arith.addi %sub3A_2391, %add3A_2431 : i32
        %broadcast_in_dim3A_2433 = vector.broadcast %add3A_2432 : i32 to vector<16xi32>
        %add3A_2434 = arith.addi %broadcast_in_dim3A_2433, %iota3A : vector<16xi32>
        %add3A_2435 = arith.constant 16 : i32
        %add3A_2436 = arith.addi %sub3A_2391, %add3A_2435 : i32
        %broadcast_in_dim3A_2437 = vector.broadcast %add3A_2436 : i32 to vector<16xi32>
        %add3A_2438 = arith.addi %broadcast_in_dim3A_2437, %iota3A : vector<16xi32>
        %add3A_2439 = arith.constant 32 : i32
        %add3A_2440 = arith.addi %sub3A_2391, %add3A_2439 : i32
        %broadcast_in_dim3A_2441 = vector.broadcast %add3A_2440 : i32 to vector<16xi32>
        %add3A_2442 = arith.addi %broadcast_in_dim3A_2441, %iota3A : vector<16xi32>
        %add3A_2443 = arith.constant 48 : i32
        %add3A_2444 = arith.addi %sub3A_2391, %add3A_2443 : i32
        %broadcast_in_dim3A_2445 = vector.broadcast %add3A_2444 : i32 to vector<16xi32>
        %add3A_2446 = arith.addi %broadcast_in_dim3A_2445, %iota3A : vector<16xi32>
        %add3A_2447 = arith.constant 64 : i32
        %add3A_2448 = arith.addi %sub3A_2391, %add3A_2447 : i32
        %broadcast_in_dim3A_2449 = vector.broadcast %add3A_2448 : i32 to vector<16xi32>
        %add3A_2450 = arith.addi %broadcast_in_dim3A_2449, %iota3A : vector<16xi32>
        %add3A_2451 = arith.constant 80 : i32
        %add3A_2452 = arith.addi %sub3A_2391, %add3A_2451 : i32
        %broadcast_in_dim3A_2453 = vector.broadcast %add3A_2452 : i32 to vector<16xi32>
        %add3A_2454 = arith.addi %broadcast_in_dim3A_2453, %iota3A : vector<16xi32>
        %add3A_2455 = arith.constant 96 : i32
        %add3A_2456 = arith.addi %sub3A_2391, %add3A_2455 : i32
        %broadcast_in_dim3A_2457 = vector.broadcast %add3A_2456 : i32 to vector<16xi32>
        %add3A_2458 = arith.addi %broadcast_in_dim3A_2457, %iota3A : vector<16xi32>
        %add3A_2459 = arith.constant 112 : i32
        %add3A_2460 = arith.addi %sub3A_2391, %add3A_2459 : i32
        %broadcast_in_dim3A_2461 = vector.broadcast %add3A_2460 : i32 to vector<16xi32>
        %add3A_2462 = arith.addi %broadcast_in_dim3A_2461, %iota3A : vector<16xi32>
        %add3A_2463 = arith.constant 128 : i32
        %add3A_2464 = arith.addi %sub3A_2391, %add3A_2463 : i32
        %broadcast_in_dim3A_2465 = vector.broadcast %add3A_2464 : i32 to vector<16xi32>
        %add3A_2466 = arith.addi %broadcast_in_dim3A_2465, %iota3A : vector<16xi32>
        %add3A_2467 = arith.constant 144 : i32
        %add3A_2468 = arith.addi %sub3A_2391, %add3A_2467 : i32
        %broadcast_in_dim3A_2469 = vector.broadcast %add3A_2468 : i32 to vector<16xi32>
        %add3A_2470 = arith.addi %broadcast_in_dim3A_2469, %iota3A : vector<16xi32>
        %add3A_2471 = arith.constant 160 : i32
        %add3A_2472 = arith.addi %sub3A_2391, %add3A_2471 : i32
        %broadcast_in_dim3A_2473 = vector.broadcast %add3A_2472 : i32 to vector<16xi32>
        %add3A_2474 = arith.addi %broadcast_in_dim3A_2473, %iota3A : vector<16xi32>
        %add3A_2475 = arith.constant 176 : i32
        %add3A_2476 = arith.addi %sub3A_2391, %add3A_2475 : i32
        %broadcast_in_dim3A_2477 = vector.broadcast %add3A_2476 : i32 to vector<16xi32>
        %add3A_2478 = arith.addi %broadcast_in_dim3A_2477, %iota3A : vector<16xi32>
        %add3A_2479 = arith.constant 192 : i32
        %add3A_2480 = arith.addi %sub3A_2391, %add3A_2479 : i32
        %broadcast_in_dim3A_2481 = vector.broadcast %add3A_2480 : i32 to vector<16xi32>
        %add3A_2482 = arith.addi %broadcast_in_dim3A_2481, %iota3A : vector<16xi32>
        %gather3A_2483 = tpu.vector_load_idx %arg8[%add3A_2434] : memref<2064xf32, #tpu.memory_space<vmem>>[vector<16xi32>], vector<16xf32>,
        %gather3A_2484 = tpu.vector_load_idx %arg8[%add3A_2438] : memref<2064xf32, #tpu.memory_space<vmem>>[vector<16xi32>], vector<16xf32>,
        %gather3A_2485 = tpu.vector_load_idx %arg8[%add3A_2442] : memref<2064xf32, #tpu.memory_space<vmem>>[vector<16xi32>], vector<16xf32>,
        %gather3A_2486 = tpu.vector_load_idx %arg8[%add3A_2446] : memref<2064xf32, #tpu.memory_space<vmem>>[vector<16xi32>], vector<16xf32>,
        %gather3A_2487 = tpu.vector_load_idx %arg8[%add3A_2450] : memref<2064xf32, #tpu.memory_space<vmem>>[vector<16xi32>], vector<16xf32>,
        %gather3A_2488 = tpu.vector_load_idx %arg8[%add3A_2454] : memref<2064xf32, #tpu.memory_space<vmem>>[vector<16xi32>], vector<16xf32>,
        %gather3A_2489 = tpu.vector_load_idx %arg8[%add3A_2458] : memref<2064xf32, #tpu.memory_space<vmem>>[vector<16xi32>], vector<16xf32>,
        %gather3A_2490 = tpu.vector_load_idx %arg8[%add3A_2462] : memref<2064xf32, #tpu.memory_space<vmem>>[vector<16xi32>], vector<16xf32>,
        %gather3A_2491 = tpu.vector_load_idx %arg8[%add3A_2466] : memref<2064xf32, #tpu.memory_space<vmem>>[vector<16xi32>], vector<16xf32>,
        %gather3A_2492 = tpu.vector_load_idx %arg8[%add3A_2470] : memref<2064xf32, #tpu.memory_space<vmem>>[vector<16xi32>], vector<16xf32>,
        %gather3A_2493 = tpu.vector_load_idx %arg8[%add3A_2474] : memref<2064xf32, #tpu.memory_space<vmem>>[vector<16xi32>], vector<16xf32>,
        %gather3A_2494 = tpu.vector_load_idx %arg8[%add3A_2478] : memref<2064xf32, #tpu.memory_space<vmem>>[vector<16xi32>], vector<16xf32>,
        %gather3A_2495 = tpu.vector_load_idx %arg8[%add3A_2482] : memref<2064xf32, #tpu.memory_space<vmem>>[vector<16xi32>], vector<16xf32>,
        %add3A_2496 = arith.addf %gather3A_2418, %gather3A_2419 : vector<16xf32>
        %add3A_2497 = arith.addf %add3A_2496, %gather3A_2420 : vector<16xf32>
        %add3A_2498 = arith.addf %add3A_2497, %gather3A_2421 : vector<16xf32>
        %add3A_2499 = arith.addf %add3A_2498, %gather3A_2422 : vector<16xf32>
        %add3A_2500 = arith.addf %add3A_2499, %gather3A_2423 : vector<16xf32>
        %add3A_2501 = arith.addf %add3A_2500, %gather3A_2424 : vector<16xf32>
        %add3A_2502 = arith.addf %add3A_2501, %gather3A_2425 : vector<16xf32>
        %add3A_2503 = arith.addf %add3A_2502, %gather3A_2426 : vector<16xf32>
        %add3A_2504 = arith.addf %add3A_2503, %gather3A_2427 : vector<16xf32>
        %add3A_2505 = arith.addf %add3A_2504, %gather3A_2428 : vector<16xf32>
        %add3A_2506 = arith.addf %add3A_2505, %gather3A_2429 : vector<16xf32>
        %add3A_2507 = arith.addf %add3A_2506, %gather3A_2430 : vector<16xf32>
        %add3A_2508 = arith.addf %add3A_2507, %gather3A_2483 : vector<16xf32>
        %add3A_2509 = arith.addf %add3A_2508, %gather3A_2484 : vector<16xf32>
        %add3A_2510 = arith.addf %add3A_2509, %gather3A_2485 : vector<16xf32>
        %add3A_2511 = arith.addf %add3A_2510, %gather3A_2486 : vector<16xf32>
        %add3A_2512 = arith.addf %add3A_2511, %gather3A_2487 : vector<16xf32>
        %add3A_2513 = arith.addf %add3A_2512, %gather3A_2488 : vector<16xf32>
        %add3A_2514 = arith.addf %add3A_2513, %gather3A_2489 : vector<16xf32>
        %add3A_2515 = arith.addf %add3A_2514, %gather3A_2490 : vector<16xf32>
        %add3A_2516 = arith.addf %add3A_2515, %gather3A_2491 : vector<16xf32>
        %add3A_2517 = arith.addf %add3A_2516, %gather3A_2492 : vector<16xf32>
        %add3A_2518 = arith.addf %add3A_2517, %gather3A_2493 : vector<16xf32>
        %add3A_2519 = arith.addf %add3A_2518, %gather3A_2494 : vector<16xf32>
        %add3A_2520 = arith.addf %add3A_2519, %gather3A_2495 : vector<16xf32>
        %reduce_sum3A_2521 = arith.constant true
        %reduce_sum3A_2522 = vector.broadcast %reduce_sum3A_2521 : i1 to vector<16xi1>
        %reduce_sum3A_2523 = tpu.scan <sum>, %add3A_2520 masked %reduce_sum3A_2522 : vector<16xf32>, vector<16xi1> -> vector<16xf32>
        %reduce_sum3A_2524 = vector.extract %reduce_sum3A_2523[15] : f32 from vector<16xf32>
        %broadcast_in_dim3A_2525 = vector.broadcast %reduce_sum3A_2524 : f32 to vector<16xf32>
        %div3A_2526 = arith.constant 1.000000e+00 : f32
        %div3A_2527 = vector.broadcast %div3A_2526 : f32 to vector<16xf32>
        %div3A_2528 = arith.divf %div3A_2527, %broadcast_in_dim3A_2525 : vector<16xf32>
        %gather3A_2529 = tpu.vector_load_idx %arg5[%get3A_2393] : memref<2064xf32, #tpu.memory_space<vmem>>[vector<16xi32>], vector<16xf32>,
        %mul3A_2530 = arith.mulf %gather3A_2418, %div3A_2528 : vector<16xf32>
        %add3A_2531 = arith.addf %gather3A_2529, %mul3A_2530 : vector<16xf32>
        tpu.vector_store_idx %arg5[%get3A_2393], %add3A_2531 : memref<2064xf32, #tpu.memory_space<vmem>>[vector<16xi32>], vector<16xf32>,
        %gather3A_2532 = tpu.vector_load_idx %arg5[%get3A_2395] : memref<2064xf32, #tpu.memory_space<vmem>>[vector<16xi32>], vector<16xf32>,
        %mul3A_2533 = arith.mulf %gather3A_2419, %div3A_2528 : vector<16xf32>
        %add3A_2534 = arith.addf %gather3A_2532, %mul3A_2533 : vector<16xf32>
        tpu.vector_store_idx %arg5[%get3A_2395], %add3A_2534 : memref<2064xf32, #tpu.memory_space<vmem>>[vector<16xi32>], vector<16xf32>,
        %gather3A_2535 = tpu.vector_load_idx %arg5[%get3A_2397] : memref<2064xf32, #tpu.memory_space<vmem>>[vector<16xi32>], vector<16xf32>,
        %mul3A_2536 = arith.mulf %gather3A_2420, %div3A_2528 : vector<16xf32>
        %add3A_2537 = arith.addf %gather3A_2535, %mul3A_2536 : vector<16xf32>
        tpu.vector_store_idx %arg5[%get3A_2397], %add3A_2537 : memref<2064xf32, #tpu.memory_space<vmem>>[vector<16xi32>], vector<16xf32>,
        %gather3A_2538 = tpu.vector_load_idx %arg5[%get3A_2399] : memref<2064xf32, #tpu.memory_space<vmem>>[vector<16xi32>], vector<16xf32>,
        %mul3A_2539 = arith.mulf %gather3A_2421, %div3A_2528 : vector<16xf32>
        %add3A_2540 = arith.addf %gather3A_2538, %mul3A_2539 : vector<16xf32>
        tpu.vector_store_idx %arg5[%get3A_2399], %add3A_2540 : memref<2064xf32, #tpu.memory_space<vmem>>[vector<16xi32>], vector<16xf32>,
        %gather3A_2541 = tpu.vector_load_idx %arg5[%get3A_2401] : memref<2064xf32, #tpu.memory_space<vmem>>[vector<16xi32>], vector<16xf32>,
        %mul3A_2542 = arith.mulf %gather3A_2422, %div3A_2528 : vector<16xf32>
        %add3A_2543 = arith.addf %gather3A_2541, %mul3A_2542 : vector<16xf32>
        tpu.vector_store_idx %arg5[%get3A_2401], %add3A_2543 : memref<2064xf32, #tpu.memory_space<vmem>>[vector<16xi32>], vector<16xf32>,
        %gather3A_2544 = tpu.vector_load_idx %arg5[%get3A_2403] : memref<2064xf32, #tpu.memory_space<vmem>>[vector<16xi32>], vector<16xf32>,
        %mul3A_2545 = arith.mulf %gather3A_2423, %div3A_2528 : vector<16xf32>
        %add3A_2546 = arith.addf %gather3A_2544, %mul3A_2545 : vector<16xf32>
        tpu.vector_store_idx %arg5[%get3A_2403], %add3A_2546 : memref<2064xf32, #tpu.memory_space<vmem>>[vector<16xi32>], vector<16xf32>,
        %gather3A_2547 = tpu.vector_load_idx %arg5[%get3A_2405] : memref<2064xf32, #tpu.memory_space<vmem>>[vector<16xi32>], vector<16xf32>,
        %mul3A_2548 = arith.mulf %gather3A_2424, %div3A_2528 : vector<16xf32>
        %add3A_2549 = arith.addf %gather3A_2547, %mul3A_2548 : vector<16xf32>
        tpu.vector_store_idx %arg5[%get3A_2405], %add3A_2549 : memref<2064xf32, #tpu.memory_space<vmem>>[vector<16xi32>], vector<16xf32>,
        %gather3A_2550 = tpu.vector_load_idx %arg5[%get3A_2407] : memref<2064xf32, #tpu.memory_space<vmem>>[vector<16xi32>], vector<16xf32>,
        %mul3A_2551 = arith.mulf %gather3A_2425, %div3A_2528 : vector<16xf32>
        %add3A_2552 = arith.addf %gather3A_2550, %mul3A_2551 : vector<16xf32>
        tpu.vector_store_idx %arg5[%get3A_2407], %add3A_2552 : memref<2064xf32, #tpu.memory_space<vmem>>[vector<16xi32>], vector<16xf32>,
        %gather3A_2553 = tpu.vector_load_idx %arg5[%get3A_2409] : memref<2064xf32, #tpu.memory_space<vmem>>[vector<16xi32>], vector<16xf32>,
        %mul3A_2554 = arith.mulf %gather3A_2426, %div3A_2528 : vector<16xf32>
        %add3A_2555 = arith.addf %gather3A_2553, %mul3A_2554 : vector<16xf32>
        tpu.vector_store_idx %arg5[%get3A_2409], %add3A_2555 : memref<2064xf32, #tpu.memory_space<vmem>>[vector<16xi32>], vector<16xf32>,
        %gather3A_2556 = tpu.vector_load_idx %arg5[%get3A_2411] : memref<2064xf32, #tpu.memory_space<vmem>>[vector<16xi32>], vector<16xf32>,
        %mul3A_2557 = arith.mulf %gather3A_2427, %div3A_2528 : vector<16xf32>
        %add3A_2558 = arith.addf %gather3A_2556, %mul3A_2557 : vector<16xf32>
        tpu.vector_store_idx %arg5[%get3A_2411], %add3A_2558 : memref<2064xf32, #tpu.memory_space<vmem>>[vector<16xi32>], vector<16xf32>,
        %gather3A_2559 = tpu.vector_load_idx %arg5[%get3A_2413] : memref<2064xf32, #tpu.memory_space<vmem>>[vector<16xi32>], vector<16xf32>,
        %mul3A_2560 = arith.mulf %gather3A_2428, %div3A_2528 : vector<16xf32>
        %add3A_2561 = arith.addf %gather3A_2559, %mul3A_2560 : vector<16xf32>
        tpu.vector_store_idx %arg5[%get3A_2413], %add3A_2561 : memref<2064xf32, #tpu.memory_space<vmem>>[vector<16xi32>], vector<16xf32>,
        %gather3A_2562 = tpu.vector_load_idx %arg5[%get3A_2415] : memref<2064xf32, #tpu.memory_space<vmem>>[vector<16xi32>], vector<16xf32>,
        %mul3A_2563 = arith.mulf %gather3A_2429, %div3A_2528 : vector<16xf32>
        %add3A_2564 = arith.addf %gather3A_2562, %mul3A_2563 : vector<16xf32>
        tpu.vector_store_idx %arg5[%get3A_2415], %add3A_2564 : memref<2064xf32, #tpu.memory_space<vmem>>[vector<16xi32>], vector<16xf32>,
        %gather3A_2565 = tpu.vector_load_idx %arg5[%get3A_2417] : memref<2064xf32, #tpu.memory_space<vmem>>[vector<16xi32>], vector<16xf32>,
        %mul3A_2566 = arith.mulf %gather3A_2430, %div3A_2528 : vector<16xf32>
        %add3A_2567 = arith.addf %gather3A_2565, %mul3A_2566 : vector<16xf32>
        tpu.vector_store_idx %arg5[%get3A_2417], %add3A_2567 : memref<2064xf32, #tpu.memory_space<vmem>>[vector<16xi32>], vector<16xf32>,
        %gather3A_2568 = tpu.vector_load_idx %arg5[%add3A_2434] : memref<2064xf32, #tpu.memory_space<vmem>>[vector<16xi32>], vector<16xf32>,
        %mul3A_2569 = arith.mulf %gather3A_2483, %div3A_2528 : vector<16xf32>
        %add3A_2570 = arith.addf %gather3A_2568, %mul3A_2569 : vector<16xf32>
        tpu.vector_store_idx %arg5[%add3A_2434], %add3A_2570 : memref<2064xf32, #tpu.memory_space<vmem>>[vector<16xi32>], vector<16xf32>,
        %gather3A_2571 = tpu.vector_load_idx %arg5[%add3A_2438] : memref<2064xf32, #tpu.memory_space<vmem>>[vector<16xi32>], vector<16xf32>,
        %mul3A_2572 = arith.mulf %gather3A_2484, %div3A_2528 : vector<16xf32>
        %add3A_2573 = arith.addf %gather3A_2571, %mul3A_2572 : vector<16xf32>
        tpu.vector_store_idx %arg5[%add3A_2438], %add3A_2573 : memref<2064xf32, #tpu.memory_space<vmem>>[vector<16xi32>], vector<16xf32>,
        %gather3A_2574 = tpu.vector_load_idx %arg5[%add3A_2442] : memref<2064xf32, #tpu.memory_space<vmem>>[vector<16xi32>], vector<16xf32>,
        %mul3A_2575 = arith.mulf %gather3A_2485, %div3A_2528 : vector<16xf32>
        %add3A_2576 = arith.addf %gather3A_2574, %mul3A_2575 : vector<16xf32>
        tpu.vector_store_idx %arg5[%add3A_2442], %add3A_2576 : memref<2064xf32, #tpu.memory_space<vmem>>[vector<16xi32>], vector<16xf32>,
        %gather3A_2577 = tpu.vector_load_idx %arg5[%add3A_2446] : memref<2064xf32, #tpu.memory_space<vmem>>[vector<16xi32>], vector<16xf32>,
        %mul3A_2578 = arith.mulf %gather3A_2486, %div3A_2528 : vector<16xf32>
        %add3A_2579 = arith.addf %gather3A_2577, %mul3A_2578 : vector<16xf32>
        tpu.vector_store_idx %arg5[%add3A_2446], %add3A_2579 : memref<2064xf32, #tpu.memory_space<vmem>>[vector<16xi32>], vector<16xf32>,
        %gather3A_2580 = tpu.vector_load_idx %arg5[%add3A_2450] : memref<2064xf32, #tpu.memory_space<vmem>>[vector<16xi32>], vector<16xf32>,
        %mul3A_2581 = arith.mulf %gather3A_2487, %div3A_2528 : vector<16xf32>
        %add3A_2582 = arith.addf %gather3A_2580, %mul3A_2581 : vector<16xf32>
        tpu.vector_store_idx %arg5[%add3A_2450], %add3A_2582 : memref<2064xf32, #tpu.memory_space<vmem>>[vector<16xi32>], vector<16xf32>,
        %gather3A_2583 = tpu.vector_load_idx %arg5[%add3A_2454] : memref<2064xf32, #tpu.memory_space<vmem>>[vector<16xi32>], vector<16xf32>,
        %mul3A_2584 = arith.mulf %gather3A_2488, %div3A_2528 : vector<16xf32>
        %add3A_2585 = arith.addf %gather3A_2583, %mul3A_2584 : vector<16xf32>
        tpu.vector_store_idx %arg5[%add3A_2454], %add3A_2585 : memref<2064xf32, #tpu.memory_space<vmem>>[vector<16xi32>], vector<16xf32>,
        %gather3A_2586 = tpu.vector_load_idx %arg5[%add3A_2458] : memref<2064xf32, #tpu.memory_space<vmem>>[vector<16xi32>], vector<16xf32>,
        %mul3A_2587 = arith.mulf %gather3A_2489, %div3A_2528 : vector<16xf32>
        %add3A_2588 = arith.addf %gather3A_2586, %mul3A_2587 : vector<16xf32>
        tpu.vector_store_idx %arg5[%add3A_2458], %add3A_2588 : memref<2064xf32, #tpu.memory_space<vmem>>[vector<16xi32>], vector<16xf32>,
        %gather3A_2589 = tpu.vector_load_idx %arg5[%add3A_2462] : memref<2064xf32, #tpu.memory_space<vmem>>[vector<16xi32>], vector<16xf32>,
        %mul3A_2590 = arith.mulf %gather3A_2490, %div3A_2528 : vector<16xf32>
        %add3A_2591 = arith.addf %gather3A_2589, %mul3A_2590 : vector<16xf32>
        tpu.vector_store_idx %arg5[%add3A_2462], %add3A_2591 : memref<2064xf32, #tpu.memory_space<vmem>>[vector<16xi32>], vector<16xf32>,
        %gather3A_2592 = tpu.vector_load_idx %arg5[%add3A_2466] : memref<2064xf32, #tpu.memory_space<vmem>>[vector<16xi32>], vector<16xf32>,
        %mul3A_2593 = arith.mulf %gather3A_2491, %div3A_2528 : vector<16xf32>
        %add3A_2594 = arith.addf %gather3A_2592, %mul3A_2593 : vector<16xf32>
        tpu.vector_store_idx %arg5[%add3A_2466], %add3A_2594 : memref<2064xf32, #tpu.memory_space<vmem>>[vector<16xi32>], vector<16xf32>,
        %gather3A_2595 = tpu.vector_load_idx %arg5[%add3A_2470] : memref<2064xf32, #tpu.memory_space<vmem>>[vector<16xi32>], vector<16xf32>,
        %mul3A_2596 = arith.mulf %gather3A_2492, %div3A_2528 : vector<16xf32>
        %add3A_2597 = arith.addf %gather3A_2595, %mul3A_2596 : vector<16xf32>
        tpu.vector_store_idx %arg5[%add3A_2470], %add3A_2597 : memref<2064xf32, #tpu.memory_space<vmem>>[vector<16xi32>], vector<16xf32>,
        %gather3A_2598 = tpu.vector_load_idx %arg5[%add3A_2474] : memref<2064xf32, #tpu.memory_space<vmem>>[vector<16xi32>], vector<16xf32>,
        %mul3A_2599 = arith.mulf %gather3A_2493, %div3A_2528 : vector<16xf32>
        %add3A_2600 = arith.addf %gather3A_2598, %mul3A_2599 : vector<16xf32>
        tpu.vector_store_idx %arg5[%add3A_2474], %add3A_2600 : memref<2064xf32, #tpu.memory_space<vmem>>[vector<16xi32>], vector<16xf32>,
        %gather3A_2601 = tpu.vector_load_idx %arg5[%add3A_2478] : memref<2064xf32, #tpu.memory_space<vmem>>[vector<16xi32>], vector<16xf32>,
        %mul3A_2602 = arith.mulf %gather3A_2494, %div3A_2528 : vector<16xf32>
        %add3A_2603 = arith.addf %gather3A_2601, %mul3A_2602 : vector<16xf32>
        tpu.vector_store_idx %arg5[%add3A_2478], %add3A_2603 : memref<2064xf32, #tpu.memory_space<vmem>>[vector<16xi32>], vector<16xf32>,
        %gather3A_2604 = tpu.vector_load_idx %arg5[%add3A_2482] : memref<2064xf32, #tpu.memory_space<vmem>>[vector<16xi32>], vector<16xf32>,
        %mul3A_2605 = arith.mulf %gather3A_2495, %div3A_2528 : vector<16xf32>
        %add3A_2606 = arith.addf %gather3A_2604, %mul3A_2605 : vector<16xf32>
        tpu.vector_store_idx %arg5[%add3A_2482], %add3A_2606 : memref<2064xf32, #tpu.memory_space<vmem>>[vector<16xi32>], vector<16xf32>,
        %lt3A_2607 = arith.constant 13 : i32
        %lt3A_2608 = vector.broadcast %lt3A_2607 : i32 to vector<16xi32>
        %lt3A_2609 = arith.cmpi slt, %iota3A, %lt3A_2608 : vector<16xi32>
        %select_n3A_2610 = arith.select %lt3A_2609, %add3A_2567, %broadcast_in_dim3A_3 : vector<16xi1>, vector<16xf32>
        %min3A_2611 = arith.minimumf %add3A_2531, %add3A_2534 : vector<16xf32>
        %min3A_2612 = arith.minimumf %min3A_2611, %add3A_2537 : vector<16xf32>
        %min3A_2613 = arith.minimumf %min3A_2612, %add3A_2540 : vector<16xf32>
        %min3A_2614 = arith.minimumf %min3A_2613, %add3A_2543 : vector<16xf32>
        %min3A_2615 = arith.minimumf %min3A_2614, %add3A_2546 : vector<16xf32>
        %min3A_2616 = arith.minimumf %min3A_2615, %add3A_2549 : vector<16xf32>
        %min3A_2617 = arith.minimumf %min3A_2616, %add3A_2552 : vector<16xf32>
        %min3A_2618 = arith.minimumf %min3A_2617, %add3A_2555 : vector<16xf32>
        %min3A_2619 = arith.minimumf %min3A_2618, %add3A_2558 : vector<16xf32>
        %min3A_2620 = arith.minimumf %min3A_2619, %add3A_2561 : vector<16xf32>
        %min3A_2621 = arith.minimumf %min3A_2620, %add3A_2564 : vector<16xf32>
        %min3A_2622 = arith.minimumf %min3A_2621, %select_n3A_2610 : vector<16xf32>
        %reduce_min3A_2623 = arith.constant true
        %reduce_min3A_2624 = vector.broadcast %reduce_min3A_2623 : i1 to vector<16xi1>
        %reduce_min3A_2625 = tpu.scan <min>, %min3A_2622 masked %reduce_min3A_2624 : vector<16xf32>, vector<16xi1> -> vector<16xf32>
        %reduce_min3A_2626 = vector.extract %reduce_min3A_2625[15] : f32 from vector<16xf32>
        %broadcast_in_dim3A_2627 = vector.broadcast %reduce_min3A_2626 : f32 to vector<16xf32>
        %shift_left3A_2628 = arith.constant 8 : i32
        %shift_left3A_2629 = vector.broadcast %shift_left3A_2628 : i32 to vector<16xi32>
        %shift_left3A_2630 = arith.shli %get3A_2393, %shift_left3A_2629 : vector<16xi32>
        %add3A_2631 = arith.constant 0 : i32
        %add3A_2632 = vector.broadcast %add3A_2631 : i32 to vector<16xi32>
        %add3A_2633 = arith.addi %iota3A, %add3A_2632 : vector<16xi32>
        %add3A_2634 = arith.addi %shift_left3A_2630, %add3A_2633 : vector<16xi32>
        %eq3A_2635 = arith.cmpf oeq, %add3A_2531, %broadcast_in_dim3A_2627 : vector<16xf32>
        %select_n3A_2636 = arith.select %eq3A_2635, %add3A_2634, %broadcast_in_dim3A_5 : vector<16xi1>, vector<16xi32>
        %min3A_2637 = arith.minsi %broadcast_in_dim3A_5, %select_n3A_2636 : vector<16xi32>
        %shift_left3A_2638 = arith.constant 8 : i32
        %shift_left3A_2639 = vector.broadcast %shift_left3A_2638 : i32 to vector<16xi32>
        %shift_left3A_2640 = arith.shli %get3A_2395, %shift_left3A_2639 : vector<16xi32>
        %add3A_2641 = arith.constant 16 : i32
        %add3A_2642 = vector.broadcast %add3A_2641 : i32 to vector<16xi32>
        %add3A_2643 = arith.addi %iota3A, %add3A_2642 : vector<16xi32>
        %add3A_2644 = arith.addi %shift_left3A_2640, %add3A_2643 : vector<16xi32>
        %eq3A_2645 = arith.cmpf oeq, %add3A_2534, %broadcast_in_dim3A_2627 : vector<16xf32>
        %select_n3A_2646 = arith.select %eq3A_2645, %add3A_2644, %broadcast_in_dim3A_5 : vector<16xi1>, vector<16xi32>
        %min3A_2647 = arith.minsi %min3A_2637, %select_n3A_2646 : vector<16xi32>
        %shift_left3A_2648 = arith.constant 8 : i32
        %shift_left3A_2649 = vector.broadcast %shift_left3A_2648 : i32 to vector<16xi32>
        %shift_left3A_2650 = arith.shli %get3A_2397, %shift_left3A_2649 : vector<16xi32>
        %add3A_2651 = arith.constant 32 : i32
        %add3A_2652 = vector.broadcast %add3A_2651 : i32 to vector<16xi32>
        %add3A_2653 = arith.addi %iota3A, %add3A_2652 : vector<16xi32>
        %add3A_2654 = arith.addi %shift_left3A_2650, %add3A_2653 : vector<16xi32>
        %eq3A_2655 = arith.cmpf oeq, %add3A_2537, %broadcast_in_dim3A_2627 : vector<16xf32>
        %select_n3A_2656 = arith.select %eq3A_2655, %add3A_2654, %broadcast_in_dim3A_5 : vector<16xi1>, vector<16xi32>
        %min3A_2657 = arith.minsi %min3A_2647, %select_n3A_2656 : vector<16xi32>
        %shift_left3A_2658 = arith.constant 8 : i32
        %shift_left3A_2659 = vector.broadcast %shift_left3A_2658 : i32 to vector<16xi32>
        %shift_left3A_2660 = arith.shli %get3A_2399, %shift_left3A_2659 : vector<16xi32>
        %add3A_2661 = arith.constant 48 : i32
        %add3A_2662 = vector.broadcast %add3A_2661 : i32 to vector<16xi32>
        %add3A_2663 = arith.addi %iota3A, %add3A_2662 : vector<16xi32>
        %add3A_2664 = arith.addi %shift_left3A_2660, %add3A_2663 : vector<16xi32>
        %eq3A_2665 = arith.cmpf oeq, %add3A_2540, %broadcast_in_dim3A_2627 : vector<16xf32>
        %select_n3A_2666 = arith.select %eq3A_2665, %add3A_2664, %broadcast_in_dim3A_5 : vector<16xi1>, vector<16xi32>
        %min3A_2667 = arith.minsi %min3A_2657, %select_n3A_2666 : vector<16xi32>
        %shift_left3A_2668 = arith.constant 8 : i32
        %shift_left3A_2669 = vector.broadcast %shift_left3A_2668 : i32 to vector<16xi32>
        %shift_left3A_2670 = arith.shli %get3A_2401, %shift_left3A_2669 : vector<16xi32>
        %add3A_2671 = arith.constant 64 : i32
        %add3A_2672 = vector.broadcast %add3A_2671 : i32 to vector<16xi32>
        %add3A_2673 = arith.addi %iota3A, %add3A_2672 : vector<16xi32>
        %add3A_2674 = arith.addi %shift_left3A_2670, %add3A_2673 : vector<16xi32>
        %eq3A_2675 = arith.cmpf oeq, %add3A_2543, %broadcast_in_dim3A_2627 : vector<16xf32>
        %select_n3A_2676 = arith.select %eq3A_2675, %add3A_2674, %broadcast_in_dim3A_5 : vector<16xi1>, vector<16xi32>
        %min3A_2677 = arith.minsi %min3A_2667, %select_n3A_2676 : vector<16xi32>
        %shift_left3A_2678 = arith.constant 8 : i32
        %shift_left3A_2679 = vector.broadcast %shift_left3A_2678 : i32 to vector<16xi32>
        %shift_left3A_2680 = arith.shli %get3A_2403, %shift_left3A_2679 : vector<16xi32>
        %add3A_2681 = arith.constant 80 : i32
        %add3A_2682 = vector.broadcast %add3A_2681 : i32 to vector<16xi32>
        %add3A_2683 = arith.addi %iota3A, %add3A_2682 : vector<16xi32>
        %add3A_2684 = arith.addi %shift_left3A_2680, %add3A_2683 : vector<16xi32>
        %eq3A_2685 = arith.cmpf oeq, %add3A_2546, %broadcast_in_dim3A_2627 : vector<16xf32>
        %select_n3A_2686 = arith.select %eq3A_2685, %add3A_2684, %broadcast_in_dim3A_5 : vector<16xi1>, vector<16xi32>
        %min3A_2687 = arith.minsi %min3A_2677, %select_n3A_2686 : vector<16xi32>
        %shift_left3A_2688 = arith.constant 8 : i32
        %shift_left3A_2689 = vector.broadcast %shift_left3A_2688 : i32 to vector<16xi32>
        %shift_left3A_2690 = arith.shli %get3A_2405, %shift_left3A_2689 : vector<16xi32>
        %add3A_2691 = arith.constant 96 : i32
        %add3A_2692 = vector.broadcast %add3A_2691 : i32 to vector<16xi32>
        %add3A_2693 = arith.addi %iota3A, %add3A_2692 : vector<16xi32>
        %add3A_2694 = arith.addi %shift_left3A_2690, %add3A_2693 : vector<16xi32>
        %eq3A_2695 = arith.cmpf oeq, %add3A_2549, %broadcast_in_dim3A_2627 : vector<16xf32>
        %select_n3A_2696 = arith.select %eq3A_2695, %add3A_2694, %broadcast_in_dim3A_5 : vector<16xi1>, vector<16xi32>
        %min3A_2697 = arith.minsi %min3A_2687, %select_n3A_2696 : vector<16xi32>
        %shift_left3A_2698 = arith.constant 8 : i32
        %shift_left3A_2699 = vector.broadcast %shift_left3A_2698 : i32 to vector<16xi32>
        %shift_left3A_2700 = arith.shli %get3A_2407, %shift_left3A_2699 : vector<16xi32>
        %add3A_2701 = arith.constant 112 : i32
        %add3A_2702 = vector.broadcast %add3A_2701 : i32 to vector<16xi32>
        %add3A_2703 = arith.addi %iota3A, %add3A_2702 : vector<16xi32>
        %add3A_2704 = arith.addi %shift_left3A_2700, %add3A_2703 : vector<16xi32>
        %eq3A_2705 = arith.cmpf oeq, %add3A_2552, %broadcast_in_dim3A_2627 : vector<16xf32>
        %select_n3A_2706 = arith.select %eq3A_2705, %add3A_2704, %broadcast_in_dim3A_5 : vector<16xi1>, vector<16xi32>
        %min3A_2707 = arith.minsi %min3A_2697, %select_n3A_2706 : vector<16xi32>
        %shift_left3A_2708 = arith.constant 8 : i32
        %shift_left3A_2709 = vector.broadcast %shift_left3A_2708 : i32 to vector<16xi32>
        %shift_left3A_2710 = arith.shli %get3A_2409, %shift_left3A_2709 : vector<16xi32>
        %add3A_2711 = arith.constant 128 : i32
        %add3A_2712 = vector.broadcast %add3A_2711 : i32 to vector<16xi32>
        %add3A_2713 = arith.addi %iota3A, %add3A_2712 : vector<16xi32>
        %add3A_2714 = arith.addi %shift_left3A_2710, %add3A_2713 : vector<16xi32>
        %eq3A_2715 = arith.cmpf oeq, %add3A_2555, %broadcast_in_dim3A_2627 : vector<16xf32>
        %select_n3A_2716 = arith.select %eq3A_2715, %add3A_2714, %broadcast_in_dim3A_5 : vector<16xi1>, vector<16xi32>
        %min3A_2717 = arith.minsi %min3A_2707, %select_n3A_2716 : vector<16xi32>
        %shift_left3A_2718 = arith.constant 8 : i32
        %shift_left3A_2719 = vector.broadcast %shift_left3A_2718 : i32 to vector<16xi32>
        %shift_left3A_2720 = arith.shli %get3A_2411, %shift_left3A_2719 : vector<16xi32>
        %add3A_2721 = arith.constant 144 : i32
        %add3A_2722 = vector.broadcast %add3A_2721 : i32 to vector<16xi32>
        %add3A_2723 = arith.addi %iota3A, %add3A_2722 : vector<16xi32>
        %add3A_2724 = arith.addi %shift_left3A_2720, %add3A_2723 : vector<16xi32>
        %eq3A_2725 = arith.cmpf oeq, %add3A_2558, %broadcast_in_dim3A_2627 : vector<16xf32>
        %select_n3A_2726 = arith.select %eq3A_2725, %add3A_2724, %broadcast_in_dim3A_5 : vector<16xi1>, vector<16xi32>
        %min3A_2727 = arith.minsi %min3A_2717, %select_n3A_2726 : vector<16xi32>
        %shift_left3A_2728 = arith.constant 8 : i32
        %shift_left3A_2729 = vector.broadcast %shift_left3A_2728 : i32 to vector<16xi32>
        %shift_left3A_2730 = arith.shli %get3A_2413, %shift_left3A_2729 : vector<16xi32>
        %add3A_2731 = arith.constant 160 : i32
        %add3A_2732 = vector.broadcast %add3A_2731 : i32 to vector<16xi32>
        %add3A_2733 = arith.addi %iota3A, %add3A_2732 : vector<16xi32>
        %add3A_2734 = arith.addi %shift_left3A_2730, %add3A_2733 : vector<16xi32>
        %eq3A_2735 = arith.cmpf oeq, %add3A_2561, %broadcast_in_dim3A_2627 : vector<16xf32>
        %select_n3A_2736 = arith.select %eq3A_2735, %add3A_2734, %broadcast_in_dim3A_5 : vector<16xi1>, vector<16xi32>
        %min3A_2737 = arith.minsi %min3A_2727, %select_n3A_2736 : vector<16xi32>
        %shift_left3A_2738 = arith.constant 8 : i32
        %shift_left3A_2739 = vector.broadcast %shift_left3A_2738 : i32 to vector<16xi32>
        %shift_left3A_2740 = arith.shli %get3A_2415, %shift_left3A_2739 : vector<16xi32>
        %add3A_2741 = arith.constant 176 : i32
        %add3A_2742 = vector.broadcast %add3A_2741 : i32 to vector<16xi32>
        %add3A_2743 = arith.addi %iota3A, %add3A_2742 : vector<16xi32>
        %add3A_2744 = arith.addi %shift_left3A_2740, %add3A_2743 : vector<16xi32>
        %eq3A_2745 = arith.cmpf oeq, %add3A_2564, %broadcast_in_dim3A_2627 : vector<16xf32>
        %select_n3A_2746 = arith.select %eq3A_2745, %add3A_2744, %broadcast_in_dim3A_5 : vector<16xi1>, vector<16xi32>
        %min3A_2747 = arith.minsi %min3A_2737, %select_n3A_2746 : vector<16xi32>
        %shift_left3A_2748 = arith.constant 8 : i32
        %shift_left3A_2749 = vector.broadcast %shift_left3A_2748 : i32 to vector<16xi32>
        %shift_left3A_2750 = arith.shli %get3A_2417, %shift_left3A_2749 : vector<16xi32>
        %add3A_2751 = arith.constant 192 : i32
        %add3A_2752 = vector.broadcast %add3A_2751 : i32 to vector<16xi32>
        %add3A_2753 = arith.addi %iota3A, %add3A_2752 : vector<16xi32>
        %add3A_2754 = arith.addi %shift_left3A_2750, %add3A_2753 : vector<16xi32>
        %eq3A_2755 = arith.cmpf oeq, %select_n3A_2610, %broadcast_in_dim3A_2627 : vector<16xf32>
        %select_n3A_2756 = arith.select %eq3A_2755, %add3A_2754, %broadcast_in_dim3A_5 : vector<16xi1>, vector<16xi32>
        %min3A_2757 = arith.minsi %min3A_2747, %select_n3A_2756 : vector<16xi32>
        %reduce_min3A_2758 = arith.constant true
        %reduce_min3A_2759 = vector.broadcast %reduce_min3A_2758 : i1 to vector<16xi1>
        %reduce_min3A_2760 = arith.constant -2147483648 : i32
        %reduce_min3A_2761 = vector.broadcast %reduce_min3A_2760 : i32 to vector<16xi32>
        %reduce_min3A_2762 = arith.xori %min3A_2757, %reduce_min3A_2761 : vector<16xi32>
        %reduce_min3A_2763 = tpu.scan <min>, %reduce_min3A_2762 masked %reduce_min3A_2759 : vector<16xi32>, vector<16xi1> -> vector<16xi32>
        %reduce_min3A_2764 = arith.xori %reduce_min3A_2763, %reduce_min3A_2761 : vector<16xi32>
        %reduce_min3A_2765 = vector.extract %reduce_min3A_2764[15] : i32 from vector<16xi32>
        %broadcast_in_dim3A_2766 = vector.broadcast %reduce_min3A_2765 : i32 to vector<16xi32>
        %shift_right_logical3A_2767 = arith.constant 8 : i32
        %shift_right_logical3A_2768 = vector.broadcast %shift_right_logical3A_2767 : i32 to vector<16xi32>
        %shift_right_logical3A_2769 = arith.shrui %broadcast_in_dim3A_2766, %shift_right_logical3A_2768 : vector<16xi32>
        %and3A_2770 = arith.constant 255 : i32
        %and3A_2771 = vector.broadcast %and3A_2770 : i32 to vector<16xi32>
        %and3A_2772 = arith.andi %broadcast_in_dim3A_2766, %and3A_2771 : vector<16xi32>
        %broadcast_in_dim3A_2773 = vector.broadcast %add3A_2389 : i32 to vector<16xi32>
        tpu.vector_store_idx %arg11[%shift_right_logical3A_2769], %broadcast_in_dim3A_2773 masked %eq3A_2 : memref<2048xi32, #tpu.memory_space<vmem>>[vector<16xi32>], vector<16xi32>, vector<16xi1>
        %broadcast_in_dim3A_2774 = vector.broadcast %sub3A_2391 : i32 to vector<16xi32>
        tpu.vector_store_idx %arg10[%and3A_2772], %broadcast_in_dim3A_2774 masked %eq3A_2 : memref<208xi32, #tpu.memory_space<vmem>>[vector<16xi32>], vector<16xi32>, vector<16xi1>
        %add3A_2775 = arith.constant 2 : i32
        %add3A_2776 = arith.addi %add3A_1550, %add3A_2775 : i32
        %add3A_2777 = arith.constant 4 : i32
        %add3A_2778 = arith.addi %add3A_2776, %add3A_2777 : i32
        %dma_start3A_2779 = arith.constant 0 : i32
        %dma_start3A_2780 = tpu.memref_slice %arg8[%dma_start3A_2779] : memref<2064xf32, #tpu.memory_space<vmem>> -> memref<2048xf32, #tpu.memory_space<vmem>>
        %dma_start3A_2781 = arith.constant 0 : i32
        %dma_start3A_2782 = tpu.memref_slice %arg2[%add3A, %add3A_2778, %dma_start3A_2781] : memref<16x2048x2048xf32, #tpu.memory_space<hbm>> -> memref<1x1x2048xf32, #tpu.memory_space<hbm>>
        %dma_start3A_2783 = tpu.memref_squeeze %dma_start3A_2782 : memref<1x1x2048xf32, #tpu.memory_space<hbm>> -> memref<2048xf32, #tpu.memory_space<hbm>>
        %dma_start3A_2784 = arith.constant 0 : i32
        %dma_start3A_2785 = tpu.memref_slice %arg8[%dma_start3A_2784] : memref<2064xf32, #tpu.memory_space<vmem>> -> memref<2048xf32, #tpu.memory_space<vmem>>
        %dma_start3A_2786 = arith.constant 0 : i32
        %dma_start3A_2787 = tpu.memref_slice %arg2[%add3A, %add3A_2778, %dma_start3A_2786] : memref<16x2048x2048xf32, #tpu.memory_space<hbm>> -> memref<1x1x2048xf32, #tpu.memory_space<hbm>>
        %dma_start3A_2788 = tpu.memref_squeeze %dma_start3A_2787 : memref<1x1x2048xf32, #tpu.memory_space<hbm>> -> memref<2048xf32, #tpu.memory_space<hbm>>
        tpu.enqueue_dma source(%dma_start3A_2788 : memref<2048xf32, #tpu.memory_space<hbm>>) target(%dma_start3A_2785 : memref<2048xf32, #tpu.memory_space<vmem>>) target_semaphore(%arg14 : memref<!tpu.dma_semaphore, #tpu.memory_space<semaphore_mem>>)
        %add3A_2789 = arith.constant 3 : i32
        %add3A_2790 = arith.addi %add3A_1550, %add3A_2789 : i32
        %dma_wait3A_2791 = arith.constant 0 : i32
        %dma_wait3A_2792 = tpu.memref_slice %arg9[%dma_wait3A_2791] : memref<2064xf32, #tpu.memory_space<vmem>> -> memref<2048xf32, #tpu.memory_space<vmem>>
        %dma_wait3A_2793 = arith.constant 0 : i32
        %dma_wait3A_2794 = tpu.memref_slice %arg2[%add3A, %add3A_2790, %dma_wait3A_2793] : memref<16x2048x2048xf32, #tpu.memory_space<hbm>> -> memref<1x1x2048xf32, #tpu.memory_space<hbm>>
        %dma_wait3A_2795 = tpu.memref_squeeze %dma_wait3A_2794 : memref<1x1x2048xf32, #tpu.memory_space<hbm>> -> memref<2048xf32, #tpu.memory_space<hbm>>
        %dma_wait3A_2796 = arith.constant 0 : i32
        %dma_wait3A_2797 = tpu.memref_slice %arg9[%dma_wait3A_2796] : memref<2064xf32, #tpu.memory_space<vmem>> -> memref<2048xf32, #tpu.memory_space<vmem>>
        %dma_wait3A_2798 = arith.constant 0 : i32
        %dma_wait3A_2799 = tpu.memref_slice %arg2[%add3A, %add3A_2790, %dma_wait3A_2798] : memref<16x2048x2048xf32, #tpu.memory_space<hbm>> -> memref<1x1x2048xf32, #tpu.memory_space<hbm>>
        %dma_wait3A_2800 = tpu.memref_squeeze %dma_wait3A_2799 : memref<1x1x2048xf32, #tpu.memory_space<hbm>> -> memref<2048xf32, #tpu.memory_space<hbm>>
        tpu.wait_dma2 semaphore(%arg15 : memref<!tpu.dma_semaphore, #tpu.memory_space<semaphore_mem>>) src(%dma_wait3A_2800 : memref<2048xf32, #tpu.memory_space<hbm>>) dst(%dma_wait3A_2797 : memref<2048xf32, #tpu.memory_space<vmem>>)
        %add3A_2801 = arith.constant 3 : i32
        %add3A_2802 = arith.addi %add3A_1550, %add3A_2801 : i32
        %sub3A_2803 = arith.constant 203 : i32
        %sub3A_2804 = arith.subi %add3A_2802, %sub3A_2803 : i32
        %get3A_2805 = arith.constant 0 : index
        %get3A_2806 = tpu.vector_load %arg10[%get3A_2805] {strides = array<i32>} : memref<208xi32, #tpu.memory_space<vmem>>, vector<16xi32>,
        %get3A_2807 = arith.constant 16 : index
        %get3A_2808 = tpu.vector_load %arg10[%get3A_2807] {strides = array<i32>} : memref<208xi32, #tpu.memory_space<vmem>>, vector<16xi32>,
        %get3A_2809 = arith.constant 32 : index
        %get3A_2810 = tpu.vector_load %arg10[%get3A_2809] {strides = array<i32>} : memref<208xi32, #tpu.memory_space<vmem>>, vector<16xi32>,
        %get3A_2811 = arith.constant 48 : index
        %get3A_2812 = tpu.vector_load %arg10[%get3A_2811] {strides = array<i32>} : memref<208xi32, #tpu.memory_space<vmem>>, vector<16xi32>,
        %get3A_2813 = arith.constant 64 : index
        %get3A_2814 = tpu.vector_load %arg10[%get3A_2813] {strides = array<i32>} : memref<208xi32, #tpu.memory_space<vmem>>, vector<16xi32>,
        %get3A_2815 = arith.constant 80 : index
        %get3A_2816 = tpu.vector_load %arg10[%get3A_2815] {strides = array<i32>} : memref<208xi32, #tpu.memory_space<vmem>>, vector<16xi32>,
        %get3A_2817 = arith.constant 96 : index
        %get3A_2818 = tpu.vector_load %arg10[%get3A_2817] {strides = array<i32>} : memref<208xi32, #tpu.memory_space<vmem>>, vector<16xi32>,
        %get3A_2819 = arith.constant 112 : index
        %get3A_2820 = tpu.vector_load %arg10[%get3A_2819] {strides = array<i32>} : memref<208xi32, #tpu.memory_space<vmem>>, vector<16xi32>,
        %get3A_2821 = arith.constant 128 : index
        %get3A_2822 = tpu.vector_load %arg10[%get3A_2821] {strides = array<i32>} : memref<208xi32, #tpu.memory_space<vmem>>, vector<16xi32>,
        %get3A_2823 = arith.constant 144 : index
        %get3A_2824 = tpu.vector_load %arg10[%get3A_2823] {strides = array<i32>} : memref<208xi32, #tpu.memory_space<vmem>>, vector<16xi32>,
        %get3A_2825 = arith.constant 160 : index
        %get3A_2826 = tpu.vector_load %arg10[%get3A_2825] {strides = array<i32>} : memref<208xi32, #tpu.memory_space<vmem>>, vector<16xi32>,
        %get3A_2827 = arith.constant 176 : index
        %get3A_2828 = tpu.vector_load %arg10[%get3A_2827] {strides = array<i32>} : memref<208xi32, #tpu.memory_space<vmem>>, vector<16xi32>,
        %get3A_2829 = arith.constant 192 : index
        %get3A_2830 = tpu.vector_load %arg10[%get3A_2829] {strides = array<i32>} : memref<208xi32, #tpu.memory_space<vmem>>, vector<16xi32>,
        %gather3A_2831 = tpu.vector_load_idx %arg9[%get3A_2806] : memref<2064xf32, #tpu.memory_space<vmem>>[vector<16xi32>], vector<16xf32>,
        %gather3A_2832 = tpu.vector_load_idx %arg9[%get3A_2808] : memref<2064xf32, #tpu.memory_space<vmem>>[vector<16xi32>], vector<16xf32>,
        %gather3A_2833 = tpu.vector_load_idx %arg9[%get3A_2810] : memref<2064xf32, #tpu.memory_space<vmem>>[vector<16xi32>], vector<16xf32>,
        %gather3A_2834 = tpu.vector_load_idx %arg9[%get3A_2812] : memref<2064xf32, #tpu.memory_space<vmem>>[vector<16xi32>], vector<16xf32>,
        %gather3A_2835 = tpu.vector_load_idx %arg9[%get3A_2814] : memref<2064xf32, #tpu.memory_space<vmem>>[vector<16xi32>], vector<16xf32>,
        %gather3A_2836 = tpu.vector_load_idx %arg9[%get3A_2816] : memref<2064xf32, #tpu.memory_space<vmem>>[vector<16xi32>], vector<16xf32>,
        %gather3A_2837 = tpu.vector_load_idx %arg9[%get3A_2818] : memref<2064xf32, #tpu.memory_space<vmem>>[vector<16xi32>], vector<16xf32>,
        %gather3A_2838 = tpu.vector_load_idx %arg9[%get3A_2820] : memref<2064xf32, #tpu.memory_space<vmem>>[vector<16xi32>], vector<16xf32>,
        %gather3A_2839 = tpu.vector_load_idx %arg9[%get3A_2822] : memref<2064xf32, #tpu.memory_space<vmem>>[vector<16xi32>], vector<16xf32>,
        %gather3A_2840 = tpu.vector_load_idx %arg9[%get3A_2824] : memref<2064xf32, #tpu.memory_space<vmem>>[vector<16xi32>], vector<16xf32>,
        %gather3A_2841 = tpu.vector_load_idx %arg9[%get3A_2826] : memref<2064xf32, #tpu.memory_space<vmem>>[vector<16xi32>], vector<16xf32>,
        %gather3A_2842 = tpu.vector_load_idx %arg9[%get3A_2828] : memref<2064xf32, #tpu.memory_space<vmem>>[vector<16xi32>], vector<16xf32>,
        %gather3A_2843 = tpu.vector_load_idx %arg9[%get3A_2830] : memref<2064xf32, #tpu.memory_space<vmem>>[vector<16xi32>], vector<16xf32>,
        %add3A_2844 = arith.constant 0 : i32
        %add3A_2845 = arith.addi %sub3A_2804, %add3A_2844 : i32
        %broadcast_in_dim3A_2846 = vector.broadcast %add3A_2845 : i32 to vector<16xi32>
        %add3A_2847 = arith.addi %broadcast_in_dim3A_2846, %iota3A : vector<16xi32>
        %add3A_2848 = arith.constant 16 : i32
        %add3A_2849 = arith.addi %sub3A_2804, %add3A_2848 : i32
        %broadcast_in_dim3A_2850 = vector.broadcast %add3A_2849 : i32 to vector<16xi32>
        %add3A_2851 = arith.addi %broadcast_in_dim3A_2850, %iota3A : vector<16xi32>
        %add3A_2852 = arith.constant 32 : i32
        %add3A_2853 = arith.addi %sub3A_2804, %add3A_2852 : i32
        %broadcast_in_dim3A_2854 = vector.broadcast %add3A_2853 : i32 to vector<16xi32>
        %add3A_2855 = arith.addi %broadcast_in_dim3A_2854, %iota3A : vector<16xi32>
        %add3A_2856 = arith.constant 48 : i32
        %add3A_2857 = arith.addi %sub3A_2804, %add3A_2856 : i32
        %broadcast_in_dim3A_2858 = vector.broadcast %add3A_2857 : i32 to vector<16xi32>
        %add3A_2859 = arith.addi %broadcast_in_dim3A_2858, %iota3A : vector<16xi32>
        %add3A_2860 = arith.constant 64 : i32
        %add3A_2861 = arith.addi %sub3A_2804, %add3A_2860 : i32
        %broadcast_in_dim3A_2862 = vector.broadcast %add3A_2861 : i32 to vector<16xi32>
        %add3A_2863 = arith.addi %broadcast_in_dim3A_2862, %iota3A : vector<16xi32>
        %add3A_2864 = arith.constant 80 : i32
        %add3A_2865 = arith.addi %sub3A_2804, %add3A_2864 : i32
        %broadcast_in_dim3A_2866 = vector.broadcast %add3A_2865 : i32 to vector<16xi32>
        %add3A_2867 = arith.addi %broadcast_in_dim3A_2866, %iota3A : vector<16xi32>
        %add3A_2868 = arith.constant 96 : i32
        %add3A_2869 = arith.addi %sub3A_2804, %add3A_2868 : i32
        %broadcast_in_dim3A_2870 = vector.broadcast %add3A_2869 : i32 to vector<16xi32>
        %add3A_2871 = arith.addi %broadcast_in_dim3A_2870, %iota3A : vector<16xi32>
        %add3A_2872 = arith.constant 112 : i32
        %add3A_2873 = arith.addi %sub3A_2804, %add3A_2872 : i32
        %broadcast_in_dim3A_2874 = vector.broadcast %add3A_2873 : i32 to vector<16xi32>
        %add3A_2875 = arith.addi %broadcast_in_dim3A_2874, %iota3A : vector<16xi32>
        %add3A_2876 = arith.constant 128 : i32
        %add3A_2877 = arith.addi %sub3A_2804, %add3A_2876 : i32
        %broadcast_in_dim3A_2878 = vector.broadcast %add3A_2877 : i32 to vector<16xi32>
        %add3A_2879 = arith.addi %broadcast_in_dim3A_2878, %iota3A : vector<16xi32>
        %add3A_2880 = arith.constant 144 : i32
        %add3A_2881 = arith.addi %sub3A_2804, %add3A_2880 : i32
        %broadcast_in_dim3A_2882 = vector.broadcast %add3A_2881 : i32 to vector<16xi32>
        %add3A_2883 = arith.addi %broadcast_in_dim3A_2882, %iota3A : vector<16xi32>
        %add3A_2884 = arith.constant 160 : i32
        %add3A_2885 = arith.addi %sub3A_2804, %add3A_2884 : i32
        %broadcast_in_dim3A_2886 = vector.broadcast %add3A_2885 : i32 to vector<16xi32>
        %add3A_2887 = arith.addi %broadcast_in_dim3A_2886, %iota3A : vector<16xi32>
        %add3A_2888 = arith.constant 176 : i32
        %add3A_2889 = arith.addi %sub3A_2804, %add3A_2888 : i32
        %broadcast_in_dim3A_2890 = vector.broadcast %add3A_2889 : i32 to vector<16xi32>
        %add3A_2891 = arith.addi %broadcast_in_dim3A_2890, %iota3A : vector<16xi32>
        %add3A_2892 = arith.constant 192 : i32
        %add3A_2893 = arith.addi %sub3A_2804, %add3A_2892 : i32
        %broadcast_in_dim3A_2894 = vector.broadcast %add3A_2893 : i32 to vector<16xi32>
        %add3A_2895 = arith.addi %broadcast_in_dim3A_2894, %iota3A : vector<16xi32>
        %gather3A_2896 = tpu.vector_load_idx %arg9[%add3A_2847] : memref<2064xf32, #tpu.memory_space<vmem>>[vector<16xi32>], vector<16xf32>,
        %gather3A_2897 = tpu.vector_load_idx %arg9[%add3A_2851] : memref<2064xf32, #tpu.memory_space<vmem>>[vector<16xi32>], vector<16xf32>,
        %gather3A_2898 = tpu.vector_load_idx %arg9[%add3A_2855] : memref<2064xf32, #tpu.memory_space<vmem>>[vector<16xi32>], vector<16xf32>,
        %gather3A_2899 = tpu.vector_load_idx %arg9[%add3A_2859] : memref<2064xf32, #tpu.memory_space<vmem>>[vector<16xi32>], vector<16xf32>,
        %gather3A_2900 = tpu.vector_load_idx %arg9[%add3A_2863] : memref<2064xf32, #tpu.memory_space<vmem>>[vector<16xi32>], vector<16xf32>,
        %gather3A_2901 = tpu.vector_load_idx %arg9[%add3A_2867] : memref<2064xf32, #tpu.memory_space<vmem>>[vector<16xi32>], vector<16xf32>,
        %gather3A_2902 = tpu.vector_load_idx %arg9[%add3A_2871] : memref<2064xf32, #tpu.memory_space<vmem>>[vector<16xi32>], vector<16xf32>,
        %gather3A_2903 = tpu.vector_load_idx %arg9[%add3A_2875] : memref<2064xf32, #tpu.memory_space<vmem>>[vector<16xi32>], vector<16xf32>,
        %gather3A_2904 = tpu.vector_load_idx %arg9[%add3A_2879] : memref<2064xf32, #tpu.memory_space<vmem>>[vector<16xi32>], vector<16xf32>,
        %gather3A_2905 = tpu.vector_load_idx %arg9[%add3A_2883] : memref<2064xf32, #tpu.memory_space<vmem>>[vector<16xi32>], vector<16xf32>,
        %gather3A_2906 = tpu.vector_load_idx %arg9[%add3A_2887] : memref<2064xf32, #tpu.memory_space<vmem>>[vector<16xi32>], vector<16xf32>,
        %gather3A_2907 = tpu.vector_load_idx %arg9[%add3A_2891] : memref<2064xf32, #tpu.memory_space<vmem>>[vector<16xi32>], vector<16xf32>,
        %gather3A_2908 = tpu.vector_load_idx %arg9[%add3A_2895] : memref<2064xf32, #tpu.memory_space<vmem>>[vector<16xi32>], vector<16xf32>,
        %add3A_2909 = arith.addf %gather3A_2831, %gather3A_2832 : vector<16xf32>
        %add3A_2910 = arith.addf %add3A_2909, %gather3A_2833 : vector<16xf32>
        %add3A_2911 = arith.addf %add3A_2910, %gather3A_2834 : vector<16xf32>
        %add3A_2912 = arith.addf %add3A_2911, %gather3A_2835 : vector<16xf32>
        %add3A_2913 = arith.addf %add3A_2912, %gather3A_2836 : vector<16xf32>
        %add3A_2914 = arith.addf %add3A_2913, %gather3A_2837 : vector<16xf32>
        %add3A_2915 = arith.addf %add3A_2914, %gather3A_2838 : vector<16xf32>
        %add3A_2916 = arith.addf %add3A_2915, %gather3A_2839 : vector<16xf32>
        %add3A_2917 = arith.addf %add3A_2916, %gather3A_2840 : vector<16xf32>
        %add3A_2918 = arith.addf %add3A_2917, %gather3A_2841 : vector<16xf32>
        %add3A_2919 = arith.addf %add3A_2918, %gather3A_2842 : vector<16xf32>
        %add3A_2920 = arith.addf %add3A_2919, %gather3A_2843 : vector<16xf32>
        %add3A_2921 = arith.addf %add3A_2920, %gather3A_2896 : vector<16xf32>
        %add3A_2922 = arith.addf %add3A_2921, %gather3A_2897 : vector<16xf32>
        %add3A_2923 = arith.addf %add3A_2922, %gather3A_2898 : vector<16xf32>
        %add3A_2924 = arith.addf %add3A_2923, %gather3A_2899 : vector<16xf32>
        %add3A_2925 = arith.addf %add3A_2924, %gather3A_2900 : vector<16xf32>
        %add3A_2926 = arith.addf %add3A_2925, %gather3A_2901 : vector<16xf32>
        %add3A_2927 = arith.addf %add3A_2926, %gather3A_2902 : vector<16xf32>
        %add3A_2928 = arith.addf %add3A_2927, %gather3A_2903 : vector<16xf32>
        %add3A_2929 = arith.addf %add3A_2928, %gather3A_2904 : vector<16xf32>
        %add3A_2930 = arith.addf %add3A_2929, %gather3A_2905 : vector<16xf32>
        %add3A_2931 = arith.addf %add3A_2930, %gather3A_2906 : vector<16xf32>
        %add3A_2932 = arith.addf %add3A_2931, %gather3A_2907 : vector<16xf32>
        %add3A_2933 = arith.addf %add3A_2932, %gather3A_2908 : vector<16xf32>
        %reduce_sum3A_2934 = arith.constant true
        %reduce_sum3A_2935 = vector.broadcast %reduce_sum3A_2934 : i1 to vector<16xi1>
        %reduce_sum3A_2936 = tpu.scan <sum>, %add3A_2933 masked %reduce_sum3A_2935 : vector<16xf32>, vector<16xi1> -> vector<16xf32>
        %reduce_sum3A_2937 = vector.extract %reduce_sum3A_2936[15] : f32 from vector<16xf32>
        %broadcast_in_dim3A_2938 = vector.broadcast %reduce_sum3A_2937 : f32 to vector<16xf32>
        %div3A_2939 = arith.constant 1.000000e+00 : f32
        %div3A_2940 = vector.broadcast %div3A_2939 : f32 to vector<16xf32>
        %div3A_2941 = arith.divf %div3A_2940, %broadcast_in_dim3A_2938 : vector<16xf32>
        %gather3A_2942 = tpu.vector_load_idx %arg5[%get3A_2806] : memref<2064xf32, #tpu.memory_space<vmem>>[vector<16xi32>], vector<16xf32>,
        %mul3A_2943 = arith.mulf %gather3A_2831, %div3A_2941 : vector<16xf32>
        %add3A_2944 = arith.addf %gather3A_2942, %mul3A_2943 : vector<16xf32>
        tpu.vector_store_idx %arg5[%get3A_2806], %add3A_2944 : memref<2064xf32, #tpu.memory_space<vmem>>[vector<16xi32>], vector<16xf32>,
        %gather3A_2945 = tpu.vector_load_idx %arg5[%get3A_2808] : memref<2064xf32, #tpu.memory_space<vmem>>[vector<16xi32>], vector<16xf32>,
        %mul3A_2946 = arith.mulf %gather3A_2832, %div3A_2941 : vector<16xf32>
        %add3A_2947 = arith.addf %gather3A_2945, %mul3A_2946 : vector<16xf32>
        tpu.vector_store_idx %arg5[%get3A_2808], %add3A_2947 : memref<2064xf32, #tpu.memory_space<vmem>>[vector<16xi32>], vector<16xf32>,
        %gather3A_2948 = tpu.vector_load_idx %arg5[%get3A_2810] : memref<2064xf32, #tpu.memory_space<vmem>>[vector<16xi32>], vector<16xf32>,
        %mul3A_2949 = arith.mulf %gather3A_2833, %div3A_2941 : vector<16xf32>
        %add3A_2950 = arith.addf %gather3A_2948, %mul3A_2949 : vector<16xf32>
        tpu.vector_store_idx %arg5[%get3A_2810], %add3A_2950 : memref<2064xf32, #tpu.memory_space<vmem>>[vector<16xi32>], vector<16xf32>,
        %gather3A_2951 = tpu.vector_load_idx %arg5[%get3A_2812] : memref<2064xf32, #tpu.memory_space<vmem>>[vector<16xi32>], vector<16xf32>,
        %mul3A_2952 = arith.mulf %gather3A_2834, %div3A_2941 : vector<16xf32>
        %add3A_2953 = arith.addf %gather3A_2951, %mul3A_2952 : vector<16xf32>
        tpu.vector_store_idx %arg5[%get3A_2812], %add3A_2953 : memref<2064xf32, #tpu.memory_space<vmem>>[vector<16xi32>], vector<16xf32>,
        %gather3A_2954 = tpu.vector_load_idx %arg5[%get3A_2814] : memref<2064xf32, #tpu.memory_space<vmem>>[vector<16xi32>], vector<16xf32>,
        %mul3A_2955 = arith.mulf %gather3A_2835, %div3A_2941 : vector<16xf32>
        %add3A_2956 = arith.addf %gather3A_2954, %mul3A_2955 : vector<16xf32>
        tpu.vector_store_idx %arg5[%get3A_2814], %add3A_2956 : memref<2064xf32, #tpu.memory_space<vmem>>[vector<16xi32>], vector<16xf32>,
        %gather3A_2957 = tpu.vector_load_idx %arg5[%get3A_2816] : memref<2064xf32, #tpu.memory_space<vmem>>[vector<16xi32>], vector<16xf32>,
        %mul3A_2958 = arith.mulf %gather3A_2836, %div3A_2941 : vector<16xf32>
        %add3A_2959 = arith.addf %gather3A_2957, %mul3A_2958 : vector<16xf32>
        tpu.vector_store_idx %arg5[%get3A_2816], %add3A_2959 : memref<2064xf32, #tpu.memory_space<vmem>>[vector<16xi32>], vector<16xf32>,
        %gather3A_2960 = tpu.vector_load_idx %arg5[%get3A_2818] : memref<2064xf32, #tpu.memory_space<vmem>>[vector<16xi32>], vector<16xf32>,
        %mul3A_2961 = arith.mulf %gather3A_2837, %div3A_2941 : vector<16xf32>
        %add3A_2962 = arith.addf %gather3A_2960, %mul3A_2961 : vector<16xf32>
        tpu.vector_store_idx %arg5[%get3A_2818], %add3A_2962 : memref<2064xf32, #tpu.memory_space<vmem>>[vector<16xi32>], vector<16xf32>,
        %gather3A_2963 = tpu.vector_load_idx %arg5[%get3A_2820] : memref<2064xf32, #tpu.memory_space<vmem>>[vector<16xi32>], vector<16xf32>,
        %mul3A_2964 = arith.mulf %gather3A_2838, %div3A_2941 : vector<16xf32>
        %add3A_2965 = arith.addf %gather3A_2963, %mul3A_2964 : vector<16xf32>
        tpu.vector_store_idx %arg5[%get3A_2820], %add3A_2965 : memref<2064xf32, #tpu.memory_space<vmem>>[vector<16xi32>], vector<16xf32>,
        %gather3A_2966 = tpu.vector_load_idx %arg5[%get3A_2822] : memref<2064xf32, #tpu.memory_space<vmem>>[vector<16xi32>], vector<16xf32>,
        %mul3A_2967 = arith.mulf %gather3A_2839, %div3A_2941 : vector<16xf32>
        %add3A_2968 = arith.addf %gather3A_2966, %mul3A_2967 : vector<16xf32>
        tpu.vector_store_idx %arg5[%get3A_2822], %add3A_2968 : memref<2064xf32, #tpu.memory_space<vmem>>[vector<16xi32>], vector<16xf32>,
        %gather3A_2969 = tpu.vector_load_idx %arg5[%get3A_2824] : memref<2064xf32, #tpu.memory_space<vmem>>[vector<16xi32>], vector<16xf32>,
        %mul3A_2970 = arith.mulf %gather3A_2840, %div3A_2941 : vector<16xf32>
        %add3A_2971 = arith.addf %gather3A_2969, %mul3A_2970 : vector<16xf32>
        tpu.vector_store_idx %arg5[%get3A_2824], %add3A_2971 : memref<2064xf32, #tpu.memory_space<vmem>>[vector<16xi32>], vector<16xf32>,
        %gather3A_2972 = tpu.vector_load_idx %arg5[%get3A_2826] : memref<2064xf32, #tpu.memory_space<vmem>>[vector<16xi32>], vector<16xf32>,
        %mul3A_2973 = arith.mulf %gather3A_2841, %div3A_2941 : vector<16xf32>
        %add3A_2974 = arith.addf %gather3A_2972, %mul3A_2973 : vector<16xf32>
        tpu.vector_store_idx %arg5[%get3A_2826], %add3A_2974 : memref<2064xf32, #tpu.memory_space<vmem>>[vector<16xi32>], vector<16xf32>,
        %gather3A_2975 = tpu.vector_load_idx %arg5[%get3A_2828] : memref<2064xf32, #tpu.memory_space<vmem>>[vector<16xi32>], vector<16xf32>,
        %mul3A_2976 = arith.mulf %gather3A_2842, %div3A_2941 : vector<16xf32>
        %add3A_2977 = arith.addf %gather3A_2975, %mul3A_2976 : vector<16xf32>
        tpu.vector_store_idx %arg5[%get3A_2828], %add3A_2977 : memref<2064xf32, #tpu.memory_space<vmem>>[vector<16xi32>], vector<16xf32>,
        %gather3A_2978 = tpu.vector_load_idx %arg5[%get3A_2830] : memref<2064xf32, #tpu.memory_space<vmem>>[vector<16xi32>], vector<16xf32>,
        %mul3A_2979 = arith.mulf %gather3A_2843, %div3A_2941 : vector<16xf32>
        %add3A_2980 = arith.addf %gather3A_2978, %mul3A_2979 : vector<16xf32>
        tpu.vector_store_idx %arg5[%get3A_2830], %add3A_2980 : memref<2064xf32, #tpu.memory_space<vmem>>[vector<16xi32>], vector<16xf32>,
        %gather3A_2981 = tpu.vector_load_idx %arg5[%add3A_2847] : memref<2064xf32, #tpu.memory_space<vmem>>[vector<16xi32>], vector<16xf32>,
        %mul3A_2982 = arith.mulf %gather3A_2896, %div3A_2941 : vector<16xf32>
        %add3A_2983 = arith.addf %gather3A_2981, %mul3A_2982 : vector<16xf32>
        tpu.vector_store_idx %arg5[%add3A_2847], %add3A_2983 : memref<2064xf32, #tpu.memory_space<vmem>>[vector<16xi32>], vector<16xf32>,
        %gather3A_2984 = tpu.vector_load_idx %arg5[%add3A_2851] : memref<2064xf32, #tpu.memory_space<vmem>>[vector<16xi32>], vector<16xf32>,
        %mul3A_2985 = arith.mulf %gather3A_2897, %div3A_2941 : vector<16xf32>
        %add3A_2986 = arith.addf %gather3A_2984, %mul3A_2985 : vector<16xf32>
        tpu.vector_store_idx %arg5[%add3A_2851], %add3A_2986 : memref<2064xf32, #tpu.memory_space<vmem>>[vector<16xi32>], vector<16xf32>,
        %gather3A_2987 = tpu.vector_load_idx %arg5[%add3A_2855] : memref<2064xf32, #tpu.memory_space<vmem>>[vector<16xi32>], vector<16xf32>,
        %mul3A_2988 = arith.mulf %gather3A_2898, %div3A_2941 : vector<16xf32>
        %add3A_2989 = arith.addf %gather3A_2987, %mul3A_2988 : vector<16xf32>
        tpu.vector_store_idx %arg5[%add3A_2855], %add3A_2989 : memref<2064xf32, #tpu.memory_space<vmem>>[vector<16xi32>], vector<16xf32>,
        %gather3A_2990 = tpu.vector_load_idx %arg5[%add3A_2859] : memref<2064xf32, #tpu.memory_space<vmem>>[vector<16xi32>], vector<16xf32>,
        %mul3A_2991 = arith.mulf %gather3A_2899, %div3A_2941 : vector<16xf32>
        %add3A_2992 = arith.addf %gather3A_2990, %mul3A_2991 : vector<16xf32>
        tpu.vector_store_idx %arg5[%add3A_2859], %add3A_2992 : memref<2064xf32, #tpu.memory_space<vmem>>[vector<16xi32>], vector<16xf32>,
        %gather3A_2993 = tpu.vector_load_idx %arg5[%add3A_2863] : memref<2064xf32, #tpu.memory_space<vmem>>[vector<16xi32>], vector<16xf32>,
        %mul3A_2994 = arith.mulf %gather3A_2900, %div3A_2941 : vector<16xf32>
        %add3A_2995 = arith.addf %gather3A_2993, %mul3A_2994 : vector<16xf32>
        tpu.vector_store_idx %arg5[%add3A_2863], %add3A_2995 : memref<2064xf32, #tpu.memory_space<vmem>>[vector<16xi32>], vector<16xf32>,
        %gather3A_2996 = tpu.vector_load_idx %arg5[%add3A_2867] : memref<2064xf32, #tpu.memory_space<vmem>>[vector<16xi32>], vector<16xf32>,
        %mul3A_2997 = arith.mulf %gather3A_2901, %div3A_2941 : vector<16xf32>
        %add3A_2998 = arith.addf %gather3A_2996, %mul3A_2997 : vector<16xf32>
        tpu.vector_store_idx %arg5[%add3A_2867], %add3A_2998 : memref<2064xf32, #tpu.memory_space<vmem>>[vector<16xi32>], vector<16xf32>,
        %gather3A_2999 = tpu.vector_load_idx %arg5[%add3A_2871] : memref<2064xf32, #tpu.memory_space<vmem>>[vector<16xi32>], vector<16xf32>,
        %mul3A_3000 = arith.mulf %gather3A_2902, %div3A_2941 : vector<16xf32>
        %add3A_3001 = arith.addf %gather3A_2999, %mul3A_3000 : vector<16xf32>
        tpu.vector_store_idx %arg5[%add3A_2871], %add3A_3001 : memref<2064xf32, #tpu.memory_space<vmem>>[vector<16xi32>], vector<16xf32>,
        %gather3A_3002 = tpu.vector_load_idx %arg5[%add3A_2875] : memref<2064xf32, #tpu.memory_space<vmem>>[vector<16xi32>], vector<16xf32>,
        %mul3A_3003 = arith.mulf %gather3A_2903, %div3A_2941 : vector<16xf32>
        %add3A_3004 = arith.addf %gather3A_3002, %mul3A_3003 : vector<16xf32>
        tpu.vector_store_idx %arg5[%add3A_2875], %add3A_3004 : memref<2064xf32, #tpu.memory_space<vmem>>[vector<16xi32>], vector<16xf32>,
        %gather3A_3005 = tpu.vector_load_idx %arg5[%add3A_2879] : memref<2064xf32, #tpu.memory_space<vmem>>[vector<16xi32>], vector<16xf32>,
        %mul3A_3006 = arith.mulf %gather3A_2904, %div3A_2941 : vector<16xf32>
        %add3A_3007 = arith.addf %gather3A_3005, %mul3A_3006 : vector<16xf32>
        tpu.vector_store_idx %arg5[%add3A_2879], %add3A_3007 : memref<2064xf32, #tpu.memory_space<vmem>>[vector<16xi32>], vector<16xf32>,
        %gather3A_3008 = tpu.vector_load_idx %arg5[%add3A_2883] : memref<2064xf32, #tpu.memory_space<vmem>>[vector<16xi32>], vector<16xf32>,
        %mul3A_3009 = arith.mulf %gather3A_2905, %div3A_2941 : vector<16xf32>
        %add3A_3010 = arith.addf %gather3A_3008, %mul3A_3009 : vector<16xf32>
        tpu.vector_store_idx %arg5[%add3A_2883], %add3A_3010 : memref<2064xf32, #tpu.memory_space<vmem>>[vector<16xi32>], vector<16xf32>,
        %gather3A_3011 = tpu.vector_load_idx %arg5[%add3A_2887] : memref<2064xf32, #tpu.memory_space<vmem>>[vector<16xi32>], vector<16xf32>,
        %mul3A_3012 = arith.mulf %gather3A_2906, %div3A_2941 : vector<16xf32>
        %add3A_3013 = arith.addf %gather3A_3011, %mul3A_3012 : vector<16xf32>
        tpu.vector_store_idx %arg5[%add3A_2887], %add3A_3013 : memref<2064xf32, #tpu.memory_space<vmem>>[vector<16xi32>], vector<16xf32>,
        %gather3A_3014 = tpu.vector_load_idx %arg5[%add3A_2891] : memref<2064xf32, #tpu.memory_space<vmem>>[vector<16xi32>], vector<16xf32>,
        %mul3A_3015 = arith.mulf %gather3A_2907, %div3A_2941 : vector<16xf32>
        %add3A_3016 = arith.addf %gather3A_3014, %mul3A_3015 : vector<16xf32>
        tpu.vector_store_idx %arg5[%add3A_2891], %add3A_3016 : memref<2064xf32, #tpu.memory_space<vmem>>[vector<16xi32>], vector<16xf32>,
        %gather3A_3017 = tpu.vector_load_idx %arg5[%add3A_2895] : memref<2064xf32, #tpu.memory_space<vmem>>[vector<16xi32>], vector<16xf32>,
        %mul3A_3018 = arith.mulf %gather3A_2908, %div3A_2941 : vector<16xf32>
        %add3A_3019 = arith.addf %gather3A_3017, %mul3A_3018 : vector<16xf32>
        tpu.vector_store_idx %arg5[%add3A_2895], %add3A_3019 : memref<2064xf32, #tpu.memory_space<vmem>>[vector<16xi32>], vector<16xf32>,
        %lt3A_3020 = arith.constant 13 : i32
        %lt3A_3021 = vector.broadcast %lt3A_3020 : i32 to vector<16xi32>
        %lt3A_3022 = arith.cmpi slt, %iota3A, %lt3A_3021 : vector<16xi32>
        %select_n3A_3023 = arith.select %lt3A_3022, %add3A_2980, %broadcast_in_dim3A_3 : vector<16xi1>, vector<16xf32>
        %min3A_3024 = arith.minimumf %add3A_2944, %add3A_2947 : vector<16xf32>
        %min3A_3025 = arith.minimumf %min3A_3024, %add3A_2950 : vector<16xf32>
        %min3A_3026 = arith.minimumf %min3A_3025, %add3A_2953 : vector<16xf32>
        %min3A_3027 = arith.minimumf %min3A_3026, %add3A_2956 : vector<16xf32>
        %min3A_3028 = arith.minimumf %min3A_3027, %add3A_2959 : vector<16xf32>
        %min3A_3029 = arith.minimumf %min3A_3028, %add3A_2962 : vector<16xf32>
        %min3A_3030 = arith.minimumf %min3A_3029, %add3A_2965 : vector<16xf32>
        %min3A_3031 = arith.minimumf %min3A_3030, %add3A_2968 : vector<16xf32>
        %min3A_3032 = arith.minimumf %min3A_3031, %add3A_2971 : vector<16xf32>
        %min3A_3033 = arith.minimumf %min3A_3032, %add3A_2974 : vector<16xf32>
        %min3A_3034 = arith.minimumf %min3A_3033, %add3A_2977 : vector<16xf32>
        %min3A_3035 = arith.minimumf %min3A_3034, %select_n3A_3023 : vector<16xf32>
        %reduce_min3A_3036 = arith.constant true
        %reduce_min3A_3037 = vector.broadcast %reduce_min3A_3036 : i1 to vector<16xi1>
        %reduce_min3A_3038 = tpu.scan <min>, %min3A_3035 masked %reduce_min3A_3037 : vector<16xf32>, vector<16xi1> -> vector<16xf32>
        %reduce_min3A_3039 = vector.extract %reduce_min3A_3038[15] : f32 from vector<16xf32>
        %broadcast_in_dim3A_3040 = vector.broadcast %reduce_min3A_3039 : f32 to vector<16xf32>
        %shift_left3A_3041 = arith.constant 8 : i32
        %shift_left3A_3042 = vector.broadcast %shift_left3A_3041 : i32 to vector<16xi32>
        %shift_left3A_3043 = arith.shli %get3A_2806, %shift_left3A_3042 : vector<16xi32>
        %add3A_3044 = arith.constant 0 : i32
        %add3A_3045 = vector.broadcast %add3A_3044 : i32 to vector<16xi32>
        %add3A_3046 = arith.addi %iota3A, %add3A_3045 : vector<16xi32>
        %add3A_3047 = arith.addi %shift_left3A_3043, %add3A_3046 : vector<16xi32>
        %eq3A_3048 = arith.cmpf oeq, %add3A_2944, %broadcast_in_dim3A_3040 : vector<16xf32>
        %select_n3A_3049 = arith.select %eq3A_3048, %add3A_3047, %broadcast_in_dim3A_5 : vector<16xi1>, vector<16xi32>
        %min3A_3050 = arith.minsi %broadcast_in_dim3A_5, %select_n3A_3049 : vector<16xi32>
        %shift_left3A_3051 = arith.constant 8 : i32
        %shift_left3A_3052 = vector.broadcast %shift_left3A_3051 : i32 to vector<16xi32>
        %shift_left3A_3053 = arith.shli %get3A_2808, %shift_left3A_3052 : vector<16xi32>
        %add3A_3054 = arith.constant 16 : i32
        %add3A_3055 = vector.broadcast %add3A_3054 : i32 to vector<16xi32>
        %add3A_3056 = arith.addi %iota3A, %add3A_3055 : vector<16xi32>
        %add3A_3057 = arith.addi %shift_left3A_3053, %add3A_3056 : vector<16xi32>
        %eq3A_3058 = arith.cmpf oeq, %add3A_2947, %broadcast_in_dim3A_3040 : vector<16xf32>
        %select_n3A_3059 = arith.select %eq3A_3058, %add3A_3057, %broadcast_in_dim3A_5 : vector<16xi1>, vector<16xi32>
        %min3A_3060 = arith.minsi %min3A_3050, %select_n3A_3059 : vector<16xi32>
        %shift_left3A_3061 = arith.constant 8 : i32
        %shift_left3A_3062 = vector.broadcast %shift_left3A_3061 : i32 to vector<16xi32>
        %shift_left3A_3063 = arith.shli %get3A_2810, %shift_left3A_3062 : vector<16xi32>
        %add3A_3064 = arith.constant 32 : i32
        %add3A_3065 = vector.broadcast %add3A_3064 : i32 to vector<16xi32>
        %add3A_3066 = arith.addi %iota3A, %add3A_3065 : vector<16xi32>
        %add3A_3067 = arith.addi %shift_left3A_3063, %add3A_3066 : vector<16xi32>
        %eq3A_3068 = arith.cmpf oeq, %add3A_2950, %broadcast_in_dim3A_3040 : vector<16xf32>
        %select_n3A_3069 = arith.select %eq3A_3068, %add3A_3067, %broadcast_in_dim3A_5 : vector<16xi1>, vector<16xi32>
        %min3A_3070 = arith.minsi %min3A_3060, %select_n3A_3069 : vector<16xi32>
        %shift_left3A_3071 = arith.constant 8 : i32
        %shift_left3A_3072 = vector.broadcast %shift_left3A_3071 : i32 to vector<16xi32>
        %shift_left3A_3073 = arith.shli %get3A_2812, %shift_left3A_3072 : vector<16xi32>
        %add3A_3074 = arith.constant 48 : i32
        %add3A_3075 = vector.broadcast %add3A_3074 : i32 to vector<16xi32>
        %add3A_3076 = arith.addi %iota3A, %add3A_3075 : vector<16xi32>
        %add3A_3077 = arith.addi %shift_left3A_3073, %add3A_3076 : vector<16xi32>
        %eq3A_3078 = arith.cmpf oeq, %add3A_2953, %broadcast_in_dim3A_3040 : vector<16xf32>
        %select_n3A_3079 = arith.select %eq3A_3078, %add3A_3077, %broadcast_in_dim3A_5 : vector<16xi1>, vector<16xi32>
        %min3A_3080 = arith.minsi %min3A_3070, %select_n3A_3079 : vector<16xi32>
        %shift_left3A_3081 = arith.constant 8 : i32
        %shift_left3A_3082 = vector.broadcast %shift_left3A_3081 : i32 to vector<16xi32>
        %shift_left3A_3083 = arith.shli %get3A_2814, %shift_left3A_3082 : vector<16xi32>
        %add3A_3084 = arith.constant 64 : i32
        %add3A_3085 = vector.broadcast %add3A_3084 : i32 to vector<16xi32>
        %add3A_3086 = arith.addi %iota3A, %add3A_3085 : vector<16xi32>
        %add3A_3087 = arith.addi %shift_left3A_3083, %add3A_3086 : vector<16xi32>
        %eq3A_3088 = arith.cmpf oeq, %add3A_2956, %broadcast_in_dim3A_3040 : vector<16xf32>
        %select_n3A_3089 = arith.select %eq3A_3088, %add3A_3087, %broadcast_in_dim3A_5 : vector<16xi1>, vector<16xi32>
        %min3A_3090 = arith.minsi %min3A_3080, %select_n3A_3089 : vector<16xi32>
        %shift_left3A_3091 = arith.constant 8 : i32
        %shift_left3A_3092 = vector.broadcast %shift_left3A_3091 : i32 to vector<16xi32>
        %shift_left3A_3093 = arith.shli %get3A_2816, %shift_left3A_3092 : vector<16xi32>
        %add3A_3094 = arith.constant 80 : i32
        %add3A_3095 = vector.broadcast %add3A_3094 : i32 to vector<16xi32>
        %add3A_3096 = arith.addi %iota3A, %add3A_3095 : vector<16xi32>
        %add3A_3097 = arith.addi %shift_left3A_3093, %add3A_3096 : vector<16xi32>
        %eq3A_3098 = arith.cmpf oeq, %add3A_2959, %broadcast_in_dim3A_3040 : vector<16xf32>
        %select_n3A_3099 = arith.select %eq3A_3098, %add3A_3097, %broadcast_in_dim3A_5 : vector<16xi1>, vector<16xi32>
        %min3A_3100 = arith.minsi %min3A_3090, %select_n3A_3099 : vector<16xi32>
        %shift_left3A_3101 = arith.constant 8 : i32
        %shift_left3A_3102 = vector.broadcast %shift_left3A_3101 : i32 to vector<16xi32>
        %shift_left3A_3103 = arith.shli %get3A_2818, %shift_left3A_3102 : vector<16xi32>
        %add3A_3104 = arith.constant 96 : i32
        %add3A_3105 = vector.broadcast %add3A_3104 : i32 to vector<16xi32>
        %add3A_3106 = arith.addi %iota3A, %add3A_3105 : vector<16xi32>
        %add3A_3107 = arith.addi %shift_left3A_3103, %add3A_3106 : vector<16xi32>
        %eq3A_3108 = arith.cmpf oeq, %add3A_2962, %broadcast_in_dim3A_3040 : vector<16xf32>
        %select_n3A_3109 = arith.select %eq3A_3108, %add3A_3107, %broadcast_in_dim3A_5 : vector<16xi1>, vector<16xi32>
        %min3A_3110 = arith.minsi %min3A_3100, %select_n3A_3109 : vector<16xi32>
        %shift_left3A_3111 = arith.constant 8 : i32
        %shift_left3A_3112 = vector.broadcast %shift_left3A_3111 : i32 to vector<16xi32>
        %shift_left3A_3113 = arith.shli %get3A_2820, %shift_left3A_3112 : vector<16xi32>
        %add3A_3114 = arith.constant 112 : i32
        %add3A_3115 = vector.broadcast %add3A_3114 : i32 to vector<16xi32>
        %add3A_3116 = arith.addi %iota3A, %add3A_3115 : vector<16xi32>
        %add3A_3117 = arith.addi %shift_left3A_3113, %add3A_3116 : vector<16xi32>
        %eq3A_3118 = arith.cmpf oeq, %add3A_2965, %broadcast_in_dim3A_3040 : vector<16xf32>
        %select_n3A_3119 = arith.select %eq3A_3118, %add3A_3117, %broadcast_in_dim3A_5 : vector<16xi1>, vector<16xi32>
        %min3A_3120 = arith.minsi %min3A_3110, %select_n3A_3119 : vector<16xi32>
        %shift_left3A_3121 = arith.constant 8 : i32
        %shift_left3A_3122 = vector.broadcast %shift_left3A_3121 : i32 to vector<16xi32>
        %shift_left3A_3123 = arith.shli %get3A_2822, %shift_left3A_3122 : vector<16xi32>
        %add3A_3124 = arith.constant 128 : i32
        %add3A_3125 = vector.broadcast %add3A_3124 : i32 to vector<16xi32>
        %add3A_3126 = arith.addi %iota3A, %add3A_3125 : vector<16xi32>
        %add3A_3127 = arith.addi %shift_left3A_3123, %add3A_3126 : vector<16xi32>
        %eq3A_3128 = arith.cmpf oeq, %add3A_2968, %broadcast_in_dim3A_3040 : vector<16xf32>
        %select_n3A_3129 = arith.select %eq3A_3128, %add3A_3127, %broadcast_in_dim3A_5 : vector<16xi1>, vector<16xi32>
        %min3A_3130 = arith.minsi %min3A_3120, %select_n3A_3129 : vector<16xi32>
        %shift_left3A_3131 = arith.constant 8 : i32
        %shift_left3A_3132 = vector.broadcast %shift_left3A_3131 : i32 to vector<16xi32>
        %shift_left3A_3133 = arith.shli %get3A_2824, %shift_left3A_3132 : vector<16xi32>
        %add3A_3134 = arith.constant 144 : i32
        %add3A_3135 = vector.broadcast %add3A_3134 : i32 to vector<16xi32>
        %add3A_3136 = arith.addi %iota3A, %add3A_3135 : vector<16xi32>
        %add3A_3137 = arith.addi %shift_left3A_3133, %add3A_3136 : vector<16xi32>
        %eq3A_3138 = arith.cmpf oeq, %add3A_2971, %broadcast_in_dim3A_3040 : vector<16xf32>
        %select_n3A_3139 = arith.select %eq3A_3138, %add3A_3137, %broadcast_in_dim3A_5 : vector<16xi1>, vector<16xi32>
        %min3A_3140 = arith.minsi %min3A_3130, %select_n3A_3139 : vector<16xi32>
        %shift_left3A_3141 = arith.constant 8 : i32
        %shift_left3A_3142 = vector.broadcast %shift_left3A_3141 : i32 to vector<16xi32>
        %shift_left3A_3143 = arith.shli %get3A_2826, %shift_left3A_3142 : vector<16xi32>
        %add3A_3144 = arith.constant 160 : i32
        %add3A_3145 = vector.broadcast %add3A_3144 : i32 to vector<16xi32>
        %add3A_3146 = arith.addi %iota3A, %add3A_3145 : vector<16xi32>
        %add3A_3147 = arith.addi %shift_left3A_3143, %add3A_3146 : vector<16xi32>
        %eq3A_3148 = arith.cmpf oeq, %add3A_2974, %broadcast_in_dim3A_3040 : vector<16xf32>
        %select_n3A_3149 = arith.select %eq3A_3148, %add3A_3147, %broadcast_in_dim3A_5 : vector<16xi1>, vector<16xi32>
        %min3A_3150 = arith.minsi %min3A_3140, %select_n3A_3149 : vector<16xi32>
        %shift_left3A_3151 = arith.constant 8 : i32
        %shift_left3A_3152 = vector.broadcast %shift_left3A_3151 : i32 to vector<16xi32>
        %shift_left3A_3153 = arith.shli %get3A_2828, %shift_left3A_3152 : vector<16xi32>
        %add3A_3154 = arith.constant 176 : i32
        %add3A_3155 = vector.broadcast %add3A_3154 : i32 to vector<16xi32>
        %add3A_3156 = arith.addi %iota3A, %add3A_3155 : vector<16xi32>
        %add3A_3157 = arith.addi %shift_left3A_3153, %add3A_3156 : vector<16xi32>
        %eq3A_3158 = arith.cmpf oeq, %add3A_2977, %broadcast_in_dim3A_3040 : vector<16xf32>
        %select_n3A_3159 = arith.select %eq3A_3158, %add3A_3157, %broadcast_in_dim3A_5 : vector<16xi1>, vector<16xi32>
        %min3A_3160 = arith.minsi %min3A_3150, %select_n3A_3159 : vector<16xi32>
        %shift_left3A_3161 = arith.constant 8 : i32
        %shift_left3A_3162 = vector.broadcast %shift_left3A_3161 : i32 to vector<16xi32>
        %shift_left3A_3163 = arith.shli %get3A_2830, %shift_left3A_3162 : vector<16xi32>
        %add3A_3164 = arith.constant 192 : i32
        %add3A_3165 = vector.broadcast %add3A_3164 : i32 to vector<16xi32>
        %add3A_3166 = arith.addi %iota3A, %add3A_3165 : vector<16xi32>
        %add3A_3167 = arith.addi %shift_left3A_3163, %add3A_3166 : vector<16xi32>
        %eq3A_3168 = arith.cmpf oeq, %select_n3A_3023, %broadcast_in_dim3A_3040 : vector<16xf32>
        %select_n3A_3169 = arith.select %eq3A_3168, %add3A_3167, %broadcast_in_dim3A_5 : vector<16xi1>, vector<16xi32>
        %min3A_3170 = arith.minsi %min3A_3160, %select_n3A_3169 : vector<16xi32>
        %reduce_min3A_3171 = arith.constant true
        %reduce_min3A_3172 = vector.broadcast %reduce_min3A_3171 : i1 to vector<16xi1>
        %reduce_min3A_3173 = arith.constant -2147483648 : i32
        %reduce_min3A_3174 = vector.broadcast %reduce_min3A_3173 : i32 to vector<16xi32>
        %reduce_min3A_3175 = arith.xori %min3A_3170, %reduce_min3A_3174 : vector<16xi32>
        %reduce_min3A_3176 = tpu.scan <min>, %reduce_min3A_3175 masked %reduce_min3A_3172 : vector<16xi32>, vector<16xi1> -> vector<16xi32>
        %reduce_min3A_3177 = arith.xori %reduce_min3A_3176, %reduce_min3A_3174 : vector<16xi32>
        %reduce_min3A_3178 = vector.extract %reduce_min3A_3177[15] : i32 from vector<16xi32>
        %broadcast_in_dim3A_3179 = vector.broadcast %reduce_min3A_3178 : i32 to vector<16xi32>
        %shift_right_logical3A_3180 = arith.constant 8 : i32
        %shift_right_logical3A_3181 = vector.broadcast %shift_right_logical3A_3180 : i32 to vector<16xi32>
        %shift_right_logical3A_3182 = arith.shrui %broadcast_in_dim3A_3179, %shift_right_logical3A_3181 : vector<16xi32>
        %and3A_3183 = arith.constant 255 : i32
        %and3A_3184 = vector.broadcast %and3A_3183 : i32 to vector<16xi32>
        %and3A_3185 = arith.andi %broadcast_in_dim3A_3179, %and3A_3184 : vector<16xi32>
        %broadcast_in_dim3A_3186 = vector.broadcast %add3A_2802 : i32 to vector<16xi32>
        tpu.vector_store_idx %arg11[%shift_right_logical3A_3182], %broadcast_in_dim3A_3186 masked %eq3A_2 : memref<2048xi32, #tpu.memory_space<vmem>>[vector<16xi32>], vector<16xi32>, vector<16xi1>
        %broadcast_in_dim3A_3187 = vector.broadcast %sub3A_2804 : i32 to vector<16xi32>
        tpu.vector_store_idx %arg10[%and3A_3185], %broadcast_in_dim3A_3187 masked %eq3A_2 : memref<208xi32, #tpu.memory_space<vmem>>[vector<16xi32>], vector<16xi32>, vector<16xi1>
        %add3A_3188 = arith.constant 3 : i32
        %add3A_3189 = arith.addi %add3A_1550, %add3A_3188 : i32
        %add3A_3190 = arith.constant 4 : i32
        %add3A_3191 = arith.addi %add3A_3189, %add3A_3190 : i32
        %dma_start3A_3192 = arith.constant 0 : i32
        %dma_start3A_3193 = tpu.memref_slice %arg9[%dma_start3A_3192] : memref<2064xf32, #tpu.memory_space<vmem>> -> memref<2048xf32, #tpu.memory_space<vmem>>
        %dma_start3A_3194 = arith.constant 0 : i32
        %dma_start3A_3195 = tpu.memref_slice %arg2[%add3A, %add3A_3191, %dma_start3A_3194] : memref<16x2048x2048xf32, #tpu.memory_space<hbm>> -> memref<1x1x2048xf32, #tpu.memory_space<hbm>>
        %dma_start3A_3196 = tpu.memref_squeeze %dma_start3A_3195 : memref<1x1x2048xf32, #tpu.memory_space<hbm>> -> memref<2048xf32, #tpu.memory_space<hbm>>
        %dma_start3A_3197 = arith.constant 0 : i32
        %dma_start3A_3198 = tpu.memref_slice %arg9[%dma_start3A_3197] : memref<2064xf32, #tpu.memory_space<vmem>> -> memref<2048xf32, #tpu.memory_space<vmem>>
        %dma_start3A_3199 = arith.constant 0 : i32
        %dma_start3A_3200 = tpu.memref_slice %arg2[%add3A, %add3A_3191, %dma_start3A_3199] : memref<16x2048x2048xf32, #tpu.memory_space<hbm>> -> memref<1x1x2048xf32, #tpu.memory_space<hbm>>
        %dma_start3A_3201 = tpu.memref_squeeze %dma_start3A_3200 : memref<1x1x2048xf32, #tpu.memory_space<hbm>> -> memref<2048xf32, #tpu.memory_space<hbm>>
        tpu.enqueue_dma source(%dma_start3A_3201 : memref<2048xf32, #tpu.memory_space<hbm>>) target(%dma_start3A_3198 : memref<2048xf32, #tpu.memory_space<vmem>>) target_semaphore(%arg15 : memref<!tpu.dma_semaphore, #tpu.memory_space<semaphore_mem>>)
      }
      %scan3A_395 = arith.constant 409 : i32
      %dma_wait3A = arith.constant 2044 : i32
      %dma_wait3A_396 = arith.constant 0 : i32
      %dma_wait3A_397 = tpu.memref_slice %arg6[%dma_wait3A_396] : memref<2064xf32, #tpu.memory_space<vmem>> -> memref<2048xf32, #tpu.memory_space<vmem>>
      %dma_wait3A_398 = arith.constant 0 : i32
      %dma_wait3A_399 = tpu.memref_slice %arg2[%add3A, %dma_wait3A, %dma_wait3A_398] : memref<16x2048x2048xf32, #tpu.memory_space<hbm>> -> memref<1x1x2048xf32, #tpu.memory_space<hbm>>
      %dma_wait3A_400 = tpu.memref_squeeze %dma_wait3A_399 : memref<1x1x2048xf32, #tpu.memory_space<hbm>> -> memref<2048xf32, #tpu.memory_space<hbm>>
      %dma_wait3A_401 = arith.constant 0 : i32
      %dma_wait3A_402 = tpu.memref_slice %arg6[%dma_wait3A_401] : memref<2064xf32, #tpu.memory_space<vmem>> -> memref<2048xf32, #tpu.memory_space<vmem>>
      %dma_wait3A_403 = arith.constant 0 : i32
      %dma_wait3A_404 = tpu.memref_slice %arg2[%add3A, %dma_wait3A, %dma_wait3A_403] : memref<16x2048x2048xf32, #tpu.memory_space<hbm>> -> memref<1x1x2048xf32, #tpu.memory_space<hbm>>
      %dma_wait3A_405 = tpu.memref_squeeze %dma_wait3A_404 : memref<1x1x2048xf32, #tpu.memory_space<hbm>> -> memref<2048xf32, #tpu.memory_space<hbm>>
      tpu.wait_dma2 semaphore(%arg12 : memref<!tpu.dma_semaphore, #tpu.memory_space<semaphore_mem>>) src(%dma_wait3A_405 : memref<2048xf32, #tpu.memory_space<hbm>>) dst(%dma_wait3A_402 : memref<2048xf32, #tpu.memory_space<vmem>>)
      %get3A = arith.constant 0 : index
      %get3A_406 = tpu.vector_load %arg10[%get3A] {strides = array<i32>} : memref<208xi32, #tpu.memory_space<vmem>>, vector<16xi32>,
      %get3A_407 = arith.constant 16 : index
      %get3A_408 = tpu.vector_load %arg10[%get3A_407] {strides = array<i32>} : memref<208xi32, #tpu.memory_space<vmem>>, vector<16xi32>,
      %get3A_409 = arith.constant 32 : index
      %get3A_410 = tpu.vector_load %arg10[%get3A_409] {strides = array<i32>} : memref<208xi32, #tpu.memory_space<vmem>>, vector<16xi32>,
      %get3A_411 = arith.constant 48 : index
      %get3A_412 = tpu.vector_load %arg10[%get3A_411] {strides = array<i32>} : memref<208xi32, #tpu.memory_space<vmem>>, vector<16xi32>,
      %get3A_413 = arith.constant 64 : index
      %get3A_414 = tpu.vector_load %arg10[%get3A_413] {strides = array<i32>} : memref<208xi32, #tpu.memory_space<vmem>>, vector<16xi32>,
      %get3A_415 = arith.constant 80 : index
      %get3A_416 = tpu.vector_load %arg10[%get3A_415] {strides = array<i32>} : memref<208xi32, #tpu.memory_space<vmem>>, vector<16xi32>,
      %get3A_417 = arith.constant 96 : index
      %get3A_418 = tpu.vector_load %arg10[%get3A_417] {strides = array<i32>} : memref<208xi32, #tpu.memory_space<vmem>>, vector<16xi32>,
      %get3A_419 = arith.constant 112 : index
      %get3A_420 = tpu.vector_load %arg10[%get3A_419] {strides = array<i32>} : memref<208xi32, #tpu.memory_space<vmem>>, vector<16xi32>,
      %get3A_421 = arith.constant 128 : index
      %get3A_422 = tpu.vector_load %arg10[%get3A_421] {strides = array<i32>} : memref<208xi32, #tpu.memory_space<vmem>>, vector<16xi32>,
      %get3A_423 = arith.constant 144 : index
      %get3A_424 = tpu.vector_load %arg10[%get3A_423] {strides = array<i32>} : memref<208xi32, #tpu.memory_space<vmem>>, vector<16xi32>,
      %get3A_425 = arith.constant 160 : index
      %get3A_426 = tpu.vector_load %arg10[%get3A_425] {strides = array<i32>} : memref<208xi32, #tpu.memory_space<vmem>>, vector<16xi32>,
      %get3A_427 = arith.constant 176 : index
      %get3A_428 = tpu.vector_load %arg10[%get3A_427] {strides = array<i32>} : memref<208xi32, #tpu.memory_space<vmem>>, vector<16xi32>,
      %get3A_429 = arith.constant 192 : index
      %get3A_430 = tpu.vector_load %arg10[%get3A_429] {strides = array<i32>} : memref<208xi32, #tpu.memory_space<vmem>>, vector<16xi32>,
      %gather3A = tpu.vector_load_idx %arg6[%get3A_406] : memref<2064xf32, #tpu.memory_space<vmem>>[vector<16xi32>], vector<16xf32>,
      %gather3A_431 = tpu.vector_load_idx %arg6[%get3A_408] : memref<2064xf32, #tpu.memory_space<vmem>>[vector<16xi32>], vector<16xf32>,
      %gather3A_432 = tpu.vector_load_idx %arg6[%get3A_410] : memref<2064xf32, #tpu.memory_space<vmem>>[vector<16xi32>], vector<16xf32>,
      %gather3A_433 = tpu.vector_load_idx %arg6[%get3A_412] : memref<2064xf32, #tpu.memory_space<vmem>>[vector<16xi32>], vector<16xf32>,
      %gather3A_434 = tpu.vector_load_idx %arg6[%get3A_414] : memref<2064xf32, #tpu.memory_space<vmem>>[vector<16xi32>], vector<16xf32>,
      %gather3A_435 = tpu.vector_load_idx %arg6[%get3A_416] : memref<2064xf32, #tpu.memory_space<vmem>>[vector<16xi32>], vector<16xf32>,
      %gather3A_436 = tpu.vector_load_idx %arg6[%get3A_418] : memref<2064xf32, #tpu.memory_space<vmem>>[vector<16xi32>], vector<16xf32>,
      %gather3A_437 = tpu.vector_load_idx %arg6[%get3A_420] : memref<2064xf32, #tpu.memory_space<vmem>>[vector<16xi32>], vector<16xf32>,
      %gather3A_438 = tpu.vector_load_idx %arg6[%get3A_422] : memref<2064xf32, #tpu.memory_space<vmem>>[vector<16xi32>], vector<16xf32>,
      %gather3A_439 = tpu.vector_load_idx %arg6[%get3A_424] : memref<2064xf32, #tpu.memory_space<vmem>>[vector<16xi32>], vector<16xf32>,
      %gather3A_440 = tpu.vector_load_idx %arg6[%get3A_426] : memref<2064xf32, #tpu.memory_space<vmem>>[vector<16xi32>], vector<16xf32>,
      %gather3A_441 = tpu.vector_load_idx %arg6[%get3A_428] : memref<2064xf32, #tpu.memory_space<vmem>>[vector<16xi32>], vector<16xf32>,
      %gather3A_442 = tpu.vector_load_idx %arg6[%get3A_430] : memref<2064xf32, #tpu.memory_space<vmem>>[vector<16xi32>], vector<16xf32>,
      %broadcast_in_dim3A_443 = arith.constant 1841 : i32
      %broadcast_in_dim3A_444 = vector.broadcast %broadcast_in_dim3A_443 : i32 to vector<16xi32>
      %add3A_445 = arith.addi %broadcast_in_dim3A_444, %iota3A : vector<16xi32>
      %broadcast_in_dim3A_446 = arith.constant 1857 : i32
      %broadcast_in_dim3A_447 = vector.broadcast %broadcast_in_dim3A_446 : i32 to vector<16xi32>
      %add3A_448 = arith.addi %broadcast_in_dim3A_447, %iota3A : vector<16xi32>
      %broadcast_in_dim3A_449 = arith.constant 1873 : i32
      %broadcast_in_dim3A_450 = vector.broadcast %broadcast_in_dim3A_449 : i32 to vector<16xi32>
      %add3A_451 = arith.addi %broadcast_in_dim3A_450, %iota3A : vector<16xi32>
      %broadcast_in_dim3A_452 = arith.constant 1889 : i32
      %broadcast_in_dim3A_453 = vector.broadcast %broadcast_in_dim3A_452 : i32 to vector<16xi32>
      %add3A_454 = arith.addi %broadcast_in_dim3A_453, %iota3A : vector<16xi32>
      %broadcast_in_dim3A_455 = arith.constant 1905 : i32
      %broadcast_in_dim3A_456 = vector.broadcast %broadcast_in_dim3A_455 : i32 to vector<16xi32>
      %add3A_457 = arith.addi %broadcast_in_dim3A_456, %iota3A : vector<16xi32>
      %broadcast_in_dim3A_458 = arith.constant 1921 : i32
      %broadcast_in_dim3A_459 = vector.broadcast %broadcast_in_dim3A_458 : i32 to vector<16xi32>
      %add3A_460 = arith.addi %broadcast_in_dim3A_459, %iota3A : vector<16xi32>
      %broadcast_in_dim3A_461 = arith.constant 1937 : i32
      %broadcast_in_dim3A_462 = vector.broadcast %broadcast_in_dim3A_461 : i32 to vector<16xi32>
      %add3A_463 = arith.addi %broadcast_in_dim3A_462, %iota3A : vector<16xi32>
      %broadcast_in_dim3A_464 = arith.constant 1953 : i32
      %broadcast_in_dim3A_465 = vector.broadcast %broadcast_in_dim3A_464 : i32 to vector<16xi32>
      %add3A_466 = arith.addi %broadcast_in_dim3A_465, %iota3A : vector<16xi32>
      %broadcast_in_dim3A_467 = arith.constant 1969 : i32
      %broadcast_in_dim3A_468 = vector.broadcast %broadcast_in_dim3A_467 : i32 to vector<16xi32>
      %add3A_469 = arith.addi %broadcast_in_dim3A_468, %iota3A : vector<16xi32>
      %broadcast_in_dim3A_470 = arith.constant 1985 : i32
      %broadcast_in_dim3A_471 = vector.broadcast %broadcast_in_dim3A_470 : i32 to vector<16xi32>
      %add3A_472 = arith.addi %broadcast_in_dim3A_471, %iota3A : vector<16xi32>
      %broadcast_in_dim3A_473 = arith.constant 2001 : i32
      %broadcast_in_dim3A_474 = vector.broadcast %broadcast_in_dim3A_473 : i32 to vector<16xi32>
      %add3A_475 = arith.addi %broadcast_in_dim3A_474, %iota3A : vector<16xi32>
      %broadcast_in_dim3A_476 = arith.constant 2017 : i32
      %broadcast_in_dim3A_477 = vector.broadcast %broadcast_in_dim3A_476 : i32 to vector<16xi32>
      %add3A_478 = arith.addi %broadcast_in_dim3A_477, %iota3A : vector<16xi32>
      %broadcast_in_dim3A_479 = arith.constant 2033 : i32
      %broadcast_in_dim3A_480 = vector.broadcast %broadcast_in_dim3A_479 : i32 to vector<16xi32>
      %add3A_481 = arith.addi %broadcast_in_dim3A_480, %iota3A : vector<16xi32>
      %gather3A_482 = tpu.vector_load_idx %arg6[%add3A_445] : memref<2064xf32, #tpu.memory_space<vmem>>[vector<16xi32>], vector<16xf32>,
      %gather3A_483 = tpu.vector_load_idx %arg6[%add3A_448] : memref<2064xf32, #tpu.memory_space<vmem>>[vector<16xi32>], vector<16xf32>,
      %gather3A_484 = tpu.vector_load_idx %arg6[%add3A_451] : memref<2064xf32, #tpu.memory_space<vmem>>[vector<16xi32>], vector<16xf32>,
      %gather3A_485 = tpu.vector_load_idx %arg6[%add3A_454] : memref<2064xf32, #tpu.memory_space<vmem>>[vector<16xi32>], vector<16xf32>,
      %gather3A_486 = tpu.vector_load_idx %arg6[%add3A_457] : memref<2064xf32, #tpu.memory_space<vmem>>[vector<16xi32>], vector<16xf32>,
      %gather3A_487 = tpu.vector_load_idx %arg6[%add3A_460] : memref<2064xf32, #tpu.memory_space<vmem>>[vector<16xi32>], vector<16xf32>,
      %gather3A_488 = tpu.vector_load_idx %arg6[%add3A_463] : memref<2064xf32, #tpu.memory_space<vmem>>[vector<16xi32>], vector<16xf32>,
      %gather3A_489 = tpu.vector_load_idx %arg6[%add3A_466] : memref<2064xf32, #tpu.memory_space<vmem>>[vector<16xi32>], vector<16xf32>,
      %gather3A_490 = tpu.vector_load_idx %arg6[%add3A_469] : memref<2064xf32, #tpu.memory_space<vmem>>[vector<16xi32>], vector<16xf32>,
      %gather3A_491 = tpu.vector_load_idx %arg6[%add3A_472] : memref<2064xf32, #tpu.memory_space<vmem>>[vector<16xi32>], vector<16xf32>,
      %gather3A_492 = tpu.vector_load_idx %arg6[%add3A_475] : memref<2064xf32, #tpu.memory_space<vmem>>[vector<16xi32>], vector<16xf32>,
      %gather3A_493 = tpu.vector_load_idx %arg6[%add3A_478] : memref<2064xf32, #tpu.memory_space<vmem>>[vector<16xi32>], vector<16xf32>,
      %gather3A_494 = tpu.vector_load_idx %arg6[%add3A_481] : memref<2064xf32, #tpu.memory_space<vmem>>[vector<16xi32>], vector<16xf32>,
      %add3A_495 = arith.addf %gather3A, %gather3A_431 : vector<16xf32>
      %add3A_496 = arith.addf %add3A_495, %gather3A_432 : vector<16xf32>
      %add3A_497 = arith.addf %add3A_496, %gather3A_433 : vector<16xf32>
      %add3A_498 = arith.addf %add3A_497, %gather3A_434 : vector<16xf32>
      %add3A_499 = arith.addf %add3A_498, %gather3A_435 : vector<16xf32>
      %add3A_500 = arith.addf %add3A_499, %gather3A_436 : vector<16xf32>
      %add3A_501 = arith.addf %add3A_500, %gather3A_437 : vector<16xf32>
      %add3A_502 = arith.addf %add3A_501, %gather3A_438 : vector<16xf32>
      %add3A_503 = arith.addf %add3A_502, %gather3A_439 : vector<16xf32>
      %add3A_504 = arith.addf %add3A_503, %gather3A_440 : vector<16xf32>
      %add3A_505 = arith.addf %add3A_504, %gather3A_441 : vector<16xf32>
      %add3A_506 = arith.addf %add3A_505, %gather3A_442 : vector<16xf32>
      %add3A_507 = arith.addf %add3A_506, %gather3A_482 : vector<16xf32>
      %add3A_508 = arith.addf %add3A_507, %gather3A_483 : vector<16xf32>
      %add3A_509 = arith.addf %add3A_508, %gather3A_484 : vector<16xf32>
      %add3A_510 = arith.addf %add3A_509, %gather3A_485 : vector<16xf32>
      %add3A_511 = arith.addf %add3A_510, %gather3A_486 : vector<16xf32>
      %add3A_512 = arith.addf %add3A_511, %gather3A_487 : vector<16xf32>
      %add3A_513 = arith.addf %add3A_512, %gather3A_488 : vector<16xf32>
      %add3A_514 = arith.addf %add3A_513, %gather3A_489 : vector<16xf32>
      %add3A_515 = arith.addf %add3A_514, %gather3A_490 : vector<16xf32>
      %add3A_516 = arith.addf %add3A_515, %gather3A_491 : vector<16xf32>
      %add3A_517 = arith.addf %add3A_516, %gather3A_492 : vector<16xf32>
      %add3A_518 = arith.addf %add3A_517, %gather3A_493 : vector<16xf32>
      %add3A_519 = arith.addf %add3A_518, %gather3A_494 : vector<16xf32>
      %reduce_sum3A = arith.constant true
      %reduce_sum3A_520 = vector.broadcast %reduce_sum3A : i1 to vector<16xi1>
      %reduce_sum3A_521 = tpu.scan <sum>, %add3A_519 masked %reduce_sum3A_520 : vector<16xf32>, vector<16xi1> -> vector<16xf32>
      %reduce_sum3A_522 = vector.extract %reduce_sum3A_521[15] : f32 from vector<16xf32>
      %broadcast_in_dim3A_523 = vector.broadcast %reduce_sum3A_522 : f32 to vector<16xf32>
      %div3A = arith.constant 1.000000e+00 : f32
      %div3A_524 = vector.broadcast %div3A : f32 to vector<16xf32>
      %div3A_525 = arith.divf %div3A_524, %broadcast_in_dim3A_523 : vector<16xf32>
      %gather3A_526 = tpu.vector_load_idx %arg5[%get3A_406] : memref<2064xf32, #tpu.memory_space<vmem>>[vector<16xi32>], vector<16xf32>,
      %mul3A_527 = arith.mulf %gather3A, %div3A_525 : vector<16xf32>
      %add3A_528 = arith.addf %gather3A_526, %mul3A_527 : vector<16xf32>
      tpu.vector_store_idx %arg5[%get3A_406], %add3A_528 : memref<2064xf32, #tpu.memory_space<vmem>>[vector<16xi32>], vector<16xf32>,
      %gather3A_529 = tpu.vector_load_idx %arg5[%get3A_408] : memref<2064xf32, #tpu.memory_space<vmem>>[vector<16xi32>], vector<16xf32>,
      %mul3A_530 = arith.mulf %gather3A_431, %div3A_525 : vector<16xf32>
      %add3A_531 = arith.addf %gather3A_529, %mul3A_530 : vector<16xf32>
      tpu.vector_store_idx %arg5[%get3A_408], %add3A_531 : memref<2064xf32, #tpu.memory_space<vmem>>[vector<16xi32>], vector<16xf32>,
      %gather3A_532 = tpu.vector_load_idx %arg5[%get3A_410] : memref<2064xf32, #tpu.memory_space<vmem>>[vector<16xi32>], vector<16xf32>,
      %mul3A_533 = arith.mulf %gather3A_432, %div3A_525 : vector<16xf32>
      %add3A_534 = arith.addf %gather3A_532, %mul3A_533 : vector<16xf32>
      tpu.vector_store_idx %arg5[%get3A_410], %add3A_534 : memref<2064xf32, #tpu.memory_space<vmem>>[vector<16xi32>], vector<16xf32>,
      %gather3A_535 = tpu.vector_load_idx %arg5[%get3A_412] : memref<2064xf32, #tpu.memory_space<vmem>>[vector<16xi32>], vector<16xf32>,
      %mul3A_536 = arith.mulf %gather3A_433, %div3A_525 : vector<16xf32>
      %add3A_537 = arith.addf %gather3A_535, %mul3A_536 : vector<16xf32>
      tpu.vector_store_idx %arg5[%get3A_412], %add3A_537 : memref<2064xf32, #tpu.memory_space<vmem>>[vector<16xi32>], vector<16xf32>,
      %gather3A_538 = tpu.vector_load_idx %arg5[%get3A_414] : memref<2064xf32, #tpu.memory_space<vmem>>[vector<16xi32>], vector<16xf32>,
      %mul3A_539 = arith.mulf %gather3A_434, %div3A_525 : vector<16xf32>
      %add3A_540 = arith.addf %gather3A_538, %mul3A_539 : vector<16xf32>
      tpu.vector_store_idx %arg5[%get3A_414], %add3A_540 : memref<2064xf32, #tpu.memory_space<vmem>>[vector<16xi32>], vector<16xf32>,
      %gather3A_541 = tpu.vector_load_idx %arg5[%get3A_416] : memref<2064xf32, #tpu.memory_space<vmem>>[vector<16xi32>], vector<16xf32>,
      %mul3A_542 = arith.mulf %gather3A_435, %div3A_525 : vector<16xf32>
      %add3A_543 = arith.addf %gather3A_541, %mul3A_542 : vector<16xf32>
      tpu.vector_store_idx %arg5[%get3A_416], %add3A_543 : memref<2064xf32, #tpu.memory_space<vmem>>[vector<16xi32>], vector<16xf32>,
      %gather3A_544 = tpu.vector_load_idx %arg5[%get3A_418] : memref<2064xf32, #tpu.memory_space<vmem>>[vector<16xi32>], vector<16xf32>,
      %mul3A_545 = arith.mulf %gather3A_436, %div3A_525 : vector<16xf32>
      %add3A_546 = arith.addf %gather3A_544, %mul3A_545 : vector<16xf32>
      tpu.vector_store_idx %arg5[%get3A_418], %add3A_546 : memref<2064xf32, #tpu.memory_space<vmem>>[vector<16xi32>], vector<16xf32>,
      %gather3A_547 = tpu.vector_load_idx %arg5[%get3A_420] : memref<2064xf32, #tpu.memory_space<vmem>>[vector<16xi32>], vector<16xf32>,
      %mul3A_548 = arith.mulf %gather3A_437, %div3A_525 : vector<16xf32>
      %add3A_549 = arith.addf %gather3A_547, %mul3A_548 : vector<16xf32>
      tpu.vector_store_idx %arg5[%get3A_420], %add3A_549 : memref<2064xf32, #tpu.memory_space<vmem>>[vector<16xi32>], vector<16xf32>,
      %gather3A_550 = tpu.vector_load_idx %arg5[%get3A_422] : memref<2064xf32, #tpu.memory_space<vmem>>[vector<16xi32>], vector<16xf32>,
      %mul3A_551 = arith.mulf %gather3A_438, %div3A_525 : vector<16xf32>
      %add3A_552 = arith.addf %gather3A_550, %mul3A_551 : vector<16xf32>
      tpu.vector_store_idx %arg5[%get3A_422], %add3A_552 : memref<2064xf32, #tpu.memory_space<vmem>>[vector<16xi32>], vector<16xf32>,
      %gather3A_553 = tpu.vector_load_idx %arg5[%get3A_424] : memref<2064xf32, #tpu.memory_space<vmem>>[vector<16xi32>], vector<16xf32>,
      %mul3A_554 = arith.mulf %gather3A_439, %div3A_525 : vector<16xf32>
      %add3A_555 = arith.addf %gather3A_553, %mul3A_554 : vector<16xf32>
      tpu.vector_store_idx %arg5[%get3A_424], %add3A_555 : memref<2064xf32, #tpu.memory_space<vmem>>[vector<16xi32>], vector<16xf32>,
      %gather3A_556 = tpu.vector_load_idx %arg5[%get3A_426] : memref<2064xf32, #tpu.memory_space<vmem>>[vector<16xi32>], vector<16xf32>,
      %mul3A_557 = arith.mulf %gather3A_440, %div3A_525 : vector<16xf32>
      %add3A_558 = arith.addf %gather3A_556, %mul3A_557 : vector<16xf32>
      tpu.vector_store_idx %arg5[%get3A_426], %add3A_558 : memref<2064xf32, #tpu.memory_space<vmem>>[vector<16xi32>], vector<16xf32>,
      %gather3A_559 = tpu.vector_load_idx %arg5[%get3A_428] : memref<2064xf32, #tpu.memory_space<vmem>>[vector<16xi32>], vector<16xf32>,
      %mul3A_560 = arith.mulf %gather3A_441, %div3A_525 : vector<16xf32>
      %add3A_561 = arith.addf %gather3A_559, %mul3A_560 : vector<16xf32>
      tpu.vector_store_idx %arg5[%get3A_428], %add3A_561 : memref<2064xf32, #tpu.memory_space<vmem>>[vector<16xi32>], vector<16xf32>,
      %gather3A_562 = tpu.vector_load_idx %arg5[%get3A_430] : memref<2064xf32, #tpu.memory_space<vmem>>[vector<16xi32>], vector<16xf32>,
      %mul3A_563 = arith.mulf %gather3A_442, %div3A_525 : vector<16xf32>
      %add3A_564 = arith.addf %gather3A_562, %mul3A_563 : vector<16xf32>
      tpu.vector_store_idx %arg5[%get3A_430], %add3A_564 : memref<2064xf32, #tpu.memory_space<vmem>>[vector<16xi32>], vector<16xf32>,
      %gather3A_565 = tpu.vector_load_idx %arg5[%add3A_445] : memref<2064xf32, #tpu.memory_space<vmem>>[vector<16xi32>], vector<16xf32>,
      %mul3A_566 = arith.mulf %gather3A_482, %div3A_525 : vector<16xf32>
      %add3A_567 = arith.addf %gather3A_565, %mul3A_566 : vector<16xf32>
      tpu.vector_store_idx %arg5[%add3A_445], %add3A_567 : memref<2064xf32, #tpu.memory_space<vmem>>[vector<16xi32>], vector<16xf32>,
      %gather3A_568 = tpu.vector_load_idx %arg5[%add3A_448] : memref<2064xf32, #tpu.memory_space<vmem>>[vector<16xi32>], vector<16xf32>,
      %mul3A_569 = arith.mulf %gather3A_483, %div3A_525 : vector<16xf32>
      %add3A_570 = arith.addf %gather3A_568, %mul3A_569 : vector<16xf32>
      tpu.vector_store_idx %arg5[%add3A_448], %add3A_570 : memref<2064xf32, #tpu.memory_space<vmem>>[vector<16xi32>], vector<16xf32>,
      %gather3A_571 = tpu.vector_load_idx %arg5[%add3A_451] : memref<2064xf32, #tpu.memory_space<vmem>>[vector<16xi32>], vector<16xf32>,
      %mul3A_572 = arith.mulf %gather3A_484, %div3A_525 : vector<16xf32>
      %add3A_573 = arith.addf %gather3A_571, %mul3A_572 : vector<16xf32>
      tpu.vector_store_idx %arg5[%add3A_451], %add3A_573 : memref<2064xf32, #tpu.memory_space<vmem>>[vector<16xi32>], vector<16xf32>,
      %gather3A_574 = tpu.vector_load_idx %arg5[%add3A_454] : memref<2064xf32, #tpu.memory_space<vmem>>[vector<16xi32>], vector<16xf32>,
      %mul3A_575 = arith.mulf %gather3A_485, %div3A_525 : vector<16xf32>
      %add3A_576 = arith.addf %gather3A_574, %mul3A_575 : vector<16xf32>
      tpu.vector_store_idx %arg5[%add3A_454], %add3A_576 : memref<2064xf32, #tpu.memory_space<vmem>>[vector<16xi32>], vector<16xf32>,
      %gather3A_577 = tpu.vector_load_idx %arg5[%add3A_457] : memref<2064xf32, #tpu.memory_space<vmem>>[vector<16xi32>], vector<16xf32>,
      %mul3A_578 = arith.mulf %gather3A_486, %div3A_525 : vector<16xf32>
      %add3A_579 = arith.addf %gather3A_577, %mul3A_578 : vector<16xf32>
      tpu.vector_store_idx %arg5[%add3A_457], %add3A_579 : memref<2064xf32, #tpu.memory_space<vmem>>[vector<16xi32>], vector<16xf32>,
      %gather3A_580 = tpu.vector_load_idx %arg5[%add3A_460] : memref<2064xf32, #tpu.memory_space<vmem>>[vector<16xi32>], vector<16xf32>,
      %mul3A_581 = arith.mulf %gather3A_487, %div3A_525 : vector<16xf32>
      %add3A_582 = arith.addf %gather3A_580, %mul3A_581 : vector<16xf32>
      tpu.vector_store_idx %arg5[%add3A_460], %add3A_582 : memref<2064xf32, #tpu.memory_space<vmem>>[vector<16xi32>], vector<16xf32>,
      %gather3A_583 = tpu.vector_load_idx %arg5[%add3A_463] : memref<2064xf32, #tpu.memory_space<vmem>>[vector<16xi32>], vector<16xf32>,
      %mul3A_584 = arith.mulf %gather3A_488, %div3A_525 : vector<16xf32>
      %add3A_585 = arith.addf %gather3A_583, %mul3A_584 : vector<16xf32>
      tpu.vector_store_idx %arg5[%add3A_463], %add3A_585 : memref<2064xf32, #tpu.memory_space<vmem>>[vector<16xi32>], vector<16xf32>,
      %gather3A_586 = tpu.vector_load_idx %arg5[%add3A_466] : memref<2064xf32, #tpu.memory_space<vmem>>[vector<16xi32>], vector<16xf32>,
      %mul3A_587 = arith.mulf %gather3A_489, %div3A_525 : vector<16xf32>
      %add3A_588 = arith.addf %gather3A_586, %mul3A_587 : vector<16xf32>
      tpu.vector_store_idx %arg5[%add3A_466], %add3A_588 : memref<2064xf32, #tpu.memory_space<vmem>>[vector<16xi32>], vector<16xf32>,
      %gather3A_589 = tpu.vector_load_idx %arg5[%add3A_469] : memref<2064xf32, #tpu.memory_space<vmem>>[vector<16xi32>], vector<16xf32>,
      %mul3A_590 = arith.mulf %gather3A_490, %div3A_525 : vector<16xf32>
      %add3A_591 = arith.addf %gather3A_589, %mul3A_590 : vector<16xf32>
      tpu.vector_store_idx %arg5[%add3A_469], %add3A_591 : memref<2064xf32, #tpu.memory_space<vmem>>[vector<16xi32>], vector<16xf32>,
      %gather3A_592 = tpu.vector_load_idx %arg5[%add3A_472] : memref<2064xf32, #tpu.memory_space<vmem>>[vector<16xi32>], vector<16xf32>,
      %mul3A_593 = arith.mulf %gather3A_491, %div3A_525 : vector<16xf32>
      %add3A_594 = arith.addf %gather3A_592, %mul3A_593 : vector<16xf32>
      tpu.vector_store_idx %arg5[%add3A_472], %add3A_594 : memref<2064xf32, #tpu.memory_space<vmem>>[vector<16xi32>], vector<16xf32>,
      %gather3A_595 = tpu.vector_load_idx %arg5[%add3A_475] : memref<2064xf32, #tpu.memory_space<vmem>>[vector<16xi32>], vector<16xf32>,
      %mul3A_596 = arith.mulf %gather3A_492, %div3A_525 : vector<16xf32>
      %add3A_597 = arith.addf %gather3A_595, %mul3A_596 : vector<16xf32>
      tpu.vector_store_idx %arg5[%add3A_475], %add3A_597 : memref<2064xf32, #tpu.memory_space<vmem>>[vector<16xi32>], vector<16xf32>,
      %gather3A_598 = tpu.vector_load_idx %arg5[%add3A_478] : memref<2064xf32, #tpu.memory_space<vmem>>[vector<16xi32>], vector<16xf32>,
      %mul3A_599 = arith.mulf %gather3A_493, %div3A_525 : vector<16xf32>
      %add3A_600 = arith.addf %gather3A_598, %mul3A_599 : vector<16xf32>
      tpu.vector_store_idx %arg5[%add3A_478], %add3A_600 : memref<2064xf32, #tpu.memory_space<vmem>>[vector<16xi32>], vector<16xf32>,
      %gather3A_601 = tpu.vector_load_idx %arg5[%add3A_481] : memref<2064xf32, #tpu.memory_space<vmem>>[vector<16xi32>], vector<16xf32>,
      %mul3A_602 = arith.mulf %gather3A_494, %div3A_525 : vector<16xf32>
      %add3A_603 = arith.addf %gather3A_601, %mul3A_602 : vector<16xf32>
      tpu.vector_store_idx %arg5[%add3A_481], %add3A_603 : memref<2064xf32, #tpu.memory_space<vmem>>[vector<16xi32>], vector<16xf32>,
      %lt3A_604 = arith.constant 13 : i32
      %lt3A_605 = vector.broadcast %lt3A_604 : i32 to vector<16xi32>
      %lt3A_606 = arith.cmpi slt, %iota3A, %lt3A_605 : vector<16xi32>
      %select_n3A_607 = arith.select %lt3A_606, %add3A_564, %broadcast_in_dim3A_3 : vector<16xi1>, vector<16xf32>
      %min3A = arith.minimumf %add3A_528, %add3A_531 : vector<16xf32>
      %min3A_608 = arith.minimumf %min3A, %add3A_534 : vector<16xf32>
      %min3A_609 = arith.minimumf %min3A_608, %add3A_537 : vector<16xf32>
      %min3A_610 = arith.minimumf %min3A_609, %add3A_540 : vector<16xf32>
      %min3A_611 = arith.minimumf %min3A_610, %add3A_543 : vector<16xf32>
      %min3A_612 = arith.minimumf %min3A_611, %add3A_546 : vector<16xf32>
      %min3A_613 = arith.minimumf %min3A_612, %add3A_549 : vector<16xf32>
      %min3A_614 = arith.minimumf %min3A_613, %add3A_552 : vector<16xf32>
      %min3A_615 = arith.minimumf %min3A_614, %add3A_555 : vector<16xf32>
      %min3A_616 = arith.minimumf %min3A_615, %add3A_558 : vector<16xf32>
      %min3A_617 = arith.minimumf %min3A_616, %add3A_561 : vector<16xf32>
      %min3A_618 = arith.minimumf %min3A_617, %select_n3A_607 : vector<16xf32>
      %reduce_min3A = arith.constant true
      %reduce_min3A_619 = vector.broadcast %reduce_min3A : i1 to vector<16xi1>
      %reduce_min3A_620 = tpu.scan <min>, %min3A_618 masked %reduce_min3A_619 : vector<16xf32>, vector<16xi1> -> vector<16xf32>
      %reduce_min3A_621 = vector.extract %reduce_min3A_620[15] : f32 from vector<16xf32>
      %broadcast_in_dim3A_622 = vector.broadcast %reduce_min3A_621 : f32 to vector<16xf32>
      %shift_left3A = arith.constant 8 : i32
      %shift_left3A_623 = vector.broadcast %shift_left3A : i32 to vector<16xi32>
      %shift_left3A_624 = arith.shli %get3A_406, %shift_left3A_623 : vector<16xi32>
      %add3A_625 = arith.constant 0 : i32
      %add3A_626 = vector.broadcast %add3A_625 : i32 to vector<16xi32>
      %add3A_627 = arith.addi %iota3A, %add3A_626 : vector<16xi32>
      %add3A_628 = arith.addi %shift_left3A_624, %add3A_627 : vector<16xi32>
      %eq3A_629 = arith.cmpf oeq, %add3A_528, %broadcast_in_dim3A_622 : vector<16xf32>
      %select_n3A_630 = arith.select %eq3A_629, %add3A_628, %broadcast_in_dim3A_5 : vector<16xi1>, vector<16xi32>
      %min3A_631 = arith.minsi %broadcast_in_dim3A_5, %select_n3A_630 : vector<16xi32>
      %shift_left3A_632 = arith.constant 8 : i32
      %shift_left3A_633 = vector.broadcast %shift_left3A_632 : i32 to vector<16xi32>
      %shift_left3A_634 = arith.shli %get3A_408, %shift_left3A_633 : vector<16xi32>
      %add3A_635 = arith.constant 16 : i32
      %add3A_636 = vector.broadcast %add3A_635 : i32 to vector<16xi32>
      %add3A_637 = arith.addi %iota3A, %add3A_636 : vector<16xi32>
      %add3A_638 = arith.addi %shift_left3A_634, %add3A_637 : vector<16xi32>
      %eq3A_639 = arith.cmpf oeq, %add3A_531, %broadcast_in_dim3A_622 : vector<16xf32>
      %select_n3A_640 = arith.select %eq3A_639, %add3A_638, %broadcast_in_dim3A_5 : vector<16xi1>, vector<16xi32>
      %min3A_641 = arith.minsi %min3A_631, %select_n3A_640 : vector<16xi32>
      %shift_left3A_642 = arith.constant 8 : i32
      %shift_left3A_643 = vector.broadcast %shift_left3A_642 : i32 to vector<16xi32>
      %shift_left3A_644 = arith.shli %get3A_410, %shift_left3A_643 : vector<16xi32>
      %add3A_645 = arith.constant 32 : i32
      %add3A_646 = vector.broadcast %add3A_645 : i32 to vector<16xi32>
      %add3A_647 = arith.addi %iota3A, %add3A_646 : vector<16xi32>
      %add3A_648 = arith.addi %shift_left3A_644, %add3A_647 : vector<16xi32>
      %eq3A_649 = arith.cmpf oeq, %add3A_534, %broadcast_in_dim3A_622 : vector<16xf32>
      %select_n3A_650 = arith.select %eq3A_649, %add3A_648, %broadcast_in_dim3A_5 : vector<16xi1>, vector<16xi32>
      %min3A_651 = arith.minsi %min3A_641, %select_n3A_650 : vector<16xi32>
      %shift_left3A_652 = arith.constant 8 : i32
      %shift_left3A_653 = vector.broadcast %shift_left3A_652 : i32 to vector<16xi32>
      %shift_left3A_654 = arith.shli %get3A_412, %shift_left3A_653 : vector<16xi32>
      %add3A_655 = arith.constant 48 : i32
      %add3A_656 = vector.broadcast %add3A_655 : i32 to vector<16xi32>
      %add3A_657 = arith.addi %iota3A, %add3A_656 : vector<16xi32>
      %add3A_658 = arith.addi %shift_left3A_654, %add3A_657 : vector<16xi32>
      %eq3A_659 = arith.cmpf oeq, %add3A_537, %broadcast_in_dim3A_622 : vector<16xf32>
      %select_n3A_660 = arith.select %eq3A_659, %add3A_658, %broadcast_in_dim3A_5 : vector<16xi1>, vector<16xi32>
      %min3A_661 = arith.minsi %min3A_651, %select_n3A_660 : vector<16xi32>
      %shift_left3A_662 = arith.constant 8 : i32
      %shift_left3A_663 = vector.broadcast %shift_left3A_662 : i32 to vector<16xi32>
      %shift_left3A_664 = arith.shli %get3A_414, %shift_left3A_663 : vector<16xi32>
      %add3A_665 = arith.constant 64 : i32
      %add3A_666 = vector.broadcast %add3A_665 : i32 to vector<16xi32>
      %add3A_667 = arith.addi %iota3A, %add3A_666 : vector<16xi32>
      %add3A_668 = arith.addi %shift_left3A_664, %add3A_667 : vector<16xi32>
      %eq3A_669 = arith.cmpf oeq, %add3A_540, %broadcast_in_dim3A_622 : vector<16xf32>
      %select_n3A_670 = arith.select %eq3A_669, %add3A_668, %broadcast_in_dim3A_5 : vector<16xi1>, vector<16xi32>
      %min3A_671 = arith.minsi %min3A_661, %select_n3A_670 : vector<16xi32>
      %shift_left3A_672 = arith.constant 8 : i32
      %shift_left3A_673 = vector.broadcast %shift_left3A_672 : i32 to vector<16xi32>
      %shift_left3A_674 = arith.shli %get3A_416, %shift_left3A_673 : vector<16xi32>
      %add3A_675 = arith.constant 80 : i32
      %add3A_676 = vector.broadcast %add3A_675 : i32 to vector<16xi32>
      %add3A_677 = arith.addi %iota3A, %add3A_676 : vector<16xi32>
      %add3A_678 = arith.addi %shift_left3A_674, %add3A_677 : vector<16xi32>
      %eq3A_679 = arith.cmpf oeq, %add3A_543, %broadcast_in_dim3A_622 : vector<16xf32>
      %select_n3A_680 = arith.select %eq3A_679, %add3A_678, %broadcast_in_dim3A_5 : vector<16xi1>, vector<16xi32>
      %min3A_681 = arith.minsi %min3A_671, %select_n3A_680 : vector<16xi32>
      %shift_left3A_682 = arith.constant 8 : i32
      %shift_left3A_683 = vector.broadcast %shift_left3A_682 : i32 to vector<16xi32>
      %shift_left3A_684 = arith.shli %get3A_418, %shift_left3A_683 : vector<16xi32>
      %add3A_685 = arith.constant 96 : i32
      %add3A_686 = vector.broadcast %add3A_685 : i32 to vector<16xi32>
      %add3A_687 = arith.addi %iota3A, %add3A_686 : vector<16xi32>
      %add3A_688 = arith.addi %shift_left3A_684, %add3A_687 : vector<16xi32>
      %eq3A_689 = arith.cmpf oeq, %add3A_546, %broadcast_in_dim3A_622 : vector<16xf32>
      %select_n3A_690 = arith.select %eq3A_689, %add3A_688, %broadcast_in_dim3A_5 : vector<16xi1>, vector<16xi32>
      %min3A_691 = arith.minsi %min3A_681, %select_n3A_690 : vector<16xi32>
      %shift_left3A_692 = arith.constant 8 : i32
      %shift_left3A_693 = vector.broadcast %shift_left3A_692 : i32 to vector<16xi32>
      %shift_left3A_694 = arith.shli %get3A_420, %shift_left3A_693 : vector<16xi32>
      %add3A_695 = arith.constant 112 : i32
      %add3A_696 = vector.broadcast %add3A_695 : i32 to vector<16xi32>
      %add3A_697 = arith.addi %iota3A, %add3A_696 : vector<16xi32>
      %add3A_698 = arith.addi %shift_left3A_694, %add3A_697 : vector<16xi32>
      %eq3A_699 = arith.cmpf oeq, %add3A_549, %broadcast_in_dim3A_622 : vector<16xf32>
      %select_n3A_700 = arith.select %eq3A_699, %add3A_698, %broadcast_in_dim3A_5 : vector<16xi1>, vector<16xi32>
      %min3A_701 = arith.minsi %min3A_691, %select_n3A_700 : vector<16xi32>
      %shift_left3A_702 = arith.constant 8 : i32
      %shift_left3A_703 = vector.broadcast %shift_left3A_702 : i32 to vector<16xi32>
      %shift_left3A_704 = arith.shli %get3A_422, %shift_left3A_703 : vector<16xi32>
      %add3A_705 = arith.constant 128 : i32
      %add3A_706 = vector.broadcast %add3A_705 : i32 to vector<16xi32>
      %add3A_707 = arith.addi %iota3A, %add3A_706 : vector<16xi32>
      %add3A_708 = arith.addi %shift_left3A_704, %add3A_707 : vector<16xi32>
      %eq3A_709 = arith.cmpf oeq, %add3A_552, %broadcast_in_dim3A_622 : vector<16xf32>
      %select_n3A_710 = arith.select %eq3A_709, %add3A_708, %broadcast_in_dim3A_5 : vector<16xi1>, vector<16xi32>
      %min3A_711 = arith.minsi %min3A_701, %select_n3A_710 : vector<16xi32>
      %shift_left3A_712 = arith.constant 8 : i32
      %shift_left3A_713 = vector.broadcast %shift_left3A_712 : i32 to vector<16xi32>
      %shift_left3A_714 = arith.shli %get3A_424, %shift_left3A_713 : vector<16xi32>
      %add3A_715 = arith.constant 144 : i32
      %add3A_716 = vector.broadcast %add3A_715 : i32 to vector<16xi32>
      %add3A_717 = arith.addi %iota3A, %add3A_716 : vector<16xi32>
      %add3A_718 = arith.addi %shift_left3A_714, %add3A_717 : vector<16xi32>
      %eq3A_719 = arith.cmpf oeq, %add3A_555, %broadcast_in_dim3A_622 : vector<16xf32>
      %select_n3A_720 = arith.select %eq3A_719, %add3A_718, %broadcast_in_dim3A_5 : vector<16xi1>, vector<16xi32>
      %min3A_721 = arith.minsi %min3A_711, %select_n3A_720 : vector<16xi32>
      %shift_left3A_722 = arith.constant 8 : i32
      %shift_left3A_723 = vector.broadcast %shift_left3A_722 : i32 to vector<16xi32>
      %shift_left3A_724 = arith.shli %get3A_426, %shift_left3A_723 : vector<16xi32>
      %add3A_725 = arith.constant 160 : i32
      %add3A_726 = vector.broadcast %add3A_725 : i32 to vector<16xi32>
      %add3A_727 = arith.addi %iota3A, %add3A_726 : vector<16xi32>
      %add3A_728 = arith.addi %shift_left3A_724, %add3A_727 : vector<16xi32>
      %eq3A_729 = arith.cmpf oeq, %add3A_558, %broadcast_in_dim3A_622 : vector<16xf32>
      %select_n3A_730 = arith.select %eq3A_729, %add3A_728, %broadcast_in_dim3A_5 : vector<16xi1>, vector<16xi32>
      %min3A_731 = arith.minsi %min3A_721, %select_n3A_730 : vector<16xi32>
      %shift_left3A_732 = arith.constant 8 : i32
      %shift_left3A_733 = vector.broadcast %shift_left3A_732 : i32 to vector<16xi32>
      %shift_left3A_734 = arith.shli %get3A_428, %shift_left3A_733 : vector<16xi32>
      %add3A_735 = arith.constant 176 : i32
      %add3A_736 = vector.broadcast %add3A_735 : i32 to vector<16xi32>
      %add3A_737 = arith.addi %iota3A, %add3A_736 : vector<16xi32>
      %add3A_738 = arith.addi %shift_left3A_734, %add3A_737 : vector<16xi32>
      %eq3A_739 = arith.cmpf oeq, %add3A_561, %broadcast_in_dim3A_622 : vector<16xf32>
      %select_n3A_740 = arith.select %eq3A_739, %add3A_738, %broadcast_in_dim3A_5 : vector<16xi1>, vector<16xi32>
      %min3A_741 = arith.minsi %min3A_731, %select_n3A_740 : vector<16xi32>
      %shift_left3A_742 = arith.constant 8 : i32
      %shift_left3A_743 = vector.broadcast %shift_left3A_742 : i32 to vector<16xi32>
      %shift_left3A_744 = arith.shli %get3A_430, %shift_left3A_743 : vector<16xi32>
      %add3A_745 = arith.constant 192 : i32
      %add3A_746 = vector.broadcast %add3A_745 : i32 to vector<16xi32>
      %add3A_747 = arith.addi %iota3A, %add3A_746 : vector<16xi32>
      %add3A_748 = arith.addi %shift_left3A_744, %add3A_747 : vector<16xi32>
      %eq3A_749 = arith.cmpf oeq, %select_n3A_607, %broadcast_in_dim3A_622 : vector<16xf32>
      %select_n3A_750 = arith.select %eq3A_749, %add3A_748, %broadcast_in_dim3A_5 : vector<16xi1>, vector<16xi32>
      %min3A_751 = arith.minsi %min3A_741, %select_n3A_750 : vector<16xi32>
      %reduce_min3A_752 = arith.constant true
      %reduce_min3A_753 = vector.broadcast %reduce_min3A_752 : i1 to vector<16xi1>
      %reduce_min3A_754 = arith.constant -2147483648 : i32
      %reduce_min3A_755 = vector.broadcast %reduce_min3A_754 : i32 to vector<16xi32>
      %reduce_min3A_756 = arith.xori %min3A_751, %reduce_min3A_755 : vector<16xi32>
      %reduce_min3A_757 = tpu.scan <min>, %reduce_min3A_756 masked %reduce_min3A_753 : vector<16xi32>, vector<16xi1> -> vector<16xi32>
      %reduce_min3A_758 = arith.xori %reduce_min3A_757, %reduce_min3A_755 : vector<16xi32>
      %reduce_min3A_759 = vector.extract %reduce_min3A_758[15] : i32 from vector<16xi32>
      %broadcast_in_dim3A_760 = vector.broadcast %reduce_min3A_759 : i32 to vector<16xi32>
      %shift_right_logical3A = arith.constant 8 : i32
      %shift_right_logical3A_761 = vector.broadcast %shift_right_logical3A : i32 to vector<16xi32>
      %shift_right_logical3A_762 = arith.shrui %broadcast_in_dim3A_760, %shift_right_logical3A_761 : vector<16xi32>
      %and3A = arith.constant 255 : i32
      %and3A_763 = vector.broadcast %and3A : i32 to vector<16xi32>
      %and3A_764 = arith.andi %broadcast_in_dim3A_760, %and3A_763 : vector<16xi32>
      %broadcast_in_dim3A_765 = arith.constant 2044 : i32
      %broadcast_in_dim3A_766 = vector.broadcast %broadcast_in_dim3A_765 : i32 to vector<16xi32>
      tpu.vector_store_idx %arg11[%shift_right_logical3A_762], %broadcast_in_dim3A_766 masked %eq3A_2 : memref<2048xi32, #tpu.memory_space<vmem>>[vector<16xi32>], vector<16xi32>, vector<16xi1>
      %broadcast_in_dim3A_767 = arith.constant 1841 : i32
      %broadcast_in_dim3A_768 = vector.broadcast %broadcast_in_dim3A_767 : i32 to vector<16xi32>
      tpu.vector_store_idx %arg10[%and3A_764], %broadcast_in_dim3A_768 masked %eq3A_2 : memref<208xi32, #tpu.memory_space<vmem>>[vector<16xi32>], vector<16xi32>, vector<16xi1>
      %dma_wait3A_769 = arith.constant 2045 : i32
      %dma_wait3A_770 = arith.constant 0 : i32
      %dma_wait3A_771 = tpu.memref_slice %arg7[%dma_wait3A_770] : memref<2064xf32, #tpu.memory_space<vmem>> -> memref<2048xf32, #tpu.memory_space<vmem>>
      %dma_wait3A_772 = arith.constant 0 : i32
      %dma_wait3A_773 = tpu.memref_slice %arg2[%add3A, %dma_wait3A_769, %dma_wait3A_772] : memref<16x2048x2048xf32, #tpu.memory_space<hbm>> -> memref<1x1x2048xf32, #tpu.memory_space<hbm>>
      %dma_wait3A_774 = tpu.memref_squeeze %dma_wait3A_773 : memref<1x1x2048xf32, #tpu.memory_space<hbm>> -> memref<2048xf32, #tpu.memory_space<hbm>>
      %dma_wait3A_775 = arith.constant 0 : i32
      %dma_wait3A_776 = tpu.memref_slice %arg7[%dma_wait3A_775] : memref<2064xf32, #tpu.memory_space<vmem>> -> memref<2048xf32, #tpu.memory_space<vmem>>
      %dma_wait3A_777 = arith.constant 0 : i32
      %dma_wait3A_778 = tpu.memref_slice %arg2[%add3A, %dma_wait3A_769, %dma_wait3A_777] : memref<16x2048x2048xf32, #tpu.memory_space<hbm>> -> memref<1x1x2048xf32, #tpu.memory_space<hbm>>
      %dma_wait3A_779 = tpu.memref_squeeze %dma_wait3A_778 : memref<1x1x2048xf32, #tpu.memory_space<hbm>> -> memref<2048xf32, #tpu.memory_space<hbm>>
      tpu.wait_dma2 semaphore(%arg13 : memref<!tpu.dma_semaphore, #tpu.memory_space<semaphore_mem>>) src(%dma_wait3A_779 : memref<2048xf32, #tpu.memory_space<hbm>>) dst(%dma_wait3A_776 : memref<2048xf32, #tpu.memory_space<vmem>>)
      %get3A_780 = arith.constant 0 : index
      %get3A_781 = tpu.vector_load %arg10[%get3A_780] {strides = array<i32>} : memref<208xi32, #tpu.memory_space<vmem>>, vector<16xi32>,
      %get3A_782 = arith.constant 16 : index
      %get3A_783 = tpu.vector_load %arg10[%get3A_782] {strides = array<i32>} : memref<208xi32, #tpu.memory_space<vmem>>, vector<16xi32>,
      %get3A_784 = arith.constant 32 : index
      %get3A_785 = tpu.vector_load %arg10[%get3A_784] {strides = array<i32>} : memref<208xi32, #tpu.memory_space<vmem>>, vector<16xi32>,
      %get3A_786 = arith.constant 48 : index
      %get3A_787 = tpu.vector_load %arg10[%get3A_786] {strides = array<i32>} : memref<208xi32, #tpu.memory_space<vmem>>, vector<16xi32>,
      %get3A_788 = arith.constant 64 : index
      %get3A_789 = tpu.vector_load %arg10[%get3A_788] {strides = array<i32>} : memref<208xi32, #tpu.memory_space<vmem>>, vector<16xi32>,
      %get3A_790 = arith.constant 80 : index
      %get3A_791 = tpu.vector_load %arg10[%get3A_790] {strides = array<i32>} : memref<208xi32, #tpu.memory_space<vmem>>, vector<16xi32>,
      %get3A_792 = arith.constant 96 : index
      %get3A_793 = tpu.vector_load %arg10[%get3A_792] {strides = array<i32>} : memref<208xi32, #tpu.memory_space<vmem>>, vector<16xi32>,
      %get3A_794 = arith.constant 112 : index
      %get3A_795 = tpu.vector_load %arg10[%get3A_794] {strides = array<i32>} : memref<208xi32, #tpu.memory_space<vmem>>, vector<16xi32>,
      %get3A_796 = arith.constant 128 : index
      %get3A_797 = tpu.vector_load %arg10[%get3A_796] {strides = array<i32>} : memref<208xi32, #tpu.memory_space<vmem>>, vector<16xi32>,
      %get3A_798 = arith.constant 144 : index
      %get3A_799 = tpu.vector_load %arg10[%get3A_798] {strides = array<i32>} : memref<208xi32, #tpu.memory_space<vmem>>, vector<16xi32>,
      %get3A_800 = arith.constant 160 : index
      %get3A_801 = tpu.vector_load %arg10[%get3A_800] {strides = array<i32>} : memref<208xi32, #tpu.memory_space<vmem>>, vector<16xi32>,
      %get3A_802 = arith.constant 176 : index
      %get3A_803 = tpu.vector_load %arg10[%get3A_802] {strides = array<i32>} : memref<208xi32, #tpu.memory_space<vmem>>, vector<16xi32>,
      %get3A_804 = arith.constant 192 : index
      %get3A_805 = tpu.vector_load %arg10[%get3A_804] {strides = array<i32>} : memref<208xi32, #tpu.memory_space<vmem>>, vector<16xi32>,
      %gather3A_806 = tpu.vector_load_idx %arg7[%get3A_781] : memref<2064xf32, #tpu.memory_space<vmem>>[vector<16xi32>], vector<16xf32>,
      %gather3A_807 = tpu.vector_load_idx %arg7[%get3A_783] : memref<2064xf32, #tpu.memory_space<vmem>>[vector<16xi32>], vector<16xf32>,
      %gather3A_808 = tpu.vector_load_idx %arg7[%get3A_785] : memref<2064xf32, #tpu.memory_space<vmem>>[vector<16xi32>], vector<16xf32>,
      %gather3A_809 = tpu.vector_load_idx %arg7[%get3A_787] : memref<2064xf32, #tpu.memory_space<vmem>>[vector<16xi32>], vector<16xf32>,
      %gather3A_810 = tpu.vector_load_idx %arg7[%get3A_789] : memref<2064xf32, #tpu.memory_space<vmem>>[vector<16xi32>], vector<16xf32>,
      %gather3A_811 = tpu.vector_load_idx %arg7[%get3A_791] : memref<2064xf32, #tpu.memory_space<vmem>>[vector<16xi32>], vector<16xf32>,
      %gather3A_812 = tpu.vector_load_idx %arg7[%get3A_793] : memref<2064xf32, #tpu.memory_space<vmem>>[vector<16xi32>], vector<16xf32>,
      %gather3A_813 = tpu.vector_load_idx %arg7[%get3A_795] : memref<2064xf32, #tpu.memory_space<vmem>>[vector<16xi32>], vector<16xf32>,
      %gather3A_814 = tpu.vector_load_idx %arg7[%get3A_797] : memref<2064xf32, #tpu.memory_space<vmem>>[vector<16xi32>], vector<16xf32>,
      %gather3A_815 = tpu.vector_load_idx %arg7[%get3A_799] : memref<2064xf32, #tpu.memory_space<vmem>>[vector<16xi32>], vector<16xf32>,
      %gather3A_816 = tpu.vector_load_idx %arg7[%get3A_801] : memref<2064xf32, #tpu.memory_space<vmem>>[vector<16xi32>], vector<16xf32>,
      %gather3A_817 = tpu.vector_load_idx %arg7[%get3A_803] : memref<2064xf32, #tpu.memory_space<vmem>>[vector<16xi32>], vector<16xf32>,
      %gather3A_818 = tpu.vector_load_idx %arg7[%get3A_805] : memref<2064xf32, #tpu.memory_space<vmem>>[vector<16xi32>], vector<16xf32>,
      %broadcast_in_dim3A_819 = arith.constant 1842 : i32
      %broadcast_in_dim3A_820 = vector.broadcast %broadcast_in_dim3A_819 : i32 to vector<16xi32>
      %add3A_821 = arith.addi %broadcast_in_dim3A_820, %iota3A : vector<16xi32>
      %broadcast_in_dim3A_822 = arith.constant 1858 : i32
      %broadcast_in_dim3A_823 = vector.broadcast %broadcast_in_dim3A_822 : i32 to vector<16xi32>
      %add3A_824 = arith.addi %broadcast_in_dim3A_823, %iota3A : vector<16xi32>
      %broadcast_in_dim3A_825 = arith.constant 1874 : i32
      %broadcast_in_dim3A_826 = vector.broadcast %broadcast_in_dim3A_825 : i32 to vector<16xi32>
      %add3A_827 = arith.addi %broadcast_in_dim3A_826, %iota3A : vector<16xi32>
      %broadcast_in_dim3A_828 = arith.constant 1890 : i32
      %broadcast_in_dim3A_829 = vector.broadcast %broadcast_in_dim3A_828 : i32 to vector<16xi32>
      %add3A_830 = arith.addi %broadcast_in_dim3A_829, %iota3A : vector<16xi32>
      %broadcast_in_dim3A_831 = arith.constant 1906 : i32
      %broadcast_in_dim3A_832 = vector.broadcast %broadcast_in_dim3A_831 : i32 to vector<16xi32>
      %add3A_833 = arith.addi %broadcast_in_dim3A_832, %iota3A : vector<16xi32>
      %broadcast_in_dim3A_834 = arith.constant 1922 : i32
      %broadcast_in_dim3A_835 = vector.broadcast %broadcast_in_dim3A_834 : i32 to vector<16xi32>
      %add3A_836 = arith.addi %broadcast_in_dim3A_835, %iota3A : vector<16xi32>
      %broadcast_in_dim3A_837 = arith.constant 1938 : i32
      %broadcast_in_dim3A_838 = vector.broadcast %broadcast_in_dim3A_837 : i32 to vector<16xi32>
      %add3A_839 = arith.addi %broadcast_in_dim3A_838, %iota3A : vector<16xi32>
      %broadcast_in_dim3A_840 = arith.constant 1954 : i32
      %broadcast_in_dim3A_841 = vector.broadcast %broadcast_in_dim3A_840 : i32 to vector<16xi32>
      %add3A_842 = arith.addi %broadcast_in_dim3A_841, %iota3A : vector<16xi32>
      %broadcast_in_dim3A_843 = arith.constant 1970 : i32
      %broadcast_in_dim3A_844 = vector.broadcast %broadcast_in_dim3A_843 : i32 to vector<16xi32>
      %add3A_845 = arith.addi %broadcast_in_dim3A_844, %iota3A : vector<16xi32>
      %broadcast_in_dim3A_846 = arith.constant 1986 : i32
      %broadcast_in_dim3A_847 = vector.broadcast %broadcast_in_dim3A_846 : i32 to vector<16xi32>
      %add3A_848 = arith.addi %broadcast_in_dim3A_847, %iota3A : vector<16xi32>
      %broadcast_in_dim3A_849 = arith.constant 2002 : i32
      %broadcast_in_dim3A_850 = vector.broadcast %broadcast_in_dim3A_849 : i32 to vector<16xi32>
      %add3A_851 = arith.addi %broadcast_in_dim3A_850, %iota3A : vector<16xi32>
      %broadcast_in_dim3A_852 = arith.constant 2018 : i32
      %broadcast_in_dim3A_853 = vector.broadcast %broadcast_in_dim3A_852 : i32 to vector<16xi32>
      %add3A_854 = arith.addi %broadcast_in_dim3A_853, %iota3A : vector<16xi32>
      %broadcast_in_dim3A_855 = arith.constant 2034 : i32
      %broadcast_in_dim3A_856 = vector.broadcast %broadcast_in_dim3A_855 : i32 to vector<16xi32>
      %add3A_857 = arith.addi %broadcast_in_dim3A_856, %iota3A : vector<16xi32>
      %gather3A_858 = tpu.vector_load_idx %arg7[%add3A_821] : memref<2064xf32, #tpu.memory_space<vmem>>[vector<16xi32>], vector<16xf32>,
      %gather3A_859 = tpu.vector_load_idx %arg7[%add3A_824] : memref<2064xf32, #tpu.memory_space<vmem>>[vector<16xi32>], vector<16xf32>,
      %gather3A_860 = tpu.vector_load_idx %arg7[%add3A_827] : memref<2064xf32, #tpu.memory_space<vmem>>[vector<16xi32>], vector<16xf32>,
      %gather3A_861 = tpu.vector_load_idx %arg7[%add3A_830] : memref<2064xf32, #tpu.memory_space<vmem>>[vector<16xi32>], vector<16xf32>,
      %gather3A_862 = tpu.vector_load_idx %arg7[%add3A_833] : memref<2064xf32, #tpu.memory_space<vmem>>[vector<16xi32>], vector<16xf32>,
      %gather3A_863 = tpu.vector_load_idx %arg7[%add3A_836] : memref<2064xf32, #tpu.memory_space<vmem>>[vector<16xi32>], vector<16xf32>,
      %gather3A_864 = tpu.vector_load_idx %arg7[%add3A_839] : memref<2064xf32, #tpu.memory_space<vmem>>[vector<16xi32>], vector<16xf32>,
      %gather3A_865 = tpu.vector_load_idx %arg7[%add3A_842] : memref<2064xf32, #tpu.memory_space<vmem>>[vector<16xi32>], vector<16xf32>,
      %gather3A_866 = tpu.vector_load_idx %arg7[%add3A_845] : memref<2064xf32, #tpu.memory_space<vmem>>[vector<16xi32>], vector<16xf32>,
      %gather3A_867 = tpu.vector_load_idx %arg7[%add3A_848] : memref<2064xf32, #tpu.memory_space<vmem>>[vector<16xi32>], vector<16xf32>,
      %gather3A_868 = tpu.vector_load_idx %arg7[%add3A_851] : memref<2064xf32, #tpu.memory_space<vmem>>[vector<16xi32>], vector<16xf32>,
      %gather3A_869 = tpu.vector_load_idx %arg7[%add3A_854] : memref<2064xf32, #tpu.memory_space<vmem>>[vector<16xi32>], vector<16xf32>,
      %gather3A_870 = tpu.vector_load_idx %arg7[%add3A_857] : memref<2064xf32, #tpu.memory_space<vmem>>[vector<16xi32>], vector<16xf32>,
      %add3A_871 = arith.addf %gather3A_806, %gather3A_807 : vector<16xf32>
      %add3A_872 = arith.addf %add3A_871, %gather3A_808 : vector<16xf32>
      %add3A_873 = arith.addf %add3A_872, %gather3A_809 : vector<16xf32>
      %add3A_874 = arith.addf %add3A_873, %gather3A_810 : vector<16xf32>
      %add3A_875 = arith.addf %add3A_874, %gather3A_811 : vector<16xf32>
      %add3A_876 = arith.addf %add3A_875, %gather3A_812 : vector<16xf32>
      %add3A_877 = arith.addf %add3A_876, %gather3A_813 : vector<16xf32>
      %add3A_878 = arith.addf %add3A_877, %gather3A_814 : vector<16xf32>
      %add3A_879 = arith.addf %add3A_878, %gather3A_815 : vector<16xf32>
      %add3A_880 = arith.addf %add3A_879, %gather3A_816 : vector<16xf32>
      %add3A_881 = arith.addf %add3A_880, %gather3A_817 : vector<16xf32>
      %add3A_882 = arith.addf %add3A_881, %gather3A_818 : vector<16xf32>
      %add3A_883 = arith.addf %add3A_882, %gather3A_858 : vector<16xf32>
      %add3A_884 = arith.addf %add3A_883, %gather3A_859 : vector<16xf32>
      %add3A_885 = arith.addf %add3A_884, %gather3A_860 : vector<16xf32>
      %add3A_886 = arith.addf %add3A_885, %gather3A_861 : vector<16xf32>
      %add3A_887 = arith.addf %add3A_886, %gather3A_862 : vector<16xf32>
      %add3A_888 = arith.addf %add3A_887, %gather3A_863 : vector<16xf32>
      %add3A_889 = arith.addf %add3A_888, %gather3A_864 : vector<16xf32>
      %add3A_890 = arith.addf %add3A_889, %gather3A_865 : vector<16xf32>
      %add3A_891 = arith.addf %add3A_890, %gather3A_866 : vector<16xf32>
      %add3A_892 = arith.addf %add3A_891, %gather3A_867 : vector<16xf32>
      %add3A_893 = arith.addf %add3A_892, %gather3A_868 : vector<16xf32>
      %add3A_894 = arith.addf %add3A_893, %gather3A_869 : vector<16xf32>
      %add3A_895 = arith.addf %add3A_894, %gather3A_870 : vector<16xf32>
      %reduce_sum3A_896 = arith.constant true
      %reduce_sum3A_897 = vector.broadcast %reduce_sum3A_896 : i1 to vector<16xi1>
      %reduce_sum3A_898 = tpu.scan <sum>, %add3A_895 masked %reduce_sum3A_897 : vector<16xf32>, vector<16xi1> -> vector<16xf32>
      %reduce_sum3A_899 = vector.extract %reduce_sum3A_898[15] : f32 from vector<16xf32>
      %broadcast_in_dim3A_900 = vector.broadcast %reduce_sum3A_899 : f32 to vector<16xf32>
      %div3A_901 = arith.constant 1.000000e+00 : f32
      %div3A_902 = vector.broadcast %div3A_901 : f32 to vector<16xf32>
      %div3A_903 = arith.divf %div3A_902, %broadcast_in_dim3A_900 : vector<16xf32>
      %gather3A_904 = tpu.vector_load_idx %arg5[%get3A_781] : memref<2064xf32, #tpu.memory_space<vmem>>[vector<16xi32>], vector<16xf32>,
      %mul3A_905 = arith.mulf %gather3A_806, %div3A_903 : vector<16xf32>
      %add3A_906 = arith.addf %gather3A_904, %mul3A_905 : vector<16xf32>
      tpu.vector_store_idx %arg5[%get3A_781], %add3A_906 : memref<2064xf32, #tpu.memory_space<vmem>>[vector<16xi32>], vector<16xf32>,
      %gather3A_907 = tpu.vector_load_idx %arg5[%get3A_783] : memref<2064xf32, #tpu.memory_space<vmem>>[vector<16xi32>], vector<16xf32>,
      %mul3A_908 = arith.mulf %gather3A_807, %div3A_903 : vector<16xf32>
      %add3A_909 = arith.addf %gather3A_907, %mul3A_908 : vector<16xf32>
      tpu.vector_store_idx %arg5[%get3A_783], %add3A_909 : memref<2064xf32, #tpu.memory_space<vmem>>[vector<16xi32>], vector<16xf32>,
      %gather3A_910 = tpu.vector_load_idx %arg5[%get3A_785] : memref<2064xf32, #tpu.memory_space<vmem>>[vector<16xi32>], vector<16xf32>,
      %mul3A_911 = arith.mulf %gather3A_808, %div3A_903 : vector<16xf32>
      %add3A_912 = arith.addf %gather3A_910, %mul3A_911 : vector<16xf32>
      tpu.vector_store_idx %arg5[%get3A_785], %add3A_912 : memref<2064xf32, #tpu.memory_space<vmem>>[vector<16xi32>], vector<16xf32>,
      %gather3A_913 = tpu.vector_load_idx %arg5[%get3A_787] : memref<2064xf32, #tpu.memory_space<vmem>>[vector<16xi32>], vector<16xf32>,
      %mul3A_914 = arith.mulf %gather3A_809, %div3A_903 : vector<16xf32>
      %add3A_915 = arith.addf %gather3A_913, %mul3A_914 : vector<16xf32>
      tpu.vector_store_idx %arg5[%get3A_787], %add3A_915 : memref<2064xf32, #tpu.memory_space<vmem>>[vector<16xi32>], vector<16xf32>,
      %gather3A_916 = tpu.vector_load_idx %arg5[%get3A_789] : memref<2064xf32, #tpu.memory_space<vmem>>[vector<16xi32>], vector<16xf32>,
      %mul3A_917 = arith.mulf %gather3A_810, %div3A_903 : vector<16xf32>
      %add3A_918 = arith.addf %gather3A_916, %mul3A_917 : vector<16xf32>
      tpu.vector_store_idx %arg5[%get3A_789], %add3A_918 : memref<2064xf32, #tpu.memory_space<vmem>>[vector<16xi32>], vector<16xf32>,
      %gather3A_919 = tpu.vector_load_idx %arg5[%get3A_791] : memref<2064xf32, #tpu.memory_space<vmem>>[vector<16xi32>], vector<16xf32>,
      %mul3A_920 = arith.mulf %gather3A_811, %div3A_903 : vector<16xf32>
      %add3A_921 = arith.addf %gather3A_919, %mul3A_920 : vector<16xf32>
      tpu.vector_store_idx %arg5[%get3A_791], %add3A_921 : memref<2064xf32, #tpu.memory_space<vmem>>[vector<16xi32>], vector<16xf32>,
      %gather3A_922 = tpu.vector_load_idx %arg5[%get3A_793] : memref<2064xf32, #tpu.memory_space<vmem>>[vector<16xi32>], vector<16xf32>,
      %mul3A_923 = arith.mulf %gather3A_812, %div3A_903 : vector<16xf32>
      %add3A_924 = arith.addf %gather3A_922, %mul3A_923 : vector<16xf32>
      tpu.vector_store_idx %arg5[%get3A_793], %add3A_924 : memref<2064xf32, #tpu.memory_space<vmem>>[vector<16xi32>], vector<16xf32>,
      %gather3A_925 = tpu.vector_load_idx %arg5[%get3A_795] : memref<2064xf32, #tpu.memory_space<vmem>>[vector<16xi32>], vector<16xf32>,
      %mul3A_926 = arith.mulf %gather3A_813, %div3A_903 : vector<16xf32>
      %add3A_927 = arith.addf %gather3A_925, %mul3A_926 : vector<16xf32>
      tpu.vector_store_idx %arg5[%get3A_795], %add3A_927 : memref<2064xf32, #tpu.memory_space<vmem>>[vector<16xi32>], vector<16xf32>,
      %gather3A_928 = tpu.vector_load_idx %arg5[%get3A_797] : memref<2064xf32, #tpu.memory_space<vmem>>[vector<16xi32>], vector<16xf32>,
      %mul3A_929 = arith.mulf %gather3A_814, %div3A_903 : vector<16xf32>
      %add3A_930 = arith.addf %gather3A_928, %mul3A_929 : vector<16xf32>
      tpu.vector_store_idx %arg5[%get3A_797], %add3A_930 : memref<2064xf32, #tpu.memory_space<vmem>>[vector<16xi32>], vector<16xf32>,
      %gather3A_931 = tpu.vector_load_idx %arg5[%get3A_799] : memref<2064xf32, #tpu.memory_space<vmem>>[vector<16xi32>], vector<16xf32>,
      %mul3A_932 = arith.mulf %gather3A_815, %div3A_903 : vector<16xf32>
      %add3A_933 = arith.addf %gather3A_931, %mul3A_932 : vector<16xf32>
      tpu.vector_store_idx %arg5[%get3A_799], %add3A_933 : memref<2064xf32, #tpu.memory_space<vmem>>[vector<16xi32>], vector<16xf32>,
      %gather3A_934 = tpu.vector_load_idx %arg5[%get3A_801] : memref<2064xf32, #tpu.memory_space<vmem>>[vector<16xi32>], vector<16xf32>,
      %mul3A_935 = arith.mulf %gather3A_816, %div3A_903 : vector<16xf32>
      %add3A_936 = arith.addf %gather3A_934, %mul3A_935 : vector<16xf32>
      tpu.vector_store_idx %arg5[%get3A_801], %add3A_936 : memref<2064xf32, #tpu.memory_space<vmem>>[vector<16xi32>], vector<16xf32>,
      %gather3A_937 = tpu.vector_load_idx %arg5[%get3A_803] : memref<2064xf32, #tpu.memory_space<vmem>>[vector<16xi32>], vector<16xf32>,
      %mul3A_938 = arith.mulf %gather3A_817, %div3A_903 : vector<16xf32>
      %add3A_939 = arith.addf %gather3A_937, %mul3A_938 : vector<16xf32>
      tpu.vector_store_idx %arg5[%get3A_803], %add3A_939 : memref<2064xf32, #tpu.memory_space<vmem>>[vector<16xi32>], vector<16xf32>,
      %gather3A_940 = tpu.vector_load_idx %arg5[%get3A_805] : memref<2064xf32, #tpu.memory_space<vmem>>[vector<16xi32>], vector<16xf32>,
      %mul3A_941 = arith.mulf %gather3A_818, %div3A_903 : vector<16xf32>
      %add3A_942 = arith.addf %gather3A_940, %mul3A_941 : vector<16xf32>
      tpu.vector_store_idx %arg5[%get3A_805], %add3A_942 : memref<2064xf32, #tpu.memory_space<vmem>>[vector<16xi32>], vector<16xf32>,
      %gather3A_943 = tpu.vector_load_idx %arg5[%add3A_821] : memref<2064xf32, #tpu.memory_space<vmem>>[vector<16xi32>], vector<16xf32>,
      %mul3A_944 = arith.mulf %gather3A_858, %div3A_903 : vector<16xf32>
      %add3A_945 = arith.addf %gather3A_943, %mul3A_944 : vector<16xf32>
      tpu.vector_store_idx %arg5[%add3A_821], %add3A_945 : memref<2064xf32, #tpu.memory_space<vmem>>[vector<16xi32>], vector<16xf32>,
      %gather3A_946 = tpu.vector_load_idx %arg5[%add3A_824] : memref<2064xf32, #tpu.memory_space<vmem>>[vector<16xi32>], vector<16xf32>,
      %mul3A_947 = arith.mulf %gather3A_859, %div3A_903 : vector<16xf32>
      %add3A_948 = arith.addf %gather3A_946, %mul3A_947 : vector<16xf32>
      tpu.vector_store_idx %arg5[%add3A_824], %add3A_948 : memref<2064xf32, #tpu.memory_space<vmem>>[vector<16xi32>], vector<16xf32>,
      %gather3A_949 = tpu.vector_load_idx %arg5[%add3A_827] : memref<2064xf32, #tpu.memory_space<vmem>>[vector<16xi32>], vector<16xf32>,
      %mul3A_950 = arith.mulf %gather3A_860, %div3A_903 : vector<16xf32>
      %add3A_951 = arith.addf %gather3A_949, %mul3A_950 : vector<16xf32>
      tpu.vector_store_idx %arg5[%add3A_827], %add3A_951 : memref<2064xf32, #tpu.memory_space<vmem>>[vector<16xi32>], vector<16xf32>,
      %gather3A_952 = tpu.vector_load_idx %arg5[%add3A_830] : memref<2064xf32, #tpu.memory_space<vmem>>[vector<16xi32>], vector<16xf32>,
      %mul3A_953 = arith.mulf %gather3A_861, %div3A_903 : vector<16xf32>
      %add3A_954 = arith.addf %gather3A_952, %mul3A_953 : vector<16xf32>
      tpu.vector_store_idx %arg5[%add3A_830], %add3A_954 : memref<2064xf32, #tpu.memory_space<vmem>>[vector<16xi32>], vector<16xf32>,
      %gather3A_955 = tpu.vector_load_idx %arg5[%add3A_833] : memref<2064xf32, #tpu.memory_space<vmem>>[vector<16xi32>], vector<16xf32>,
      %mul3A_956 = arith.mulf %gather3A_862, %div3A_903 : vector<16xf32>
      %add3A_957 = arith.addf %gather3A_955, %mul3A_956 : vector<16xf32>
      tpu.vector_store_idx %arg5[%add3A_833], %add3A_957 : memref<2064xf32, #tpu.memory_space<vmem>>[vector<16xi32>], vector<16xf32>,
      %gather3A_958 = tpu.vector_load_idx %arg5[%add3A_836] : memref<2064xf32, #tpu.memory_space<vmem>>[vector<16xi32>], vector<16xf32>,
      %mul3A_959 = arith.mulf %gather3A_863, %div3A_903 : vector<16xf32>
      %add3A_960 = arith.addf %gather3A_958, %mul3A_959 : vector<16xf32>
      tpu.vector_store_idx %arg5[%add3A_836], %add3A_960 : memref<2064xf32, #tpu.memory_space<vmem>>[vector<16xi32>], vector<16xf32>,
      %gather3A_961 = tpu.vector_load_idx %arg5[%add3A_839] : memref<2064xf32, #tpu.memory_space<vmem>>[vector<16xi32>], vector<16xf32>,
      %mul3A_962 = arith.mulf %gather3A_864, %div3A_903 : vector<16xf32>
      %add3A_963 = arith.addf %gather3A_961, %mul3A_962 : vector<16xf32>
      tpu.vector_store_idx %arg5[%add3A_839], %add3A_963 : memref<2064xf32, #tpu.memory_space<vmem>>[vector<16xi32>], vector<16xf32>,
      %gather3A_964 = tpu.vector_load_idx %arg5[%add3A_842] : memref<2064xf32, #tpu.memory_space<vmem>>[vector<16xi32>], vector<16xf32>,
      %mul3A_965 = arith.mulf %gather3A_865, %div3A_903 : vector<16xf32>
      %add3A_966 = arith.addf %gather3A_964, %mul3A_965 : vector<16xf32>
      tpu.vector_store_idx %arg5[%add3A_842], %add3A_966 : memref<2064xf32, #tpu.memory_space<vmem>>[vector<16xi32>], vector<16xf32>,
      %gather3A_967 = tpu.vector_load_idx %arg5[%add3A_845] : memref<2064xf32, #tpu.memory_space<vmem>>[vector<16xi32>], vector<16xf32>,
      %mul3A_968 = arith.mulf %gather3A_866, %div3A_903 : vector<16xf32>
      %add3A_969 = arith.addf %gather3A_967, %mul3A_968 : vector<16xf32>
      tpu.vector_store_idx %arg5[%add3A_845], %add3A_969 : memref<2064xf32, #tpu.memory_space<vmem>>[vector<16xi32>], vector<16xf32>,
      %gather3A_970 = tpu.vector_load_idx %arg5[%add3A_848] : memref<2064xf32, #tpu.memory_space<vmem>>[vector<16xi32>], vector<16xf32>,
      %mul3A_971 = arith.mulf %gather3A_867, %div3A_903 : vector<16xf32>
      %add3A_972 = arith.addf %gather3A_970, %mul3A_971 : vector<16xf32>
      tpu.vector_store_idx %arg5[%add3A_848], %add3A_972 : memref<2064xf32, #tpu.memory_space<vmem>>[vector<16xi32>], vector<16xf32>,
      %gather3A_973 = tpu.vector_load_idx %arg5[%add3A_851] : memref<2064xf32, #tpu.memory_space<vmem>>[vector<16xi32>], vector<16xf32>,
      %mul3A_974 = arith.mulf %gather3A_868, %div3A_903 : vector<16xf32>
      %add3A_975 = arith.addf %gather3A_973, %mul3A_974 : vector<16xf32>
      tpu.vector_store_idx %arg5[%add3A_851], %add3A_975 : memref<2064xf32, #tpu.memory_space<vmem>>[vector<16xi32>], vector<16xf32>,
      %gather3A_976 = tpu.vector_load_idx %arg5[%add3A_854] : memref<2064xf32, #tpu.memory_space<vmem>>[vector<16xi32>], vector<16xf32>,
      %mul3A_977 = arith.mulf %gather3A_869, %div3A_903 : vector<16xf32>
      %add3A_978 = arith.addf %gather3A_976, %mul3A_977 : vector<16xf32>
      tpu.vector_store_idx %arg5[%add3A_854], %add3A_978 : memref<2064xf32, #tpu.memory_space<vmem>>[vector<16xi32>], vector<16xf32>,
      %gather3A_979 = tpu.vector_load_idx %arg5[%add3A_857] : memref<2064xf32, #tpu.memory_space<vmem>>[vector<16xi32>], vector<16xf32>,
      %mul3A_980 = arith.mulf %gather3A_870, %div3A_903 : vector<16xf32>
      %add3A_981 = arith.addf %gather3A_979, %mul3A_980 : vector<16xf32>
      tpu.vector_store_idx %arg5[%add3A_857], %add3A_981 : memref<2064xf32, #tpu.memory_space<vmem>>[vector<16xi32>], vector<16xf32>,
      %lt3A_982 = arith.constant 13 : i32
      %lt3A_983 = vector.broadcast %lt3A_982 : i32 to vector<16xi32>
      %lt3A_984 = arith.cmpi slt, %iota3A, %lt3A_983 : vector<16xi32>
      %select_n3A_985 = arith.select %lt3A_984, %add3A_942, %broadcast_in_dim3A_3 : vector<16xi1>, vector<16xf32>
      %min3A_986 = arith.minimumf %add3A_906, %add3A_909 : vector<16xf32>
      %min3A_987 = arith.minimumf %min3A_986, %add3A_912 : vector<16xf32>
      %min3A_988 = arith.minimumf %min3A_987, %add3A_915 : vector<16xf32>
      %min3A_989 = arith.minimumf %min3A_988, %add3A_918 : vector<16xf32>
      %min3A_990 = arith.minimumf %min3A_989, %add3A_921 : vector<16xf32>
      %min3A_991 = arith.minimumf %min3A_990, %add3A_924 : vector<16xf32>
      %min3A_992 = arith.minimumf %min3A_991, %add3A_927 : vector<16xf32>
      %min3A_993 = arith.minimumf %min3A_992, %add3A_930 : vector<16xf32>
      %min3A_994 = arith.minimumf %min3A_993, %add3A_933 : vector<16xf32>
      %min3A_995 = arith.minimumf %min3A_994, %add3A_936 : vector<16xf32>
      %min3A_996 = arith.minimumf %min3A_995, %add3A_939 : vector<16xf32>
      %min3A_997 = arith.minimumf %min3A_996, %select_n3A_985 : vector<16xf32>
      %reduce_min3A_998 = arith.constant true
      %reduce_min3A_999 = vector.broadcast %reduce_min3A_998 : i1 to vector<16xi1>
      %reduce_min3A_1000 = tpu.scan <min>, %min3A_997 masked %reduce_min3A_999 : vector<16xf32>, vector<16xi1> -> vector<16xf32>
      %reduce_min3A_1001 = vector.extract %reduce_min3A_1000[15] : f32 from vector<16xf32>
      %broadcast_in_dim3A_1002 = vector.broadcast %reduce_min3A_1001 : f32 to vector<16xf32>
      %shift_left3A_1003 = arith.constant 8 : i32
      %shift_left3A_1004 = vector.broadcast %shift_left3A_1003 : i32 to vector<16xi32>
      %shift_left3A_1005 = arith.shli %get3A_781, %shift_left3A_1004 : vector<16xi32>
      %add3A_1006 = arith.constant 0 : i32
      %add3A_1007 = vector.broadcast %add3A_1006 : i32 to vector<16xi32>
      %add3A_1008 = arith.addi %iota3A, %add3A_1007 : vector<16xi32>
      %add3A_1009 = arith.addi %shift_left3A_1005, %add3A_1008 : vector<16xi32>
      %eq3A_1010 = arith.cmpf oeq, %add3A_906, %broadcast_in_dim3A_1002 : vector<16xf32>
      %select_n3A_1011 = arith.select %eq3A_1010, %add3A_1009, %broadcast_in_dim3A_5 : vector<16xi1>, vector<16xi32>
      %min3A_1012 = arith.minsi %broadcast_in_dim3A_5, %select_n3A_1011 : vector<16xi32>
      %shift_left3A_1013 = arith.constant 8 : i32
      %shift_left3A_1014 = vector.broadcast %shift_left3A_1013 : i32 to vector<16xi32>
      %shift_left3A_1015 = arith.shli %get3A_783, %shift_left3A_1014 : vector<16xi32>
      %add3A_1016 = arith.constant 16 : i32
      %add3A_1017 = vector.broadcast %add3A_1016 : i32 to vector<16xi32>
      %add3A_1018 = arith.addi %iota3A, %add3A_1017 : vector<16xi32>
      %add3A_1019 = arith.addi %shift_left3A_1015, %add3A_1018 : vector<16xi32>
      %eq3A_1020 = arith.cmpf oeq, %add3A_909, %broadcast_in_dim3A_1002 : vector<16xf32>
      %select_n3A_1021 = arith.select %eq3A_1020, %add3A_1019, %broadcast_in_dim3A_5 : vector<16xi1>, vector<16xi32>
      %min3A_1022 = arith.minsi %min3A_1012, %select_n3A_1021 : vector<16xi32>
      %shift_left3A_1023 = arith.constant 8 : i32
      %shift_left3A_1024 = vector.broadcast %shift_left3A_1023 : i32 to vector<16xi32>
      %shift_left3A_1025 = arith.shli %get3A_785, %shift_left3A_1024 : vector<16xi32>
      %add3A_1026 = arith.constant 32 : i32
      %add3A_1027 = vector.broadcast %add3A_1026 : i32 to vector<16xi32>
      %add3A_1028 = arith.addi %iota3A, %add3A_1027 : vector<16xi32>
      %add3A_1029 = arith.addi %shift_left3A_1025, %add3A_1028 : vector<16xi32>
      %eq3A_1030 = arith.cmpf oeq, %add3A_912, %broadcast_in_dim3A_1002 : vector<16xf32>
      %select_n3A_1031 = arith.select %eq3A_1030, %add3A_1029, %broadcast_in_dim3A_5 : vector<16xi1>, vector<16xi32>
      %min3A_1032 = arith.minsi %min3A_1022, %select_n3A_1031 : vector<16xi32>
      %shift_left3A_1033 = arith.constant 8 : i32
      %shift_left3A_1034 = vector.broadcast %shift_left3A_1033 : i32 to vector<16xi32>
      %shift_left3A_1035 = arith.shli %get3A_787, %shift_left3A_1034 : vector<16xi32>
      %add3A_1036 = arith.constant 48 : i32
      %add3A_1037 = vector.broadcast %add3A_1036 : i32 to vector<16xi32>
      %add3A_1038 = arith.addi %iota3A, %add3A_1037 : vector<16xi32>
      %add3A_1039 = arith.addi %shift_left3A_1035, %add3A_1038 : vector<16xi32>
      %eq3A_1040 = arith.cmpf oeq, %add3A_915, %broadcast_in_dim3A_1002 : vector<16xf32>
      %select_n3A_1041 = arith.select %eq3A_1040, %add3A_1039, %broadcast_in_dim3A_5 : vector<16xi1>, vector<16xi32>
      %min3A_1042 = arith.minsi %min3A_1032, %select_n3A_1041 : vector<16xi32>
      %shift_left3A_1043 = arith.constant 8 : i32
      %shift_left3A_1044 = vector.broadcast %shift_left3A_1043 : i32 to vector<16xi32>
      %shift_left3A_1045 = arith.shli %get3A_789, %shift_left3A_1044 : vector<16xi32>
      %add3A_1046 = arith.constant 64 : i32
      %add3A_1047 = vector.broadcast %add3A_1046 : i32 to vector<16xi32>
      %add3A_1048 = arith.addi %iota3A, %add3A_1047 : vector<16xi32>
      %add3A_1049 = arith.addi %shift_left3A_1045, %add3A_1048 : vector<16xi32>
      %eq3A_1050 = arith.cmpf oeq, %add3A_918, %broadcast_in_dim3A_1002 : vector<16xf32>
      %select_n3A_1051 = arith.select %eq3A_1050, %add3A_1049, %broadcast_in_dim3A_5 : vector<16xi1>, vector<16xi32>
      %min3A_1052 = arith.minsi %min3A_1042, %select_n3A_1051 : vector<16xi32>
      %shift_left3A_1053 = arith.constant 8 : i32
      %shift_left3A_1054 = vector.broadcast %shift_left3A_1053 : i32 to vector<16xi32>
      %shift_left3A_1055 = arith.shli %get3A_791, %shift_left3A_1054 : vector<16xi32>
      %add3A_1056 = arith.constant 80 : i32
      %add3A_1057 = vector.broadcast %add3A_1056 : i32 to vector<16xi32>
      %add3A_1058 = arith.addi %iota3A, %add3A_1057 : vector<16xi32>
      %add3A_1059 = arith.addi %shift_left3A_1055, %add3A_1058 : vector<16xi32>
      %eq3A_1060 = arith.cmpf oeq, %add3A_921, %broadcast_in_dim3A_1002 : vector<16xf32>
      %select_n3A_1061 = arith.select %eq3A_1060, %add3A_1059, %broadcast_in_dim3A_5 : vector<16xi1>, vector<16xi32>
      %min3A_1062 = arith.minsi %min3A_1052, %select_n3A_1061 : vector<16xi32>
      %shift_left3A_1063 = arith.constant 8 : i32
      %shift_left3A_1064 = vector.broadcast %shift_left3A_1063 : i32 to vector<16xi32>
      %shift_left3A_1065 = arith.shli %get3A_793, %shift_left3A_1064 : vector<16xi32>
      %add3A_1066 = arith.constant 96 : i32
      %add3A_1067 = vector.broadcast %add3A_1066 : i32 to vector<16xi32>
      %add3A_1068 = arith.addi %iota3A, %add3A_1067 : vector<16xi32>
      %add3A_1069 = arith.addi %shift_left3A_1065, %add3A_1068 : vector<16xi32>
      %eq3A_1070 = arith.cmpf oeq, %add3A_924, %broadcast_in_dim3A_1002 : vector<16xf32>
      %select_n3A_1071 = arith.select %eq3A_1070, %add3A_1069, %broadcast_in_dim3A_5 : vector<16xi1>, vector<16xi32>
      %min3A_1072 = arith.minsi %min3A_1062, %select_n3A_1071 : vector<16xi32>
      %shift_left3A_1073 = arith.constant 8 : i32
      %shift_left3A_1074 = vector.broadcast %shift_left3A_1073 : i32 to vector<16xi32>
      %shift_left3A_1075 = arith.shli %get3A_795, %shift_left3A_1074 : vector<16xi32>
      %add3A_1076 = arith.constant 112 : i32
      %add3A_1077 = vector.broadcast %add3A_1076 : i32 to vector<16xi32>
      %add3A_1078 = arith.addi %iota3A, %add3A_1077 : vector<16xi32>
      %add3A_1079 = arith.addi %shift_left3A_1075, %add3A_1078 : vector<16xi32>
      %eq3A_1080 = arith.cmpf oeq, %add3A_927, %broadcast_in_dim3A_1002 : vector<16xf32>
      %select_n3A_1081 = arith.select %eq3A_1080, %add3A_1079, %broadcast_in_dim3A_5 : vector<16xi1>, vector<16xi32>
      %min3A_1082 = arith.minsi %min3A_1072, %select_n3A_1081 : vector<16xi32>
      %shift_left3A_1083 = arith.constant 8 : i32
      %shift_left3A_1084 = vector.broadcast %shift_left3A_1083 : i32 to vector<16xi32>
      %shift_left3A_1085 = arith.shli %get3A_797, %shift_left3A_1084 : vector<16xi32>
      %add3A_1086 = arith.constant 128 : i32
      %add3A_1087 = vector.broadcast %add3A_1086 : i32 to vector<16xi32>
      %add3A_1088 = arith.addi %iota3A, %add3A_1087 : vector<16xi32>
      %add3A_1089 = arith.addi %shift_left3A_1085, %add3A_1088 : vector<16xi32>
      %eq3A_1090 = arith.cmpf oeq, %add3A_930, %broadcast_in_dim3A_1002 : vector<16xf32>
      %select_n3A_1091 = arith.select %eq3A_1090, %add3A_1089, %broadcast_in_dim3A_5 : vector<16xi1>, vector<16xi32>
      %min3A_1092 = arith.minsi %min3A_1082, %select_n3A_1091 : vector<16xi32>
      %shift_left3A_1093 = arith.constant 8 : i32
      %shift_left3A_1094 = vector.broadcast %shift_left3A_1093 : i32 to vector<16xi32>
      %shift_left3A_1095 = arith.shli %get3A_799, %shift_left3A_1094 : vector<16xi32>
      %add3A_1096 = arith.constant 144 : i32
      %add3A_1097 = vector.broadcast %add3A_1096 : i32 to vector<16xi32>
      %add3A_1098 = arith.addi %iota3A, %add3A_1097 : vector<16xi32>
      %add3A_1099 = arith.addi %shift_left3A_1095, %add3A_1098 : vector<16xi32>
      %eq3A_1100 = arith.cmpf oeq, %add3A_933, %broadcast_in_dim3A_1002 : vector<16xf32>
      %select_n3A_1101 = arith.select %eq3A_1100, %add3A_1099, %broadcast_in_dim3A_5 : vector<16xi1>, vector<16xi32>
      %min3A_1102 = arith.minsi %min3A_1092, %select_n3A_1101 : vector<16xi32>
      %shift_left3A_1103 = arith.constant 8 : i32
      %shift_left3A_1104 = vector.broadcast %shift_left3A_1103 : i32 to vector<16xi32>
      %shift_left3A_1105 = arith.shli %get3A_801, %shift_left3A_1104 : vector<16xi32>
      %add3A_1106 = arith.constant 160 : i32
      %add3A_1107 = vector.broadcast %add3A_1106 : i32 to vector<16xi32>
      %add3A_1108 = arith.addi %iota3A, %add3A_1107 : vector<16xi32>
      %add3A_1109 = arith.addi %shift_left3A_1105, %add3A_1108 : vector<16xi32>
      %eq3A_1110 = arith.cmpf oeq, %add3A_936, %broadcast_in_dim3A_1002 : vector<16xf32>
      %select_n3A_1111 = arith.select %eq3A_1110, %add3A_1109, %broadcast_in_dim3A_5 : vector<16xi1>, vector<16xi32>
      %min3A_1112 = arith.minsi %min3A_1102, %select_n3A_1111 : vector<16xi32>
      %shift_left3A_1113 = arith.constant 8 : i32
      %shift_left3A_1114 = vector.broadcast %shift_left3A_1113 : i32 to vector<16xi32>
      %shift_left3A_1115 = arith.shli %get3A_803, %shift_left3A_1114 : vector<16xi32>
      %add3A_1116 = arith.constant 176 : i32
      %add3A_1117 = vector.broadcast %add3A_1116 : i32 to vector<16xi32>
      %add3A_1118 = arith.addi %iota3A, %add3A_1117 : vector<16xi32>
      %add3A_1119 = arith.addi %shift_left3A_1115, %add3A_1118 : vector<16xi32>
      %eq3A_1120 = arith.cmpf oeq, %add3A_939, %broadcast_in_dim3A_1002 : vector<16xf32>
      %select_n3A_1121 = arith.select %eq3A_1120, %add3A_1119, %broadcast_in_dim3A_5 : vector<16xi1>, vector<16xi32>
      %min3A_1122 = arith.minsi %min3A_1112, %select_n3A_1121 : vector<16xi32>
      %shift_left3A_1123 = arith.constant 8 : i32
      %shift_left3A_1124 = vector.broadcast %shift_left3A_1123 : i32 to vector<16xi32>
      %shift_left3A_1125 = arith.shli %get3A_805, %shift_left3A_1124 : vector<16xi32>
      %add3A_1126 = arith.constant 192 : i32
      %add3A_1127 = vector.broadcast %add3A_1126 : i32 to vector<16xi32>
      %add3A_1128 = arith.addi %iota3A, %add3A_1127 : vector<16xi32>
      %add3A_1129 = arith.addi %shift_left3A_1125, %add3A_1128 : vector<16xi32>
      %eq3A_1130 = arith.cmpf oeq, %select_n3A_985, %broadcast_in_dim3A_1002 : vector<16xf32>
      %select_n3A_1131 = arith.select %eq3A_1130, %add3A_1129, %broadcast_in_dim3A_5 : vector<16xi1>, vector<16xi32>
      %min3A_1132 = arith.minsi %min3A_1122, %select_n3A_1131 : vector<16xi32>
      %reduce_min3A_1133 = arith.constant true
      %reduce_min3A_1134 = vector.broadcast %reduce_min3A_1133 : i1 to vector<16xi1>
      %reduce_min3A_1135 = arith.constant -2147483648 : i32
      %reduce_min3A_1136 = vector.broadcast %reduce_min3A_1135 : i32 to vector<16xi32>
      %reduce_min3A_1137 = arith.xori %min3A_1132, %reduce_min3A_1136 : vector<16xi32>
      %reduce_min3A_1138 = tpu.scan <min>, %reduce_min3A_1137 masked %reduce_min3A_1134 : vector<16xi32>, vector<16xi1> -> vector<16xi32>
      %reduce_min3A_1139 = arith.xori %reduce_min3A_1138, %reduce_min3A_1136 : vector<16xi32>
      %reduce_min3A_1140 = vector.extract %reduce_min3A_1139[15] : i32 from vector<16xi32>
      %broadcast_in_dim3A_1141 = vector.broadcast %reduce_min3A_1140 : i32 to vector<16xi32>
      %shift_right_logical3A_1142 = arith.constant 8 : i32
      %shift_right_logical3A_1143 = vector.broadcast %shift_right_logical3A_1142 : i32 to vector<16xi32>
      %shift_right_logical3A_1144 = arith.shrui %broadcast_in_dim3A_1141, %shift_right_logical3A_1143 : vector<16xi32>
      %and3A_1145 = arith.constant 255 : i32
      %and3A_1146 = vector.broadcast %and3A_1145 : i32 to vector<16xi32>
      %and3A_1147 = arith.andi %broadcast_in_dim3A_1141, %and3A_1146 : vector<16xi32>
      %broadcast_in_dim3A_1148 = arith.constant 2045 : i32
      %broadcast_in_dim3A_1149 = vector.broadcast %broadcast_in_dim3A_1148 : i32 to vector<16xi32>
      tpu.vector_store_idx %arg11[%shift_right_logical3A_1144], %broadcast_in_dim3A_1149 masked %eq3A_2 : memref<2048xi32, #tpu.memory_space<vmem>>[vector<16xi32>], vector<16xi32>, vector<16xi1>
      %broadcast_in_dim3A_1150 = arith.constant 1842 : i32
      %broadcast_in_dim3A_1151 = vector.broadcast %broadcast_in_dim3A_1150 : i32 to vector<16xi32>
      tpu.vector_store_idx %arg10[%and3A_1147], %broadcast_in_dim3A_1151 masked %eq3A_2 : memref<208xi32, #tpu.memory_space<vmem>>[vector<16xi32>], vector<16xi32>, vector<16xi1>
      %dma_wait3A_1152 = arith.constant 2046 : i32
      %dma_wait3A_1153 = arith.constant 0 : i32
      %dma_wait3A_1154 = tpu.memref_slice %arg8[%dma_wait3A_1153] : memref<2064xf32, #tpu.memory_space<vmem>> -> memref<2048xf32, #tpu.memory_space<vmem>>
      %dma_wait3A_1155 = arith.constant 0 : i32
      %dma_wait3A_1156 = tpu.memref_slice %arg2[%add3A, %dma_wait3A_1152, %dma_wait3A_1155] : memref<16x2048x2048xf32, #tpu.memory_space<hbm>> -> memref<1x1x2048xf32, #tpu.memory_space<hbm>>
      %dma_wait3A_1157 = tpu.memref_squeeze %dma_wait3A_1156 : memref<1x1x2048xf32, #tpu.memory_space<hbm>> -> memref<2048xf32, #tpu.memory_space<hbm>>
      %dma_wait3A_1158 = arith.constant 0 : i32
      %dma_wait3A_1159 = tpu.memref_slice %arg8[%dma_wait3A_1158] : memref<2064xf32, #tpu.memory_space<vmem>> -> memref<2048xf32, #tpu.memory_space<vmem>>
      %dma_wait3A_1160 = arith.constant 0 : i32
      %dma_wait3A_1161 = tpu.memref_slice %arg2[%add3A, %dma_wait3A_1152, %dma_wait3A_1160] : memref<16x2048x2048xf32, #tpu.memory_space<hbm>> -> memref<1x1x2048xf32, #tpu.memory_space<hbm>>
      %dma_wait3A_1162 = tpu.memref_squeeze %dma_wait3A_1161 : memref<1x1x2048xf32, #tpu.memory_space<hbm>> -> memref<2048xf32, #tpu.memory_space<hbm>>
      tpu.wait_dma2 semaphore(%arg14 : memref<!tpu.dma_semaphore, #tpu.memory_space<semaphore_mem>>) src(%dma_wait3A_1162 : memref<2048xf32, #tpu.memory_space<hbm>>) dst(%dma_wait3A_1159 : memref<2048xf32, #tpu.memory_space<vmem>>)
      %get3A_1163 = arith.constant 0 : index
      %get3A_1164 = tpu.vector_load %arg10[%get3A_1163] {strides = array<i32>} : memref<208xi32, #tpu.memory_space<vmem>>, vector<16xi32>,
      %get3A_1165 = arith.constant 16 : index
      %get3A_1166 = tpu.vector_load %arg10[%get3A_1165] {strides = array<i32>} : memref<208xi32, #tpu.memory_space<vmem>>, vector<16xi32>,
      %get3A_1167 = arith.constant 32 : index
      %get3A_1168 = tpu.vector_load %arg10[%get3A_1167] {strides = array<i32>} : memref<208xi32, #tpu.memory_space<vmem>>, vector<16xi32>,
      %get3A_1169 = arith.constant 48 : index
      %get3A_1170 = tpu.vector_load %arg10[%get3A_1169] {strides = array<i32>} : memref<208xi32, #tpu.memory_space<vmem>>, vector<16xi32>,
      %get3A_1171 = arith.constant 64 : index
      %get3A_1172 = tpu.vector_load %arg10[%get3A_1171] {strides = array<i32>} : memref<208xi32, #tpu.memory_space<vmem>>, vector<16xi32>,
      %get3A_1173 = arith.constant 80 : index
      %get3A_1174 = tpu.vector_load %arg10[%get3A_1173] {strides = array<i32>} : memref<208xi32, #tpu.memory_space<vmem>>, vector<16xi32>,
      %get3A_1175 = arith.constant 96 : index
      %get3A_1176 = tpu.vector_load %arg10[%get3A_1175] {strides = array<i32>} : memref<208xi32, #tpu.memory_space<vmem>>, vector<16xi32>,
      %get3A_1177 = arith.constant 112 : index
      %get3A_1178 = tpu.vector_load %arg10[%get3A_1177] {strides = array<i32>} : memref<208xi32, #tpu.memory_space<vmem>>, vector<16xi32>,
      %get3A_1179 = arith.constant 128 : index
      %get3A_1180 = tpu.vector_load %arg10[%get3A_1179] {strides = array<i32>} : memref<208xi32, #tpu.memory_space<vmem>>, vector<16xi32>,
      %get3A_1181 = arith.constant 144 : index
      %get3A_1182 = tpu.vector_load %arg10[%get3A_1181] {strides = array<i32>} : memref<208xi32, #tpu.memory_space<vmem>>, vector<16xi32>,
      %get3A_1183 = arith.constant 160 : index
      %get3A_1184 = tpu.vector_load %arg10[%get3A_1183] {strides = array<i32>} : memref<208xi32, #tpu.memory_space<vmem>>, vector<16xi32>,
      %get3A_1185 = arith.constant 176 : index
      %get3A_1186 = tpu.vector_load %arg10[%get3A_1185] {strides = array<i32>} : memref<208xi32, #tpu.memory_space<vmem>>, vector<16xi32>,
      %get3A_1187 = arith.constant 192 : index
      %get3A_1188 = tpu.vector_load %arg10[%get3A_1187] {strides = array<i32>} : memref<208xi32, #tpu.memory_space<vmem>>, vector<16xi32>,
      %gather3A_1189 = tpu.vector_load_idx %arg8[%get3A_1164] : memref<2064xf32, #tpu.memory_space<vmem>>[vector<16xi32>], vector<16xf32>,
      %gather3A_1190 = tpu.vector_load_idx %arg8[%get3A_1166] : memref<2064xf32, #tpu.memory_space<vmem>>[vector<16xi32>], vector<16xf32>,
      %gather3A_1191 = tpu.vector_load_idx %arg8[%get3A_1168] : memref<2064xf32, #tpu.memory_space<vmem>>[vector<16xi32>], vector<16xf32>,
      %gather3A_1192 = tpu.vector_load_idx %arg8[%get3A_1170] : memref<2064xf32, #tpu.memory_space<vmem>>[vector<16xi32>], vector<16xf32>,
      %gather3A_1193 = tpu.vector_load_idx %arg8[%get3A_1172] : memref<2064xf32, #tpu.memory_space<vmem>>[vector<16xi32>], vector<16xf32>,
      %gather3A_1194 = tpu.vector_load_idx %arg8[%get3A_1174] : memref<2064xf32, #tpu.memory_space<vmem>>[vector<16xi32>], vector<16xf32>,
      %gather3A_1195 = tpu.vector_load_idx %arg8[%get3A_1176] : memref<2064xf32, #tpu.memory_space<vmem>>[vector<16xi32>], vector<16xf32>,
      %gather3A_1196 = tpu.vector_load_idx %arg8[%get3A_1178] : memref<2064xf32, #tpu.memory_space<vmem>>[vector<16xi32>], vector<16xf32>,
      %gather3A_1197 = tpu.vector_load_idx %arg8[%get3A_1180] : memref<2064xf32, #tpu.memory_space<vmem>>[vector<16xi32>], vector<16xf32>,
      %gather3A_1198 = tpu.vector_load_idx %arg8[%get3A_1182] : memref<2064xf32, #tpu.memory_space<vmem>>[vector<16xi32>], vector<16xf32>,
      %gather3A_1199 = tpu.vector_load_idx %arg8[%get3A_1184] : memref<2064xf32, #tpu.memory_space<vmem>>[vector<16xi32>], vector<16xf32>,
      %gather3A_1200 = tpu.vector_load_idx %arg8[%get3A_1186] : memref<2064xf32, #tpu.memory_space<vmem>>[vector<16xi32>], vector<16xf32>,
      %gather3A_1201 = tpu.vector_load_idx %arg8[%get3A_1188] : memref<2064xf32, #tpu.memory_space<vmem>>[vector<16xi32>], vector<16xf32>,
      %broadcast_in_dim3A_1202 = arith.constant 1843 : i32
      %broadcast_in_dim3A_1203 = vector.broadcast %broadcast_in_dim3A_1202 : i32 to vector<16xi32>
      %add3A_1204 = arith.addi %broadcast_in_dim3A_1203, %iota3A : vector<16xi32>
      %broadcast_in_dim3A_1205 = arith.constant 1859 : i32
      %broadcast_in_dim3A_1206 = vector.broadcast %broadcast_in_dim3A_1205 : i32 to vector<16xi32>
      %add3A_1207 = arith.addi %broadcast_in_dim3A_1206, %iota3A : vector<16xi32>
      %broadcast_in_dim3A_1208 = arith.constant 1875 : i32
      %broadcast_in_dim3A_1209 = vector.broadcast %broadcast_in_dim3A_1208 : i32 to vector<16xi32>
      %add3A_1210 = arith.addi %broadcast_in_dim3A_1209, %iota3A : vector<16xi32>
      %broadcast_in_dim3A_1211 = arith.constant 1891 : i32
      %broadcast_in_dim3A_1212 = vector.broadcast %broadcast_in_dim3A_1211 : i32 to vector<16xi32>
      %add3A_1213 = arith.addi %broadcast_in_dim3A_1212, %iota3A : vector<16xi32>
      %broadcast_in_dim3A_1214 = arith.constant 1907 : i32
      %broadcast_in_dim3A_1215 = vector.broadcast %broadcast_in_dim3A_1214 : i32 to vector<16xi32>
      %add3A_1216 = arith.addi %broadcast_in_dim3A_1215, %iota3A : vector<16xi32>
      %broadcast_in_dim3A_1217 = arith.constant 1923 : i32
      %broadcast_in_dim3A_1218 = vector.broadcast %broadcast_in_dim3A_1217 : i32 to vector<16xi32>
      %add3A_1219 = arith.addi %broadcast_in_dim3A_1218, %iota3A : vector<16xi32>
      %broadcast_in_dim3A_1220 = arith.constant 1939 : i32
      %broadcast_in_dim3A_1221 = vector.broadcast %broadcast_in_dim3A_1220 : i32 to vector<16xi32>
      %add3A_1222 = arith.addi %broadcast_in_dim3A_1221, %iota3A : vector<16xi32>
      %broadcast_in_dim3A_1223 = arith.constant 1955 : i32
      %broadcast_in_dim3A_1224 = vector.broadcast %broadcast_in_dim3A_1223 : i32 to vector<16xi32>
      %add3A_1225 = arith.addi %broadcast_in_dim3A_1224, %iota3A : vector<16xi32>
      %broadcast_in_dim3A_1226 = arith.constant 1971 : i32
      %broadcast_in_dim3A_1227 = vector.broadcast %broadcast_in_dim3A_1226 : i32 to vector<16xi32>
      %add3A_1228 = arith.addi %broadcast_in_dim3A_1227, %iota3A : vector<16xi32>
      %broadcast_in_dim3A_1229 = arith.constant 1987 : i32
      %broadcast_in_dim3A_1230 = vector.broadcast %broadcast_in_dim3A_1229 : i32 to vector<16xi32>
      %add3A_1231 = arith.addi %broadcast_in_dim3A_1230, %iota3A : vector<16xi32>
      %broadcast_in_dim3A_1232 = arith.constant 2003 : i32
      %broadcast_in_dim3A_1233 = vector.broadcast %broadcast_in_dim3A_1232 : i32 to vector<16xi32>
      %add3A_1234 = arith.addi %broadcast_in_dim3A_1233, %iota3A : vector<16xi32>
      %broadcast_in_dim3A_1235 = arith.constant 2019 : i32
      %broadcast_in_dim3A_1236 = vector.broadcast %broadcast_in_dim3A_1235 : i32 to vector<16xi32>
      %add3A_1237 = arith.addi %broadcast_in_dim3A_1236, %iota3A : vector<16xi32>
      %broadcast_in_dim3A_1238 = arith.constant 2035 : i32
      %broadcast_in_dim3A_1239 = vector.broadcast %broadcast_in_dim3A_1238 : i32 to vector<16xi32>
      %add3A_1240 = arith.addi %broadcast_in_dim3A_1239, %iota3A : vector<16xi32>
      %gather3A_1241 = tpu.vector_load_idx %arg8[%add3A_1204] : memref<2064xf32, #tpu.memory_space<vmem>>[vector<16xi32>], vector<16xf32>,
      %gather3A_1242 = tpu.vector_load_idx %arg8[%add3A_1207] : memref<2064xf32, #tpu.memory_space<vmem>>[vector<16xi32>], vector<16xf32>,
      %gather3A_1243 = tpu.vector_load_idx %arg8[%add3A_1210] : memref<2064xf32, #tpu.memory_space<vmem>>[vector<16xi32>], vector<16xf32>,
      %gather3A_1244 = tpu.vector_load_idx %arg8[%add3A_1213] : memref<2064xf32, #tpu.memory_space<vmem>>[vector<16xi32>], vector<16xf32>,
      %gather3A_1245 = tpu.vector_load_idx %arg8[%add3A_1216] : memref<2064xf32, #tpu.memory_space<vmem>>[vector<16xi32>], vector<16xf32>,
      %gather3A_1246 = tpu.vector_load_idx %arg8[%add3A_1219] : memref<2064xf32, #tpu.memory_space<vmem>>[vector<16xi32>], vector<16xf32>,
      %gather3A_1247 = tpu.vector_load_idx %arg8[%add3A_1222] : memref<2064xf32, #tpu.memory_space<vmem>>[vector<16xi32>], vector<16xf32>,
      %gather3A_1248 = tpu.vector_load_idx %arg8[%add3A_1225] : memref<2064xf32, #tpu.memory_space<vmem>>[vector<16xi32>], vector<16xf32>,
      %gather3A_1249 = tpu.vector_load_idx %arg8[%add3A_1228] : memref<2064xf32, #tpu.memory_space<vmem>>[vector<16xi32>], vector<16xf32>,
      %gather3A_1250 = tpu.vector_load_idx %arg8[%add3A_1231] : memref<2064xf32, #tpu.memory_space<vmem>>[vector<16xi32>], vector<16xf32>,
      %gather3A_1251 = tpu.vector_load_idx %arg8[%add3A_1234] : memref<2064xf32, #tpu.memory_space<vmem>>[vector<16xi32>], vector<16xf32>,
      %gather3A_1252 = tpu.vector_load_idx %arg8[%add3A_1237] : memref<2064xf32, #tpu.memory_space<vmem>>[vector<16xi32>], vector<16xf32>,
      %gather3A_1253 = tpu.vector_load_idx %arg8[%add3A_1240] : memref<2064xf32, #tpu.memory_space<vmem>>[vector<16xi32>], vector<16xf32>,
      %add3A_1254 = arith.addf %gather3A_1189, %gather3A_1190 : vector<16xf32>
      %add3A_1255 = arith.addf %add3A_1254, %gather3A_1191 : vector<16xf32>
      %add3A_1256 = arith.addf %add3A_1255, %gather3A_1192 : vector<16xf32>
      %add3A_1257 = arith.addf %add3A_1256, %gather3A_1193 : vector<16xf32>
      %add3A_1258 = arith.addf %add3A_1257, %gather3A_1194 : vector<16xf32>
      %add3A_1259 = arith.addf %add3A_1258, %gather3A_1195 : vector<16xf32>
      %add3A_1260 = arith.addf %add3A_1259, %gather3A_1196 : vector<16xf32>
      %add3A_1261 = arith.addf %add3A_1260, %gather3A_1197 : vector<16xf32>
      %add3A_1262 = arith.addf %add3A_1261, %gather3A_1198 : vector<16xf32>
      %add3A_1263 = arith.addf %add3A_1262, %gather3A_1199 : vector<16xf32>
      %add3A_1264 = arith.addf %add3A_1263, %gather3A_1200 : vector<16xf32>
      %add3A_1265 = arith.addf %add3A_1264, %gather3A_1201 : vector<16xf32>
      %add3A_1266 = arith.addf %add3A_1265, %gather3A_1241 : vector<16xf32>
      %add3A_1267 = arith.addf %add3A_1266, %gather3A_1242 : vector<16xf32>
      %add3A_1268 = arith.addf %add3A_1267, %gather3A_1243 : vector<16xf32>
      %add3A_1269 = arith.addf %add3A_1268, %gather3A_1244 : vector<16xf32>
      %add3A_1270 = arith.addf %add3A_1269, %gather3A_1245 : vector<16xf32>
      %add3A_1271 = arith.addf %add3A_1270, %gather3A_1246 : vector<16xf32>
      %add3A_1272 = arith.addf %add3A_1271, %gather3A_1247 : vector<16xf32>
      %add3A_1273 = arith.addf %add3A_1272, %gather3A_1248 : vector<16xf32>
      %add3A_1274 = arith.addf %add3A_1273, %gather3A_1249 : vector<16xf32>
      %add3A_1275 = arith.addf %add3A_1274, %gather3A_1250 : vector<16xf32>
      %add3A_1276 = arith.addf %add3A_1275, %gather3A_1251 : vector<16xf32>
      %add3A_1277 = arith.addf %add3A_1276, %gather3A_1252 : vector<16xf32>
      %add3A_1278 = arith.addf %add3A_1277, %gather3A_1253 : vector<16xf32>
      %reduce_sum3A_1279 = arith.constant true
      %reduce_sum3A_1280 = vector.broadcast %reduce_sum3A_1279 : i1 to vector<16xi1>
      %reduce_sum3A_1281 = tpu.scan <sum>, %add3A_1278 masked %reduce_sum3A_1280 : vector<16xf32>, vector<16xi1> -> vector<16xf32>
      %reduce_sum3A_1282 = vector.extract %reduce_sum3A_1281[15] : f32 from vector<16xf32>
      %broadcast_in_dim3A_1283 = vector.broadcast %reduce_sum3A_1282 : f32 to vector<16xf32>
      %div3A_1284 = arith.constant 1.000000e+00 : f32
      %div3A_1285 = vector.broadcast %div3A_1284 : f32 to vector<16xf32>
      %div3A_1286 = arith.divf %div3A_1285, %broadcast_in_dim3A_1283 : vector<16xf32>
      %gather3A_1287 = tpu.vector_load_idx %arg5[%get3A_1164] : memref<2064xf32, #tpu.memory_space<vmem>>[vector<16xi32>], vector<16xf32>,
      %mul3A_1288 = arith.mulf %gather3A_1189, %div3A_1286 : vector<16xf32>
      %add3A_1289 = arith.addf %gather3A_1287, %mul3A_1288 : vector<16xf32>
      tpu.vector_store_idx %arg5[%get3A_1164], %add3A_1289 : memref<2064xf32, #tpu.memory_space<vmem>>[vector<16xi32>], vector<16xf32>,
      %gather3A_1290 = tpu.vector_load_idx %arg5[%get3A_1166] : memref<2064xf32, #tpu.memory_space<vmem>>[vector<16xi32>], vector<16xf32>,
      %mul3A_1291 = arith.mulf %gather3A_1190, %div3A_1286 : vector<16xf32>
      %add3A_1292 = arith.addf %gather3A_1290, %mul3A_1291 : vector<16xf32>
      tpu.vector_store_idx %arg5[%get3A_1166], %add3A_1292 : memref<2064xf32, #tpu.memory_space<vmem>>[vector<16xi32>], vector<16xf32>,
      %gather3A_1293 = tpu.vector_load_idx %arg5[%get3A_1168] : memref<2064xf32, #tpu.memory_space<vmem>>[vector<16xi32>], vector<16xf32>,
      %mul3A_1294 = arith.mulf %gather3A_1191, %div3A_1286 : vector<16xf32>
      %add3A_1295 = arith.addf %gather3A_1293, %mul3A_1294 : vector<16xf32>
      tpu.vector_store_idx %arg5[%get3A_1168], %add3A_1295 : memref<2064xf32, #tpu.memory_space<vmem>>[vector<16xi32>], vector<16xf32>,
      %gather3A_1296 = tpu.vector_load_idx %arg5[%get3A_1170] : memref<2064xf32, #tpu.memory_space<vmem>>[vector<16xi32>], vector<16xf32>,
      %mul3A_1297 = arith.mulf %gather3A_1192, %div3A_1286 : vector<16xf32>
      %add3A_1298 = arith.addf %gather3A_1296, %mul3A_1297 : vector<16xf32>
      tpu.vector_store_idx %arg5[%get3A_1170], %add3A_1298 : memref<2064xf32, #tpu.memory_space<vmem>>[vector<16xi32>], vector<16xf32>,
      %gather3A_1299 = tpu.vector_load_idx %arg5[%get3A_1172] : memref<2064xf32, #tpu.memory_space<vmem>>[vector<16xi32>], vector<16xf32>,
      %mul3A_1300 = arith.mulf %gather3A_1193, %div3A_1286 : vector<16xf32>
      %add3A_1301 = arith.addf %gather3A_1299, %mul3A_1300 : vector<16xf32>
      tpu.vector_store_idx %arg5[%get3A_1172], %add3A_1301 : memref<2064xf32, #tpu.memory_space<vmem>>[vector<16xi32>], vector<16xf32>,
      %gather3A_1302 = tpu.vector_load_idx %arg5[%get3A_1174] : memref<2064xf32, #tpu.memory_space<vmem>>[vector<16xi32>], vector<16xf32>,
      %mul3A_1303 = arith.mulf %gather3A_1194, %div3A_1286 : vector<16xf32>
      %add3A_1304 = arith.addf %gather3A_1302, %mul3A_1303 : vector<16xf32>
      tpu.vector_store_idx %arg5[%get3A_1174], %add3A_1304 : memref<2064xf32, #tpu.memory_space<vmem>>[vector<16xi32>], vector<16xf32>,
      %gather3A_1305 = tpu.vector_load_idx %arg5[%get3A_1176] : memref<2064xf32, #tpu.memory_space<vmem>>[vector<16xi32>], vector<16xf32>,
      %mul3A_1306 = arith.mulf %gather3A_1195, %div3A_1286 : vector<16xf32>
      %add3A_1307 = arith.addf %gather3A_1305, %mul3A_1306 : vector<16xf32>
      tpu.vector_store_idx %arg5[%get3A_1176], %add3A_1307 : memref<2064xf32, #tpu.memory_space<vmem>>[vector<16xi32>], vector<16xf32>,
      %gather3A_1308 = tpu.vector_load_idx %arg5[%get3A_1178] : memref<2064xf32, #tpu.memory_space<vmem>>[vector<16xi32>], vector<16xf32>,
      %mul3A_1309 = arith.mulf %gather3A_1196, %div3A_1286 : vector<16xf32>
      %add3A_1310 = arith.addf %gather3A_1308, %mul3A_1309 : vector<16xf32>
      tpu.vector_store_idx %arg5[%get3A_1178], %add3A_1310 : memref<2064xf32, #tpu.memory_space<vmem>>[vector<16xi32>], vector<16xf32>,
      %gather3A_1311 = tpu.vector_load_idx %arg5[%get3A_1180] : memref<2064xf32, #tpu.memory_space<vmem>>[vector<16xi32>], vector<16xf32>,
      %mul3A_1312 = arith.mulf %gather3A_1197, %div3A_1286 : vector<16xf32>
      %add3A_1313 = arith.addf %gather3A_1311, %mul3A_1312 : vector<16xf32>
      tpu.vector_store_idx %arg5[%get3A_1180], %add3A_1313 : memref<2064xf32, #tpu.memory_space<vmem>>[vector<16xi32>], vector<16xf32>,
      %gather3A_1314 = tpu.vector_load_idx %arg5[%get3A_1182] : memref<2064xf32, #tpu.memory_space<vmem>>[vector<16xi32>], vector<16xf32>,
      %mul3A_1315 = arith.mulf %gather3A_1198, %div3A_1286 : vector<16xf32>
      %add3A_1316 = arith.addf %gather3A_1314, %mul3A_1315 : vector<16xf32>
      tpu.vector_store_idx %arg5[%get3A_1182], %add3A_1316 : memref<2064xf32, #tpu.memory_space<vmem>>[vector<16xi32>], vector<16xf32>,
      %gather3A_1317 = tpu.vector_load_idx %arg5[%get3A_1184] : memref<2064xf32, #tpu.memory_space<vmem>>[vector<16xi32>], vector<16xf32>,
      %mul3A_1318 = arith.mulf %gather3A_1199, %div3A_1286 : vector<16xf32>
      %add3A_1319 = arith.addf %gather3A_1317, %mul3A_1318 : vector<16xf32>
      tpu.vector_store_idx %arg5[%get3A_1184], %add3A_1319 : memref<2064xf32, #tpu.memory_space<vmem>>[vector<16xi32>], vector<16xf32>,
      %gather3A_1320 = tpu.vector_load_idx %arg5[%get3A_1186] : memref<2064xf32, #tpu.memory_space<vmem>>[vector<16xi32>], vector<16xf32>,
      %mul3A_1321 = arith.mulf %gather3A_1200, %div3A_1286 : vector<16xf32>
      %add3A_1322 = arith.addf %gather3A_1320, %mul3A_1321 : vector<16xf32>
      tpu.vector_store_idx %arg5[%get3A_1186], %add3A_1322 : memref<2064xf32, #tpu.memory_space<vmem>>[vector<16xi32>], vector<16xf32>,
      %gather3A_1323 = tpu.vector_load_idx %arg5[%get3A_1188] : memref<2064xf32, #tpu.memory_space<vmem>>[vector<16xi32>], vector<16xf32>,
      %mul3A_1324 = arith.mulf %gather3A_1201, %div3A_1286 : vector<16xf32>
      %add3A_1325 = arith.addf %gather3A_1323, %mul3A_1324 : vector<16xf32>
      tpu.vector_store_idx %arg5[%get3A_1188], %add3A_1325 : memref<2064xf32, #tpu.memory_space<vmem>>[vector<16xi32>], vector<16xf32>,
      %gather3A_1326 = tpu.vector_load_idx %arg5[%add3A_1204] : memref<2064xf32, #tpu.memory_space<vmem>>[vector<16xi32>], vector<16xf32>,
      %mul3A_1327 = arith.mulf %gather3A_1241, %div3A_1286 : vector<16xf32>
      %add3A_1328 = arith.addf %gather3A_1326, %mul3A_1327 : vector<16xf32>
      tpu.vector_store_idx %arg5[%add3A_1204], %add3A_1328 : memref<2064xf32, #tpu.memory_space<vmem>>[vector<16xi32>], vector<16xf32>,
      %gather3A_1329 = tpu.vector_load_idx %arg5[%add3A_1207] : memref<2064xf32, #tpu.memory_space<vmem>>[vector<16xi32>], vector<16xf32>,
      %mul3A_1330 = arith.mulf %gather3A_1242, %div3A_1286 : vector<16xf32>
      %add3A_1331 = arith.addf %gather3A_1329, %mul3A_1330 : vector<16xf32>
      tpu.vector_store_idx %arg5[%add3A_1207], %add3A_1331 : memref<2064xf32, #tpu.memory_space<vmem>>[vector<16xi32>], vector<16xf32>,
      %gather3A_1332 = tpu.vector_load_idx %arg5[%add3A_1210] : memref<2064xf32, #tpu.memory_space<vmem>>[vector<16xi32>], vector<16xf32>,
      %mul3A_1333 = arith.mulf %gather3A_1243, %div3A_1286 : vector<16xf32>
      %add3A_1334 = arith.addf %gather3A_1332, %mul3A_1333 : vector<16xf32>
      tpu.vector_store_idx %arg5[%add3A_1210], %add3A_1334 : memref<2064xf32, #tpu.memory_space<vmem>>[vector<16xi32>], vector<16xf32>,
      %gather3A_1335 = tpu.vector_load_idx %arg5[%add3A_1213] : memref<2064xf32, #tpu.memory_space<vmem>>[vector<16xi32>], vector<16xf32>,
      %mul3A_1336 = arith.mulf %gather3A_1244, %div3A_1286 : vector<16xf32>
      %add3A_1337 = arith.addf %gather3A_1335, %mul3A_1336 : vector<16xf32>
      tpu.vector_store_idx %arg5[%add3A_1213], %add3A_1337 : memref<2064xf32, #tpu.memory_space<vmem>>[vector<16xi32>], vector<16xf32>,
      %gather3A_1338 = tpu.vector_load_idx %arg5[%add3A_1216] : memref<2064xf32, #tpu.memory_space<vmem>>[vector<16xi32>], vector<16xf32>,
      %mul3A_1339 = arith.mulf %gather3A_1245, %div3A_1286 : vector<16xf32>
      %add3A_1340 = arith.addf %gather3A_1338, %mul3A_1339 : vector<16xf32>
      tpu.vector_store_idx %arg5[%add3A_1216], %add3A_1340 : memref<2064xf32, #tpu.memory_space<vmem>>[vector<16xi32>], vector<16xf32>,
      %gather3A_1341 = tpu.vector_load_idx %arg5[%add3A_1219] : memref<2064xf32, #tpu.memory_space<vmem>>[vector<16xi32>], vector<16xf32>,
      %mul3A_1342 = arith.mulf %gather3A_1246, %div3A_1286 : vector<16xf32>
      %add3A_1343 = arith.addf %gather3A_1341, %mul3A_1342 : vector<16xf32>
      tpu.vector_store_idx %arg5[%add3A_1219], %add3A_1343 : memref<2064xf32, #tpu.memory_space<vmem>>[vector<16xi32>], vector<16xf32>,
      %gather3A_1344 = tpu.vector_load_idx %arg5[%add3A_1222] : memref<2064xf32, #tpu.memory_space<vmem>>[vector<16xi32>], vector<16xf32>,
      %mul3A_1345 = arith.mulf %gather3A_1247, %div3A_1286 : vector<16xf32>
      %add3A_1346 = arith.addf %gather3A_1344, %mul3A_1345 : vector<16xf32>
      tpu.vector_store_idx %arg5[%add3A_1222], %add3A_1346 : memref<2064xf32, #tpu.memory_space<vmem>>[vector<16xi32>], vector<16xf32>,
      %gather3A_1347 = tpu.vector_load_idx %arg5[%add3A_1225] : memref<2064xf32, #tpu.memory_space<vmem>>[vector<16xi32>], vector<16xf32>,
      %mul3A_1348 = arith.mulf %gather3A_1248, %div3A_1286 : vector<16xf32>
      %add3A_1349 = arith.addf %gather3A_1347, %mul3A_1348 : vector<16xf32>
      tpu.vector_store_idx %arg5[%add3A_1225], %add3A_1349 : memref<2064xf32, #tpu.memory_space<vmem>>[vector<16xi32>], vector<16xf32>,
      %gather3A_1350 = tpu.vector_load_idx %arg5[%add3A_1228] : memref<2064xf32, #tpu.memory_space<vmem>>[vector<16xi32>], vector<16xf32>,
      %mul3A_1351 = arith.mulf %gather3A_1249, %div3A_1286 : vector<16xf32>
      %add3A_1352 = arith.addf %gather3A_1350, %mul3A_1351 : vector<16xf32>
      tpu.vector_store_idx %arg5[%add3A_1228], %add3A_1352 : memref<2064xf32, #tpu.memory_space<vmem>>[vector<16xi32>], vector<16xf32>,
      %gather3A_1353 = tpu.vector_load_idx %arg5[%add3A_1231] : memref<2064xf32, #tpu.memory_space<vmem>>[vector<16xi32>], vector<16xf32>,
      %mul3A_1354 = arith.mulf %gather3A_1250, %div3A_1286 : vector<16xf32>
      %add3A_1355 = arith.addf %gather3A_1353, %mul3A_1354 : vector<16xf32>
      tpu.vector_store_idx %arg5[%add3A_1231], %add3A_1355 : memref<2064xf32, #tpu.memory_space<vmem>>[vector<16xi32>], vector<16xf32>,
      %gather3A_1356 = tpu.vector_load_idx %arg5[%add3A_1234] : memref<2064xf32, #tpu.memory_space<vmem>>[vector<16xi32>], vector<16xf32>,
      %mul3A_1357 = arith.mulf %gather3A_1251, %div3A_1286 : vector<16xf32>
      %add3A_1358 = arith.addf %gather3A_1356, %mul3A_1357 : vector<16xf32>
      tpu.vector_store_idx %arg5[%add3A_1234], %add3A_1358 : memref<2064xf32, #tpu.memory_space<vmem>>[vector<16xi32>], vector<16xf32>,
      %gather3A_1359 = tpu.vector_load_idx %arg5[%add3A_1237] : memref<2064xf32, #tpu.memory_space<vmem>>[vector<16xi32>], vector<16xf32>,
      %mul3A_1360 = arith.mulf %gather3A_1252, %div3A_1286 : vector<16xf32>
      %add3A_1361 = arith.addf %gather3A_1359, %mul3A_1360 : vector<16xf32>
      tpu.vector_store_idx %arg5[%add3A_1237], %add3A_1361 : memref<2064xf32, #tpu.memory_space<vmem>>[vector<16xi32>], vector<16xf32>,
      %gather3A_1362 = tpu.vector_load_idx %arg5[%add3A_1240] : memref<2064xf32, #tpu.memory_space<vmem>>[vector<16xi32>], vector<16xf32>,
      %mul3A_1363 = arith.mulf %gather3A_1253, %div3A_1286 : vector<16xf32>
      %add3A_1364 = arith.addf %gather3A_1362, %mul3A_1363 : vector<16xf32>
      tpu.vector_store_idx %arg5[%add3A_1240], %add3A_1364 : memref<2064xf32, #tpu.memory_space<vmem>>[vector<16xi32>], vector<16xf32>,
      %lt3A_1365 = arith.constant 13 : i32
      %lt3A_1366 = vector.broadcast %lt3A_1365 : i32 to vector<16xi32>
      %lt3A_1367 = arith.cmpi slt, %iota3A, %lt3A_1366 : vector<16xi32>
      %select_n3A_1368 = arith.select %lt3A_1367, %add3A_1325, %broadcast_in_dim3A_3 : vector<16xi1>, vector<16xf32>
      %min3A_1369 = arith.minimumf %add3A_1289, %add3A_1292 : vector<16xf32>
      %min3A_1370 = arith.minimumf %min3A_1369, %add3A_1295 : vector<16xf32>
      %min3A_1371 = arith.minimumf %min3A_1370, %add3A_1298 : vector<16xf32>
      %min3A_1372 = arith.minimumf %min3A_1371, %add3A_1301 : vector<16xf32>
      %min3A_1373 = arith.minimumf %min3A_1372, %add3A_1304 : vector<16xf32>
      %min3A_1374 = arith.minimumf %min3A_1373, %add3A_1307 : vector<16xf32>
      %min3A_1375 = arith.minimumf %min3A_1374, %add3A_1310 : vector<16xf32>
      %min3A_1376 = arith.minimumf %min3A_1375, %add3A_1313 : vector<16xf32>
      %min3A_1377 = arith.minimumf %min3A_1376, %add3A_1316 : vector<16xf32>
      %min3A_1378 = arith.minimumf %min3A_1377, %add3A_1319 : vector<16xf32>
      %min3A_1379 = arith.minimumf %min3A_1378, %add3A_1322 : vector<16xf32>
      %min3A_1380 = arith.minimumf %min3A_1379, %select_n3A_1368 : vector<16xf32>
      %reduce_min3A_1381 = arith.constant true
      %reduce_min3A_1382 = vector.broadcast %reduce_min3A_1381 : i1 to vector<16xi1>
      %reduce_min3A_1383 = tpu.scan <min>, %min3A_1380 masked %reduce_min3A_1382 : vector<16xf32>, vector<16xi1> -> vector<16xf32>
      %reduce_min3A_1384 = vector.extract %reduce_min3A_1383[15] : f32 from vector<16xf32>
      %broadcast_in_dim3A_1385 = vector.broadcast %reduce_min3A_1384 : f32 to vector<16xf32>
      %shift_left3A_1386 = arith.constant 8 : i32
      %shift_left3A_1387 = vector.broadcast %shift_left3A_1386 : i32 to vector<16xi32>
      %shift_left3A_1388 = arith.shli %get3A_1164, %shift_left3A_1387 : vector<16xi32>
      %add3A_1389 = arith.constant 0 : i32
      %add3A_1390 = vector.broadcast %add3A_1389 : i32 to vector<16xi32>
      %add3A_1391 = arith.addi %iota3A, %add3A_1390 : vector<16xi32>
      %add3A_1392 = arith.addi %shift_left3A_1388, %add3A_1391 : vector<16xi32>
      %eq3A_1393 = arith.cmpf oeq, %add3A_1289, %broadcast_in_dim3A_1385 : vector<16xf32>
      %select_n3A_1394 = arith.select %eq3A_1393, %add3A_1392, %broadcast_in_dim3A_5 : vector<16xi1>, vector<16xi32>
      %min3A_1395 = arith.minsi %broadcast_in_dim3A_5, %select_n3A_1394 : vector<16xi32>
      %shift_left3A_1396 = arith.constant 8 : i32
      %shift_left3A_1397 = vector.broadcast %shift_left3A_1396 : i32 to vector<16xi32>
      %shift_left3A_1398 = arith.shli %get3A_1166, %shift_left3A_1397 : vector<16xi32>
      %add3A_1399 = arith.constant 16 : i32
      %add3A_1400 = vector.broadcast %add3A_1399 : i32 to vector<16xi32>
      %add3A_1401 = arith.addi %iota3A, %add3A_1400 : vector<16xi32>
      %add3A_1402 = arith.addi %shift_left3A_1398, %add3A_1401 : vector<16xi32>
      %eq3A_1403 = arith.cmpf oeq, %add3A_1292, %broadcast_in_dim3A_1385 : vector<16xf32>
      %select_n3A_1404 = arith.select %eq3A_1403, %add3A_1402, %broadcast_in_dim3A_5 : vector<16xi1>, vector<16xi32>
      %min3A_1405 = arith.minsi %min3A_1395, %select_n3A_1404 : vector<16xi32>
      %shift_left3A_1406 = arith.constant 8 : i32
      %shift_left3A_1407 = vector.broadcast %shift_left3A_1406 : i32 to vector<16xi32>
      %shift_left3A_1408 = arith.shli %get3A_1168, %shift_left3A_1407 : vector<16xi32>
      %add3A_1409 = arith.constant 32 : i32
      %add3A_1410 = vector.broadcast %add3A_1409 : i32 to vector<16xi32>
      %add3A_1411 = arith.addi %iota3A, %add3A_1410 : vector<16xi32>
      %add3A_1412 = arith.addi %shift_left3A_1408, %add3A_1411 : vector<16xi32>
      %eq3A_1413 = arith.cmpf oeq, %add3A_1295, %broadcast_in_dim3A_1385 : vector<16xf32>
      %select_n3A_1414 = arith.select %eq3A_1413, %add3A_1412, %broadcast_in_dim3A_5 : vector<16xi1>, vector<16xi32>
      %min3A_1415 = arith.minsi %min3A_1405, %select_n3A_1414 : vector<16xi32>
      %shift_left3A_1416 = arith.constant 8 : i32
      %shift_left3A_1417 = vector.broadcast %shift_left3A_1416 : i32 to vector<16xi32>
      %shift_left3A_1418 = arith.shli %get3A_1170, %shift_left3A_1417 : vector<16xi32>
      %add3A_1419 = arith.constant 48 : i32
      %add3A_1420 = vector.broadcast %add3A_1419 : i32 to vector<16xi32>
      %add3A_1421 = arith.addi %iota3A, %add3A_1420 : vector<16xi32>
      %add3A_1422 = arith.addi %shift_left3A_1418, %add3A_1421 : vector<16xi32>
      %eq3A_1423 = arith.cmpf oeq, %add3A_1298, %broadcast_in_dim3A_1385 : vector<16xf32>
      %select_n3A_1424 = arith.select %eq3A_1423, %add3A_1422, %broadcast_in_dim3A_5 : vector<16xi1>, vector<16xi32>
      %min3A_1425 = arith.minsi %min3A_1415, %select_n3A_1424 : vector<16xi32>
      %shift_left3A_1426 = arith.constant 8 : i32
      %shift_left3A_1427 = vector.broadcast %shift_left3A_1426 : i32 to vector<16xi32>
      %shift_left3A_1428 = arith.shli %get3A_1172, %shift_left3A_1427 : vector<16xi32>
      %add3A_1429 = arith.constant 64 : i32
      %add3A_1430 = vector.broadcast %add3A_1429 : i32 to vector<16xi32>
      %add3A_1431 = arith.addi %iota3A, %add3A_1430 : vector<16xi32>
      %add3A_1432 = arith.addi %shift_left3A_1428, %add3A_1431 : vector<16xi32>
      %eq3A_1433 = arith.cmpf oeq, %add3A_1301, %broadcast_in_dim3A_1385 : vector<16xf32>
      %select_n3A_1434 = arith.select %eq3A_1433, %add3A_1432, %broadcast_in_dim3A_5 : vector<16xi1>, vector<16xi32>
      %min3A_1435 = arith.minsi %min3A_1425, %select_n3A_1434 : vector<16xi32>
      %shift_left3A_1436 = arith.constant 8 : i32
      %shift_left3A_1437 = vector.broadcast %shift_left3A_1436 : i32 to vector<16xi32>
      %shift_left3A_1438 = arith.shli %get3A_1174, %shift_left3A_1437 : vector<16xi32>
      %add3A_1439 = arith.constant 80 : i32
      %add3A_1440 = vector.broadcast %add3A_1439 : i32 to vector<16xi32>
      %add3A_1441 = arith.addi %iota3A, %add3A_1440 : vector<16xi32>
      %add3A_1442 = arith.addi %shift_left3A_1438, %add3A_1441 : vector<16xi32>
      %eq3A_1443 = arith.cmpf oeq, %add3A_1304, %broadcast_in_dim3A_1385 : vector<16xf32>
      %select_n3A_1444 = arith.select %eq3A_1443, %add3A_1442, %broadcast_in_dim3A_5 : vector<16xi1>, vector<16xi32>
      %min3A_1445 = arith.minsi %min3A_1435, %select_n3A_1444 : vector<16xi32>
      %shift_left3A_1446 = arith.constant 8 : i32
      %shift_left3A_1447 = vector.broadcast %shift_left3A_1446 : i32 to vector<16xi32>
      %shift_left3A_1448 = arith.shli %get3A_1176, %shift_left3A_1447 : vector<16xi32>
      %add3A_1449 = arith.constant 96 : i32
      %add3A_1450 = vector.broadcast %add3A_1449 : i32 to vector<16xi32>
      %add3A_1451 = arith.addi %iota3A, %add3A_1450 : vector<16xi32>
      %add3A_1452 = arith.addi %shift_left3A_1448, %add3A_1451 : vector<16xi32>
      %eq3A_1453 = arith.cmpf oeq, %add3A_1307, %broadcast_in_dim3A_1385 : vector<16xf32>
      %select_n3A_1454 = arith.select %eq3A_1453, %add3A_1452, %broadcast_in_dim3A_5 : vector<16xi1>, vector<16xi32>
      %min3A_1455 = arith.minsi %min3A_1445, %select_n3A_1454 : vector<16xi32>
      %shift_left3A_1456 = arith.constant 8 : i32
      %shift_left3A_1457 = vector.broadcast %shift_left3A_1456 : i32 to vector<16xi32>
      %shift_left3A_1458 = arith.shli %get3A_1178, %shift_left3A_1457 : vector<16xi32>
      %add3A_1459 = arith.constant 112 : i32
      %add3A_1460 = vector.broadcast %add3A_1459 : i32 to vector<16xi32>
      %add3A_1461 = arith.addi %iota3A, %add3A_1460 : vector<16xi32>
      %add3A_1462 = arith.addi %shift_left3A_1458, %add3A_1461 : vector<16xi32>
      %eq3A_1463 = arith.cmpf oeq, %add3A_1310, %broadcast_in_dim3A_1385 : vector<16xf32>
      %select_n3A_1464 = arith.select %eq3A_1463, %add3A_1462, %broadcast_in_dim3A_5 : vector<16xi1>, vector<16xi32>
      %min3A_1465 = arith.minsi %min3A_1455, %select_n3A_1464 : vector<16xi32>
      %shift_left3A_1466 = arith.constant 8 : i32
      %shift_left3A_1467 = vector.broadcast %shift_left3A_1466 : i32 to vector<16xi32>
      %shift_left3A_1468 = arith.shli %get3A_1180, %shift_left3A_1467 : vector<16xi32>
      %add3A_1469 = arith.constant 128 : i32
      %add3A_1470 = vector.broadcast %add3A_1469 : i32 to vector<16xi32>
      %add3A_1471 = arith.addi %iota3A, %add3A_1470 : vector<16xi32>
      %add3A_1472 = arith.addi %shift_left3A_1468, %add3A_1471 : vector<16xi32>
      %eq3A_1473 = arith.cmpf oeq, %add3A_1313, %broadcast_in_dim3A_1385 : vector<16xf32>
      %select_n3A_1474 = arith.select %eq3A_1473, %add3A_1472, %broadcast_in_dim3A_5 : vector<16xi1>, vector<16xi32>
      %min3A_1475 = arith.minsi %min3A_1465, %select_n3A_1474 : vector<16xi32>
      %shift_left3A_1476 = arith.constant 8 : i32
      %shift_left3A_1477 = vector.broadcast %shift_left3A_1476 : i32 to vector<16xi32>
      %shift_left3A_1478 = arith.shli %get3A_1182, %shift_left3A_1477 : vector<16xi32>
      %add3A_1479 = arith.constant 144 : i32
      %add3A_1480 = vector.broadcast %add3A_1479 : i32 to vector<16xi32>
      %add3A_1481 = arith.addi %iota3A, %add3A_1480 : vector<16xi32>
      %add3A_1482 = arith.addi %shift_left3A_1478, %add3A_1481 : vector<16xi32>
      %eq3A_1483 = arith.cmpf oeq, %add3A_1316, %broadcast_in_dim3A_1385 : vector<16xf32>
      %select_n3A_1484 = arith.select %eq3A_1483, %add3A_1482, %broadcast_in_dim3A_5 : vector<16xi1>, vector<16xi32>
      %min3A_1485 = arith.minsi %min3A_1475, %select_n3A_1484 : vector<16xi32>
      %shift_left3A_1486 = arith.constant 8 : i32
      %shift_left3A_1487 = vector.broadcast %shift_left3A_1486 : i32 to vector<16xi32>
      %shift_left3A_1488 = arith.shli %get3A_1184, %shift_left3A_1487 : vector<16xi32>
      %add3A_1489 = arith.constant 160 : i32
      %add3A_1490 = vector.broadcast %add3A_1489 : i32 to vector<16xi32>
      %add3A_1491 = arith.addi %iota3A, %add3A_1490 : vector<16xi32>
      %add3A_1492 = arith.addi %shift_left3A_1488, %add3A_1491 : vector<16xi32>
      %eq3A_1493 = arith.cmpf oeq, %add3A_1319, %broadcast_in_dim3A_1385 : vector<16xf32>
      %select_n3A_1494 = arith.select %eq3A_1493, %add3A_1492, %broadcast_in_dim3A_5 : vector<16xi1>, vector<16xi32>
      %min3A_1495 = arith.minsi %min3A_1485, %select_n3A_1494 : vector<16xi32>
      %shift_left3A_1496 = arith.constant 8 : i32
      %shift_left3A_1497 = vector.broadcast %shift_left3A_1496 : i32 to vector<16xi32>
      %shift_left3A_1498 = arith.shli %get3A_1186, %shift_left3A_1497 : vector<16xi32>
      %add3A_1499 = arith.constant 176 : i32
      %add3A_1500 = vector.broadcast %add3A_1499 : i32 to vector<16xi32>
      %add3A_1501 = arith.addi %iota3A, %add3A_1500 : vector<16xi32>
      %add3A_1502 = arith.addi %shift_left3A_1498, %add3A_1501 : vector<16xi32>
      %eq3A_1503 = arith.cmpf oeq, %add3A_1322, %broadcast_in_dim3A_1385 : vector<16xf32>
      %select_n3A_1504 = arith.select %eq3A_1503, %add3A_1502, %broadcast_in_dim3A_5 : vector<16xi1>, vector<16xi32>
      %min3A_1505 = arith.minsi %min3A_1495, %select_n3A_1504 : vector<16xi32>
      %shift_left3A_1506 = arith.constant 8 : i32
      %shift_left3A_1507 = vector.broadcast %shift_left3A_1506 : i32 to vector<16xi32>
      %shift_left3A_1508 = arith.shli %get3A_1188, %shift_left3A_1507 : vector<16xi32>
      %add3A_1509 = arith.constant 192 : i32
      %add3A_1510 = vector.broadcast %add3A_1509 : i32 to vector<16xi32>
      %add3A_1511 = arith.addi %iota3A, %add3A_1510 : vector<16xi32>
      %add3A_1512 = arith.addi %shift_left3A_1508, %add3A_1511 : vector<16xi32>
      %eq3A_1513 = arith.cmpf oeq, %select_n3A_1368, %broadcast_in_dim3A_1385 : vector<16xf32>
      %select_n3A_1514 = arith.select %eq3A_1513, %add3A_1512, %broadcast_in_dim3A_5 : vector<16xi1>, vector<16xi32>
      %min3A_1515 = arith.minsi %min3A_1505, %select_n3A_1514 : vector<16xi32>
      %reduce_min3A_1516 = arith.constant true
      %reduce_min3A_1517 = vector.broadcast %reduce_min3A_1516 : i1 to vector<16xi1>
      %reduce_min3A_1518 = arith.constant -2147483648 : i32
      %reduce_min3A_1519 = vector.broadcast %reduce_min3A_1518 : i32 to vector<16xi32>
      %reduce_min3A_1520 = arith.xori %min3A_1515, %reduce_min3A_1519 : vector<16xi32>
      %reduce_min3A_1521 = tpu.scan <min>, %reduce_min3A_1520 masked %reduce_min3A_1517 : vector<16xi32>, vector<16xi1> -> vector<16xi32>
      %reduce_min3A_1522 = arith.xori %reduce_min3A_1521, %reduce_min3A_1519 : vector<16xi32>
      %reduce_min3A_1523 = vector.extract %reduce_min3A_1522[15] : i32 from vector<16xi32>
      %broadcast_in_dim3A_1524 = vector.broadcast %reduce_min3A_1523 : i32 to vector<16xi32>
      %shift_right_logical3A_1525 = arith.constant 8 : i32
      %shift_right_logical3A_1526 = vector.broadcast %shift_right_logical3A_1525 : i32 to vector<16xi32>
      %shift_right_logical3A_1527 = arith.shrui %broadcast_in_dim3A_1524, %shift_right_logical3A_1526 : vector<16xi32>
      %and3A_1528 = arith.constant 255 : i32
      %and3A_1529 = vector.broadcast %and3A_1528 : i32 to vector<16xi32>
      %and3A_1530 = arith.andi %broadcast_in_dim3A_1524, %and3A_1529 : vector<16xi32>
      %broadcast_in_dim3A_1531 = arith.constant 2046 : i32
      %broadcast_in_dim3A_1532 = vector.broadcast %broadcast_in_dim3A_1531 : i32 to vector<16xi32>
      tpu.vector_store_idx %arg11[%shift_right_logical3A_1527], %broadcast_in_dim3A_1532 masked %eq3A_2 : memref<2048xi32, #tpu.memory_space<vmem>>[vector<16xi32>], vector<16xi32>, vector<16xi1>
      %broadcast_in_dim3A_1533 = arith.constant 1843 : i32
      %broadcast_in_dim3A_1534 = vector.broadcast %broadcast_in_dim3A_1533 : i32 to vector<16xi32>
      tpu.vector_store_idx %arg10[%and3A_1530], %broadcast_in_dim3A_1534 masked %eq3A_2 : memref<208xi32, #tpu.memory_space<vmem>>[vector<16xi32>], vector<16xi32>, vector<16xi1>
      %dma_wait3A_1535 = arith.constant 2047 : i32
      %dma_wait3A_1536 = arith.constant 0 : i32
      %dma_wait3A_1537 = tpu.memref_slice %arg9[%dma_wait3A_1536] : memref<2064xf32, #tpu.memory_space<vmem>> -> memref<2048xf32, #tpu.memory_space<vmem>>
      %dma_wait3A_1538 = arith.constant 0 : i32
      %dma_wait3A_1539 = tpu.memref_slice %arg2[%add3A, %dma_wait3A_1535, %dma_wait3A_1538] : memref<16x2048x2048xf32, #tpu.memory_space<hbm>> -> memref<1x1x2048xf32, #tpu.memory_space<hbm>>
      %dma_wait3A_1540 = tpu.memref_squeeze %dma_wait3A_1539 : memref<1x1x2048xf32, #tpu.memory_space<hbm>> -> memref<2048xf32, #tpu.memory_space<hbm>>
      %dma_wait3A_1541 = arith.constant 0 : i32
      %dma_wait3A_1542 = tpu.memref_slice %arg9[%dma_wait3A_1541] : memref<2064xf32, #tpu.memory_space<vmem>> -> memref<2048xf32, #tpu.memory_space<vmem>>
      %dma_wait3A_1543 = arith.constant 0 : i32
      %dma_wait3A_1544 = tpu.memref_slice %arg2[%add3A, %dma_wait3A_1535, %dma_wait3A_1543] : memref<16x2048x2048xf32, #tpu.memory_space<hbm>> -> memref<1x1x2048xf32, #tpu.memory_space<hbm>>
      %dma_wait3A_1545 = tpu.memref_squeeze %dma_wait3A_1544 : memref<1x1x2048xf32, #tpu.memory_space<hbm>> -> memref<2048xf32, #tpu.memory_space<hbm>>
      tpu.wait_dma2 semaphore(%arg15 : memref<!tpu.dma_semaphore, #tpu.memory_space<semaphore_mem>>) src(%dma_wait3A_1545 : memref<2048xf32, #tpu.memory_space<hbm>>) dst(%dma_wait3A_1542 : memref<2048xf32, #tpu.memory_space<vmem>>)
      "tpu.region"() ({
        %run_scoped3A = tpu.sem_alloc : memref<!tpu.dma_semaphore, #tpu.memory_space<semaphore_mem>>
        %dma_start3A_1546 = arith.constant 0 : i32
        %dma_start3A_1547 = tpu.memref_slice %arg4[%add3A, %dma_start3A_1546] : memref<16x2048xi32, #tpu.memory_space<hbm>> -> memref<1x2048xi32, #tpu.memory_space<hbm>>
        %dma_start3A_1548 = tpu.memref_squeeze %dma_start3A_1547 : memref<1x2048xi32, #tpu.memory_space<hbm>> -> memref<2048xi32, #tpu.memory_space<hbm>>
        %dma_start3A_1549 = arith.constant 0 : i32
        %dma_start3A_1550 = tpu.memref_slice %arg4[%add3A, %dma_start3A_1549] : memref<16x2048xi32, #tpu.memory_space<hbm>> -> memref<1x2048xi32, #tpu.memory_space<hbm>>
        %dma_start3A_1551 = tpu.memref_squeeze %dma_start3A_1550 : memref<1x2048xi32, #tpu.memory_space<hbm>> -> memref<2048xi32, #tpu.memory_space<hbm>>
        tpu.enqueue_dma source(%arg11 : memref<2048xi32, #tpu.memory_space<vmem>>) target(%dma_start3A_1551 : memref<2048xi32, #tpu.memory_space<hbm>>) target_semaphore(%run_scoped3A : memref<!tpu.dma_semaphore, #tpu.memory_space<semaphore_mem>>)
        %dma_wait3A_1552 = arith.constant 0 : i32
        %dma_wait3A_1553 = tpu.memref_slice %arg4[%add3A, %dma_wait3A_1552] : memref<16x2048xi32, #tpu.memory_space<hbm>> -> memref<1x2048xi32, #tpu.memory_space<hbm>>
        %dma_wait3A_1554 = tpu.memref_squeeze %dma_wait3A_1553 : memref<1x2048xi32, #tpu.memory_space<hbm>> -> memref<2048xi32, #tpu.memory_space<hbm>>
        %dma_wait3A_1555 = arith.constant 0 : i32
        %dma_wait3A_1556 = tpu.memref_slice %arg4[%add3A, %dma_wait3A_1555] : memref<16x2048xi32, #tpu.memory_space<hbm>> -> memref<1x2048xi32, #tpu.memory_space<hbm>>
        %dma_wait3A_1557 = tpu.memref_squeeze %dma_wait3A_1556 : memref<1x2048xi32, #tpu.memory_space<hbm>> -> memref<2048xi32, #tpu.memory_space<hbm>>
        tpu.wait_dma2 semaphore(%run_scoped3A : memref<!tpu.dma_semaphore, #tpu.memory_space<semaphore_mem>>) src(%arg11 : memref<2048xi32, #tpu.memory_space<vmem>>) dst(%dma_wait3A_1557 : memref<2048xi32, #tpu.memory_space<hbm>>)
        tpu.yield
      }) : () -> ()
    } else {
    }
    return
  }
}

module attributes {stable_mosaic.version = 14 : i64} {
  func.func @_proj_rope_body(%arg0: i32, %arg1: memref<256x1024xf32, #tpu.memory_space<vmem>>, %arg2: memref<1024x1024xf32, #tpu.memory_space<vmem>>, %arg3: memref<1024x1024xf32, #tpu.memory_space<vmem>>, %arg4: memref<256x1024xf32, #tpu.memory_space<vmem>>, %arg5: memref<256x1024xf32, #tpu.memory_space<vmem>>, %arg6: memref<256x1024xf32, #tpu.memory_space<vmem>>) attributes {dimension_semantics = [#tpu.dimension_semantics<arbitrary>], iteration_bounds = array<i64: 8>, scalar_prefetch = 0 : i64, scratch_operands = 0 : i64, tpu.core_type = #tpu.core_type<tc>, window_params = [{transform_indices = @transform_0, window_bounds = array<i64: 256, 1024>}, {pipeline_mode = #tpu.pipeline_mode<synchronous>, transform_indices = @transform_1, window_bounds = array<i64: 1024, 1024>}, {pipeline_mode = #tpu.pipeline_mode<synchronous>, transform_indices = @transform_2, window_bounds = array<i64: 1024, 1024>}, {transform_indices = @transform_3, window_bounds = array<i64: 256, 1024>}, {transform_indices = @transform_4, window_bounds = array<i64: 256, 1024>}, {transform_indices = @transform_5, window_bounds = array<i64: 256, 1024>}]} {
    %get3A = arith.constant 0 : index
    %get3A_0 = arith.constant 0 : index
    %get3A_1 = vector.load %arg1[%get3A, %get3A_0] : memref<256x1024xf32, #tpu.memory_space<vmem>>, vector<256x1024xf32>
    %get3A_2 = arith.constant 0 : index
    %get3A_3 = arith.constant 0 : index
    %get3A_4 = vector.load %arg2[%get3A_2, %get3A_3] : memref<1024x1024xf32, #tpu.memory_space<vmem>>, vector<1024x1024xf32>
    %dot_general3A = arith.constant dense<0.000000e+00> : vector<256x1024xf32>
    %dot_general3A_5 = tpu.matmul %get3A_1, %get3A_4, %dot_general3A {dimension_numbers = #tpu.dot_dimension_numbers<[1], [0], [0], [1], [0, 0, 1, 1], [], []>, transpose_lhs_hint = false} : vector<256x1024xf32>, vector<1024x1024xf32>, vector<256x1024xf32> -> vector<256x1024xf32>
    %get3A_6 = arith.constant 0 : index
    %get3A_7 = arith.constant 0 : index
    %get3A_8 = vector.load %arg3[%get3A_6, %get3A_7] : memref<1024x1024xf32, #tpu.memory_space<vmem>>, vector<1024x1024xf32>
    %dot_general3A_9 = arith.constant dense<0.000000e+00> : vector<256x1024xf32>
    %dot_general3A_10 = tpu.matmul %dot_general3A_5, %get3A_8, %dot_general3A_9 {dimension_numbers = #tpu.dot_dimension_numbers<[1], [0], [0], [1], [0, 0, 1, 1], [], []>, transpose_lhs_hint = false} : vector<256x1024xf32>, vector<1024x1024xf32>, vector<256x1024xf32> -> vector<256x1024xf32>
    %get3A_11 = arith.constant 0 : index
    %get3A_12 = arith.constant 0 : index
    %get3A_13 = vector.load %arg4[%get3A_11, %get3A_12] : memref<256x1024xf32, #tpu.memory_space<vmem>>, vector<256x1024xf32>
    %mul3A = arith.mulf %dot_general3A_5, %get3A_13 : vector<256x1024xf32>
    %get3A_14 = arith.constant 0 : index
    %get3A_15 = arith.constant 0 : index
    %get3A_16 = vector.load %arg5[%get3A_14, %get3A_15] : memref<256x1024xf32, #tpu.memory_space<vmem>>, vector<256x1024xf32>
    %mul3A_17 = arith.mulf %dot_general3A_10, %get3A_16 : vector<256x1024xf32>
    %add3A = arith.addf %mul3A, %mul3A_17 : vector<256x1024xf32>
    %swap3A = arith.constant 0 : index
    %swap3A_18 = arith.constant 0 : index
    %swap3A_19 = vector.load %arg6[%swap3A, %swap3A_18] : memref<256x1024xf32, #tpu.memory_space<vmem>>, vector<256x1024xf32>
    tpu.vector_store %arg6[%swap3A, %swap3A_18], %add3A {strides = array<i32>} : memref<256x1024xf32, #tpu.memory_space<vmem>>, vector<256x1024xf32>,
    return
  }
  func.func @transform_0(%arg0: i32) -> (i32, i32) {
    %c0_i32 = arith.constant 0 : i32
    %c0_i32_0 = arith.constant 0 : i32
    return %arg0, %c0_i32 : i32, i32
  }
  func.func @transform_1(%arg0: i32) -> (i32, i32) {
    %c0_i32 = arith.constant 0 : i32
    %c0_i32_0 = arith.constant 0 : i32
    %c0_i32_1 = arith.constant 0 : i32
    return %c0_i32, %c0_i32_0 : i32, i32
  }
  func.func @transform_2(%arg0: i32) -> (i32, i32) {
    %c0_i32 = arith.constant 0 : i32
    %c0_i32_0 = arith.constant 0 : i32
    %c0_i32_1 = arith.constant 0 : i32
    return %c0_i32, %c0_i32_0 : i32, i32
  }
  func.func @transform_3(%arg0: i32) -> (i32, i32) {
    %c0_i32 = arith.constant 0 : i32
    %c0_i32_0 = arith.constant 0 : i32
    return %arg0, %c0_i32 : i32, i32
  }
  func.func @transform_4(%arg0: i32) -> (i32, i32) {
    %c0_i32 = arith.constant 0 : i32
    %c0_i32_0 = arith.constant 0 : i32
    return %arg0, %c0_i32 : i32, i32
  }
  func.func @transform_5(%arg0: i32) -> (i32, i32) {
    %c0_i32 = arith.constant 0 : i32
    %c0_i32_0 = arith.constant 0 : i32
    return %arg0, %c0_i32 : i32, i32
  }
}

module attributes {stable_mosaic.version = 14 : i64} {
  func.func @_scores_body(%arg0: i32, %arg1: i32, %arg2: memref<1x256x64xf32, #tpu.memory_space<vmem>>, %arg3: memref<1x64x2048xf32, #tpu.memory_space<vmem>>, %arg4: memref<1x256x2048xf32, #tpu.memory_space<vmem>>, %arg5: memref<1x1x1x2048xf32, #tpu.memory_space<vmem>>) attributes {dimension_semantics = [#tpu.dimension_semantics<arbitrary>, #tpu.dimension_semantics<arbitrary>], iteration_bounds = array<i64: 16, 8>, scalar_prefetch = 0 : i64, scratch_operands = 0 : i64, tpu.core_type = #tpu.core_type<tc>, window_params = [{transform_indices = @transform_0, window_bounds = array<i64: 1, 256, 64>}, {transform_indices = @transform_1, window_bounds = array<i64: 1, 64, 2048>}, {transform_indices = @transform_2, window_bounds = array<i64: 1, 256, 2048>}, {transform_indices = @transform_3, window_bounds = array<i64: 1, 1, 1, 2048>}]} {
    %get3A = arith.constant 0 : index
    %get3A_0 = arith.constant 0 : index
    %get3A_1 = arith.constant 0 : index
    %get3A_2 = vector.load %arg2[%get3A, %get3A_0, %get3A_1] : memref<1x256x64xf32, #tpu.memory_space<vmem>>, vector<1x256x64xf32>
    %get3A_3 = vector.shape_cast %get3A_2 : vector<1x256x64xf32> to vector<256x64xf32>
    %get3A_4 = arith.constant 0 : index
    %get3A_5 = arith.constant 0 : index
    %get3A_6 = arith.constant 0 : index
    %get3A_7 = vector.load %arg3[%get3A_4, %get3A_5, %get3A_6] : memref<1x64x2048xf32, #tpu.memory_space<vmem>>, vector<1x64x2048xf32>
    %get3A_8 = vector.shape_cast %get3A_7 : vector<1x64x2048xf32> to vector<64x2048xf32>
    %dot_general3A = arith.constant dense<0.000000e+00> : vector<256x2048xf32>
    %dot_general3A_9 = tpu.matmul %get3A_3, %get3A_8, %dot_general3A {dimension_numbers = #tpu.dot_dimension_numbers<[1], [0], [0], [1], [0, 0, 1, 1], [], []>, transpose_lhs_hint = false} : vector<256x64xf32>, vector<64x2048xf32>, vector<256x2048xf32> -> vector<256x2048xf32>
    %mul3A = arith.constant 1.250000e-01 : f32
    %mul3A_10 = vector.broadcast %mul3A : f32 to vector<256x2048xf32>
    %mul3A_11 = arith.mulf %dot_general3A_9, %mul3A_10 : vector<256x2048xf32>
    %iota3A = tpu.iota {dimensions = array<i32: 0>} : vector<256x2048xi32>
    %mul3A_12 = arith.constant 256 : i32
    %mul3A_13 = arith.muli %arg1, %mul3A_12 : i32
    %add3A = vector.broadcast %mul3A_13 : i32 to vector<256x2048xi32>
    %add3A_14 = arith.addi %iota3A, %add3A : vector<256x2048xi32>
    %iota3A_15 = tpu.iota {dimensions = array<i32: 1>} : vector<256x2048xi32>
    %le3A = arith.cmpi sle, %iota3A_15, %add3A_14 : vector<256x2048xi32>
    %jit3A = arith.constant 0.000000e+00 : f32
    %jit3A_16 = arith.constant -1.000000e+09 : f32
    %broadcast_in_dim3A = vector.broadcast %jit3A : f32 to vector<256x2048xf32>
    %broadcast_in_dim3A_17 = vector.broadcast %jit3A_16 : f32 to vector<256x2048xf32>
    %select_n3A = arith.select %le3A, %broadcast_in_dim3A, %broadcast_in_dim3A_17 : vector<256x2048xi1>, vector<256x2048xf32>
    %add3A_18 = arith.addf %mul3A_11, %select_n3A : vector<256x2048xf32>
    %reduce_max3A = arith.constant dense<0xFF800000> : vector<256xf32>
    %reduce_max3A_19 = vector.multi_reduction <maximumf>, %add3A_18, %reduce_max3A [1] : vector<256x2048xf32> to vector<256xf32>
    %broadcast_in_dim3A_20 = vector.shape_cast %reduce_max3A_19 : vector<256xf32> to vector<256x1xf32>
    %sub3A = vector.broadcast %broadcast_in_dim3A_20 : vector<256x1xf32> to vector<256x2048xf32>
    %sub3A_21 = arith.subf %add3A_18, %sub3A : vector<256x2048xf32>
    %exp3A = math.exp %sub3A_21 : vector<256x2048xf32>
    %reduce_sum3A = arith.constant dense<0.000000e+00> : vector<256xf32>
    %reduce_sum3A_22 = vector.multi_reduction <add>, %exp3A, %reduce_sum3A [1] : vector<256x2048xf32> to vector<256xf32>
    %broadcast_in_dim3A_23 = vector.shape_cast %reduce_sum3A_22 : vector<256xf32> to vector<256x1xf32>
    %div3A = vector.broadcast %broadcast_in_dim3A_23 : vector<256x1xf32> to vector<256x2048xf32>
    %div3A_24 = arith.divf %exp3A, %div3A : vector<256x2048xf32>
    %swap3A = arith.constant 0 : index
    %swap3A_25 = arith.constant 0 : index
    %swap3A_26 = arith.constant 0 : index
    %swap3A_27 = vector.load %arg4[%swap3A, %swap3A_25, %swap3A_26] : memref<1x256x2048xf32, #tpu.memory_space<vmem>>, vector<1x256x2048xf32>
    %swap3A_28 = vector.shape_cast %swap3A_27 : vector<1x256x2048xf32> to vector<256x2048xf32>
    %swap3A_29 = vector.shape_cast %div3A_24 : vector<256x2048xf32> to vector<1x256x2048xf32>
    tpu.vector_store %arg4[%swap3A, %swap3A_25, %swap3A_26], %swap3A_29 {strides = array<i32>} : memref<1x256x2048xf32, #tpu.memory_space<vmem>>, vector<1x256x2048xf32>,
    %lt3A = arith.constant 408 : i32
    %lt3A_30 = vector.broadcast %lt3A : i32 to vector<256x2048xi32>
    %lt3A_31 = arith.cmpi slt, %add3A_14, %lt3A_30 : vector<256x2048xi32>
    %jit3A_32 = arith.constant 1.000000e+00 : f32
    %jit3A_33 = arith.constant 0.000000e+00 : f32
    %broadcast_in_dim3A_34 = vector.broadcast %jit3A_32 : f32 to vector<256x2048xf32>
    %broadcast_in_dim3A_35 = vector.broadcast %jit3A_33 : f32 to vector<256x2048xf32>
    %select_n3A_36 = arith.select %lt3A_31, %broadcast_in_dim3A_34, %broadcast_in_dim3A_35 : vector<256x2048xi1>, vector<256x2048xf32>
    %mul3A_37 = arith.mulf %div3A_24, %select_n3A_36 : vector<256x2048xf32>
    %reduce_sum3A_38 = arith.constant dense<0.000000e+00> : vector<2048xf32>
    %reduce_sum3A_39 = vector.multi_reduction <add>, %mul3A_37, %reduce_sum3A_38 [0] : vector<256x2048xf32> to vector<2048xf32>
    %swap3A_40 = arith.constant 0 : index
    %swap3A_41 = arith.constant 0 : index
    %swap3A_42 = arith.constant 0 : index
    %swap3A_43 = arith.constant 0 : index
    %swap3A_44 = vector.load %arg5[%swap3A_40, %swap3A_41, %swap3A_42, %swap3A_43] : memref<1x1x1x2048xf32, #tpu.memory_space<vmem>>, vector<1x1x1x2048xf32>
    %swap3A_45 = vector.shape_cast %swap3A_44 : vector<1x1x1x2048xf32> to vector<2048xf32>
    %swap3A_46 = vector.shape_cast %reduce_sum3A_39 : vector<2048xf32> to vector<1x1x1x2048xf32>
    tpu.vector_store %arg5[%swap3A_40, %swap3A_41, %swap3A_42, %swap3A_43], %swap3A_46 {strides = array<i32>} : memref<1x1x1x2048xf32, #tpu.memory_space<vmem>>, vector<1x1x1x2048xf32>,
    return
  }
  func.func @transform_0(%arg0: i32, %arg1: i32) -> (i32, i32, i32) {
    %c0_i32 = arith.constant 0 : i32
    %c0_i32_0 = arith.constant 0 : i32
    return %arg0, %arg1, %c0_i32 : i32, i32, i32
  }
  func.func @transform_1(%arg0: i32, %arg1: i32) -> (i32, i32, i32) {
    %c0_i32 = arith.constant 0 : i32
    %c0_i32_0 = arith.constant 0 : i32
    %c0_i32_1 = arith.constant 0 : i32
    return %arg0, %c0_i32, %c0_i32_0 : i32, i32, i32
  }
  func.func @transform_2(%arg0: i32, %arg1: i32) -> (i32, i32, i32) {
    %c0_i32 = arith.constant 0 : i32
    %c0_i32_0 = arith.constant 0 : i32
    return %arg0, %arg1, %c0_i32 : i32, i32, i32
  }
  func.func @transform_3(%arg0: i32, %arg1: i32) -> (i32, i32, i32, i32) {
    %c0_i32 = arith.constant 0 : i32
    %c0_i32_0 = arith.constant 0 : i32
    %c0_i32_1 = arith.constant 0 : i32
    return %arg0, %arg1, %c0_i32, %c0_i32_0 : i32, i32, i32, i32
  }
}

module attributes {stable_mosaic.version = 14 : i64} {
  func.func @_proj_body(%arg0: i32, %arg1: memref<256x1024xf32, #tpu.memory_space<vmem>>, %arg2: memref<1024x1024xf32, #tpu.memory_space<vmem>>, %arg3: memref<256x1024xf32, #tpu.memory_space<vmem>>) attributes {dimension_semantics = [#tpu.dimension_semantics<arbitrary>], iteration_bounds = array<i64: 8>, scalar_prefetch = 0 : i64, scratch_operands = 0 : i64, tpu.core_type = #tpu.core_type<tc>, window_params = [{transform_indices = @transform_0, window_bounds = array<i64: 256, 1024>}, {pipeline_mode = #tpu.pipeline_mode<synchronous>, transform_indices = @transform_1, window_bounds = array<i64: 1024, 1024>}, {transform_indices = @transform_2, window_bounds = array<i64: 256, 1024>}]} {
    %get3A = arith.constant 0 : index
    %get3A_0 = arith.constant 0 : index
    %get3A_1 = vector.load %arg1[%get3A, %get3A_0] : memref<256x1024xf32, #tpu.memory_space<vmem>>, vector<256x1024xf32>
    %get3A_2 = arith.constant 0 : index
    %get3A_3 = arith.constant 0 : index
    %get3A_4 = vector.load %arg2[%get3A_2, %get3A_3] : memref<1024x1024xf32, #tpu.memory_space<vmem>>, vector<1024x1024xf32>
    %dot_general3A = arith.constant dense<0.000000e+00> : vector<256x1024xf32>
    %dot_general3A_5 = tpu.matmul %get3A_1, %get3A_4, %dot_general3A {dimension_numbers = #tpu.dot_dimension_numbers<[1], [0], [0], [1], [0, 0, 1, 1], [], []>, transpose_lhs_hint = false} : vector<256x1024xf32>, vector<1024x1024xf32>, vector<256x1024xf32> -> vector<256x1024xf32>
    %swap3A = arith.constant 0 : index
    %swap3A_6 = arith.constant 0 : index
    %swap3A_7 = vector.load %arg3[%swap3A, %swap3A_6] : memref<256x1024xf32, #tpu.memory_space<vmem>>, vector<256x1024xf32>
    tpu.vector_store %arg3[%swap3A, %swap3A_6], %dot_general3A_5 {strides = array<i32>} : memref<256x1024xf32, #tpu.memory_space<vmem>>, vector<256x1024xf32>,
    return
  }
  func.func @transform_0(%arg0: i32) -> (i32, i32) {
    %c0_i32 = arith.constant 0 : i32
    %c0_i32_0 = arith.constant 0 : i32
    return %arg0, %c0_i32 : i32, i32
  }
  func.func @transform_1(%arg0: i32) -> (i32, i32) {
    %c0_i32 = arith.constant 0 : i32
    %c0_i32_0 = arith.constant 0 : i32
    %c0_i32_1 = arith.constant 0 : i32
    return %c0_i32, %c0_i32_0 : i32, i32
  }
  func.func @transform_2(%arg0: i32) -> (i32, i32) {
    %c0_i32 = arith.constant 0 : i32
    %c0_i32_0 = arith.constant 0 : i32
    return %arg0, %c0_i32 : i32, i32
  }
}

module attributes {stable_mosaic.version = 14 : i64} {
  func.func @_final_attn_body(%arg0: i32, %arg1: i32, %arg2: memref<1x256x2048xf32, #tpu.memory_space<vmem>>, %arg3: memref<1x1x2048xi32, #tpu.memory_space<vmem>>, %arg4: memref<1x2048x64xf32, #tpu.memory_space<vmem>>, %arg5: memref<1x256x64xf32, #tpu.memory_space<vmem>>) attributes {dimension_semantics = [#tpu.dimension_semantics<arbitrary>, #tpu.dimension_semantics<arbitrary>], iteration_bounds = array<i64: 16, 8>, scalar_prefetch = 0 : i64, scratch_operands = 0 : i64, tpu.core_type = #tpu.core_type<tc>, window_params = [{transform_indices = @transform_0, window_bounds = array<i64: 1, 256, 2048>}, {transform_indices = @transform_1, window_bounds = array<i64: 1, 1, 2048>}, {transform_indices = @transform_2, window_bounds = array<i64: 1, 2048, 64>}, {transform_indices = @transform_3, window_bounds = array<i64: 1, 256, 64>}]} {
    %get3A = arith.constant 0 : index
    %get3A_0 = arith.constant 0 : index
    %get3A_1 = arith.constant 0 : index
    %get3A_2 = vector.load %arg2[%get3A, %get3A_0, %get3A_1] : memref<1x256x2048xf32, #tpu.memory_space<vmem>>, vector<1x256x2048xf32>
    %get3A_3 = vector.shape_cast %get3A_2 : vector<1x256x2048xf32> to vector<256x2048xf32>
    %get3A_4 = arith.constant 0 : index
    %get3A_5 = arith.constant 0 : index
    %get3A_6 = arith.constant 0 : index
    %get3A_7 = vector.load %arg3[%get3A_4, %get3A_5, %get3A_6] : memref<1x1x2048xi32, #tpu.memory_space<vmem>>, vector<1x1x2048xi32>
    %get3A_8 = vector.shape_cast %get3A_7 : vector<1x1x2048xi32> to vector<1x2048xi32>
    %iota3A = tpu.iota {dimensions = array<i32: 0>} : vector<256x2048xi32>
    %mul3A = arith.constant 256 : i32
    %mul3A_9 = arith.muli %arg1, %mul3A : i32
    %add3A = vector.broadcast %mul3A_9 : i32 to vector<256x2048xi32>
    %add3A_10 = arith.addi %iota3A, %add3A : vector<256x2048xi32>
    %le3A = vector.broadcast %get3A_8 : vector<1x2048xi32> to vector<256x2048xi32>
    %le3A_11 = arith.cmpi sle, %add3A_10, %le3A : vector<256x2048xi32>
    %jit3A = arith.constant 0.000000e+00 : f32
    %broadcast_in_dim3A = vector.broadcast %jit3A : f32 to vector<256x2048xf32>
    %select_n3A = arith.select %le3A_11, %get3A_3, %broadcast_in_dim3A : vector<256x2048xi1>, vector<256x2048xf32>
    %reduce_sum3A = arith.constant dense<0.000000e+00> : vector<256xf32>
    %reduce_sum3A_12 = vector.multi_reduction <add>, %select_n3A, %reduce_sum3A [1] : vector<256x2048xf32> to vector<256xf32>
    %broadcast_in_dim3A_13 = vector.shape_cast %reduce_sum3A_12 : vector<256xf32> to vector<256x1xf32>
    %div3A = vector.broadcast %broadcast_in_dim3A_13 : vector<256x1xf32> to vector<256x2048xf32>
    %div3A_14 = arith.divf %select_n3A, %div3A : vector<256x2048xf32>
    %get3A_15 = arith.constant 0 : index
    %get3A_16 = arith.constant 0 : index
    %get3A_17 = arith.constant 0 : index
    %get3A_18 = vector.load %arg4[%get3A_15, %get3A_16, %get3A_17] : memref<1x2048x64xf32, #tpu.memory_space<vmem>>, vector<1x2048x64xf32>
    %get3A_19 = vector.shape_cast %get3A_18 : vector<1x2048x64xf32> to vector<2048x64xf32>
    %dot_general3A = arith.constant dense<0.000000e+00> : vector<256x64xf32>
    %dot_general3A_20 = tpu.matmul %div3A_14, %get3A_19, %dot_general3A {dimension_numbers = #tpu.dot_dimension_numbers<[1], [0], [0], [1], [0, 0, 1, 1], [], []>, transpose_lhs_hint = false} : vector<256x2048xf32>, vector<2048x64xf32>, vector<256x64xf32> -> vector<256x64xf32>
    %swap3A = arith.constant 0 : index
    %swap3A_21 = arith.constant 0 : index
    %swap3A_22 = arith.constant 0 : index
    %swap3A_23 = vector.load %arg5[%swap3A, %swap3A_21, %swap3A_22] : memref<1x256x64xf32, #tpu.memory_space<vmem>>, vector<1x256x64xf32>
    %swap3A_24 = vector.shape_cast %swap3A_23 : vector<1x256x64xf32> to vector<256x64xf32>
    %swap3A_25 = vector.shape_cast %dot_general3A_20 : vector<256x64xf32> to vector<1x256x64xf32>
    tpu.vector_store %arg5[%swap3A, %swap3A_21, %swap3A_22], %swap3A_25 {strides = array<i32>} : memref<1x256x64xf32, #tpu.memory_space<vmem>>, vector<1x256x64xf32>,
    return
  }
  func.func @transform_0(%arg0: i32, %arg1: i32) -> (i32, i32, i32) {
    %c0_i32 = arith.constant 0 : i32
    %c0_i32_0 = arith.constant 0 : i32
    return %arg0, %arg1, %c0_i32 : i32, i32, i32
  }
  func.func @transform_1(%arg0: i32, %arg1: i32) -> (i32, i32, i32) {
    %c0_i32 = arith.constant 0 : i32
    %c0_i32_0 = arith.constant 0 : i32
    %c0_i32_1 = arith.constant 0 : i32
    return %arg0, %c0_i32, %c0_i32_0 : i32, i32, i32
  }
  func.func @transform_2(%arg0: i32, %arg1: i32) -> (i32, i32, i32) {
    %c0_i32 = arith.constant 0 : i32
    %c0_i32_0 = arith.constant 0 : i32
    %c0_i32_1 = arith.constant 0 : i32
    return %arg0, %c0_i32, %c0_i32_0 : i32, i32, i32
  }
  func.func @transform_3(%arg0: i32, %arg1: i32) -> (i32, i32, i32) {
    %c0_i32 = arith.constant 0 : i32
    %c0_i32_0 = arith.constant 0 : i32
    return %arg0, %arg1, %c0_i32 : i32, i32, i32
  }
}

module attributes {stable_mosaic.version = 14 : i64} {
  func.func @_proj_body(%arg0: i32, %arg1: memref<256x1024xf32, #tpu.memory_space<vmem>>, %arg2: memref<1024x1024xf32, #tpu.memory_space<vmem>>, %arg3: memref<256x1024xf32, #tpu.memory_space<vmem>>) attributes {dimension_semantics = [#tpu.dimension_semantics<arbitrary>], iteration_bounds = array<i64: 8>, scalar_prefetch = 0 : i64, scratch_operands = 0 : i64, tpu.core_type = #tpu.core_type<tc>, window_params = [{transform_indices = @transform_0, window_bounds = array<i64: 256, 1024>}, {pipeline_mode = #tpu.pipeline_mode<synchronous>, transform_indices = @transform_1, window_bounds = array<i64: 1024, 1024>}, {transform_indices = @transform_2, window_bounds = array<i64: 256, 1024>}]} {
    %get3A = arith.constant 0 : index
    %get3A_0 = arith.constant 0 : index
    %get3A_1 = vector.load %arg1[%get3A, %get3A_0] : memref<256x1024xf32, #tpu.memory_space<vmem>>, vector<256x1024xf32>
    %get3A_2 = arith.constant 0 : index
    %get3A_3 = arith.constant 0 : index
    %get3A_4 = vector.load %arg2[%get3A_2, %get3A_3] : memref<1024x1024xf32, #tpu.memory_space<vmem>>, vector<1024x1024xf32>
    %dot_general3A = arith.constant dense<0.000000e+00> : vector<256x1024xf32>
    %dot_general3A_5 = tpu.matmul %get3A_1, %get3A_4, %dot_general3A {dimension_numbers = #tpu.dot_dimension_numbers<[1], [0], [0], [1], [0, 0, 1, 1], [], []>, transpose_lhs_hint = false} : vector<256x1024xf32>, vector<1024x1024xf32>, vector<256x1024xf32> -> vector<256x1024xf32>
    %swap3A = arith.constant 0 : index
    %swap3A_6 = arith.constant 0 : index
    %swap3A_7 = vector.load %arg3[%swap3A, %swap3A_6] : memref<256x1024xf32, #tpu.memory_space<vmem>>, vector<256x1024xf32>
    tpu.vector_store %arg3[%swap3A, %swap3A_6], %dot_general3A_5 {strides = array<i32>} : memref<256x1024xf32, #tpu.memory_space<vmem>>, vector<256x1024xf32>,
    return
  }
  func.func @transform_0(%arg0: i32) -> (i32, i32) {
    %c0_i32 = arith.constant 0 : i32
    %c0_i32_0 = arith.constant 0 : i32
    return %arg0, %c0_i32 : i32, i32
  }
  func.func @transform_1(%arg0: i32) -> (i32, i32) {
    %c0_i32 = arith.constant 0 : i32
    %c0_i32_0 = arith.constant 0 : i32
    %c0_i32_1 = arith.constant 0 : i32
    return %c0_i32, %c0_i32_0 : i32, i32
  }
  func.func @transform_2(%arg0: i32) -> (i32, i32) {
    %c0_i32 = arith.constant 0 : i32
    %c0_i32_0 = arith.constant 0 : i32
    return %arg0, %c0_i32 : i32, i32
  }
}

</mosaic_0001>

<sc_bundles>
// kernel: kernel.9.cloned.1.call-start
scs
__scs_entry_jumppad:
0x0: {  	(pc) =	sbr.rel $0x88, $3  }
0x1: {  	(tag) =	ssettag $0x0;
	lr =	simm.s32 $0x1  }
0x2: {  	[smem:$0x3F9C] =	sst lr;
	_ =	strace $0xD0000000  }
0x3: {  	_ = 	snop  }
0x4: {  	_ = 	snop  }
0x5: {  	_ = 	snop  }
0x6: {  	_ = 	snop  }
0x7: {  	_ = 	snop  }
__scs_overlays_trampoline_lowered:
0x8: {  	[smem:$0x3FAB] =	sst s0  }
0x9: {  	[smem:$0x3FAC] =	sst s1  }
0xa: {  	[smem:$0x3FAD] =	sst s2  }
0xb: {  	[smem:$0x3FAE] =	sst s3  }
0xc: {  	[smem:$0x3FAF] =	sst s4  }
0xd: {  	[smem:$0x3FB0] =	sst s5  }
0xe: {  	[smem:$0x3FB1] =	sst s6  }
0xf: {  	[smem:$0x3FB2] =	sst s7  }
0x10: {  	[smem:$0x3FB3] =	sst s8  }
0x11: {  	[smem:$0x3FB4] =	sst s9;
	s0 =	simm.s32 @!p0 $0x0  }
0x12: {  	s1 =	sld [smem:$0x3F9A];
	s0 =	simm.s32 @p0 $0x1  }
0x13: {  	[smem:$0x3FB5] =	sst s0;
	s0 =	simm.s32 @!p1 $0x0  }
0x14: {  	s2 =	sld [smem:$0x3F99];
	s0 =	simm.s32 @p1 $0x1  }
0x15: {  	[smem:$0x3FB6] =	sst s0;
	s0 =	simm.s32 @!p2 $0x0  }
0x16: {  	s3 =	sld [smem:$0x3FDB];
	s0 =	simm.s32 @p2 $0x1  }
0x17: {  	s4 =	simm.s32 $0x1BF5;
	[smem:$0x3FB8] =	sst s0  }
0x18: {  	s0 =	sld [smem:$0x3F9B];
	_ =	swait.ge [sflag:s4], $0x0  }
0x19: {  	s7 =	sld [smem:$0x3F9C]  }
0x1a: {  	s8 =	sadd.s32 $0xFFFFE003, lr  }
0x1b: {  	s9 =	sadd.s32 $0xFFFFFEF7, lr;
	s5 =	simm.s32 $0xFFFFFFFF;
	p2 =	slt.u32 s8, $0xFFFFF086  }
0x1c: {  	p1 =	slt.u32 s9, $0xF7A;
	s5 =	simm.s32 @!p2 $0x0  }
0x1d: {  	s5 =	simm.s32 @p1 $0x1;
	p0 =	seq.s32 s7, s2  }
0x1e: {  	s7 =	smul.u32 @!p0 $0xF7A, s2;
	p2 =	seq.s32 @!p0 s5, $0x0  }
0x1f: {  	s9 =	smul.u32 $0xF7A, s1;
	s8 =	simm.s32 @!p0 $0x1BF5;
	p2 =	por !p2, p0  }
0x20: {  	[sflag:s8] =	ssyncset.s32 @!p0 $0xFFFFF086;
	s6 =	sadd.s32 @!p0 s3, s7;
	s7 =	simm.s32 @!p0 $0x108  }
0x21: {  	s3 =	sadd.s32 s3, s9;
	s6 =	sadd.s32 @!p0 $0x88, s6;
	s7 =	simm.s32 @p2 $0x1082  }
0x22: {  	[simem:s7], [sflag:s8] =	dma.local @!p0 [hbm:s6], $0xF7A  }
0x23: {  	s9 =	sor.u32 $0xD0000000, s2;
	s6 =	simm.s32 $0x108;
	_ =	swait.ge @!p0 [sflag:s8], $0x0  }
0x24: {  	s3 =	sadd.s32 $0x88, s3;
	s6 =	simm.s32 @!p1 $0x1082;
	[sflag:s4] =	ssyncset.s32 $0xFFFFF086  }
0x25: {  	[simem:s6], [sflag:s4] =	dma.local [hbm:s3], $0xF7A  }
0x26: {  	[smem:$0x3F9C] =	sst s1;
	(tag) =	ssettag s2;
	_ =	strace s9  }
0x27: {  	s1 =	sld [smem:$0x3FAC]  }
0x28: {  	s2 =	sld [smem:$0x3FAD]  }
0x29: {  	s4 =	sld [smem:$0x3FAF]  }
0x2a: {  	p0 =	seq.s32 s5, $0x0;
	s5 =	sld [smem:$0x3FB0]  }
0x2b: {  	s6 =	sld [smem:$0x3FB1]  }
0x2c: {  	s7 =	sld [smem:$0x3FB2]  }
0x2d: {  	s3 =	simm.s32 $0x108;
	s8 =	sld [smem:$0x3FB3]  }
0x2e: {  	s3 =	simm.s32 @!p0 $0x1082;
	s9 =	sld [smem:$0x3FB4]  }
0x2f: {  	lr =	sadd.s32 s0, s3;
	s0 =	sld [smem:$0x3FAB]  }
0x30: {  	s3 =	sld [smem:$0x3FAE]  }
0x31: {  	[smem:$0x3FB7] =	sst s10  }
0x32: {  	s10 =	sld [smem:$0x3FB5];
	_ =	sdelay $0x3  }
0x33: {  	p0 =	seq.s32 s10, $0x1;
	s10 =	sld [smem:$0x3FB7];
	_ =	sdelay $0x3  }
0x34: {  	[smem:$0x3FB7] =	sst s10  }
0x35: {  	s10 =	sld [smem:$0x3FB6];
	_ =	sdelay $0x3  }
0x36: {  	p1 =	seq.s32 s10, $0x1;
	s10 =	sld [smem:$0x3FB7];
	_ =	sdelay $0x3  }
0x37: {  	[smem:$0x3FB7] =	sst s10  }
0x38: {  	s10 =	sld [smem:$0x3FB8]  }
0x39: {  	_ = 	snop;
	(pc) =	sbr.ind lr, $3  }
0x3a: {  	_ = 	snop  }
0x3b: {  	_ = 	snop  }
0x3c: {  	p2 =	seq.s32 s10, $0x1;
	s10 =	sld [smem:$0x3FB7]  }
0x3d: {  	_ =	shalt  }
0x3e: {  	_ =	shalt  }
0x3f: {  	_ =	shalt  }
0x40: {  	_ =	shalt  }
0x41: {  	_ =	shalt  }
0x42: {  	_ =	shalt  }
0x43: {  	_ =	shalt  }
0x44: {  	_ =	shalt  }
0x45: {  	_ =	shalt  }
0x46: {  	_ =	shalt  }
0x47: {  	_ =	shalt  }
0x48: {  	_ =	shalt  }
0x49: {  	_ =	shalt  }
0x4a: {  	_ =	shalt  }
0x4b: {  	_ =	shalt  }
0x4c: {  	_ =	shalt  }
0x4d: {  	_ =	shalt  }
0x4e: {  	_ =	shalt  }
0x4f: {  	_ =	shalt  }
0x50: {  	_ =	shalt  }
0x51: {  	_ =	shalt  }
0x52: {  	_ =	shalt  }
0x53: {  	_ =	shalt  }
0x54: {  	_ =	shalt  }
0x55: {  	_ =	shalt  }
0x56: {  	_ =	shalt  }
0x57: {  	_ =	shalt  }
0x58: {  	_ =	shalt  }
0x59: {  	_ =	shalt  }
0x5a: {  	_ =	shalt  }
0x5b: {  	_ =	shalt  }
0x5c: {  	_ =	shalt  }
0x5d: {  	_ =	shalt  }
0x5e: {  	_ =	shalt  }
0x5f: {  	_ =	shalt  }
0x60: {  	_ =	shalt  }
0x61: {  	_ =	shalt  }
0x62: {  	_ =	shalt  }
0x63: {  	_ =	shalt  }
0x64: {  	_ =	shalt  }
0x65: {  	_ =	shalt  }
0x66: {  	_ =	shalt  }
0x67: {  	_ =	shalt  }
0x68: {  	_ =	shalt  }
0x69: {  	_ =	shalt  }
0x6a: {  	_ =	shalt  }
0x6b: {  	_ =	shalt  }
0x6c: {  	_ =	shalt  }
0x6d: {  	_ =	shalt  }
0x6e: {  	_ =	shalt  }
0x6f: {  	_ =	shalt  }
0x70: {  	_ =	shalt  }
0x71: {  	_ =	shalt  }
0x72: {  	_ =	shalt  }
0x73: {  	_ =	shalt  }
0x74: {  	_ =	shalt  }
0x75: {  	_ =	shalt  }
0x76: {  	_ =	shalt  }
0x77: {  	_ =	shalt  }
0x78: {  	_ =	shalt  }
0x79: {  	_ =	shalt  }
0x7a: {  	_ =	shalt  }
0x7b: {  	_ =	shalt  }
0x7c: {  	_ =	shalt  }
0x7d: {  	_ =	shalt  }
0x7e: {  	_ =	shalt  }
0x7f: {  	_ =	shalt  }
0x80: {  	_ =	shalt  }
0x81: {  	_ =	shalt  }
0x82: {  	_ =	shalt  }
0x83: {  	_ =	shalt  }
0x84: {  	_ =	shalt  }
0x85: {  	_ =	shalt  }
0x86: {  	_ =	shalt  }
0x87: {  	_ =	shalt  }
.Lfunc_end0:
.L_simem_size_0:
called_computation_lowered:
.L_overlay_start_0:
0x88: {  	s2 =	sld [smem:$0x3FD9]  }
0x89: {  	s3 =	sld [smem:$0x3FFE];
	_ =	sdelay $0x1  }
0x8a: {  	s1 =	srdreg.scid  }
0x8b: {  	s0 =	sand.u32 $0x1, s1  }
0x8c: {  	s17 =	sshll.u32 s0, $0xA;
	s2 =	sadd.s32 s3, s2  }
0x8d: {  	s2 =	sadd.s32 s2, s17  }
0x8e: {  	[smem:$0x3FC3] =	sst s2  }
0x8f: {  	_ = 	snop  }
0x90: {  	s2 =	sld [smem:$0x3FD0];
	(tm) =	ssettm $0x1  }
0x91: {  	s18 =	sld [smem:$0x3FFB];
	_ =	sdelay $0x3  }
0x92: {  	_ =	strace s18  }
0x93: {  	s3 =	sld [smem:$0x3FFC];
	_ =	sdelay $0x3  }
0x94: {  	_ =	strace s3  }
0x95: {  	s3 =	sld [smem:$0x3FFD];
	_ =	sdelay $0x3  }
0x96: {  	_ =	strace s3  }
0x97: {  	_ =	strace $0x8FFFFFFF  }
0x98: {  	s19 =	sld [smem:$0x3FDB];
	_ =	sdelay $0x1  }
0x99: {  	s4 =	simm.s32 $_scs_section_size  }
0x9a: {  	s5 =	simm.s32 $_size__tile_overlayer_lowered;
	s6 =	simm.s32 $_tile_overlayer_lowered  }
0x9b: {  	s22 =	simm.s32 $0x1BFF;
	s21 =	sshll.u32 s6, $0x1;
	s3 =	sadd.s32 s4, s19  }
0x9c: {  	s7 =	simm.s32 $0x0;
	s20 =	sshll.u32 s5, $0x1;
	s5 =	sadd.s32 s21, s3  }
0x9d: {  	[timem:s7], [sflag:s22] =	dma.local [hbm:s5], s20  }
0x9e: {  	_ =	swait.ge [sflag:s22], s20  }
0x9f: {  	s4 =	ssub.s32 $0x0, s20;
	[sflag:s22] =	ssyncset.done $0x0  }
0xa0: {  	[sflag:s22] =	ssyncadd.s32 s4;
	_ =	sdelay $0x1  }
0xa1: {  	s23 =	simm.s32 $0x1B8B  }
0xa2: {  	_ =	swait.ge [sflag:s23], $0x1  }
0xa3: {  	[sflag:s23] =	ssyncset.done $0x0  }
0xa4: {  	s25 =	simm.s32 $0x1B8E;
	s24 =	sld [smem:$0x3FFE];
	[sflag:s23] =	ssyncadd.s32 $0xFFFFFFFF  }
0xa5: {  	s26 =	simm.s32 $execute0_lowered;
	[smem:$0x3FD2] =	sst s25  }
0xa6: {  	s5 =	sshll.u32 s26, $0x1;
	_ =	strace $0x80000046;
	[dreg:$0x1] =	wrdreg $0xFFFFFFFF  }
0xa7: {  	s28 =	simm.s32 $_size_execute0_lowered;
	s3 =	sadd.s32 s3, s5;
	[dreg:$0x0] =	wrdreg $0x0  }
0xa8: {  	s5 =	sshll.u32 s28, $0x1;
	[dreg:$0x2] =	wrdreg s3  }
0xa9: {  	[dreg:$0x3] =	wrdreg s5  }
0xaa: {  	[dreg:$0x4] =	wrdreg $0xC0  }
0xab: {  	_ =	task [dreg:s7], $0x5FFFF  }
0xac: {  	[dreg:$0x1] =	wrdreg $0xFFFFFFFF  }
0xad: {  	[dreg:$0x0] =	wrdreg $0x60  }
0xae: {  	[dreg:$0x2] =	wrdreg s24  }
0xaf: {  	[dreg:$0x3] =	wrdreg s2  }
0xb0: {  	[dreg:$0x4] =	wrdreg $0x9  }
0xb1: {  	_ =	task.clear_ibuf [dreg:s7], $0x5FFFF;
	_ =	strace $0x90000046  }
0xb2: {  	s29 =	simm.s32 $0x9;
	_ =	strace $0x80000048  }
0xb3: {  	_ =	swait.ge [sflag:s29], $0x1  }
0xb4: {  	[sflag:s29] =	ssyncadd.s32 $0xFFFFFFFF  }
0xb5: {  	_ =	strace $0x90000048  }
0xb6: {  	_ =	sfence  }
0xb7: {  	s30 =	sld [smem:$0x0];
	_ =	sdelay $0x2  }
0xb8: {  	s31 =	sshll.u32 s1, $0xD;
	s1 =	sshrl.u32 s1, $0x2  }
0xb9: {  	s3 =	sand.u32 $0x4000, s31;
	s1 =	sadd.s32 s1, s30  }
0xba: {  	s0 =	sor.u32 s3, s0;
	s1 =	sshll.u32 s1, $0x11  }
0xbb: {  	s0 =	sor.u32 s1, s0  }
0xbc: {  	s0 =	sadd.s32 $0x8F2B, s0  }
0xbd: {  	[sflag:s0] =	ssyncadd.remote.s32 $0x1  }
0xbe: {  	_ =	sfence.sel $0xFFFF  }
0xbf: {  	[dreg:$0x0] =	wrdreg $0xFFFFFFFF;
	(pc) =	sbr.abs _section_cstart, $3  }
0xc0: {  	[dreg:$0x1] =	wrdreg $0xFFFFFFFF  }
0xc1: {  	_ =	task.clear_ibuf [dreg:s7], $0x2FFFF;
	_ =	strace $0x9FFFFFFF  }
0xc2: {  	(tm) =	ssettm $0x7FFFFFFF  }
0xc3: {  	_ =	shalt  }
tec
execute0_lowered:
.L_overlay_start_1:
0x0: {  	(tag) =	ssettag $0x1  }
0x1: {  	s0 =	stileid.u32  }
0x2: {  	p0 =	sgt.u32 s0, $0x7  }
.Ltmp0:
0x3: {  	_ = 	snop;
	(pc) =	sbr.rel @p0 .LBB2_5-.Ltmp0, $4  }
0x4: {  	_ = 	snop  }
0x5: {  	s4 =	rddreg [dreg:$0x0];
	s2 =	simm.s32 $0x0  }
0x6: {  	[smem:$0x7FF] =	sst s2  }
0x7: {  	s10 =	rddreg [dreg:$0x1];
	_ =	strace $0x80000047  }
0x8: {  	s3 =	srdreg.scid;
	v0 =	vlaneseq.u32  }
0x9: {  	s0 =	stileid.u32;
	s15 =	simm.s32 $0x880;
	s16 =	simm.s32 $0x1100;
	v1 =	vor.u32 $0x10, v0  }
0xa: {  	s17 =	simm.s32 $0x1980;
	s18 =	simm.s32 $0x2200;
	s19 =	simm.s32 $0x1;
	v63 =	vor.u32 $0xC0, v0;
	[tilespmem:$0x1FF30] =	vst v1  }
0xb: {  	s20 =	simm.s32 $0x2B80;
	s21 =	simm.s32 $0x2A80;
	s22 =	simm.s32 $0x2;
	v1 =	vor.u32 $0x20, v0;
	[tilespmem:$0x1FFF0] =	vst v63  }
0xc: {  	s23 =	simm.s32 $0x3;
	s24 =	simm.s32 $0x4;
	s25 =	simm.s32 $0x0;
	[tilespmem:$0x1FF40] =	vst v1;
	v1 =	vor.u32 $0x30, v0  }
0xd: {  	v9 =	vimm.s32 $0xC3C2C1C0;
	v11 =	vimm.s32 $0xC7C6C5C4;
	s8 =	sand.u32 $0x1, s3;
	s29 =	sshll.u32 s0, $0x1;
	s6 =	sshrl.u32 s0, $0x2;
	[tilespmem:$0x1FF50] =	vst v1;
	v1 =	vor.u32 $0x40, v0  }
0xe: {  	v12 =	vimm.s32 $0xCBCAC9C8;
	v10 =	vunpack.c.0.s8.s32 v9;
	s5 =	sor.u32 s8, s29;
	s30 =	sshll.u32 s6, $0xE;
	s13 =	smul.u32 $0x4400, s6;
	[tilespmem:$0x1FF60] =	vst v1;
	v1 =	vor.u32 $0x50, v0  }
0xf: {  	v11 =	vunpack.c.0.s8.s32 v11;
	v12 =	vunpack.c.0.s8.s32 v12;
	s14 =	ssub.s32 $0x2, s8;
	s3 =	sshll.u32 s5, $0x7;
	s11 =	sshll.u32 s5, $0x13;
	[tilespmem:$0x1FF70] =	vst v1;
	v1 =	vor.u32 $0x60, v0  }
0x10: {  	vm0 =	vcmask $0xF00;
	v10 =	vand.u32 $0xFF, v10;
	s31 =	sshrl.u32 s14, $0x1;
	s9 =	sand.u32 $0x380, s3;
	s3 =	sadd.s32 $0x80C00, s4;
	[tilespmem:$0x1FF80] =	vst v1;
	v1 =	vor.u32 $0x70, v0  }
0x11: {  	v11 =	vand.u32 $0xFF, v11;
	v12 =	vand.u32 $0xFF, v12;
	s7 =	sor.u32 s30, s9;
	s11 =	sadd.s32 s11, s3;
	s9 =	sor.u32 s13, s9;
	[tilespmem:$0x1FF90] =	vst v1;
	v1 =	vor.u32 $0x80, v0  }
0x12: {  	v10 =	vnsel vm0, $0x7FF, v10;
	vm0 =	vcmask $0x1F10;
	s7 =	sshrl.u32 s7, $0x3;
	s6 =	sadd.s32 $0x19810, s11;
	s8 =	sadd.s32 $0x19830, s11;
	[tilespmem:$0x1FFA0] =	vst v1;
	v1 =	vor.u32 $0x90, v0  }
0x13: {  	v11 =	vsel vm0, v11, v10;
	vm0 =	vcmask $0x2F20;
	s13 =	sshrl.u32 s9, $0x3;
	s12 =	sadd.s32 s7, s4;
	s4 =	sshll.u32 s5, $0x16;
	[tilespmem:$0x1FFB0] =	vst v1;
	v1 =	vor.u32 $0xA0, v0  }
0x14: {  	v13 =	vsel vm0, v12, v11;
	vm0 =	vcmask $0x3330;
	s5 =	sadd.s32 $0x19800, s11;
	s7 =	sadd.s32 $0x19820, s11;
	s11 =	ssub.s32 s14, s31;
	[tilespmem:$0x1FFC0] =	vst v1;
	v1 =	vor.u32 $0xB0, v0  }
0x15: {  	s10 =	sadd.s32 s10, s13;
	s13 =	simm.s32 $0x400;
	s14 =	simm.s32 $0x5;
	[tilespmem:$0x1FFD0] =	vst v1;
	v1 =	vsel vm0, $0xCC, v13  }
0x16: {  	s9 =	sadd.s32 $0xC00, s12;
	s11 =	smax.u32 s11, $0x1;
	s12 =	simm.s32 $0x80;
	vm0 =	vmmov $0x1fff;
	[tilespmem:$0x1FFE0] =	vst v1  }
.LBB2_2:
0x17: {  	[tilespmem:s2], [sflag:$0x5] =	stream.strided.gather [hbm4b:s10+s12], $0x880, s13, s12, $0x38;
	[tilespmem:$0x3380] =	vst v63  }
0x18: {  	_ =	swait.ge [sflag:s14], $0x880  }
0x19: {  	[sflag:s14] =	ssyncset.done $0x0  }
0x1a: {  	v1 =	vimm.f32 $0.0e+00;
	[sflag:s14] =	ssyncadd.s32 $0xFFFFF780  }
0x1b: {  	[tilespmem:$0x1080] =	vst v1  }
0x1c: {  	[tilespmem:$0x1900] =	vst v1  }
0x1d: {  	[tilespmem:$0x2180] =	vst v1  }
0x1e: {  	[tilespmem:$0x2A00] =	vst v1;
	v1 =	vld [tilespmem:$0x1FF30];
	_ =	sdelay $0x4  }
0x1f: {  	[tilespmem:$0x2A90] =	vst v1;
	v1 =	vld [tilespmem:$0x1FF40];
	_ =	sdelay $0x4  }
0x20: {  	[tilespmem:$0x2AA0] =	vst v1;
	v1 =	vld [tilespmem:$0x1FF50];
	_ =	sdelay $0x4  }
0x21: {  	[tilespmem:$0x2AB0] =	vst v1;
	v1 =	vld [tilespmem:$0x1FF60];
	_ =	sdelay $0x4  }
0x22: {  	[tilespmem:$0x2AC0] =	vst v1;
	v1 =	vld [tilespmem:$0x1FF70];
	_ =	sdelay $0x4  }
0x23: {  	[tilespmem:$0x2AD0] =	vst v1;
	v1 =	vld [tilespmem:$0x1FF80];
	_ =	sdelay $0x4  }
0x24: {  	[tilespmem:$0x2AE0] =	vst v1;
	v1 =	vld [tilespmem:$0x1FF90];
	_ =	sdelay $0x4  }
0x25: {  	[tilespmem:$0x2AF0] =	vst v1;
	v1 =	vld [tilespmem:$0x1FFA0];
	_ =	sdelay $0x4  }
0x26: {  	[tilespmem:$0x2B00] =	vst v1;
	v1 =	vld [tilespmem:$0x1FFB0];
	_ =	sdelay $0x4  }
0x27: {  	[tilespmem:$0x2B10] =	vst v1;
	v1 =	vld [tilespmem:$0x1FFC0];
	_ =	sdelay $0x4  }
0x28: {  	[tilespmem:$0x2B20] =	vst v1;
	v1 =	vld [tilespmem:$0x1FFD0];
	_ =	sdelay $0x4  }
0x29: {  	[tilespmem:$0x2B30] =	vst v1;
	v1 =	vld [tilespmem:$0x1FFE0];
	_ =	sdelay $0x3  }
0x2a: {  	[tilespmem:$0x2A80] =	vst v0  }
0x2b: {  	[tilespmem:$0x2B40] =	vst v1;
	v1 =	vimm.s32 $0x7FFFFFFF  }
0x2c: {  	[tilespmem:$0x2B80] =	vst v1  }
0x2d: {  	[tilespmem:$0x2B90] =	vst v1  }
0x2e: {  	[tilespmem:$0x2BA0] =	vst v1  }
0x2f: {  	[tilespmem:$0x2BB0] =	vst v1  }
0x30: {  	[tilespmem:$0x2BC0] =	vst v1  }
0x31: {  	[tilespmem:$0x2BD0] =	vst v1  }
0x32: {  	[tilespmem:$0x2BE0] =	vst v1  }
0x33: {  	[tilespmem:$0x2BF0] =	vst v1  }
0x34: {  	[tilespmem:$0x2C00] =	vst v1  }
0x35: {  	[tilespmem:$0x2C10] =	vst v1  }
0x36: {  	[tilespmem:$0x2C20] =	vst v1  }
0x37: {  	[tilespmem:$0x2C30] =	vst v1  }
0x38: {  	[tilespmem:$0x2C40] =	vst v1  }
0x39: {  	[tilespmem:$0x2C50] =	vst v1  }
0x3a: {  	[tilespmem:$0x2C60] =	vst v1  }
0x3b: {  	[tilespmem:$0x2C70] =	vst v1  }
0x3c: {  	[tilespmem:$0x2C80] =	vst v1  }
0x3d: {  	[tilespmem:$0x2C90] =	vst v1  }
0x3e: {  	[tilespmem:$0x2CA0] =	vst v1  }
0x3f: {  	[tilespmem:$0x2CB0] =	vst v1  }
0x40: {  	[tilespmem:$0x2CC0] =	vst v1  }
0x41: {  	[tilespmem:$0x2CD0] =	vst v1  }
0x42: {  	[tilespmem:$0x2CE0] =	vst v1  }
0x43: {  	[tilespmem:$0x2CF0] =	vst v1  }
0x44: {  	[tilespmem:$0x2D00] =	vst v1  }
0x45: {  	[tilespmem:$0x2D10] =	vst v1  }
0x46: {  	[tilespmem:$0x2D20] =	vst v1  }
0x47: {  	[tilespmem:$0x2D30] =	vst v1  }
0x48: {  	[tilespmem:$0x2D40] =	vst v1  }
0x49: {  	[tilespmem:$0x2D50] =	vst v1  }
0x4a: {  	[tilespmem:$0x2D60] =	vst v1  }
0x4b: {  	[tilespmem:$0x2D70] =	vst v1  }
0x4c: {  	[tilespmem:$0x2D80] =	vst v1  }
0x4d: {  	[tilespmem:$0x2D90] =	vst v1  }
0x4e: {  	[tilespmem:$0x2DA0] =	vst v1  }
0x4f: {  	[tilespmem:$0x2DB0] =	vst v1  }
0x50: {  	[tilespmem:$0x2DC0] =	vst v1  }
0x51: {  	[tilespmem:$0x2DD0] =	vst v1  }
0x52: {  	[tilespmem:$0x2DE0] =	vst v1  }
0x53: {  	[tilespmem:$0x2DF0] =	vst v1  }
0x54: {  	[tilespmem:$0x2E00] =	vst v1  }
0x55: {  	[tilespmem:$0x2E10] =	vst v1  }
0x56: {  	[tilespmem:$0x2E20] =	vst v1  }
0x57: {  	[tilespmem:$0x2E30] =	vst v1  }
0x58: {  	[tilespmem:$0x2E40] =	vst v1  }
0x59: {  	[tilespmem:$0x2E50] =	vst v1  }
0x5a: {  	[tilespmem:$0x2E60] =	vst v1  }
0x5b: {  	[tilespmem:$0x2E70] =	vst v1  }
0x5c: {  	[tilespmem:$0x2E80] =	vst v1  }
0x5d: {  	[tilespmem:$0x2E90] =	vst v1  }
0x5e: {  	[tilespmem:$0x2EA0] =	vst v1  }
0x5f: {  	[tilespmem:$0x2EB0] =	vst v1  }
0x60: {  	[tilespmem:$0x2EC0] =	vst v1  }
0x61: {  	[tilespmem:$0x2ED0] =	vst v1  }
0x62: {  	[tilespmem:$0x2EE0] =	vst v1  }
0x63: {  	[tilespmem:$0x2EF0] =	vst v1  }
0x64: {  	[tilespmem:$0x2F00] =	vst v1  }
0x65: {  	[tilespmem:$0x2F10] =	vst v1  }
0x66: {  	[tilespmem:$0x2F20] =	vst v1  }
0x67: {  	[tilespmem:$0x2F30] =	vst v1  }
0x68: {  	[tilespmem:$0x2F40] =	vst v1  }
0x69: {  	[tilespmem:$0x2F50] =	vst v1  }
0x6a: {  	[tilespmem:$0x2F60] =	vst v1  }
0x6b: {  	[tilespmem:$0x2F70] =	vst v1  }
0x6c: {  	[tilespmem:$0x2F80] =	vst v1  }
0x6d: {  	[tilespmem:$0x2F90] =	vst v1  }
0x6e: {  	[tilespmem:$0x2FA0] =	vst v1  }
0x6f: {  	[tilespmem:$0x2FB0] =	vst v1  }
0x70: {  	[tilespmem:$0x2FC0] =	vst v1  }
0x71: {  	[tilespmem:$0x2FD0] =	vst v1  }
0x72: {  	[tilespmem:$0x2FE0] =	vst v1  }
0x73: {  	[tilespmem:$0x2FF0] =	vst v1  }
0x74: {  	[tilespmem:$0x3000] =	vst v1  }
0x75: {  	[tilespmem:$0x3010] =	vst v1  }
0x76: {  	[tilespmem:$0x3020] =	vst v1  }
0x77: {  	[tilespmem:$0x3030] =	vst v1  }
0x78: {  	[tilespmem:$0x3040] =	vst v1  }
0x79: {  	[tilespmem:$0x3050] =	vst v1  }
0x7a: {  	[tilespmem:$0x3060] =	vst v1  }
0x7b: {  	[tilespmem:$0x3070] =	vst v1  }
0x7c: {  	[tilespmem:$0x3080] =	vst v1  }
0x7d: {  	[tilespmem:$0x3090] =	vst v1  }
0x7e: {  	[tilespmem:$0x30A0] =	vst v1  }
0x7f: {  	[tilespmem:$0x30B0] =	vst v1  }
0x80: {  	[tilespmem:$0x30C0] =	vst v1  }
0x81: {  	[tilespmem:$0x30D0] =	vst v1  }
0x82: {  	[tilespmem:$0x30E0] =	vst v1  }
0x83: {  	[tilespmem:$0x30F0] =	vst v1  }
0x84: {  	[tilespmem:$0x3100] =	vst v1  }
0x85: {  	[tilespmem:$0x3110] =	vst v1  }
0x86: {  	[tilespmem:$0x3120] =	vst v1  }
0x87: {  	[tilespmem:$0x3130] =	vst v1  }
0x88: {  	[tilespmem:$0x3140] =	vst v1  }
0x89: {  	[tilespmem:$0x3150] =	vst v1  }
0x8a: {  	[tilespmem:$0x3160] =	vst v1  }
0x8b: {  	[tilespmem:$0x3170] =	vst v1  }
0x8c: {  	[tilespmem:$0x3180] =	vst v1  }
0x8d: {  	[tilespmem:$0x3190] =	vst v1  }
0x8e: {  	[tilespmem:$0x31A0] =	vst v1  }
0x8f: {  	[tilespmem:$0x31B0] =	vst v1  }
0x90: {  	[tilespmem:$0x31C0] =	vst v1  }
0x91: {  	[tilespmem:$0x31D0] =	vst v1  }
0x92: {  	[tilespmem:$0x31E0] =	vst v1  }
0x93: {  	[tilespmem:$0x31F0] =	vst v1  }
0x94: {  	[tilespmem:$0x3200] =	vst v1  }
0x95: {  	[tilespmem:$0x3210] =	vst v1  }
0x96: {  	[tilespmem:$0x3220] =	vst v1  }
0x97: {  	[tilespmem:$0x3230] =	vst v1  }
0x98: {  	[tilespmem:$0x3240] =	vst v1  }
0x99: {  	[tilespmem:$0x3250] =	vst v1  }
0x9a: {  	[tilespmem:$0x3260] =	vst v1  }
0x9b: {  	[tilespmem:$0x3270] =	vst v1  }
0x9c: {  	[tilespmem:$0x3280] =	vst v1  }
0x9d: {  	[tilespmem:$0x3290] =	vst v1  }
0x9e: {  	[tilespmem:$0x32A0] =	vst v1  }
0x9f: {  	[tilespmem:$0x32B0] =	vst v1  }
0xa0: {  	[tilespmem:$0x32C0] =	vst v1  }
0xa1: {  	[tilespmem:$0x32D0] =	vst v1  }
0xa2: {  	[tilespmem:$0x32E0] =	vst v1  }
0xa3: {  	[tilespmem:$0x32F0] =	vst v1  }
0xa4: {  	[tilespmem:$0x3300] =	vst v1  }
0xa5: {  	[tilespmem:$0x3310] =	vst v1  }
0xa6: {  	[tilespmem:$0x3320] =	vst v1  }
0xa7: {  	[tilespmem:$0x3330] =	vst v1  }
0xa8: {  	[tilespmem:$0x3340] =	vst v1  }
0xa9: {  	[tilespmem:$0x3350] =	vst v1  }
0xaa: {  	[tilespmem:$0x3360] =	vst v1  }
0xab: {  	[tilespmem:$0x3370] =	vst v1  }
0xac: {  	[tilespmem:s15], [sflag:$0x1] =	stream.strided.gather [hbm4b:s5+s12], $0x800, s13, s12, $0x38;
	[tilespmem:$0x3380] =	vst v63  }
0xad: {  	_ = 	snop  }
0xae: {  	[tilespmem:s16], [sflag:$0x2] =	stream.strided.gather [hbm4b:s6+s12], $0x800, s13, s12, $0x38;
	[tilespmem:$0x3380] =	vst v63  }
0xaf: {  	_ = 	snop  }
0xb0: {  	[tilespmem:s17], [sflag:$0x3] =	stream.strided.gather [hbm4b:s7+s12], $0x800, s13, s12, $0x38;
	[tilespmem:$0x3380] =	vst v63  }
0xb1: {  	s26 =	simm.s32 $0x19B;
	s28 =	simm.s32 $0xCF80;
	s29 =	simm.s32 $0xCF800  }
0xb2: {  	[tilespmem:s18], [sflag:$0x4] =	stream.strided.gather [hbm4b:s8+s12], $0x800, s13, s12, $0x38;
	[tilespmem:$0x3380] =	vst v63  }
.LBB2_3:
0xb3: {  	_ =	swait.ge [sflag:s19], $0x800  }
0xb4: {  	[sflag:s19] =	ssyncset.done $0x0  }
0xb5: {  	[sflag:s19] =	ssyncadd.s32 $0xFFFFF800  }
0xb6: {  	v45 =	vld [tilespmem:$0x2A80]  }
0xb7: {  	v46 =	vld [tilespmem:$0x2A90];
	_ =	sdelay $0x1  }
0xb8: {  	v43 =	vld [tilespmem:$0x2AA0];
	_ =	sdelay $0x1  }
0xb9: {  	v41 =	vld [tilespmem:$0x2AB0]  }
0xba: {  	v37 =	vld [tilespmem:$0x2AC0]  }
0xbb: {  	v33 =	vld [tilespmem:$0x2AD0]  }
0xbc: {  	v54 =	vld.idx.msk [tilespmem:v45+s15+$0x0], $0xffff  }
0xbd: {  	v55 =	vld.idx.msk [tilespmem:v46+s15+$0x0], $0xffff  }
0xbe: {  	v29 =	vld [tilespmem:$0x2AE0]  }
0xbf: {  	v56 =	vld.idx.msk [tilespmem:v43+s15+$0x0], $0xffff  }
0xc0: {  	v28 =	vld [tilespmem:$0x2AF0]  }
0xc1: {  	v57 =	vld.idx.msk [tilespmem:v41+s15+$0x0], $0xffff  }
0xc2: {  	v26 =	vld [tilespmem:$0x2B00];
	v22 =	vadd.f32 v55, v54  }
0xc3: {  	v58 =	vld.idx.msk [tilespmem:v37+s15+$0x0], $0xffff  }
0xc4: {  	v25 =	vld [tilespmem:$0x2B10];
	v22 =	vadd.f32 v56, v22  }
0xc5: {  	v59 =	vld.idx.msk [tilespmem:v33+s15+$0x0], $0xffff  }
0xc6: {  	v24 =	vld [tilespmem:$0x2B20];
	v22 =	vadd.f32 v57, v22  }
0xc7: {  	v60 =	vld.idx.msk [tilespmem:v29+s15+$0x0], $0xffff  }
0xc8: {  	v23 =	vld [tilespmem:$0x2B30];
	v27 =	vadd.f32 v58, v22  }
0xc9: {  	v61 =	vld.idx.msk [tilespmem:v28+s15+$0x0], $0xffff  }
0xca: {  	v62 =	vld.idx.msk [tilespmem:v26+s15+$0x0], $0xffff;
	v27 =	vadd.f32 v59, v27  }
0xcb: {  	v22 =	vld [tilespmem:$0x2B40]  }
0xcc: {  	v27 =	vadd.f32 v60, v27  }
0xcd: {  	v63 =	vld.idx.msk [tilespmem:v25+s15+$0x0], $0xffff  }
0xce: {  	v27 =	vadd.f32 v61, v27  }
0xcf: {  	s30 =	sadd.s32 $0xFFFFFF32, s26;
	v16 =	vld.idx.msk [tilespmem:v24+s15+$0x0], $0xffff  }
0xd0: {  	v17 =	vadd.s32 s30, v0;
	v27 =	vadd.f32 v62, v27  }
0xd1: {  	s31 =	sadd.s32 $0xFFFFFF42, s26;
	v18 =	vld.idx.msk [tilespmem:v23+s15+$0x0], $0xffff  }
0xd2: {  	v19 =	vadd.s32 s31, v0;
	v27 =	vadd.f32 v63, v27  }
0xd3: {  	s1 =	sadd.s32 $0xFFFFFF52, s26;
	v20 =	vld.idx.msk [tilespmem:v22+s15+$0x0], $0xffff  }
0xd4: {  	v21 =	vadd.s32 s1, v0;
	v27 =	vadd.f32 v16, v27  }
0xd5: {  	s0 =	sadd.s32 $0xFFFFFF62, s26;
	v13 =	vld.idx.msk [tilespmem:v17+s15+$0x0], $0xffff  }
0xd6: {  	v53 =	vadd.s32 s0, v0;
	v27 =	vadd.f32 v18, v27  }
0xd7: {  	s1 =	sadd.s32 $0xFFFFFF72, s26;
	v1 =	vld.idx.msk [tilespmem:v19+s15+$0x0], $0xffff  }
0xd8: {  	v51 =	vadd.s32 s1, v0;
	v27 =	vadd.f32 v20, v27  }
0xd9: {  	s0 =	sadd.s32 $0xFFFFFF82, s26;
	v14 =	vld.idx.msk [tilespmem:v21+s15+$0x0], $0xffff  }
0xda: {  	v49 =	vadd.s32 s0, v0;
	v27 =	vadd.f32 v13, v27  }
0xdb: {  	s1 =	sadd.s32 $0xFFFFFF92, s26;
	v2 =	vld.idx.msk [tilespmem:v53+s15+$0x0], $0xffff  }
0xdc: {  	v47 =	vadd.s32 s1, v0;
	v27 =	vadd.f32 v1, v27  }
0xdd: {  	s0 =	sadd.s32 $0xFFFFFFA2, s26;
	v3 =	vld.idx.msk [tilespmem:v51+s15+$0x0], $0xffff  }
0xde: {  	v42 =	vadd.s32 s0, v0;
	v27 =	vadd.f32 v14, v27  }
0xdf: {  	s1 =	sadd.s32 $0xFFFFFFB2, s26;
	v52 =	vld.idx.msk [tilespmem:v49+s15+$0x0], $0xffff  }
0xe0: {  	v35 =	vadd.s32 s1, v0;
	v27 =	vadd.f32 v2, v27  }
0xe1: {  	s0 =	sadd.s32 $0xFFFFFFC2, s26;
	v50 =	vld.idx.msk [tilespmem:v47+s15+$0x0], $0xffff  }
0xe2: {  	v32 =	vadd.s32 s0, v0;
	v27 =	vadd.f32 v3, v27  }
0xe3: {  	s1 =	sadd.s32 $0xFFFFFFD2, s26;
	v48 =	vld.idx.msk [tilespmem:v42+s15+$0x0], $0xffff  }
0xe4: {  	v30 =	vadd.s32 s1, v0;
	v27 =	vadd.f32 v52, v27  }
0xe5: {  	s0 =	sadd.s32 $0xFFFFFFE2, s26;
	v44 =	vld.idx.msk [tilespmem:v35+s15+$0x0], $0xffff  }
0xe6: {  	v31 =	vadd.s32 s0, v0;
	v34 =	vadd.f32 v50, v27  }
0xe7: {  	s1 =	sadd.s32 $0xFFFFFFF2, s26;
	v40 =	vld.idx.msk [tilespmem:v32+s15+$0x0], $0xffff  }
0xe8: {  	v27 =	vadd.s32 s1, v0;
	v34 =	vadd.f32 v48, v34  }
0xe9: {  	v38 =	vld.idx.msk [tilespmem:v30+s15+$0x0], $0xffff  }
0xea: {  	v34 =	vadd.f32 v44, v34  }
0xeb: {  	v36 =	vld.idx.msk [tilespmem:v31+s15+$0x0], $0xffff  }
0xec: {  	v39 =	vadd.f32 v40, v34  }
0xed: {  	v34 =	vld.idx.msk [tilespmem:v27+s15+$0x0], $0xffff  }
0xee: {  	v39 =	vadd.f32 v38, v39;
	_ =	sdelay $0x1  }
0xef: {  	v39 =	vadd.f32 v36, v39;
	_ =	sdelay $0x1  }
0xf0: {  	v39 =	vadd.f32 v34, v39;
	_ =	sdelay $0x1  }
0xf1: {  	(xrf2) =	vadd.scan.msk.f32 $0xffff, v39;
	_ =	sdelay $0x9  }
0xf2: {  	v39, _, _ =	vpop (xrf2)  }
0xf3: {  	v39 =	vbroadcast v39, $0xF;
	_ =	sdelay $0x1  }
0xf4: {  	(erf) = vrcp.f32 v39;
	_ =	sdelay $0x6  }
0xf5: {  	v4 =	vld.idx.msk [tilespmem:v45+s2+$0x0], $0xffff;
	_ =	sdelay $0x1  }
0xf6: {  	v39 =	vpop (erf)  }
0xf7: {  	v54 =	vmul.f32 v39, v54;
	_ =	sdelay $0x1  }
0xf8: {  	v4 =	vadd.f32 v54, v4;
	_ =	sdelay $0x1  }
0xf9: {  	[tilespmem:v45+s2+$0x0] =	vst.idx.msk $0xffff, v4  }
0xfa: {  	v8 =	vld.idx.msk [tilespmem:v46+s2+$0x0], $0xffff;
	_ =	sdelay $0x2  }
0xfb: {  	v55 =	vmul.f32 v39, v55;
	_ =	sdelay $0x1  }
0xfc: {  	v54 =	vadd.f32 v55, v8;
	_ =	sdelay $0x1  }
0xfd: {  	[tilespmem:v46+s2+$0x0] =	vst.idx.msk $0xffff, v54  }
0xfe: {  	v9 =	vld.idx.msk [tilespmem:v43+s2+$0x0], $0xffff;
	_ =	sdelay $0x2  }
0xff: {  	v56 =	vmul.f32 v39, v56;
	_ =	sdelay $0x1  }
0x100: {  	v55 =	vadd.f32 v56, v9;
	_ =	sdelay $0x1  }
0x101: {  	[tilespmem:v43+s2+$0x0] =	vst.idx.msk $0xffff, v55  }
0x102: {  	v10 =	vld.idx.msk [tilespmem:v41+s2+$0x0], $0xffff;
	_ =	sdelay $0x2  }
0x103: {  	v57 =	vmul.f32 v39, v57;
	_ =	sdelay $0x1  }
0x104: {  	v56 =	vadd.f32 v10, v57;
	_ =	sdelay $0x1  }
0x105: {  	[tilespmem:v41+s2+$0x0] =	vst.idx.msk $0xffff, v56  }
0x106: {  	v11 =	vld.idx.msk [tilespmem:v37+s2+$0x0], $0xffff;
	_ =	sdelay $0x2  }
0x107: {  	v58 =	vmul.f32 v39, v58;
	_ =	sdelay $0x1  }
0x108: {  	v57 =	vadd.f32 v11, v58;
	_ =	sdelay $0x1  }
0x109: {  	[tilespmem:v37+s2+$0x0] =	vst.idx.msk $0xffff, v57  }
0x10a: {  	v12 =	vld.idx.msk [tilespmem:v33+s2+$0x0], $0xffff;
	_ =	sdelay $0x2  }
0x10b: {  	v59 =	vmul.f32 v39, v59;
	_ =	sdelay $0x1  }
0x10c: {  	v58 =	vadd.f32 v12, v59;
	_ =	sdelay $0x1  }
0x10d: {  	[tilespmem:v33+s2+$0x0] =	vst.idx.msk $0xffff, v58  }
0x10e: {  	v15 =	vld.idx.msk [tilespmem:v29+s2+$0x0], $0xffff;
	_ =	sdelay $0x2  }
0x10f: {  	v60 =	vmul.f32 v39, v60;
	_ =	sdelay $0x1  }
0x110: {  	v59 =	vadd.f32 v15, v60;
	_ =	sdelay $0x1  }
0x111: {  	[tilespmem:v29+s2+$0x0] =	vst.idx.msk $0xffff, v59  }
0x112: {  	v5 =	vld.idx.msk [tilespmem:v28+s2+$0x0], $0xffff;
	_ =	sdelay $0x2  }
0x113: {  	v61 =	vmul.f32 v39, v61;
	_ =	sdelay $0x1  }
0x114: {  	v60 =	vadd.f32 v5, v61;
	_ =	sdelay $0x1  }
0x115: {  	[tilespmem:v28+s2+$0x0] =	vst.idx.msk $0xffff, v60  }
0x116: {  	v6 =	vld.idx.msk [tilespmem:v26+s2+$0x0], $0xffff;
	_ =	sdelay $0x2  }
0x117: {  	v62 =	vmul.f32 v39, v62;
	_ =	sdelay $0x1  }
0x118: {  	v61 =	vadd.f32 v6, v62;
	_ =	sdelay $0x1  }
0x119: {  	[tilespmem:v26+s2+$0x0] =	vst.idx.msk $0xffff, v61  }
0x11a: {  	v7 =	vld.idx.msk [tilespmem:v25+s2+$0x0], $0xffff;
	_ =	sdelay $0x2  }
0x11b: {  	v63 =	vmul.f32 v39, v63;
	_ =	sdelay $0x1  }
0x11c: {  	v62 =	vadd.f32 v7, v63;
	_ =	sdelay $0x1  }
0x11d: {  	[tilespmem:v25+s2+$0x0] =	vst.idx.msk $0xffff, v62  }
0x11e: {  	v8 =	vld.idx.msk [tilespmem:v24+s2+$0x0], $0xffff;
	_ =	sdelay $0x2  }
0x11f: {  	v16 =	vmul.f32 v39, v16;
	_ =	sdelay $0x1  }
0x120: {  	v16 =	vadd.f32 v8, v16;
	_ =	sdelay $0x1  }
0x121: {  	[tilespmem:v24+s2+$0x0] =	vst.idx.msk $0xffff, v16  }
0x122: {  	v9 =	vld.idx.msk [tilespmem:v23+s2+$0x0], $0xffff;
	_ =	sdelay $0x2  }
0x123: {  	v18 =	vmul.f32 v39, v18;
	_ =	sdelay $0x1  }
0x124: {  	v18 =	vadd.f32 v9, v18;
	_ =	sdelay $0x1  }
0x125: {  	[tilespmem:v23+s2+$0x0] =	vst.idx.msk $0xffff, v18  }
0x126: {  	v10 =	vld.idx.msk [tilespmem:v22+s2+$0x0], $0xffff;
	_ =	sdelay $0x2  }
0x127: {  	v20 =	vmul.f32 v39, v20;
	_ =	sdelay $0x1  }
0x128: {  	v20 =	vadd.f32 v10, v20;
	_ =	sdelay $0x1  }
0x129: {  	[tilespmem:v22+s2+$0x0] =	vst.idx.msk $0xffff, v20  }
0x12a: {  	v11 =	vld.idx.msk [tilespmem:v17+s2+$0x0], $0xffff;
	_ =	sdelay $0x2  }
0x12b: {  	v13 =	vmul.f32 v39, v13;
	_ =	sdelay $0x1  }
0x12c: {  	v13 =	vadd.f32 v11, v13;
	_ =	sdelay $0x1  }
0x12d: {  	[tilespmem:v17+s2+$0x0] =	vst.idx.msk $0xffff, v13  }
0x12e: {  	v13 =	vld.idx.msk [tilespmem:v19+s2+$0x0], $0xffff;
	_ =	sdelay $0x2  }
0x12f: {  	v1 =	vmul.f32 v39, v1;
	_ =	sdelay $0x1  }
0x130: {  	v1 =	vadd.f32 v13, v1;
	_ =	sdelay $0x1  }
0x131: {  	[tilespmem:v19+s2+$0x0] =	vst.idx.msk $0xffff, v1  }
0x132: {  	v1 =	vld.idx.msk [tilespmem:v21+s2+$0x0], $0xffff  }
0x133: {  	v19 =	vmin.f32 v4, v54  }
0x134: {  	v13 =	vmin.f32 v19, v55  }
0x135: {  	v14 =	vmul.f32 v39, v14;
	v13 =	vmin.f32 v13, v56  }
0x136: {  	v13 =	vmin.f32 v13, v57  }
0x137: {  	v13 =	vmin.f32 v13, v58;
	v1 =	vadd.f32 v1, v14  }
0x138: {  	v13 =	vmin.f32 v13, v59  }
0x139: {  	[tilespmem:v21+s2+$0x0] =	vst.idx.msk $0xffff, v1;
	v1 =	vmin.f32 v13, v60  }
0x13a: {  	v21 =	vld.idx.msk [tilespmem:v53+s2+$0x0], $0xffff;
	v1 =	vmin.f32 v1, v61  }
0x13b: {  	v1 =	vmin.f32 v1, v62  }
0x13c: {  	v1 =	vmin.f32 v1, v16  }
0x13d: {  	v2 =	vmul.f32 v39, v2;
	v14 =	vnsel vm0, $0x7F800000, v20;
	v1 =	vmin.f32 v1, v18  }
0x13e: {  	v1 =	vmin.f32 v1, v14  }
0x13f: {  	v2 =	vadd.f32 v21, v2;
	(xrf0) =	vmin.scan.msk.f32 $0xffff, v1;
	_ =	sdelay $0x1  }
0x140: {  	[tilespmem:v53+s2+$0x0] =	vst.idx.msk $0xffff, v2  }
0x141: {  	v1 =	vld.idx.msk [tilespmem:v51+s2+$0x0], $0xffff  }
0x142: {  	v5 =	vld [tilespmem:$0x1FF30];
	_ =	sdelay $0x1  }
0x143: {  	v2 =	vmul.f32 v39, v3;
	v3, _, _ =	vpop (xrf0)  }
0x144: {  	v3 =	vbroadcast v3, $0xF  }
0x145: {  	v9 =	vld [tilespmem:$0x1FF40];
	v1 =	vadd.f32 v1, v2;
	v2 =	vshll.u32 v46, $0x8  }
0x146: {  	v46 =	vshll.u32 v45, $0x8;
	v2 =	vor.u32 v5, v2;
	vm1 =	veq.f32 v54, v3  }
0x147: {  	v13 =	vor.u32 v0, v46;
	v2 =	vnsel vm1, $0x7FFFFFFF, v2  }
0x148: {  	v10 =	vld [tilespmem:$0x1FF50];
	vm1 =	vlt.s32 v13, v2  }
0x149: {  	v53 =	vshll.u32 v43, $0x8;
	vm2 =	veq.f32 v4, v3;
	[tilespmem:v51+s2+$0x0] =	vst.idx.msk $0xffff, v1;
	v51 =	vsel vm1, v13, v2  }
0x14a: {  	v11 =	vld [tilespmem:$0x1FF60];
	v54 =	vor.u32 v9, v53;
	v2 =	vsel vm2, v51, v2  }
0x14b: {  	v1 =	vld.idx.msk [tilespmem:v49+s2+$0x0], $0xffff;
	vm1 =	vlt.s32 v2, v54  }
0x14c: {  	v12 =	vshll.u32 v41, $0x8;
	vm2 =	veq.f32 v55, v3;
	v4 =	vsel vm1, v2, v54  }
0x14d: {  	v17 =	vor.u32 v10, v12;
	v2 =	vsel vm2, v4, v2  }
0x14e: {  	v63 =	vmul.f32 v39, v52;
	v12 =	vld [tilespmem:$0x1FF70];
	vm1 =	vlt.s32 v2, v17  }
0x14f: {  	v19 =	vshll.u32 v37, $0x8;
	vm2 =	veq.f32 v56, v3;
	v4 =	vsel vm1, v2, v17  }
0x150: {  	v20 =	vor.u32 v11, v19;
	v1 =	vadd.f32 v1, v63;
	v2 =	vsel vm2, v4, v2  }
0x151: {  	v7 =	vld [tilespmem:$0x1FF80];
	vm1 =	vlt.s32 v2, v20  }
0x152: {  	v21 =	vshll.u32 v33, $0x8;
	[tilespmem:v49+s2+$0x0] =	vst.idx.msk $0xffff, v1;
	vm2 =	veq.f32 v57, v3;
	v4 =	vsel vm1, v2, v20  }
0x153: {  	v33 =	vor.u32 v12, v21;
	v1 =	vld.idx.msk [tilespmem:v47+s2+$0x0], $0xffff;
	v2 =	vsel vm2, v4, v2  }
0x154: {  	v15 =	vld [tilespmem:$0x1FF90];
	vm1 =	vlt.s32 v2, v33  }
0x155: {  	v41 =	vshll.u32 v29, $0x8;
	vm2 =	veq.f32 v58, v3;
	v4 =	vsel vm1, v2, v33  }
0x156: {  	v37 =	vmul.f32 v39, v50;
	v43 =	vor.u32 v7, v41;
	v2 =	vsel vm2, v4, v2  }
0x157: {  	v45 =	vshll.u32 v28, $0x8;
	v49 =	vld [tilespmem:$0x1FFA0];
	vm1 =	vlt.s32 v2, v43  }
0x158: {  	v1 =	vadd.f32 v1, v37;
	vm2 =	veq.f32 v59, v3;
	v4 =	vsel vm1, v2, v43  }
0x159: {  	v46 =	vor.u32 v15, v45;
	v2 =	vsel vm2, v4, v2  }
0x15a: {  	v6 =	vld [tilespmem:$0x1FFB0];
	[tilespmem:v47+s2+$0x0] =	vst.idx.msk $0xffff, v1;
	vm1 =	vlt.s32 v2, v46  }
0x15b: {  	v47 =	vshll.u32 v26, $0x8;
	v1 =	vld.idx.msk [tilespmem:v42+s2+$0x0], $0xffff;
	vm2 =	veq.f32 v60, v3;
	v4 =	vsel vm1, v2, v46  }
0x15c: {  	v2 =	vsel vm2, v4, v2;
	v4 =	vor.u32 v49, v47  }
0x15d: {  	v8 =	vld [tilespmem:$0x1FFC0];
	v50 =	vmul.f32 v39, v48;
	vm1 =	vlt.s32 v2, v4  }
0x15e: {  	v51 =	vshll.u32 v25, $0x8;
	vm2 =	veq.f32 v61, v3;
	v4 =	vsel vm1, v2, v4  }
0x15f: {  	v52 =	vor.u32 v6, v51;
	v2 =	vsel vm2, v4, v2  }
0x160: {  	v1 =	vadd.f32 v1, v50;
	vm1 =	vlt.s32 v2, v52  }
0x161: {  	v53 =	vshll.u32 v24, $0x8;
	vm2 =	veq.f32 v62, v3;
	v4 =	vsel vm1, v2, v52  }
0x162: {  	[tilespmem:v42+s2+$0x0] =	vst.idx.msk $0xffff, v1;
	v1 =	vsel vm2, v4, v2;
	v2 =	vor.u32 v8, v53  }
0x163: {  	vm1 =	vlt.s32 v1, v2  }
0x164: {  	vm2 =	veq.f32 v16, v3;
	v2 =	vsel vm1, v1, v2  }
0x165: {  	v1 =	vsel vm2, v2, v1;
	v2 =	vld [tilespmem:$0x1FFD0];
	_ =	sdelay $0x3  }
0x166: {  	v55 =	vshll.u32 v23, $0x8  }
0x167: {  	v2 =	vor.u32 v2, v55  }
0x168: {  	vm1 =	vlt.s32 v1, v2  }
0x169: {  	v54 =	vld.idx.msk [tilespmem:v35+s2+$0x0], $0xffff;
	vm2 =	veq.f32 v18, v3;
	v2 =	vsel vm1, v1, v2  }
0x16a: {  	v1 =	vsel vm2, v2, v1;
	v2 =	vld [tilespmem:$0x1FFF0];
	_ =	sdelay $0x2  }
0x16b: {  	v56 =	vmul.f32 v39, v44  }
0x16c: {  	v57 =	vshll.u32 v22, $0x8  }
0x16d: {  	v4 =	vadd.f32 v54, v56;
	v2 =	vor.u32 v2, v57  }
0x16e: {  	vm1 =	vlt.s32 v1, v2  }
0x16f: {  	[tilespmem:v35+s2+$0x0] =	vst.idx.msk $0xffff, v4;
	vm2 =	veq.f32 v14, v3;
	v2 =	vsel vm1, v1, v2  }
0x170: {  	v3 =	vld.idx.msk [tilespmem:v32+s2+$0x0], $0xffff;
	v1 =	vsel vm2, v2, v1  }
0x171: {  	v1 =	vxor.u32 $0x80000000, v1  }
0x172: {  	(xrf0) =	vmin.scan.msk.u32 $0xffff, v1  }
0x173: {  	v1 =	vmul.f32 v39, v40;
	_ =	sdelay $0x1  }
0x174: {  	v1 =	vadd.f32 v3, v1;
	_ =	sdelay $0x1  }
0x175: {  	[tilespmem:v32+s2+$0x0] =	vst.idx.msk $0xffff, v1  }
0x176: {  	v1 =	vld.idx.msk [tilespmem:v30+s2+$0x0], $0xffff;
	v2, _, _ =	vpop (xrf0)  }
0x177: {  	(v2sf) =	vpush v2, $0xF;
	_ =	sdelay $0x1  }
0x178: {  	v2 =	vmul.f32 v39, v38;
	_ =	sdelay $0x1  }
0x179: {  	v1 =	vadd.f32 v1, v2;
	_ =	sdelay $0x1  }
0x17a: {  	[tilespmem:v30+s2+$0x0] =	vst.idx.msk $0xffff, v1  }
0x17b: {  	v1 =	vld.idx.msk [tilespmem:v31+s2+$0x0], $0xffff;
	_ =	sdelay $0x2  }
0x17c: {  	v2 =	vmul.f32 v39, v36;
	_ =	sdelay $0x1  }
0x17d: {  	v1 =	vadd.f32 v1, v2;
	_ =	sdelay $0x1  }
0x17e: {  	[tilespmem:v31+s2+$0x0] =	vst.idx.msk $0xffff, v1  }
0x17f: {  	v1 =	vld.idx.msk [tilespmem:v27+s2+$0x0], $0xffff;
	s0 =	spop (v2sf)  }
0x180: {  	s31 =	sxor.u32 $0x80000000, s0  }
0x181: {  	v2 =	vmov s31  }
0x182: {  	v3 =	vmul.f32 v39, v34;
	v58 =	vshrl.u32 v2, $0x8  }
0x183: {  	s1 =	sadd.s32 $0xFFFFE800, s29;
	v2 =	vand.u32 $0xFF, v2  }
0x184: {  	s0 =	sadd.s32 $0xFFFFFE80, s28;
	s31 =	sand.u32 $0x7FC000, s1;
	v1 =	vadd.f32 v1, v3  }
0x185: {  	s1 =	sadd.s32 $0xFFFFFFFD, s26;
	s0 =	sand.u32 $0x200, s0;
	s31 =	sadd.s32 s4, s31  }
0x186: {  	s0 =	sor.u32 s0, s31;
	[tilespmem:v27+s2+$0x0] =	vst.idx.msk $0xffff, v1;
	v1 =	vmov s1  }
0x187: {  	v3 =	vmov s30;
	s0 =	sshrl.u32 s0, $0x3;
	[tilespmem:v58+s20+$0x0] =	vst.idx.msk $0x1, v1  }
0x188: {  	s0 =	sadd.s32 s3, s0;
	[tilespmem:v2+s21+$0x0] =	vst.idx.msk $0x1, v3  }
0x189: {  	[tilespmem:s15], [sflag:$0x1] =	stream.strided.gather [hbm4b:s0+s12], $0x800, s13, s12, $0x38;
	[tilespmem:$0x3380] =	vst v63  }
0x18a: {  	_ =	swait.ge [sflag:s22], $0x800  }
0x18b: {  	[sflag:s22] =	ssyncset.done $0x0  }
0x18c: {  	[sflag:s22] =	ssyncadd.s32 $0xFFFFF800  }
0x18d: {  	v45 =	vld [tilespmem:$0x2A80]  }
0x18e: {  	v46 =	vld [tilespmem:$0x2A90];
	_ =	sdelay $0x1  }
0x18f: {  	v43 =	vld [tilespmem:$0x2AA0];
	_ =	sdelay $0x1  }
0x190: {  	v41 =	vld [tilespmem:$0x2AB0]  }
0x191: {  	v37 =	vld [tilespmem:$0x2AC0]  }
0x192: {  	v33 =	vld [tilespmem:$0x2AD0]  }
0x193: {  	v1 =	vld.idx.msk [tilespmem:v45+s16+$0x0], $0xffff  }
0x194: {  	v2 =	vld.idx.msk [tilespmem:v46+s16+$0x0], $0xffff  }
0x195: {  	v29 =	vld [tilespmem:$0x2AE0]  }
0x196: {  	v3 =	vld.idx.msk [tilespmem:v43+s16+$0x0], $0xffff  }
0x197: {  	v28 =	vld [tilespmem:$0x2AF0]  }
0x198: {  	v4 =	vld.idx.msk [tilespmem:v41+s16+$0x0], $0xffff  }
0x199: {  	v26 =	vld [tilespmem:$0x2B00];
	v59 =	vadd.f32 v2, v1  }
0x19a: {  	v14 =	vld.idx.msk [tilespmem:v37+s16+$0x0], $0xffff  }
0x19b: {  	v25 =	vld [tilespmem:$0x2B10];
	v13 =	vadd.f32 v3, v59  }
0x19c: {  	v16 =	vld.idx.msk [tilespmem:v33+s16+$0x0], $0xffff  }
0x19d: {  	v24 =	vld [tilespmem:$0x2B20];
	v13 =	vadd.f32 v4, v13  }
0x19e: {  	v17 =	vld.idx.msk [tilespmem:v29+s16+$0x0], $0xffff  }
0x19f: {  	v23 =	vld [tilespmem:$0x2B30];
	v13 =	vadd.f32 v14, v13  }
0x1a0: {  	v18 =	vld.idx.msk [tilespmem:v28+s16+$0x0], $0xffff  }
0x1a1: {  	v22 =	vld [tilespmem:$0x2B40];
	v13 =	vadd.f32 v16, v13  }
0x1a2: {  	v19 =	vld.idx.msk [tilespmem:v26+s16+$0x0], $0xffff  }
0x1a3: {  	v13 =	vadd.f32 v17, v13  }
0x1a4: {  	v20 =	vld.idx.msk [tilespmem:v25+s16+$0x0], $0xffff  }
0x1a5: {  	v13 =	vadd.f32 v18, v13  }
0x1a6: {  	s30 =	sadd.s32 $0xFFFFFF33, s26;
	v21 =	vld.idx.msk [tilespmem:v24+s16+$0x0], $0xffff  }
0x1a7: {  	v54 =	vadd.s32 s30, v0;
	v13 =	vadd.f32 v19, v13  }
0x1a8: {  	s31 =	sadd.s32 $0xFFFFFF43, s26;
	v55 =	vld.idx.msk [tilespmem:v23+s16+$0x0], $0xffff  }
0x1a9: {  	v56 =	vadd.s32 s31, v0;
	v13 =	vadd.f32 v20, v13  }
0x1aa: {  	s1 =	sadd.s32 $0xFFFFFF53, s26;
	v57 =	vld.idx.msk [tilespmem:v22+s16+$0x0], $0xffff  }
0x1ab: {  	v58 =	vadd.s32 s1, v0;
	v13 =	vadd.f32 v21, v13  }
0x1ac: {  	s31 =	sadd.s32 $0xFFFFFF63, s26;
	v59 =	vld.idx.msk [tilespmem:v54+s16+$0x0], $0xffff  }
0x1ad: {  	v53 =	vadd.s32 s31, v0;
	v13 =	vadd.f32 v55, v13  }
0x1ae: {  	s1 =	sadd.s32 $0xFFFFFF73, s26;
	v60 =	vld.idx.msk [tilespmem:v56+s16+$0x0], $0xffff  }
0x1af: {  	v51 =	vadd.s32 s1, v0;
	v13 =	vadd.f32 v57, v13  }
0x1b0: {  	s31 =	sadd.s32 $0xFFFFFF83, s26;
	v61 =	vld.idx.msk [tilespmem:v58+s16+$0x0], $0xffff  }
0x1b1: {  	v49 =	vadd.s32 s31, v0;
	v13 =	vadd.f32 v59, v13  }
0x1b2: {  	s1 =	sadd.s32 $0xFFFFFF93, s26;
	v62 =	vld.idx.msk [tilespmem:v53+s16+$0x0], $0xffff  }
0x1b3: {  	v47 =	vadd.s32 s1, v0;
	v13 =	vadd.f32 v60, v13  }
0x1b4: {  	s31 =	sadd.s32 $0xFFFFFFA3, s26;
	v63 =	vld.idx.msk [tilespmem:v51+s16+$0x0], $0xffff  }
0x1b5: {  	v42 =	vadd.s32 s31, v0;
	v13 =	vadd.f32 v61, v13  }
0x1b6: {  	s1 =	sadd.s32 $0xFFFFFFB3, s26;
	v52 =	vld.idx.msk [tilespmem:v49+s16+$0x0], $0xffff  }
0x1b7: {  	v35 =	vadd.s32 s1, v0;
	v13 =	vadd.f32 v62, v13  }
0x1b8: {  	s31 =	sadd.s32 $0xFFFFFFC3, s26;
	v50 =	vld.idx.msk [tilespmem:v47+s16+$0x0], $0xffff  }
0x1b9: {  	v32 =	vadd.s32 s31, v0;
	v13 =	vadd.f32 v63, v13  }
0x1ba: {  	s1 =	sadd.s32 $0xFFFFFFD3, s26;
	v48 =	vld.idx.msk [tilespmem:v42+s16+$0x0], $0xffff  }
0x1bb: {  	v30 =	vadd.s32 s1, v0;
	v13 =	vadd.f32 v52, v13  }
0x1bc: {  	s31 =	sadd.s32 $0xFFFFFFE3, s26;
	v44 =	vld.idx.msk [tilespmem:v35+s16+$0x0], $0xffff  }
0x1bd: {  	v31 =	vadd.s32 s31, v0;
	v13 =	vadd.f32 v50, v13  }
0x1be: {  	s1 =	sadd.s32 $0xFFFFFFF3, s26;
	v40 =	vld.idx.msk [tilespmem:v32+s16+$0x0], $0xffff  }
0x1bf: {  	v27 =	vadd.s32 s1, v0;
	v13 =	vadd.f32 v48, v13  }
0x1c0: {  	v38 =	vld.idx.msk [tilespmem:v30+s16+$0x0], $0xffff  }
0x1c1: {  	v13 =	vadd.f32 v44, v13  }
0x1c2: {  	v36 =	vld.idx.msk [tilespmem:v31+s16+$0x0], $0xffff  }
0x1c3: {  	v13 =	vadd.f32 v40, v13  }
0x1c4: {  	v34 =	vld.idx.msk [tilespmem:v27+s16+$0x0], $0xffff  }
0x1c5: {  	v13 =	vadd.f32 v38, v13;
	_ =	sdelay $0x1  }
0x1c6: {  	v13 =	vadd.f32 v36, v13;
	_ =	sdelay $0x1  }
0x1c7: {  	v13 =	vadd.f32 v34, v13;
	_ =	sdelay $0x1  }
0x1c8: {  	(xrf2) =	vadd.scan.msk.f32 $0xffff, v13;
	_ =	sdelay $0x9  }
0x1c9: {  	v13, _, _ =	vpop (xrf2)  }
0x1ca: {  	v13 =	vbroadcast v13, $0xF;
	_ =	sdelay $0x1  }
0x1cb: {  	(erf) = vrcp.f32 v13;
	_ =	sdelay $0x6  }
0x1cc: {  	v13 =	vld.idx.msk [tilespmem:v45+s2+$0x0], $0xffff;
	_ =	sdelay $0x1  }
0x1cd: {  	v39 =	vpop (erf)  }
0x1ce: {  	v1 =	vmul.f32 v39, v1;
	_ =	sdelay $0x1  }
0x1cf: {  	v1 =	vadd.f32 v1, v13;
	_ =	sdelay $0x1  }
0x1d0: {  	[tilespmem:v45+s2+$0x0] =	vst.idx.msk $0xffff, v1  }
0x1d1: {  	v13 =	vld.idx.msk [tilespmem:v46+s2+$0x0], $0xffff;
	_ =	sdelay $0x2  }
0x1d2: {  	v2 =	vmul.f32 v39, v2;
	_ =	sdelay $0x1  }
0x1d3: {  	v2 =	vadd.f32 v2, v13;
	_ =	sdelay $0x1  }
0x1d4: {  	[tilespmem:v46+s2+$0x0] =	vst.idx.msk $0xffff, v2  }
0x1d5: {  	v13 =	vld.idx.msk [tilespmem:v43+s2+$0x0], $0xffff;
	_ =	sdelay $0x2  }
0x1d6: {  	v3 =	vmul.f32 v39, v3;
	_ =	sdelay $0x1  }
0x1d7: {  	v3 =	vadd.f32 v3, v13;
	_ =	sdelay $0x1  }
0x1d8: {  	[tilespmem:v43+s2+$0x0] =	vst.idx.msk $0xffff, v3  }
0x1d9: {  	v13 =	vld.idx.msk [tilespmem:v41+s2+$0x0], $0xffff;
	_ =	sdelay $0x2  }
0x1da: {  	v4 =	vmul.f32 v39, v4;
	_ =	sdelay $0x1  }
0x1db: {  	v4 =	vadd.f32 v13, v4;
	_ =	sdelay $0x1  }
0x1dc: {  	[tilespmem:v41+s2+$0x0] =	vst.idx.msk $0xffff, v4  }
0x1dd: {  	v13 =	vld.idx.msk [tilespmem:v37+s2+$0x0], $0xffff;
	_ =	sdelay $0x2  }
0x1de: {  	v14 =	vmul.f32 v39, v14;
	_ =	sdelay $0x1  }
0x1df: {  	v13 =	vadd.f32 v13, v14;
	_ =	sdelay $0x1  }
0x1e0: {  	[tilespmem:v37+s2+$0x0] =	vst.idx.msk $0xffff, v13  }
0x1e1: {  	v14 =	vld.idx.msk [tilespmem:v33+s2+$0x0], $0xffff;
	_ =	sdelay $0x2  }
0x1e2: {  	v16 =	vmul.f32 v39, v16;
	_ =	sdelay $0x1  }
0x1e3: {  	v14 =	vadd.f32 v14, v16;
	_ =	sdelay $0x1  }
0x1e4: {  	[tilespmem:v33+s2+$0x0] =	vst.idx.msk $0xffff, v14  }
0x1e5: {  	v16 =	vld.idx.msk [tilespmem:v29+s2+$0x0], $0xffff;
	_ =	sdelay $0x2  }
0x1e6: {  	v17 =	vmul.f32 v39, v17;
	_ =	sdelay $0x1  }
0x1e7: {  	v16 =	vadd.f32 v16, v17;
	_ =	sdelay $0x1  }
0x1e8: {  	[tilespmem:v29+s2+$0x0] =	vst.idx.msk $0xffff, v16  }
0x1e9: {  	v17 =	vld.idx.msk [tilespmem:v28+s2+$0x0], $0xffff;
	_ =	sdelay $0x2  }
0x1ea: {  	v18 =	vmul.f32 v39, v18;
	_ =	sdelay $0x1  }
0x1eb: {  	v17 =	vadd.f32 v17, v18;
	_ =	sdelay $0x1  }
0x1ec: {  	[tilespmem:v28+s2+$0x0] =	vst.idx.msk $0xffff, v17  }
0x1ed: {  	v18 =	vld.idx.msk [tilespmem:v26+s2+$0x0], $0xffff;
	_ =	sdelay $0x2  }
0x1ee: {  	v19 =	vmul.f32 v39, v19;
	_ =	sdelay $0x1  }
0x1ef: {  	v18 =	vadd.f32 v18, v19;
	_ =	sdelay $0x1  }
0x1f0: {  	[tilespmem:v26+s2+$0x0] =	vst.idx.msk $0xffff, v18  }
0x1f1: {  	v19 =	vld.idx.msk [tilespmem:v25+s2+$0x0], $0xffff;
	_ =	sdelay $0x2  }
0x1f2: {  	v20 =	vmul.f32 v39, v20;
	_ =	sdelay $0x1  }
0x1f3: {  	v19 =	vadd.f32 v19, v20;
	_ =	sdelay $0x1  }
0x1f4: {  	[tilespmem:v25+s2+$0x0] =	vst.idx.msk $0xffff, v19  }
0x1f5: {  	v20 =	vld.idx.msk [tilespmem:v24+s2+$0x0], $0xffff;
	_ =	sdelay $0x2  }
0x1f6: {  	v21 =	vmul.f32 v39, v21;
	_ =	sdelay $0x1  }
0x1f7: {  	v20 =	vadd.f32 v20, v21;
	_ =	sdelay $0x1  }
0x1f8: {  	[tilespmem:v24+s2+$0x0] =	vst.idx.msk $0xffff, v20  }
0x1f9: {  	v21 =	vld.idx.msk [tilespmem:v23+s2+$0x0], $0xffff;
	_ =	sdelay $0x2  }
0x1fa: {  	v55 =	vmul.f32 v39, v55;
	_ =	sdelay $0x1  }
0x1fb: {  	v21 =	vadd.f32 v21, v55;
	_ =	sdelay $0x1  }
0x1fc: {  	[tilespmem:v23+s2+$0x0] =	vst.idx.msk $0xffff, v21  }
0x1fd: {  	v55 =	vld.idx.msk [tilespmem:v22+s2+$0x0], $0xffff;
	_ =	sdelay $0x2  }
0x1fe: {  	v57 =	vmul.f32 v39, v57;
	_ =	sdelay $0x1  }
0x1ff: {  	v55 =	vadd.f32 v55, v57;
	_ =	sdelay $0x1  }
0x200: {  	[tilespmem:v22+s2+$0x0] =	vst.idx.msk $0xffff, v55  }
0x201: {  	v57 =	vld.idx.msk [tilespmem:v54+s2+$0x0], $0xffff;
	_ =	sdelay $0x2  }
0x202: {  	v59 =	vmul.f32 v39, v59;
	_ =	sdelay $0x1  }
0x203: {  	v57 =	vadd.f32 v57, v59;
	_ =	sdelay $0x1  }
0x204: {  	[tilespmem:v54+s2+$0x0] =	vst.idx.msk $0xffff, v57  }
0x205: {  	v54 =	vld.idx.msk [tilespmem:v56+s2+$0x0], $0xffff;
	_ =	sdelay $0x2  }
0x206: {  	v60 =	vmul.f32 v39, v60;
	_ =	sdelay $0x1  }
0x207: {  	v54 =	vadd.f32 v54, v60;
	_ =	sdelay $0x1  }
0x208: {  	[tilespmem:v56+s2+$0x0] =	vst.idx.msk $0xffff, v54  }
0x209: {  	v60 =	vmin.f32 v1, v2;
	v54 =	vld.idx.msk [tilespmem:v58+s2+$0x0], $0xffff  }
0x20a: {  	v56 =	vmin.f32 v60, v3  }
0x20b: {  	v56 =	vmin.f32 v56, v4  }
0x20c: {  	v61 =	vmul.f32 v39, v61;
	v56 =	vmin.f32 v56, v13  }
0x20d: {  	v56 =	vmin.f32 v56, v14  }
0x20e: {  	v56 =	vmin.f32 v56, v16;
	v54 =	vadd.f32 v54, v61  }
0x20f: {  	v60 =	vmin.f32 v56, v17  }
0x210: {  	[tilespmem:v58+s2+$0x0] =	vst.idx.msk $0xffff, v54;
	v54 =	vmin.f32 v60, v18  }
0x211: {  	v54 =	vmin.f32 v54, v19  }
0x212: {  	v54 =	vmin.f32 v54, v20  }
0x213: {  	v55 =	vnsel vm0, $0x7F800000, v55;
	v61 =	vld.idx.msk [tilespmem:v53+s2+$0x0], $0xffff;
	v54 =	vmin.f32 v54, v21  }
0x214: {  	v54 =	vmin.f32 v54, v55  }
0x215: {  	(xrf0) =	vmin.scan.msk.f32 $0xffff, v54  }
0x216: {  	v62 =	vmul.f32 v39, v62;
	_ =	sdelay $0x1  }
0x217: {  	v56 =	vadd.f32 v61, v62;
	_ =	sdelay $0x1  }
0x218: {  	[tilespmem:v53+s2+$0x0] =	vst.idx.msk $0xffff, v56  }
0x219: {  	v53 =	vld.idx.msk [tilespmem:v51+s2+$0x0], $0xffff;
	v60, _, _ =	vpop (xrf0)  }
0x21a: {  	v56 =	vbroadcast v60, $0xF  }
0x21b: {  	v63 =	vmul.f32 v39, v63;
	v46 =	vshll.u32 v46, $0x8  }
0x21c: {  	v45 =	vshll.u32 v45, $0x8;
	v46 =	vor.u32 v5, v46;
	vm1 =	veq.f32 v2, v56  }
0x21d: {  	v2 =	vor.u32 v0, v45;
	v61 =	vnsel vm1, $0x7FFFFFFF, v46  }
0x21e: {  	v53 =	vadd.f32 v53, v63;
	vm1 =	vlt.s32 v2, v61  }
0x21f: {  	vm2 =	veq.f32 v1, v56;
	v1 =	vsel vm1, v2, v61;
	v2 =	vshll.u32 v43, $0x8  }
0x220: {  	[tilespmem:v51+s2+$0x0] =	vst.idx.msk $0xffff, v53;
	v1 =	vsel vm2, v1, v61;
	v2 =	vor.u32 v9, v2  }
0x221: {  	v62 =	vld.idx.msk [tilespmem:v49+s2+$0x0], $0xffff;
	vm1 =	vlt.s32 v1, v2  }
0x222: {  	vm2 =	veq.f32 v3, v56;
	v3 =	vshll.u32 v41, $0x8;
	v2 =	vsel vm1, v1, v2  }
0x223: {  	v1 =	vsel vm2, v2, v1;
	v2 =	vor.u32 v10, v3  }
0x224: {  	v63 =	vmul.f32 v39, v52;
	vm1 =	vlt.s32 v1, v2  }
0x225: {  	v37 =	vshll.u32 v37, $0x8;
	vm2 =	veq.f32 v4, v56;
	v2 =	vsel vm1, v1, v2  }
0x226: {  	v3 =	vadd.f32 v62, v63;
	v1 =	vsel vm2, v2, v1;
	v2 =	vor.u32 v11, v37  }
0x227: {  	vm1 =	vlt.s32 v1, v2  }
0x228: {  	v41 =	vshll.u32 v33, $0x8;
	[tilespmem:v49+s2+$0x0] =	vst.idx.msk $0xffff, v3;
	vm2 =	veq.f32 v13, v56;
	v2 =	vsel vm1, v1, v2  }
0x229: {  	v3 =	vld.idx.msk [tilespmem:v47+s2+$0x0], $0xffff;
	v1 =	vsel vm2, v2, v1;
	v2 =	vor.u32 v12, v41  }
0x22a: {  	vm1 =	vlt.s32 v1, v2  }
0x22b: {  	v45 =	vshll.u32 v29, $0x8;
	vm2 =	veq.f32 v14, v56;
	v2 =	vsel vm1, v1, v2  }
0x22c: {  	v43 =	vmul.f32 v39, v50;
	v1 =	vsel vm2, v2, v1;
	v2 =	vor.u32 v7, v45  }
0x22d: {  	v5 =	vld [tilespmem:$0x1FFA0];
	v46 =	vshll.u32 v28, $0x8;
	vm1 =	vlt.s32 v1, v2  }
0x22e: {  	v3 =	vadd.f32 v3, v43;
	vm2 =	veq.f32 v16, v56;
	v2 =	vsel vm1, v1, v2  }
0x22f: {  	v1 =	vsel vm2, v2, v1;
	v2 =	vor.u32 v15, v46  }
0x230: {  	[tilespmem:v47+s2+$0x0] =	vst.idx.msk $0xffff, v3;
	vm1 =	vlt.s32 v1, v2  }
0x231: {  	v49 =	vshll.u32 v26, $0x8;
	v3 =	vld.idx.msk [tilespmem:v42+s2+$0x0], $0xffff;
	vm2 =	veq.f32 v17, v56;
	v2 =	vsel vm1, v1, v2  }
0x232: {  	v1 =	vsel vm2, v2, v1;
	v2 =	vor.u32 v5, v49  }
0x233: {  	v51 =	vshll.u32 v25, $0x8;
	vm1 =	vlt.s32 v1, v2  }
0x234: {  	v50 =	vmul.f32 v39, v48;
	vm2 =	veq.f32 v18, v56;
	v2 =	vsel vm1, v1, v2  }
0x235: {  	v1 =	vsel vm2, v2, v1;
	v2 =	vor.u32 v6, v51  }
0x236: {  	v3 =	vadd.f32 v3, v50;
	v6 =	vld [tilespmem:$0x1FFD0];
	vm1 =	vlt.s32 v1, v2  }
0x237: {  	v52 =	vshll.u32 v24, $0x8;
	vm2 =	veq.f32 v19, v56;
	v2 =	vsel vm1, v1, v2  }
0x238: {  	v7 =	vld [tilespmem:$0x1FFF0];
	[tilespmem:v42+s2+$0x0] =	vst.idx.msk $0xffff, v3;
	v1 =	vsel vm2, v2, v1;
	v2 =	vor.u32 v8, v52  }
0x239: {  	v3 =	vld.idx.msk [tilespmem:v35+s2+$0x0], $0xffff;
	vm1 =	vlt.s32 v1, v2  }
0x23a: {  	v53 =	vshll.u32 v23, $0x8;
	vm2 =	veq.f32 v20, v56;
	v2 =	vsel vm1, v1, v2  }
0x23b: {  	v1 =	vsel vm2, v2, v1;
	v2 =	vor.u32 v6, v53  }
0x23c: {  	v54 =	vmul.f32 v39, v44;
	vm1 =	vlt.s32 v1, v2  }
0x23d: {  	v57 =	vshll.u32 v22, $0x8;
	vm2 =	veq.f32 v21, v56;
	v2 =	vsel vm1, v1, v2  }
0x23e: {  	v3 =	vadd.f32 v3, v54;
	v1 =	vsel vm2, v2, v1;
	v2 =	vor.u32 v7, v57  }
0x23f: {  	vm1 =	vlt.s32 v1, v2  }
0x240: {  	[tilespmem:v35+s2+$0x0] =	vst.idx.msk $0xffff, v3;
	vm2 =	veq.f32 v55, v56;
	v2 =	vsel vm1, v1, v2  }
0x241: {  	v3 =	vld.idx.msk [tilespmem:v32+s2+$0x0], $0xffff;
	v1 =	vsel vm2, v2, v1  }
0x242: {  	v1 =	vxor.u32 $0x80000000, v1  }
0x243: {  	(xrf0) =	vmin.scan.msk.u32 $0xffff, v1  }
0x244: {  	v1 =	vmul.f32 v39, v40;
	_ =	sdelay $0x1  }
0x245: {  	v1 =	vadd.f32 v3, v1;
	_ =	sdelay $0x1  }
0x246: {  	[tilespmem:v32+s2+$0x0] =	vst.idx.msk $0xffff, v1  }
0x247: {  	v1 =	vld.idx.msk [tilespmem:v30+s2+$0x0], $0xffff;
	v2, _, _ =	vpop (xrf0)  }
0x248: {  	(v2sf) =	vpush v2, $0xF;
	_ =	sdelay $0x1  }
0x249: {  	v2 =	vmul.f32 v39, v38;
	_ =	sdelay $0x1  }
0x24a: {  	v1 =	vadd.f32 v1, v2;
	_ =	sdelay $0x1  }
0x24b: {  	[tilespmem:v30+s2+$0x0] =	vst.idx.msk $0xffff, v1  }
0x24c: {  	v1 =	vld.idx.msk [tilespmem:v31+s2+$0x0], $0xffff;
	_ =	sdelay $0x2  }
0x24d: {  	v2 =	vmul.f32 v39, v36;
	_ =	sdelay $0x1  }
0x24e: {  	v1 =	vadd.f32 v1, v2;
	_ =	sdelay $0x1  }
0x24f: {  	[tilespmem:v31+s2+$0x0] =	vst.idx.msk $0xffff, v1  }
0x250: {  	v1 =	vld.idx.msk [tilespmem:v27+s2+$0x0], $0xffff;
	s31 =	spop (v2sf)  }
0x251: {  	s0 =	sxor.u32 $0x80000000, s31  }
0x252: {  	v2 =	vmov s0  }
0x253: {  	v3 =	vmul.f32 v39, v34;
	v58 =	vshrl.u32 v2, $0x8  }
0x254: {  	s1 =	sadd.s32 $0xFFFFF000, s29;
	v2 =	vand.u32 $0xFF, v2  }
0x255: {  	s0 =	sand.u32 $0x7FC000, s1;
	s1 =	sadd.s32 $0xFFFFFF00, s28;
	v1 =	vadd.f32 v1, v3  }
0x256: {  	s31 =	sadd.s32 $0xFFFFFFFE, s26;
	s0 =	sadd.s32 s4, s0;
	s1 =	sand.u32 $0x280, s1  }
0x257: {  	s0 =	sor.u32 s1, s0;
	[tilespmem:v27+s2+$0x0] =	vst.idx.msk $0xffff, v1;
	v1 =	vmov s31  }
0x258: {  	v3 =	vmov s30;
	s0 =	sshrl.u32 s0, $0x3;
	[tilespmem:v58+s20+$0x0] =	vst.idx.msk $0x1, v1  }
0x259: {  	s0 =	sadd.s32 s3, s0;
	[tilespmem:v2+s21+$0x0] =	vst.idx.msk $0x1, v3  }
0x25a: {  	[tilespmem:s16], [sflag:$0x2] =	stream.strided.gather [hbm4b:s0+s12], $0x800, s13, s12, $0x38;
	[tilespmem:$0x3380] =	vst v63  }
0x25b: {  	_ =	swait.ge [sflag:s23], $0x800  }
0x25c: {  	[sflag:s23] =	ssyncset.done $0x0  }
0x25d: {  	[sflag:s23] =	ssyncadd.s32 $0xFFFFF800  }
0x25e: {  	v45 =	vld [tilespmem:$0x2A80]  }
0x25f: {  	v46 =	vld [tilespmem:$0x2A90];
	_ =	sdelay $0x1  }
0x260: {  	v43 =	vld [tilespmem:$0x2AA0];
	_ =	sdelay $0x1  }
0x261: {  	v41 =	vld [tilespmem:$0x2AB0]  }
0x262: {  	v37 =	vld [tilespmem:$0x2AC0]  }
0x263: {  	v33 =	vld [tilespmem:$0x2AD0]  }
0x264: {  	v1 =	vld.idx.msk [tilespmem:v45+s17+$0x0], $0xffff  }
0x265: {  	v2 =	vld.idx.msk [tilespmem:v46+s17+$0x0], $0xffff  }
0x266: {  	v29 =	vld [tilespmem:$0x2AE0]  }
0x267: {  	v3 =	vld.idx.msk [tilespmem:v43+s17+$0x0], $0xffff  }
0x268: {  	v28 =	vld [tilespmem:$0x2AF0]  }
0x269: {  	v4 =	vld.idx.msk [tilespmem:v41+s17+$0x0], $0xffff  }
0x26a: {  	v27 =	vld [tilespmem:$0x2B00];
	v59 =	vadd.f32 v2, v1  }
0x26b: {  	v14 =	vld.idx.msk [tilespmem:v37+s17+$0x0], $0xffff  }
0x26c: {  	v25 =	vld [tilespmem:$0x2B10];
	v13 =	vadd.f32 v3, v59  }
0x26d: {  	v16 =	vld.idx.msk [tilespmem:v33+s17+$0x0], $0xffff  }
0x26e: {  	v24 =	vld [tilespmem:$0x2B20];
	v13 =	vadd.f32 v4, v13  }
0x26f: {  	v17 =	vld.idx.msk [tilespmem:v29+s17+$0x0], $0xffff  }
0x270: {  	v23 =	vld [tilespmem:$0x2B30];
	v13 =	vadd.f32 v14, v13  }
0x271: {  	v18 =	vld.idx.msk [tilespmem:v28+s17+$0x0], $0xffff  }
0x272: {  	v22 =	vld [tilespmem:$0x2B40];
	v13 =	vadd.f32 v16, v13  }
0x273: {  	v19 =	vld.idx.msk [tilespmem:v27+s17+$0x0], $0xffff  }
0x274: {  	v13 =	vadd.f32 v17, v13  }
0x275: {  	v20 =	vld.idx.msk [tilespmem:v25+s17+$0x0], $0xffff  }
0x276: {  	v13 =	vadd.f32 v18, v13  }
0x277: {  	s30 =	sadd.s32 $0xFFFFFF34, s26;
	v21 =	vld.idx.msk [tilespmem:v24+s17+$0x0], $0xffff  }
0x278: {  	v54 =	vadd.s32 s30, v0;
	v13 =	vadd.f32 v19, v13  }
0x279: {  	s31 =	sadd.s32 $0xFFFFFF44, s26;
	v55 =	vld.idx.msk [tilespmem:v23+s17+$0x0], $0xffff  }
0x27a: {  	v56 =	vadd.s32 s31, v0;
	v13 =	vadd.f32 v20, v13  }
0x27b: {  	s1 =	sadd.s32 $0xFFFFFF54, s26;
	v57 =	vld.idx.msk [tilespmem:v22+s17+$0x0], $0xffff  }
0x27c: {  	v58 =	vadd.s32 s1, v0;
	v13 =	vadd.f32 v21, v13  }
0x27d: {  	s31 =	sadd.s32 $0xFFFFFF64, s26;
	v59 =	vld.idx.msk [tilespmem:v54+s17+$0x0], $0xffff  }
0x27e: {  	v53 =	vadd.s32 s31, v0;
	v13 =	vadd.f32 v55, v13  }
0x27f: {  	s1 =	sadd.s32 $0xFFFFFF74, s26;
	v60 =	vld.idx.msk [tilespmem:v56+s17+$0x0], $0xffff  }
0x280: {  	v51 =	vadd.s32 s1, v0;
	v13 =	vadd.f32 v57, v13  }
0x281: {  	s31 =	sadd.s32 $0xFFFFFF84, s26;
	v61 =	vld.idx.msk [tilespmem:v58+s17+$0x0], $0xffff  }
0x282: {  	v49 =	vadd.s32 s31, v0;
	v13 =	vadd.f32 v59, v13  }
0x283: {  	s1 =	sadd.s32 $0xFFFFFF94, s26;
	v62 =	vld.idx.msk [tilespmem:v53+s17+$0x0], $0xffff  }
0x284: {  	v47 =	vadd.s32 s1, v0;
	v13 =	vadd.f32 v60, v13  }
0x285: {  	s31 =	sadd.s32 $0xFFFFFFA4, s26;
	v63 =	vld.idx.msk [tilespmem:v51+s17+$0x0], $0xffff  }
0x286: {  	v42 =	vadd.s32 s31, v0;
	v13 =	vadd.f32 v61, v13  }
0x287: {  	s1 =	sadd.s32 $0xFFFFFFB4, s26;
	v52 =	vld.idx.msk [tilespmem:v49+s17+$0x0], $0xffff  }
0x288: {  	v35 =	vadd.s32 s1, v0;
	v13 =	vadd.f32 v62, v13  }
0x289: {  	s31 =	sadd.s32 $0xFFFFFFC4, s26;
	v50 =	vld.idx.msk [tilespmem:v47+s17+$0x0], $0xffff  }
0x28a: {  	v32 =	vadd.s32 s31, v0;
	v13 =	vadd.f32 v63, v13  }
0x28b: {  	s1 =	sadd.s32 $0xFFFFFFD4, s26;
	v48 =	vld.idx.msk [tilespmem:v42+s17+$0x0], $0xffff  }
0x28c: {  	v30 =	vadd.s32 s1, v0;
	v13 =	vadd.f32 v52, v13  }
0x28d: {  	s31 =	sadd.s32 $0xFFFFFFE4, s26;
	v44 =	vld.idx.msk [tilespmem:v35+s17+$0x0], $0xffff  }
0x28e: {  	v31 =	vadd.s32 s31, v0;
	v13 =	vadd.f32 v50, v13  }
0x28f: {  	s1 =	sadd.s32 $0xFFFFFFF4, s26;
	v40 =	vld.idx.msk [tilespmem:v32+s17+$0x0], $0xffff  }
0x290: {  	v26 =	vadd.s32 s1, v0;
	v13 =	vadd.f32 v48, v13  }
0x291: {  	v38 =	vld.idx.msk [tilespmem:v30+s17+$0x0], $0xffff  }
0x292: {  	v13 =	vadd.f32 v44, v13  }
0x293: {  	v36 =	vld.idx.msk [tilespmem:v31+s17+$0x0], $0xffff  }
0x294: {  	v13 =	vadd.f32 v40, v13  }
0x295: {  	v34 =	vld.idx.msk [tilespmem:v26+s17+$0x0], $0xffff  }
0x296: {  	v13 =	vadd.f32 v38, v13;
	_ =	sdelay $0x1  }
0x297: {  	v13 =	vadd.f32 v36, v13;
	_ =	sdelay $0x1  }
0x298: {  	v13 =	vadd.f32 v34, v13;
	_ =	sdelay $0x1  }
0x299: {  	(xrf2) =	vadd.scan.msk.f32 $0xffff, v13;
	_ =	sdelay $0x9  }
0x29a: {  	v13, _, _ =	vpop (xrf2)  }
0x29b: {  	v13 =	vbroadcast v13, $0xF;
	_ =	sdelay $0x1  }
0x29c: {  	(erf) = vrcp.f32 v13;
	_ =	sdelay $0x6  }
0x29d: {  	v13 =	vld.idx.msk [tilespmem:v45+s2+$0x0], $0xffff;
	_ =	sdelay $0x1  }
0x29e: {  	v39 =	vpop (erf)  }
0x29f: {  	v1 =	vmul.f32 v39, v1;
	_ =	sdelay $0x1  }
0x2a0: {  	v1 =	vadd.f32 v1, v13;
	_ =	sdelay $0x1  }
0x2a1: {  	[tilespmem:v45+s2+$0x0] =	vst.idx.msk $0xffff, v1  }
0x2a2: {  	v13 =	vld.idx.msk [tilespmem:v46+s2+$0x0], $0xffff;
	_ =	sdelay $0x2  }
0x2a3: {  	v2 =	vmul.f32 v39, v2;
	_ =	sdelay $0x1  }
0x2a4: {  	v2 =	vadd.f32 v2, v13;
	_ =	sdelay $0x1  }
0x2a5: {  	[tilespmem:v46+s2+$0x0] =	vst.idx.msk $0xffff, v2  }
0x2a6: {  	v13 =	vld.idx.msk [tilespmem:v43+s2+$0x0], $0xffff;
	_ =	sdelay $0x2  }
0x2a7: {  	v3 =	vmul.f32 v39, v3;
	_ =	sdelay $0x1  }
0x2a8: {  	v3 =	vadd.f32 v3, v13;
	_ =	sdelay $0x1  }
0x2a9: {  	[tilespmem:v43+s2+$0x0] =	vst.idx.msk $0xffff, v3  }
0x2aa: {  	v13 =	vld.idx.msk [tilespmem:v41+s2+$0x0], $0xffff;
	_ =	sdelay $0x2  }
0x2ab: {  	v4 =	vmul.f32 v39, v4;
	_ =	sdelay $0x1  }
0x2ac: {  	v4 =	vadd.f32 v13, v4;
	_ =	sdelay $0x1  }
0x2ad: {  	[tilespmem:v41+s2+$0x0] =	vst.idx.msk $0xffff, v4  }
0x2ae: {  	v13 =	vld.idx.msk [tilespmem:v37+s2+$0x0], $0xffff;
	_ =	sdelay $0x2  }
0x2af: {  	v14 =	vmul.f32 v39, v14;
	_ =	sdelay $0x1  }
0x2b0: {  	v13 =	vadd.f32 v13, v14;
	_ =	sdelay $0x1  }
0x2b1: {  	[tilespmem:v37+s2+$0x0] =	vst.idx.msk $0xffff, v13  }
0x2b2: {  	v14 =	vld.idx.msk [tilespmem:v33+s2+$0x0], $0xffff;
	_ =	sdelay $0x2  }
0x2b3: {  	v16 =	vmul.f32 v39, v16;
	_ =	sdelay $0x1  }
0x2b4: {  	v14 =	vadd.f32 v14, v16;
	_ =	sdelay $0x1  }
0x2b5: {  	[tilespmem:v33+s2+$0x0] =	vst.idx.msk $0xffff, v14  }
0x2b6: {  	v16 =	vld.idx.msk [tilespmem:v29+s2+$0x0], $0xffff;
	_ =	sdelay $0x2  }
0x2b7: {  	v17 =	vmul.f32 v39, v17;
	_ =	sdelay $0x1  }
0x2b8: {  	v16 =	vadd.f32 v16, v17;
	_ =	sdelay $0x1  }
0x2b9: {  	[tilespmem:v29+s2+$0x0] =	vst.idx.msk $0xffff, v16  }
0x2ba: {  	v17 =	vld.idx.msk [tilespmem:v28+s2+$0x0], $0xffff;
	_ =	sdelay $0x2  }
0x2bb: {  	v18 =	vmul.f32 v39, v18;
	_ =	sdelay $0x1  }
0x2bc: {  	v17 =	vadd.f32 v17, v18;
	_ =	sdelay $0x1  }
0x2bd: {  	[tilespmem:v28+s2+$0x0] =	vst.idx.msk $0xffff, v17  }
0x2be: {  	v18 =	vld.idx.msk [tilespmem:v27+s2+$0x0], $0xffff;
	_ =	sdelay $0x2  }
0x2bf: {  	v19 =	vmul.f32 v39, v19;
	_ =	sdelay $0x1  }
0x2c0: {  	v18 =	vadd.f32 v18, v19;
	_ =	sdelay $0x1  }
0x2c1: {  	[tilespmem:v27+s2+$0x0] =	vst.idx.msk $0xffff, v18  }
0x2c2: {  	v19 =	vld.idx.msk [tilespmem:v25+s2+$0x0], $0xffff;
	_ =	sdelay $0x2  }
0x2c3: {  	v20 =	vmul.f32 v39, v20;
	_ =	sdelay $0x1  }
0x2c4: {  	v19 =	vadd.f32 v19, v20;
	_ =	sdelay $0x1  }
0x2c5: {  	[tilespmem:v25+s2+$0x0] =	vst.idx.msk $0xffff, v19  }
0x2c6: {  	v20 =	vld.idx.msk [tilespmem:v24+s2+$0x0], $0xffff;
	_ =	sdelay $0x2  }
0x2c7: {  	v21 =	vmul.f32 v39, v21;
	_ =	sdelay $0x1  }
0x2c8: {  	v20 =	vadd.f32 v20, v21;
	_ =	sdelay $0x1  }
0x2c9: {  	[tilespmem:v24+s2+$0x0] =	vst.idx.msk $0xffff, v20  }
0x2ca: {  	v21 =	vld.idx.msk [tilespmem:v23+s2+$0x0], $0xffff;
	_ =	sdelay $0x2  }
0x2cb: {  	v55 =	vmul.f32 v39, v55;
	_ =	sdelay $0x1  }
0x2cc: {  	v21 =	vadd.f32 v21, v55;
	_ =	sdelay $0x1  }
0x2cd: {  	[tilespmem:v23+s2+$0x0] =	vst.idx.msk $0xffff, v21  }
0x2ce: {  	v55 =	vld.idx.msk [tilespmem:v22+s2+$0x0], $0xffff;
	_ =	sdelay $0x2  }
0x2cf: {  	v57 =	vmul.f32 v39, v57;
	_ =	sdelay $0x1  }
0x2d0: {  	v55 =	vadd.f32 v55, v57;
	_ =	sdelay $0x1  }
0x2d1: {  	[tilespmem:v22+s2+$0x0] =	vst.idx.msk $0xffff, v55  }
0x2d2: {  	v57 =	vld.idx.msk [tilespmem:v54+s2+$0x0], $0xffff;
	_ =	sdelay $0x2  }
0x2d3: {  	v59 =	vmul.f32 v39, v59;
	_ =	sdelay $0x1  }
0x2d4: {  	v57 =	vadd.f32 v57, v59;
	_ =	sdelay $0x1  }
0x2d5: {  	[tilespmem:v54+s2+$0x0] =	vst.idx.msk $0xffff, v57  }
0x2d6: {  	v54 =	vld.idx.msk [tilespmem:v56+s2+$0x0], $0xffff;
	_ =	sdelay $0x2  }
0x2d7: {  	v60 =	vmul.f32 v39, v60;
	_ =	sdelay $0x1  }
0x2d8: {  	v54 =	vadd.f32 v54, v60;
	_ =	sdelay $0x1  }
0x2d9: {  	[tilespmem:v56+s2+$0x0] =	vst.idx.msk $0xffff, v54  }
0x2da: {  	v60 =	vmin.f32 v1, v2;
	v54 =	vld.idx.msk [tilespmem:v58+s2+$0x0], $0xffff  }
0x2db: {  	v56 =	vmin.f32 v60, v3  }
0x2dc: {  	v56 =	vmin.f32 v56, v4  }
0x2dd: {  	v61 =	vmul.f32 v39, v61;
	v56 =	vmin.f32 v56, v13  }
0x2de: {  	v56 =	vmin.f32 v56, v14  }
0x2df: {  	v56 =	vmin.f32 v56, v16;
	v54 =	vadd.f32 v54, v61  }
0x2e0: {  	v60 =	vmin.f32 v56, v17  }
0x2e1: {  	[tilespmem:v58+s2+$0x0] =	vst.idx.msk $0xffff, v54;
	v54 =	vmin.f32 v60, v18  }
0x2e2: {  	v54 =	vmin.f32 v54, v19  }
0x2e3: {  	v54 =	vmin.f32 v54, v20  }
0x2e4: {  	v55 =	vnsel vm0, $0x7F800000, v55;
	v61 =	vld.idx.msk [tilespmem:v53+s2+$0x0], $0xffff;
	v54 =	vmin.f32 v54, v21  }
0x2e5: {  	v54 =	vmin.f32 v54, v55  }
0x2e6: {  	(xrf0) =	vmin.scan.msk.f32 $0xffff, v54  }
0x2e7: {  	v62 =	vmul.f32 v39, v62;
	_ =	sdelay $0x1  }
0x2e8: {  	v56 =	vadd.f32 v61, v62  }
0x2e9: {  	v61 =	vld [tilespmem:$0x1FF30]  }
0x2ea: {  	[tilespmem:v53+s2+$0x0] =	vst.idx.msk $0xffff, v56  }
0x2eb: {  	v53 =	vld.idx.msk [tilespmem:v51+s2+$0x0], $0xffff;
	v60, _, _ =	vpop (xrf0)  }
0x2ec: {  	v56 =	vbroadcast v60, $0xF  }
0x2ed: {  	v63 =	vmul.f32 v39, v63;
	v46 =	vshll.u32 v46, $0x8  }
0x2ee: {  	v45 =	vshll.u32 v45, $0x8;
	v46 =	vor.u32 v61, v46;
	vm1 =	veq.f32 v2, v56  }
0x2ef: {  	v2 =	vor.u32 v0, v45;
	v62 =	vnsel vm1, $0x7FFFFFFF, v46  }
0x2f0: {  	v53 =	vadd.f32 v53, v63;
	vm1 =	vlt.s32 v2, v62  }
0x2f1: {  	vm2 =	veq.f32 v1, v56;
	v1 =	vsel vm1, v2, v62;
	v2 =	vshll.u32 v43, $0x8  }
0x2f2: {  	v1 =	vsel vm2, v1, v62;
	v2 =	vor.u32 v9, v2  }
0x2f3: {  	[tilespmem:v51+s2+$0x0] =	vst.idx.msk $0xffff, v53;
	vm1 =	vlt.s32 v1, v2  }
0x2f4: {  	v63 =	vld.idx.msk [tilespmem:v49+s2+$0x0], $0xffff;
	vm2 =	veq.f32 v3, v56;
	v3 =	vshll.u32 v41, $0x8;
	v2 =	vsel vm1, v1, v2  }
0x2f5: {  	v1 =	vsel vm2, v2, v1;
	v2 =	vor.u32 v10, v3  }
0x2f6: {  	v37 =	vshll.u32 v37, $0x8;
	vm1 =	vlt.s32 v1, v2  }
0x2f7: {  	v9 =	vmul.f32 v39, v52;
	vm2 =	veq.f32 v4, v56;
	v2 =	vsel vm1, v1, v2  }
0x2f8: {  	v1 =	vsel vm2, v2, v1;
	v2 =	vor.u32 v11, v37  }
0x2f9: {  	v3 =	vadd.f32 v63, v9;
	v9 =	vld [tilespmem:$0x1FF80];
	vm1 =	vlt.s32 v1, v2  }
0x2fa: {  	v41 =	vshll.u32 v33, $0x8;
	vm2 =	veq.f32 v13, v56;
	v2 =	vsel vm1, v1, v2  }
0x2fb: {  	v1 =	vsel vm2, v2, v1;
	v2 =	vor.u32 v12, v41  }
0x2fc: {  	[tilespmem:v49+s2+$0x0] =	vst.idx.msk $0xffff, v3;
	vm1 =	vlt.s32 v1, v2  }
0x2fd: {  	v45 =	vshll.u32 v29, $0x8;
	v3 =	vld.idx.msk [tilespmem:v47+s2+$0x0], $0xffff;
	vm2 =	veq.f32 v14, v56;
	v2 =	vsel vm1, v1, v2  }
0x2fe: {  	v1 =	vsel vm2, v2, v1;
	v2 =	vor.u32 v9, v45  }
0x2ff: {  	v46 =	vshll.u32 v28, $0x8;
	vm1 =	vlt.s32 v1, v2  }
0x300: {  	v43 =	vmul.f32 v39, v50;
	vm2 =	veq.f32 v16, v56;
	v2 =	vsel vm1, v1, v2  }
0x301: {  	v1 =	vsel vm2, v2, v1;
	v2 =	vor.u32 v15, v46  }
0x302: {  	v3 =	vadd.f32 v3, v43;
	vm1 =	vlt.s32 v1, v2  }
0x303: {  	v49 =	vshll.u32 v27, $0x8;
	vm2 =	veq.f32 v17, v56;
	v2 =	vsel vm1, v1, v2  }
0x304: {  	[tilespmem:v47+s2+$0x0] =	vst.idx.msk $0xffff, v3;
	v1 =	vsel vm2, v2, v1;
	v2 =	vor.u32 v5, v49;
	v5 =	vld [tilespmem:$0x1FFB0]  }
0x305: {  	v3 =	vld.idx.msk [tilespmem:v42+s2+$0x0], $0xffff;
	_ =	sdelay $0x1  }
0x306: {  	v51 =	vshll.u32 v25, $0x8;
	vm1 =	vlt.s32 v1, v2  }
0x307: {  	v50 =	vmul.f32 v39, v48;
	vm2 =	veq.f32 v18, v56;
	v2 =	vsel vm1, v1, v2  }
0x308: {  	v1 =	vsel vm2, v2, v1;
	v2 =	vor.u32 v5, v51  }
0x309: {  	v3 =	vadd.f32 v3, v50;
	vm1 =	vlt.s32 v1, v2  }
0x30a: {  	v52 =	vshll.u32 v24, $0x8;
	vm2 =	veq.f32 v19, v56;
	v2 =	vsel vm1, v1, v2  }
0x30b: {  	[tilespmem:v42+s2+$0x0] =	vst.idx.msk $0xffff, v3;
	v1 =	vsel vm2, v2, v1;
	v2 =	vor.u32 v8, v52  }
0x30c: {  	v3 =	vld.idx.msk [tilespmem:v35+s2+$0x0], $0xffff;
	vm1 =	vlt.s32 v1, v2  }
0x30d: {  	v53 =	vshll.u32 v23, $0x8;
	vm2 =	veq.f32 v20, v56;
	v2 =	vsel vm1, v1, v2  }
0x30e: {  	v1 =	vsel vm2, v2, v1;
	v2 =	vor.u32 v6, v53  }
0x30f: {  	v54 =	vmul.f32 v39, v44;
	vm1 =	vlt.s32 v1, v2  }
0x310: {  	v57 =	vshll.u32 v22, $0x8;
	vm2 =	veq.f32 v21, v56;
	v2 =	vsel vm1, v1, v2  }
0x311: {  	v3 =	vadd.f32 v3, v54;
	v1 =	vsel vm2, v2, v1;
	v2 =	vor.u32 v7, v57  }
0x312: {  	vm1 =	vlt.s32 v1, v2  }
0x313: {  	[tilespmem:v35+s2+$0x0] =	vst.idx.msk $0xffff, v3;
	vm2 =	veq.f32 v55, v56;
	v2 =	vsel vm1, v1, v2  }
0x314: {  	v3 =	vld.idx.msk [tilespmem:v32+s2+$0x0], $0xffff;
	v1 =	vsel vm2, v2, v1  }
0x315: {  	v1 =	vxor.u32 $0x80000000, v1  }
0x316: {  	(xrf0) =	vmin.scan.msk.u32 $0xffff, v1  }
0x317: {  	v1 =	vmul.f32 v39, v40;
	_ =	sdelay $0x1  }
0x318: {  	v1 =	vadd.f32 v3, v1;
	_ =	sdelay $0x1  }
0x319: {  	[tilespmem:v32+s2+$0x0] =	vst.idx.msk $0xffff, v1  }
0x31a: {  	v1 =	vld.idx.msk [tilespmem:v30+s2+$0x0], $0xffff;
	v2, _, _ =	vpop (xrf0)  }
0x31b: {  	(v2sf) =	vpush v2, $0xF;
	_ =	sdelay $0x1  }
0x31c: {  	v2 =	vmul.f32 v39, v38;
	_ =	sdelay $0x1  }
0x31d: {  	v1 =	vadd.f32 v1, v2;
	_ =	sdelay $0x1  }
0x31e: {  	[tilespmem:v30+s2+$0x0] =	vst.idx.msk $0xffff, v1  }
0x31f: {  	v1 =	vld.idx.msk [tilespmem:v31+s2+$0x0], $0xffff;
	_ =	sdelay $0x2  }
0x320: {  	v2 =	vmul.f32 v39, v36;
	_ =	sdelay $0x1  }
0x321: {  	v1 =	vadd.f32 v1, v2;
	_ =	sdelay $0x1  }
0x322: {  	[tilespmem:v31+s2+$0x0] =	vst.idx.msk $0xffff, v1  }
0x323: {  	v1 =	vld.idx.msk [tilespmem:v26+s2+$0x0], $0xffff;
	s31 =	spop (v2sf)  }
0x324: {  	s0 =	sxor.u32 $0x80000000, s31  }
0x325: {  	v2 =	vmov s0  }
0x326: {  	v3 =	vmul.f32 v39, v34;
	v58 =	vshrl.u32 v2, $0x8  }
0x327: {  	s1 =	sadd.s32 $0xFFFFF800, s29;
	v2 =	vand.u32 $0xFF, v2  }
0x328: {  	s0 =	sand.u32 $0x7FC000, s1;
	s1 =	sadd.s32 $0xFFFFFF80, s28;
	v1 =	vadd.f32 v1, v3  }
0x329: {  	s31 =	sadd.s32 $0xFFFFFFFF, s26;
	s0 =	sadd.s32 s4, s0;
	s1 =	sand.u32 $0x300, s1  }
0x32a: {  	v3 =	vmov s31;
	s0 =	sor.u32 s1, s0;
	[tilespmem:v26+s2+$0x0] =	vst.idx.msk $0xffff, v1  }
0x32b: {  	s0 =	sshrl.u32 s0, $0x3;
	v1 =	vmov s30;
	[tilespmem:v58+s20+$0x0] =	vst.idx.msk $0x1, v3  }
0x32c: {  	s0 =	sadd.s32 s3, s0;
	[tilespmem:v2+s21+$0x0] =	vst.idx.msk $0x1, v1  }
0x32d: {  	[tilespmem:s17], [sflag:$0x3] =	stream.strided.gather [hbm4b:s0+s12], $0x800, s13, s12, $0x38;
	[tilespmem:$0x3380] =	vst v63  }
0x32e: {  	_ =	swait.ge [sflag:s24], $0x800  }
0x32f: {  	[sflag:s24] =	ssyncset.done $0x0  }
0x330: {  	[sflag:s24] =	ssyncadd.s32 $0xFFFFF800  }
0x331: {  	v45 =	vld [tilespmem:$0x2A80]  }
0x332: {  	v46 =	vld [tilespmem:$0x2A90];
	_ =	sdelay $0x1  }
0x333: {  	v43 =	vld [tilespmem:$0x2AA0];
	_ =	sdelay $0x1  }
0x334: {  	v41 =	vld [tilespmem:$0x2AB0]  }
0x335: {  	v37 =	vld [tilespmem:$0x2AC0]  }
0x336: {  	v33 =	vld [tilespmem:$0x2AD0]  }
0x337: {  	v1 =	vld.idx.msk [tilespmem:v45+s18+$0x0], $0xffff  }
0x338: {  	v2 =	vld.idx.msk [tilespmem:v46+s18+$0x0], $0xffff  }
0x339: {  	v29 =	vld [tilespmem:$0x2AE0]  }
0x33a: {  	v3 =	vld.idx.msk [tilespmem:v43+s18+$0x0], $0xffff  }
0x33b: {  	v28 =	vld [tilespmem:$0x2AF0]  }
0x33c: {  	v4 =	vld.idx.msk [tilespmem:v41+s18+$0x0], $0xffff  }
0x33d: {  	v26 =	vld [tilespmem:$0x2B00];
	v59 =	vadd.f32 v2, v1  }
0x33e: {  	v14 =	vld.idx.msk [tilespmem:v37+s18+$0x0], $0xffff  }
0x33f: {  	v25 =	vld [tilespmem:$0x2B10];
	v13 =	vadd.f32 v3, v59  }
0x340: {  	v16 =	vld.idx.msk [tilespmem:v33+s18+$0x0], $0xffff  }
0x341: {  	v24 =	vld [tilespmem:$0x2B20];
	v13 =	vadd.f32 v4, v13  }
0x342: {  	v17 =	vld.idx.msk [tilespmem:v29+s18+$0x0], $0xffff  }
0x343: {  	v23 =	vld [tilespmem:$0x2B30];
	v13 =	vadd.f32 v14, v13  }
0x344: {  	v18 =	vld.idx.msk [tilespmem:v28+s18+$0x0], $0xffff  }
0x345: {  	v22 =	vld [tilespmem:$0x2B40];
	v13 =	vadd.f32 v16, v13  }
0x346: {  	v19 =	vld.idx.msk [tilespmem:v26+s18+$0x0], $0xffff  }
0x347: {  	v13 =	vadd.f32 v17, v13  }
0x348: {  	v20 =	vld.idx.msk [tilespmem:v25+s18+$0x0], $0xffff  }
0x349: {  	v13 =	vadd.f32 v18, v13  }
0x34a: {  	s30 =	sadd.s32 $0xFFFFFF35, s26;
	v21 =	vld.idx.msk [tilespmem:v24+s18+$0x0], $0xffff  }
0x34b: {  	v54 =	vadd.s32 s30, v0;
	v13 =	vadd.f32 v19, v13  }
0x34c: {  	s31 =	sadd.s32 $0xFFFFFF45, s26;
	v55 =	vld.idx.msk [tilespmem:v23+s18+$0x0], $0xffff  }
0x34d: {  	v56 =	vadd.s32 s31, v0;
	v13 =	vadd.f32 v20, v13  }
0x34e: {  	s1 =	sadd.s32 $0xFFFFFF55, s26;
	v57 =	vld.idx.msk [tilespmem:v22+s18+$0x0], $0xffff  }
0x34f: {  	v58 =	vadd.s32 s1, v0;
	v13 =	vadd.f32 v21, v13  }
0x350: {  	s31 =	sadd.s32 $0xFFFFFF65, s26;
	v59 =	vld.idx.msk [tilespmem:v54+s18+$0x0], $0xffff  }
0x351: {  	v53 =	vadd.s32 s31, v0;
	v13 =	vadd.f32 v55, v13  }
0x352: {  	s1 =	sadd.s32 $0xFFFFFF75, s26;
	v60 =	vld.idx.msk [tilespmem:v56+s18+$0x0], $0xffff  }
0x353: {  	v51 =	vadd.s32 s1, v0;
	v13 =	vadd.f32 v57, v13  }
0x354: {  	s31 =	sadd.s32 $0xFFFFFF85, s26;
	v61 =	vld.idx.msk [tilespmem:v58+s18+$0x0], $0xffff  }
0x355: {  	v49 =	vadd.s32 s31, v0;
	v13 =	vadd.f32 v59, v13  }
0x356: {  	s1 =	sadd.s32 $0xFFFFFF95, s26;
	v62 =	vld.idx.msk [tilespmem:v53+s18+$0x0], $0xffff  }
0x357: {  	v47 =	vadd.s32 s1, v0;
	v13 =	vadd.f32 v60, v13  }
0x358: {  	s31 =	sadd.s32 $0xFFFFFFA5, s26;
	v63 =	vld.idx.msk [tilespmem:v51+s18+$0x0], $0xffff  }
0x359: {  	v42 =	vadd.s32 s31, v0;
	v13 =	vadd.f32 v61, v13  }
0x35a: {  	s1 =	sadd.s32 $0xFFFFFFB5, s26;
	v52 =	vld.idx.msk [tilespmem:v49+s18+$0x0], $0xffff  }
0x35b: {  	v35 =	vadd.s32 s1, v0;
	v13 =	vadd.f32 v62, v13  }
0x35c: {  	s31 =	sadd.s32 $0xFFFFFFC5, s26;
	v50 =	vld.idx.msk [tilespmem:v47+s18+$0x0], $0xffff  }
0x35d: {  	v32 =	vadd.s32 s31, v0;
	v13 =	vadd.f32 v63, v13  }
0x35e: {  	s1 =	sadd.s32 $0xFFFFFFD5, s26;
	v48 =	vld.idx.msk [tilespmem:v42+s18+$0x0], $0xffff  }
0x35f: {  	v30 =	vadd.s32 s1, v0;
	v13 =	vadd.f32 v52, v13  }
0x360: {  	s31 =	sadd.s32 $0xFFFFFFE5, s26;
	v44 =	vld.idx.msk [tilespmem:v35+s18+$0x0], $0xffff  }
0x361: {  	v31 =	vadd.s32 s31, v0;
	v13 =	vadd.f32 v50, v13  }
0x362: {  	s1 =	sadd.s32 $0xFFFFFFF5, s26;
	v40 =	vld.idx.msk [tilespmem:v32+s18+$0x0], $0xffff  }
0x363: {  	v27 =	vadd.s32 s1, v0;
	v13 =	vadd.f32 v48, v13  }
0x364: {  	v38 =	vld.idx.msk [tilespmem:v30+s18+$0x0], $0xffff  }
0x365: {  	v13 =	vadd.f32 v44, v13  }
0x366: {  	v36 =	vld.idx.msk [tilespmem:v31+s18+$0x0], $0xffff  }
0x367: {  	v13 =	vadd.f32 v40, v13  }
0x368: {  	v34 =	vld.idx.msk [tilespmem:v27+s18+$0x0], $0xffff  }
0x369: {  	v13 =	vadd.f32 v38, v13;
	_ =	sdelay $0x1  }
0x36a: {  	v13 =	vadd.f32 v36, v13;
	_ =	sdelay $0x1  }
0x36b: {  	v13 =	vadd.f32 v34, v13;
	_ =	sdelay $0x1  }
0x36c: {  	(xrf2) =	vadd.scan.msk.f32 $0xffff, v13;
	_ =	sdelay $0x9  }
0x36d: {  	v13, _, _ =	vpop (xrf2)  }
0x36e: {  	v13 =	vbroadcast v13, $0xF;
	_ =	sdelay $0x1  }
0x36f: {  	(erf) = vrcp.f32 v13;
	_ =	sdelay $0x6  }
0x370: {  	v13 =	vld.idx.msk [tilespmem:v45+s2+$0x0], $0xffff;
	_ =	sdelay $0x1  }
0x371: {  	v39 =	vpop (erf)  }
0x372: {  	v1 =	vmul.f32 v39, v1;
	_ =	sdelay $0x1  }
0x373: {  	v1 =	vadd.f32 v1, v13;
	_ =	sdelay $0x1  }
0x374: {  	[tilespmem:v45+s2+$0x0] =	vst.idx.msk $0xffff, v1  }
0x375: {  	v13 =	vld.idx.msk [tilespmem:v46+s2+$0x0], $0xffff;
	_ =	sdelay $0x2  }
0x376: {  	v2 =	vmul.f32 v39, v2;
	_ =	sdelay $0x1  }
0x377: {  	v2 =	vadd.f32 v2, v13;
	_ =	sdelay $0x1  }
0x378: {  	[tilespmem:v46+s2+$0x0] =	vst.idx.msk $0xffff, v2  }
0x379: {  	v13 =	vld.idx.msk [tilespmem:v43+s2+$0x0], $0xffff;
	_ =	sdelay $0x2  }
0x37a: {  	v3 =	vmul.f32 v39, v3;
	_ =	sdelay $0x1  }
0x37b: {  	v3 =	vadd.f32 v3, v13;
	_ =	sdelay $0x1  }
0x37c: {  	[tilespmem:v43+s2+$0x0] =	vst.idx.msk $0xffff, v3  }
0x37d: {  	v13 =	vld.idx.msk [tilespmem:v41+s2+$0x0], $0xffff;
	_ =	sdelay $0x2  }
0x37e: {  	v4 =	vmul.f32 v39, v4;
	_ =	sdelay $0x1  }
0x37f: {  	v4 =	vadd.f32 v13, v4;
	_ =	sdelay $0x1  }
0x380: {  	[tilespmem:v41+s2+$0x0] =	vst.idx.msk $0xffff, v4  }
0x381: {  	v13 =	vld.idx.msk [tilespmem:v37+s2+$0x0], $0xffff;
	_ =	sdelay $0x2  }
0x382: {  	v14 =	vmul.f32 v39, v14;
	_ =	sdelay $0x1  }
0x383: {  	v13 =	vadd.f32 v13, v14;
	_ =	sdelay $0x1  }
0x384: {  	[tilespmem:v37+s2+$0x0] =	vst.idx.msk $0xffff, v13  }
0x385: {  	v14 =	vld.idx.msk [tilespmem:v33+s2+$0x0], $0xffff;
	_ =	sdelay $0x2  }
0x386: {  	v16 =	vmul.f32 v39, v16;
	_ =	sdelay $0x1  }
0x387: {  	v14 =	vadd.f32 v14, v16;
	_ =	sdelay $0x1  }
0x388: {  	[tilespmem:v33+s2+$0x0] =	vst.idx.msk $0xffff, v14  }
0x389: {  	v16 =	vld.idx.msk [tilespmem:v29+s2+$0x0], $0xffff;
	_ =	sdelay $0x2  }
0x38a: {  	v17 =	vmul.f32 v39, v17;
	_ =	sdelay $0x1  }
0x38b: {  	v16 =	vadd.f32 v16, v17;
	_ =	sdelay $0x1  }
0x38c: {  	[tilespmem:v29+s2+$0x0] =	vst.idx.msk $0xffff, v16  }
0x38d: {  	v17 =	vld.idx.msk [tilespmem:v28+s2+$0x0], $0xffff;
	_ =	sdelay $0x2  }
0x38e: {  	v18 =	vmul.f32 v39, v18;
	_ =	sdelay $0x1  }
0x38f: {  	v17 =	vadd.f32 v17, v18;
	_ =	sdelay $0x1  }
0x390: {  	[tilespmem:v28+s2+$0x0] =	vst.idx.msk $0xffff, v17  }
0x391: {  	v18 =	vld.idx.msk [tilespmem:v26+s2+$0x0], $0xffff;
	_ =	sdelay $0x2  }
0x392: {  	v19 =	vmul.f32 v39, v19;
	_ =	sdelay $0x1  }
0x393: {  	v18 =	vadd.f32 v18, v19;
	_ =	sdelay $0x1  }
0x394: {  	[tilespmem:v26+s2+$0x0] =	vst.idx.msk $0xffff, v18  }
0x395: {  	v19 =	vld.idx.msk [tilespmem:v25+s2+$0x0], $0xffff;
	_ =	sdelay $0x2  }
0x396: {  	v20 =	vmul.f32 v39, v20;
	_ =	sdelay $0x1  }
0x397: {  	v19 =	vadd.f32 v19, v20;
	_ =	sdelay $0x1  }
0x398: {  	[tilespmem:v25+s2+$0x0] =	vst.idx.msk $0xffff, v19  }
0x399: {  	v20 =	vld.idx.msk [tilespmem:v24+s2+$0x0], $0xffff;
	_ =	sdelay $0x2  }
0x39a: {  	v21 =	vmul.f32 v39, v21;
	_ =	sdelay $0x1  }
0x39b: {  	v20 =	vadd.f32 v20, v21;
	_ =	sdelay $0x1  }
0x39c: {  	[tilespmem:v24+s2+$0x0] =	vst.idx.msk $0xffff, v20  }
0x39d: {  	v21 =	vld.idx.msk [tilespmem:v23+s2+$0x0], $0xffff;
	_ =	sdelay $0x2  }
0x39e: {  	v55 =	vmul.f32 v39, v55;
	_ =	sdelay $0x1  }
0x39f: {  	v21 =	vadd.f32 v21, v55;
	_ =	sdelay $0x1  }
0x3a0: {  	[tilespmem:v23+s2+$0x0] =	vst.idx.msk $0xffff, v21  }
0x3a1: {  	v55 =	vld.idx.msk [tilespmem:v22+s2+$0x0], $0xffff;
	_ =	sdelay $0x2  }
0x3a2: {  	v57 =	vmul.f32 v39, v57;
	_ =	sdelay $0x1  }
0x3a3: {  	v55 =	vadd.f32 v55, v57;
	_ =	sdelay $0x1  }
0x3a4: {  	[tilespmem:v22+s2+$0x0] =	vst.idx.msk $0xffff, v55  }
0x3a5: {  	v57 =	vld.idx.msk [tilespmem:v54+s2+$0x0], $0xffff;
	_ =	sdelay $0x2  }
0x3a6: {  	v59 =	vmul.f32 v39, v59;
	_ =	sdelay $0x1  }
0x3a7: {  	v57 =	vadd.f32 v57, v59;
	_ =	sdelay $0x1  }
0x3a8: {  	[tilespmem:v54+s2+$0x0] =	vst.idx.msk $0xffff, v57  }
0x3a9: {  	v54 =	vld.idx.msk [tilespmem:v56+s2+$0x0], $0xffff;
	_ =	sdelay $0x2  }
0x3aa: {  	v60 =	vmul.f32 v39, v60;
	_ =	sdelay $0x1  }
0x3ab: {  	v54 =	vadd.f32 v54, v60;
	_ =	sdelay $0x1  }
0x3ac: {  	[tilespmem:v56+s2+$0x0] =	vst.idx.msk $0xffff, v54  }
0x3ad: {  	v60 =	vmin.f32 v1, v2;
	v54 =	vld.idx.msk [tilespmem:v58+s2+$0x0], $0xffff  }
0x3ae: {  	v56 =	vmin.f32 v60, v3  }
0x3af: {  	v56 =	vmin.f32 v56, v4  }
0x3b0: {  	v61 =	vmul.f32 v39, v61;
	v56 =	vmin.f32 v56, v13  }
0x3b1: {  	v56 =	vmin.f32 v56, v14  }
0x3b2: {  	v56 =	vmin.f32 v56, v16;
	v54 =	vadd.f32 v54, v61  }
0x3b3: {  	v60 =	vmin.f32 v56, v17  }
0x3b4: {  	[tilespmem:v58+s2+$0x0] =	vst.idx.msk $0xffff, v54;
	v54 =	vmin.f32 v60, v18  }
0x3b5: {  	v54 =	vmin.f32 v54, v19  }
0x3b6: {  	v61 =	vld.idx.msk [tilespmem:v53+s2+$0x0], $0xffff;
	v54 =	vmin.f32 v54, v20  }
0x3b7: {  	v55 =	vnsel vm0, $0x7F800000, v55;
	v54 =	vmin.f32 v54, v21  }
0x3b8: {  	v54 =	vmin.f32 v54, v55  }
0x3b9: {  	v62 =	vmul.f32 v39, v62;
	(xrf0) =	vmin.scan.msk.f32 $0xffff, v54;
	_ =	sdelay $0x1  }
0x3ba: {  	v56 =	vadd.f32 v61, v62;
	_ =	sdelay $0x1  }
0x3bb: {  	v62 =	vld [tilespmem:$0x1FF30];
	[tilespmem:v53+s2+$0x0] =	vst.idx.msk $0xffff, v56  }
0x3bc: {  	v53 =	vld.idx.msk [tilespmem:v51+s2+$0x0], $0xffff  }
0x3bd: {  	v61, _, _ =	vpop (xrf0)  }
0x3be: {  	v56 =	vbroadcast v61, $0xF  }
0x3bf: {  	v46 =	vshll.u32 v46, $0x8;
	v60 =	vmul.f32 v39, v63;
	v63 =	vld [tilespmem:$0x1FF40]  }
0x3c0: {  	vm1 =	veq.f32 v2, v56;
	v2 =	vshll.u32 v45, $0x8;
	v45 =	vor.u32 v62, v46  }
0x3c1: {  	v53 =	vadd.f32 v53, v60;
	v2 =	vor.u32 v0, v2;
	v45 =	vnsel vm1, $0x7FFFFFFF, v45  }
0x3c2: {  	vm1 =	vlt.s32 v2, v45  }
0x3c3: {  	v43 =	vshll.u32 v43, $0x8;
	vm2 =	veq.f32 v1, v56;
	[tilespmem:v51+s2+$0x0] =	vst.idx.msk $0xffff, v53;
	v2 =	vsel vm1, v2, v45  }
0x3c4: {  	v43 =	vor.u32 v63, v43;
	v1 =	vld.idx.msk [tilespmem:v49+s2+$0x0], $0xffff;
	v2 =	vsel vm2, v2, v45  }
0x3c5: {  	vm2 =	vlt.s32 v2, v43  }
0x3c6: {  	v41 =	vshll.u32 v41, $0x8;
	vm1 =	veq.f32 v3, v56;
	v43 =	vsel vm2, v2, v43  }
0x3c7: {  	v41 =	vor.u32 v10, v41;
	v3 =	vmul.f32 v39, v52;
	v2 =	vsel vm1, v43, v2  }
0x3c8: {  	v46 =	vshll.u32 v37, $0x8;
	vm1 =	vlt.s32 v2, v41  }
0x3c9: {  	vm2 =	veq.f32 v4, v56;
	v1 =	vadd.f32 v1, v3;
	v3 =	vsel vm1, v2, v41  }
0x3ca: {  	v2 =	vsel vm2, v3, v2;
	v3 =	vor.u32 v11, v46  }
0x3cb: {  	vm1 =	vlt.s32 v2, v3  }
0x3cc: {  	[tilespmem:v49+s2+$0x0] =	vst.idx.msk $0xffff, v1;
	vm2 =	veq.f32 v13, v56;
	v49 =	vshll.u32 v33, $0x8;
	v3 =	vsel vm1, v2, v3  }
0x3cd: {  	v2 =	vsel vm2, v3, v2;
	v3 =	vor.u32 v12, v49  }
0x3ce: {  	vm2 =	vlt.s32 v2, v3  }
0x3cf: {  	v52 =	vshll.u32 v29, $0x8;
	vm1 =	veq.f32 v14, v56;
	v3 =	vsel vm2, v2, v3  }
0x3d0: {  	v2 =	vsel vm1, v3, v2;
	v3 =	vor.u32 v9, v52  }
0x3d1: {  	vm1 =	vlt.s32 v2, v3  }
0x3d2: {  	v53 =	vshll.u32 v28, $0x8;
	v1 =	vld.idx.msk [tilespmem:v47+s2+$0x0], $0xffff;
	vm2 =	veq.f32 v16, v56;
	v3 =	vsel vm1, v2, v3  }
0x3d3: {  	v2 =	vsel vm2, v3, v2;
	v3 =	vor.u32 v15, v53  }
0x3d4: {  	vm1 =	vlt.s32 v2, v3  }
0x3d5: {  	v51 =	vmul.f32 v39, v50;
	vm2 =	veq.f32 v17, v56;
	v3 =	vsel vm1, v2, v3  }
0x3d6: {  	v2 =	vsel vm2, v3, v2;
	v3 =	vld [tilespmem:$0x1FFA0]  }
0x3d7: {  	v1 =	vadd.f32 v1, v51;
	_ =	sdelay $0x1  }
0x3d8: {  	[tilespmem:v47+s2+$0x0] =	vst.idx.msk $0xffff, v1  }
0x3d9: {  	v54 =	vshll.u32 v26, $0x8;
	v1 =	vld.idx.msk [tilespmem:v42+s2+$0x0], $0xffff  }
0x3da: {  	v3 =	vor.u32 v3, v54  }
0x3db: {  	v57 =	vmul.f32 v39, v48;
	vm2 =	vlt.s32 v2, v3  }
0x3dc: {  	v58 =	vshll.u32 v25, $0x8;
	vm1 =	veq.f32 v18, v56;
	v3 =	vsel vm2, v2, v3  }
0x3dd: {  	v2 =	vsel vm1, v3, v2;
	v3 =	vor.u32 v5, v58  }
0x3de: {  	v1 =	vadd.f32 v1, v57;
	vm1 =	vlt.s32 v2, v3  }
0x3df: {  	v59 =	vshll.u32 v24, $0x8;
	vm2 =	veq.f32 v19, v56;
	v3 =	vsel vm1, v2, v3  }
0x3e0: {  	[tilespmem:v42+s2+$0x0] =	vst.idx.msk $0xffff, v1;
	v1 =	vsel vm2, v3, v2;
	v2 =	vor.u32 v8, v59  }
0x3e1: {  	v3 =	vld.idx.msk [tilespmem:v35+s2+$0x0], $0xffff;
	vm1 =	vlt.s32 v1, v2  }
0x3e2: {  	v60 =	vshll.u32 v23, $0x8;
	vm2 =	veq.f32 v20, v56;
	v2 =	vsel vm1, v1, v2  }
0x3e3: {  	v1 =	vsel vm2, v2, v1;
	v2 =	vor.u32 v6, v60  }
0x3e4: {  	v61 =	vmul.f32 v39, v44;
	vm1 =	vlt.s32 v1, v2  }
0x3e5: {  	v62 =	vshll.u32 v22, $0x8;
	vm2 =	veq.f32 v21, v56;
	v2 =	vsel vm1, v1, v2  }
0x3e6: {  	v3 =	vadd.f32 v3, v61;
	v1 =	vsel vm2, v2, v1;
	v2 =	vor.u32 v7, v62  }
0x3e7: {  	vm1 =	vlt.s32 v1, v2  }
0x3e8: {  	vm2 =	veq.f32 v55, v56;
	[tilespmem:v35+s2+$0x0] =	vst.idx.msk $0xffff, v3;
	v2 =	vsel vm1, v1, v2  }
0x3e9: {  	v1 =	vsel vm2, v2, v1;
	v2 =	vld.idx.msk [tilespmem:v32+s2+$0x0], $0xffff  }
0x3ea: {  	v1 =	vxor.u32 $0x80000000, v1  }
0x3eb: {  	(xrf0) =	vmin.scan.msk.u32 $0xffff, v1  }
0x3ec: {  	v1 =	vmul.f32 v39, v40;
	_ =	sdelay $0x1  }
0x3ed: {  	v1 =	vadd.f32 v2, v1;
	_ =	sdelay $0x1  }
0x3ee: {  	[tilespmem:v32+s2+$0x0] =	vst.idx.msk $0xffff, v1  }
0x3ef: {  	v1 =	vld.idx.msk [tilespmem:v30+s2+$0x0], $0xffff;
	v2, _, _ =	vpop (xrf0)  }
0x3f0: {  	(v2sf) =	vpush v2, $0xF;
	_ =	sdelay $0x1  }
0x3f1: {  	v2 =	vmul.f32 v39, v38;
	_ =	sdelay $0x1  }
0x3f2: {  	v1 =	vadd.f32 v1, v2;
	_ =	sdelay $0x1  }
0x3f3: {  	[tilespmem:v30+s2+$0x0] =	vst.idx.msk $0xffff, v1  }
0x3f4: {  	v1 =	vld.idx.msk [tilespmem:v31+s2+$0x0], $0xffff;
	_ =	sdelay $0x2  }
0x3f5: {  	v2 =	vmul.f32 v39, v36;
	_ =	sdelay $0x1  }
0x3f6: {  	v1 =	vadd.f32 v1, v2;
	_ =	sdelay $0x1  }
0x3f7: {  	[tilespmem:v31+s2+$0x0] =	vst.idx.msk $0xffff, v1  }
0x3f8: {  	v1 =	vld.idx.msk [tilespmem:v27+s2+$0x0], $0xffff;
	s31 =	spop (v2sf)  }
0x3f9: {  	s0 =	sxor.u32 $0x80000000, s31  }
0x3fa: {  	v2 =	vmov s0  }
0x3fb: {  	v3 =	vmul.f32 v39, v34;
	v63 =	vshrl.u32 v2, $0x8  }
0x3fc: {  	v2 =	vand.u32 $0xFF, v2  }
0x3fd: {  	p0 =	sne.s32 s26, $0x7FB;
	s1 =	sand.u32 $0x7FC000, s29;
	v1 =	vadd.f32 v1, v3  }
.Ltmp1:
0x3fe: {  	s31 =	sand.u32 $0x380, s28;
	s0 =	sadd.s32 s4, s1;
	(pc) =	sbr.rel @p0 .LBB2_3-.Ltmp1, $4  }
0x3ff: {  	s0 =	sor.u32 s31, s0;
	[tilespmem:v27+s2+$0x0] =	vst.idx.msk $0xffff, v1;
	v1 =	vmov s26  }
0x400: {  	s29 =	sadd.s32 $0x2000, s29;
	s0 =	sshrl.u32 s0, $0x3;
	[tilespmem:v63+s20+$0x0] =	vst.idx.msk $0x1, v1;
	v1 =	vmov s30  }
0x401: {  	s28 =	sadd.s32 $0x200, s28;
	s0 =	sadd.s32 s3, s0;
	s26 =	sadd.s32 $0x4, s26;
	[tilespmem:v2+s21+$0x0] =	vst.idx.msk $0x1, v1  }
0x402: {  	[tilespmem:s18], [sflag:$0x4] =	stream.strided.gather [hbm4b:s0+s12], $0x800, s13, s12, $0x38;
	[tilespmem:$0x3380] =	vst v63  }
0x403: {  	_ =	swait.ge [sflag:s19], $0x800  }
0x404: {  	[sflag:s19] =	ssyncset.done $0x0  }
0x405: {  	[sflag:s19] =	ssyncadd.s32 $0xFFFFF800  }
0x406: {  	v45 =	vld [tilespmem:$0x2A80]  }
0x407: {  	v47 =	vld [tilespmem:$0x2A90];
	_ =	sdelay $0x1  }
0x408: {  	v44 =	vld [tilespmem:$0x2AA0];
	_ =	sdelay $0x1  }
0x409: {  	v43 =	vld [tilespmem:$0x2AB0]  }
0x40a: {  	v40 =	vld [tilespmem:$0x2AC0]  }
0x40b: {  	v39 =	vld [tilespmem:$0x2AD0]  }
0x40c: {  	v1 =	vld.idx.msk [tilespmem:v45+s15+$0x0], $0xffff  }
0x40d: {  	v2 =	vld.idx.msk [tilespmem:v47+s15+$0x0], $0xffff  }
0x40e: {  	v36 =	vld [tilespmem:$0x2AE0]  }
0x40f: {  	v3 =	vld.idx.msk [tilespmem:v44+s15+$0x0], $0xffff  }
0x410: {  	v32 =	vld [tilespmem:$0x2AF0]  }
0x411: {  	v4 =	vld.idx.msk [tilespmem:v43+s15+$0x0], $0xffff  }
0x412: {  	v28 =	vld [tilespmem:$0x2B00];
	v13 =	vadd.f32 v2, v1  }
0x413: {  	v14 =	vld.idx.msk [tilespmem:v40+s15+$0x0], $0xffff  }
0x414: {  	v26 =	vld [tilespmem:$0x2B10];
	v13 =	vadd.f32 v3, v13  }
0x415: {  	v16 =	vld.idx.msk [tilespmem:v39+s15+$0x0], $0xffff  }
0x416: {  	v24 =	vld [tilespmem:$0x2B20];
	v13 =	vadd.f32 v4, v13  }
0x417: {  	v17 =	vld.idx.msk [tilespmem:v36+s15+$0x0], $0xffff  }
0x418: {  	v23 =	vld [tilespmem:$0x2B30];
	v13 =	vadd.f32 v14, v13  }
0x419: {  	v18 =	vld.idx.msk [tilespmem:v32+s15+$0x0], $0xffff  }
0x41a: {  	v22 =	vld [tilespmem:$0x2B40];
	v13 =	vadd.f32 v16, v13  }
0x41b: {  	v19 =	vld.idx.msk [tilespmem:v28+s15+$0x0], $0xffff  }
0x41c: {  	v13 =	vadd.f32 v17, v13  }
0x41d: {  	v20 =	vld.idx.msk [tilespmem:v26+s15+$0x0], $0xffff  }
0x41e: {  	v13 =	vadd.f32 v18, v13  }
0x41f: {  	v21 =	vld.idx.msk [tilespmem:v24+s15+$0x0], $0xffff  }
0x420: {  	v53 =	vadd.s32 $0x731, v0;
	v13 =	vadd.f32 v19, v13  }
0x421: {  	v54 =	vld.idx.msk [tilespmem:v23+s15+$0x0], $0xffff  }
0x422: {  	v55 =	vadd.s32 $0x741, v0;
	v13 =	vadd.f32 v20, v13  }
0x423: {  	v56 =	vld.idx.msk [tilespmem:v22+s15+$0x0], $0xffff  }
0x424: {  	v57 =	vadd.s32 $0x751, v0;
	v13 =	vadd.f32 v21, v13  }
0x425: {  	v58 =	vld.idx.msk [tilespmem:v53+s15+$0x0], $0xffff  }
0x426: {  	v59 =	vadd.s32 $0x761, v0;
	v13 =	vadd.f32 v54, v13  }
0x427: {  	v60 =	vld.idx.msk [tilespmem:v55+s15+$0x0], $0xffff  }
0x428: {  	v51 =	vadd.s32 $0x771, v0;
	v13 =	vadd.f32 v56, v13  }
0x429: {  	v61 =	vld.idx.msk [tilespmem:v57+s15+$0x0], $0xffff  }
0x42a: {  	v49 =	vadd.s32 $0x781, v0;
	v13 =	vadd.f32 v58, v13  }
0x42b: {  	v62 =	vld.idx.msk [tilespmem:v59+s15+$0x0], $0xffff  }
0x42c: {  	v46 =	vadd.s32 $0x791, v0;
	v13 =	vadd.f32 v60, v13  }
0x42d: {  	v63 =	vld.idx.msk [tilespmem:v51+s15+$0x0], $0xffff  }
0x42e: {  	v41 =	vadd.s32 $0x7A1, v0;
	v13 =	vadd.f32 v61, v13  }
0x42f: {  	v52 =	vld.idx.msk [tilespmem:v49+s15+$0x0], $0xffff  }
0x430: {  	v34 =	vadd.s32 $0x7B1, v0;
	v13 =	vadd.f32 v62, v13  }
0x431: {  	v50 =	vld.idx.msk [tilespmem:v46+s15+$0x0], $0xffff  }
0x432: {  	v30 =	vadd.s32 $0x7C1, v0;
	v13 =	vadd.f32 v63, v13  }
0x433: {  	v48 =	vld.idx.msk [tilespmem:v41+s15+$0x0], $0xffff  }
0x434: {  	v29 =	vadd.s32 $0x7D1, v0;
	v13 =	vadd.f32 v52, v13  }
0x435: {  	v42 =	vld.idx.msk [tilespmem:v34+s15+$0x0], $0xffff  }
0x436: {  	v27 =	vadd.s32 $0x7E1, v0;
	v13 =	vadd.f32 v50, v13  }
0x437: {  	v38 =	vld.idx.msk [tilespmem:v30+s15+$0x0], $0xffff  }
0x438: {  	v25 =	vadd.s32 $0x7F1, v0;
	v13 =	vadd.f32 v48, v13  }
0x439: {  	v35 =	vld.idx.msk [tilespmem:v29+s15+$0x0], $0xffff  }
0x43a: {  	v13 =	vadd.f32 v42, v13  }
0x43b: {  	v33 =	vld.idx.msk [tilespmem:v27+s15+$0x0], $0xffff  }
0x43c: {  	v13 =	vadd.f32 v38, v13  }
0x43d: {  	v31 =	vld.idx.msk [tilespmem:v25+s15+$0x0], $0xffff  }
0x43e: {  	v13 =	vadd.f32 v35, v13;
	_ =	sdelay $0x1  }
0x43f: {  	v13 =	vadd.f32 v33, v13;
	_ =	sdelay $0x1  }
0x440: {  	v13 =	vadd.f32 v31, v13;
	_ =	sdelay $0x1  }
0x441: {  	(xrf2) =	vadd.scan.msk.f32 $0xffff, v13;
	_ =	sdelay $0x9  }
0x442: {  	v13, _, _ =	vpop (xrf2)  }
0x443: {  	v13 =	vbroadcast v13, $0xF;
	_ =	sdelay $0x1  }
0x444: {  	(erf) = vrcp.f32 v13;
	_ =	sdelay $0x6  }
0x445: {  	v6 =	vld.idx.msk [tilespmem:v45+s2+$0x0], $0xffff;
	_ =	sdelay $0x1  }
0x446: {  	v37 =	vpop (erf)  }
0x447: {  	v1 =	vmul.f32 v37, v1;
	_ =	sdelay $0x1  }
0x448: {  	v1 =	vadd.f32 v1, v6;
	_ =	sdelay $0x1  }
0x449: {  	[tilespmem:v45+s2+$0x0] =	vst.idx.msk $0xffff, v1  }
0x44a: {  	v7 =	vld.idx.msk [tilespmem:v47+s2+$0x0], $0xffff;
	_ =	sdelay $0x2  }
0x44b: {  	v2 =	vmul.f32 v37, v2;
	_ =	sdelay $0x1  }
0x44c: {  	v2 =	vadd.f32 v2, v7;
	_ =	sdelay $0x1  }
0x44d: {  	[tilespmem:v47+s2+$0x0] =	vst.idx.msk $0xffff, v2  }
0x44e: {  	v8 =	vld.idx.msk [tilespmem:v44+s2+$0x0], $0xffff;
	_ =	sdelay $0x2  }
0x44f: {  	v3 =	vmul.f32 v37, v3;
	_ =	sdelay $0x1  }
0x450: {  	v3 =	vadd.f32 v3, v8;
	_ =	sdelay $0x1  }
0x451: {  	[tilespmem:v44+s2+$0x0] =	vst.idx.msk $0xffff, v3  }
0x452: {  	v9 =	vld.idx.msk [tilespmem:v43+s2+$0x0], $0xffff;
	_ =	sdelay $0x2  }
0x453: {  	v4 =	vmul.f32 v37, v4;
	_ =	sdelay $0x1  }
0x454: {  	v4 =	vadd.f32 v9, v4;
	_ =	sdelay $0x1  }
0x455: {  	[tilespmem:v43+s2+$0x0] =	vst.idx.msk $0xffff, v4  }
0x456: {  	v10 =	vld.idx.msk [tilespmem:v40+s2+$0x0], $0xffff;
	_ =	sdelay $0x2  }
0x457: {  	v14 =	vmul.f32 v37, v14;
	_ =	sdelay $0x1  }
0x458: {  	v13 =	vadd.f32 v10, v14;
	_ =	sdelay $0x1  }
0x459: {  	[tilespmem:v40+s2+$0x0] =	vst.idx.msk $0xffff, v13  }
0x45a: {  	v11 =	vld.idx.msk [tilespmem:v39+s2+$0x0], $0xffff;
	_ =	sdelay $0x2  }
0x45b: {  	v16 =	vmul.f32 v37, v16;
	_ =	sdelay $0x1  }
0x45c: {  	v14 =	vadd.f32 v11, v16;
	_ =	sdelay $0x1  }
0x45d: {  	[tilespmem:v39+s2+$0x0] =	vst.idx.msk $0xffff, v14  }
0x45e: {  	v5 =	vld.idx.msk [tilespmem:v36+s2+$0x0], $0xffff;
	_ =	sdelay $0x2  }
0x45f: {  	v17 =	vmul.f32 v37, v17;
	_ =	sdelay $0x1  }
0x460: {  	v16 =	vadd.f32 v5, v17;
	_ =	sdelay $0x1  }
0x461: {  	[tilespmem:v36+s2+$0x0] =	vst.idx.msk $0xffff, v16  }
0x462: {  	v6 =	vld.idx.msk [tilespmem:v32+s2+$0x0], $0xffff;
	_ =	sdelay $0x2  }
0x463: {  	v18 =	vmul.f32 v37, v18;
	_ =	sdelay $0x1  }
0x464: {  	v17 =	vadd.f32 v6, v18;
	_ =	sdelay $0x1  }
0x465: {  	[tilespmem:v32+s2+$0x0] =	vst.idx.msk $0xffff, v17  }
0x466: {  	v7 =	vld.idx.msk [tilespmem:v28+s2+$0x0], $0xffff;
	_ =	sdelay $0x2  }
0x467: {  	v19 =	vmul.f32 v37, v19;
	_ =	sdelay $0x1  }
0x468: {  	v18 =	vadd.f32 v7, v19;
	_ =	sdelay $0x1  }
0x469: {  	[tilespmem:v28+s2+$0x0] =	vst.idx.msk $0xffff, v18  }
0x46a: {  	v8 =	vld.idx.msk [tilespmem:v26+s2+$0x0], $0xffff;
	_ =	sdelay $0x2  }
0x46b: {  	v20 =	vmul.f32 v37, v20;
	_ =	sdelay $0x1  }
0x46c: {  	v19 =	vadd.f32 v8, v20;
	_ =	sdelay $0x1  }
0x46d: {  	[tilespmem:v26+s2+$0x0] =	vst.idx.msk $0xffff, v19  }
0x46e: {  	v9 =	vld.idx.msk [tilespmem:v24+s2+$0x0], $0xffff;
	_ =	sdelay $0x2  }
0x46f: {  	v21 =	vmul.f32 v37, v21;
	_ =	sdelay $0x1  }
0x470: {  	v20 =	vadd.f32 v9, v21;
	_ =	sdelay $0x1  }
0x471: {  	[tilespmem:v24+s2+$0x0] =	vst.idx.msk $0xffff, v20  }
0x472: {  	v10 =	vld.idx.msk [tilespmem:v23+s2+$0x0], $0xffff;
	_ =	sdelay $0x2  }
0x473: {  	v54 =	vmul.f32 v37, v54;
	_ =	sdelay $0x1  }
0x474: {  	v21 =	vadd.f32 v10, v54;
	_ =	sdelay $0x1  }
0x475: {  	[tilespmem:v23+s2+$0x0] =	vst.idx.msk $0xffff, v21  }
0x476: {  	v11 =	vld.idx.msk [tilespmem:v22+s2+$0x0], $0xffff;
	_ =	sdelay $0x2  }
0x477: {  	v56 =	vmul.f32 v37, v56;
	_ =	sdelay $0x1  }
0x478: {  	v54 =	vadd.f32 v11, v56;
	_ =	sdelay $0x1  }
0x479: {  	[tilespmem:v22+s2+$0x0] =	vst.idx.msk $0xffff, v54  }
0x47a: {  	v12 =	vld.idx.msk [tilespmem:v53+s2+$0x0], $0xffff;
	_ =	sdelay $0x2  }
0x47b: {  	v58 =	vmul.f32 v37, v58;
	_ =	sdelay $0x1  }
0x47c: {  	v56 =	vadd.f32 v12, v58;
	_ =	sdelay $0x1  }
0x47d: {  	[tilespmem:v53+s2+$0x0] =	vst.idx.msk $0xffff, v56  }
0x47e: {  	v53 =	vld.idx.msk [tilespmem:v55+s2+$0x0], $0xffff;
	_ =	sdelay $0x2  }
0x47f: {  	v15 =	vmul.f32 v37, v60;
	_ =	sdelay $0x1  }
0x480: {  	v53 =	vadd.f32 v53, v15;
	_ =	sdelay $0x1  }
0x481: {  	[tilespmem:v55+s2+$0x0] =	vst.idx.msk $0xffff, v53  }
0x482: {  	v60 =	vmin.f32 v1, v2;
	v53 =	vld.idx.msk [tilespmem:v57+s2+$0x0], $0xffff  }
0x483: {  	v55 =	vmin.f32 v60, v3  }
0x484: {  	v55 =	vmin.f32 v55, v4  }
0x485: {  	v61 =	vmul.f32 v37, v61;
	v55 =	vmin.f32 v55, v13  }
0x486: {  	v55 =	vmin.f32 v55, v14  }
0x487: {  	v55 =	vmin.f32 v55, v16;
	v53 =	vadd.f32 v53, v61  }
0x488: {  	v5 =	vmin.f32 v55, v17  }
0x489: {  	[tilespmem:v57+s2+$0x0] =	vst.idx.msk $0xffff, v53;
	v53 =	vmin.f32 v5, v18  }
0x48a: {  	v53 =	vmin.f32 v53, v19  }
0x48b: {  	v53 =	vmin.f32 v53, v20  }
0x48c: {  	v54 =	vnsel vm0, $0x7F800000, v54;
	v53 =	vmin.f32 v53, v21  }
0x48d: {  	v6 =	vld.idx.msk [tilespmem:v59+s2+$0x0], $0xffff;
	v53 =	vmin.f32 v53, v54  }
0x48e: {  	(xrf0) =	vmin.scan.msk.f32 $0xffff, v53;
	_ =	sdelay $0x1  }
0x48f: {  	v7 =	vmul.f32 v37, v62;
	_ =	sdelay $0x1  }
0x490: {  	v55 =	vadd.f32 v6, v7;
	v6 =	vld [tilespmem:$0x1FF30];
	_ =	sdelay $0x1  }
0x491: {  	v10, _, _ =	vpop (xrf0)  }
0x492: {  	v56 =	vbroadcast v10, $0xF  }
0x493: {  	v47 =	vshll.u32 v47, $0x8;
	v7 =	vld [tilespmem:$0x1FF40]  }
0x494: {  	v45 =	vshll.u32 v45, $0x8;
	v47 =	vor.u32 v6, v47;
	vm1 =	veq.f32 v2, v56  }
0x495: {  	v2 =	vor.u32 v0, v45;
	v11 =	vnsel vm1, $0x7FFFFFFF, v47  }
0x496: {  	[tilespmem:v59+s2+$0x0] =	vst.idx.msk $0xffff, v55;
	vm1 =	vlt.s32 v2, v11  }
0x497: {  	v8 =	vld.idx.msk [tilespmem:v51+s2+$0x0], $0xffff;
	vm2 =	veq.f32 v1, v56;
	v1 =	vsel vm1, v2, v11;
	v2 =	vshll.u32 v44, $0x8  }
0x498: {  	v1 =	vsel vm2, v1, v11;
	v2 =	vor.u32 v7, v2  }
0x499: {  	vm1 =	vlt.s32 v1, v2  }
0x49a: {  	v9 =	vmul.f32 v37, v63;
	vm2 =	veq.f32 v3, v56;
	v2 =	vsel vm1, v1, v2  }
0x49b: {  	v1 =	vsel vm2, v2, v1;
	v2 =	vld [tilespmem:$0x1FF50]  }
0x49c: {  	v53 =	vadd.f32 v8, v9;
	_ =	sdelay $0x1  }
0x49d: {  	v8 =	vld [tilespmem:$0x1FF60];
	[tilespmem:v51+s2+$0x0] =	vst.idx.msk $0xffff, v53  }
0x49e: {  	v12 =	vld.idx.msk [tilespmem:v49+s2+$0x0], $0xffff;
	v3 =	vshll.u32 v43, $0x8  }
0x49f: {  	v2 =	vor.u32 v2, v3  }
0x4a0: {  	v40 =	vshll.u32 v40, $0x8;
	v5 =	vld [tilespmem:$0x1FF70];
	vm1 =	vlt.s32 v1, v2  }
0x4a1: {  	v15 =	vmul.f32 v37, v52;
	vm2 =	veq.f32 v4, v56;
	v2 =	vsel vm1, v1, v2  }
0x4a2: {  	v1 =	vsel vm2, v2, v1;
	v2 =	vor.u32 v8, v40  }
0x4a3: {  	v3 =	vadd.f32 v12, v15;
	v15 =	vld [tilespmem:$0x1FF80];
	vm1 =	vlt.s32 v1, v2  }
0x4a4: {  	v43 =	vshll.u32 v39, $0x8;
	vm2 =	veq.f32 v13, v56;
	v2 =	vsel vm1, v1, v2  }
0x4a5: {  	v1 =	vsel vm2, v2, v1;
	v2 =	vor.u32 v5, v43  }
0x4a6: {  	v10 =	vld [tilespmem:$0x1FF90];
	vm1 =	vlt.s32 v1, v2  }
0x4a7: {  	v45 =	vshll.u32 v36, $0x8;
	vm2 =	veq.f32 v14, v56;
	v2 =	vsel vm1, v1, v2  }
0x4a8: {  	v1 =	vsel vm2, v2, v1;
	v2 =	vor.u32 v15, v45  }
0x4a9: {  	v11 =	vld [tilespmem:$0x1FFA0];
	vm1 =	vlt.s32 v1, v2  }
0x4aa: {  	v47 =	vshll.u32 v32, $0x8;
	vm2 =	veq.f32 v16, v56;
	v2 =	vsel vm1, v1, v2  }
0x4ab: {  	v1 =	vsel vm2, v2, v1;
	v2 =	vor.u32 v10, v47  }
0x4ac: {  	v12 =	vld [tilespmem:$0x1FFB0];
	vm1 =	vlt.s32 v1, v2  }
0x4ad: {  	[tilespmem:v49+s2+$0x0] =	vst.idx.msk $0xffff, v3;
	v49 =	vshll.u32 v28, $0x8;
	vm2 =	veq.f32 v17, v56;
	v2 =	vsel vm1, v1, v2  }
0x4ae: {  	v1 =	vsel vm2, v2, v1;
	v2 =	vor.u32 v11, v49  }
0x4af: {  	v3 =	vld.idx.msk [tilespmem:v46+s2+$0x0], $0xffff;
	vm1 =	vlt.s32 v1, v2  }
0x4b0: {  	v51 =	vshll.u32 v26, $0x8;
	vm2 =	veq.f32 v18, v56;
	v2 =	vsel vm1, v1, v2  }
0x4b1: {  	v1 =	vsel vm2, v2, v1;
	v2 =	vor.u32 v12, v51  }
0x4b2: {  	v44 =	vmul.f32 v37, v50;
	vm1 =	vlt.s32 v1, v2  }
0x4b3: {  	vm2 =	veq.f32 v19, v56;
	v2 =	vsel vm1, v1, v2  }
0x4b4: {  	v3 =	vadd.f32 v3, v44;
	v1 =	vsel vm2, v2, v1;
	v2 =	vld [tilespmem:$0x1FFC0];
	_ =	sdelay $0x1  }
0x4b5: {  	[tilespmem:v46+s2+$0x0] =	vst.idx.msk $0xffff, v3  }
0x4b6: {  	v3 =	vld.idx.msk [tilespmem:v41+s2+$0x0], $0xffff  }
0x4b7: {  	v52 =	vshll.u32 v24, $0x8  }
0x4b8: {  	v2 =	vor.u32 v2, v52  }
0x4b9: {  	v50 =	vmul.f32 v37, v48;
	vm1 =	vlt.s32 v1, v2  }
0x4ba: {  	vm2 =	veq.f32 v20, v56;
	v2 =	vsel vm1, v1, v2  }
0x4bb: {  	v3 =	vadd.f32 v3, v50;
	v1 =	vsel vm2, v2, v1;
	v2 =	vld [tilespmem:$0x1FFD0];
	_ =	sdelay $0x1  }
0x4bc: {  	v9 =	vld [tilespmem:$0x1FFF0];
	[tilespmem:v41+s2+$0x0] =	vst.idx.msk $0xffff, v3  }
0x4bd: {  	v3 =	vld.idx.msk [tilespmem:v34+s2+$0x0], $0xffff  }
0x4be: {  	v53 =	vshll.u32 v23, $0x8  }
0x4bf: {  	v2 =	vor.u32 v2, v53  }
0x4c0: {  	v55 =	vmul.f32 v37, v42;
	vm1 =	vlt.s32 v1, v2  }
0x4c1: {  	v57 =	vshll.u32 v22, $0x8;
	vm2 =	veq.f32 v21, v56;
	v2 =	vsel vm1, v1, v2  }
0x4c2: {  	v3 =	vadd.f32 v3, v55;
	v1 =	vsel vm2, v2, v1;
	v2 =	vor.u32 v9, v57  }
0x4c3: {  	vm1 =	vlt.s32 v1, v2  }
0x4c4: {  	[tilespmem:v34+s2+$0x0] =	vst.idx.msk $0xffff, v3;
	vm2 =	veq.f32 v54, v56;
	v2 =	vsel vm1, v1, v2  }
0x4c5: {  	v3 =	vld.idx.msk [tilespmem:v30+s2+$0x0], $0xffff;
	v1 =	vsel vm2, v2, v1  }
0x4c6: {  	v1 =	vxor.u32 $0x80000000, v1  }
0x4c7: {  	(xrf0) =	vmin.scan.msk.u32 $0xffff, v1  }
0x4c8: {  	v1 =	vmul.f32 v37, v38;
	_ =	sdelay $0x1  }
0x4c9: {  	v1 =	vadd.f32 v3, v1;
	_ =	sdelay $0x1  }
0x4ca: {  	[tilespmem:v30+s2+$0x0] =	vst.idx.msk $0xffff, v1  }
0x4cb: {  	v1 =	vld.idx.msk [tilespmem:v29+s2+$0x0], $0xffff;
	v2, _, _ =	vpop (xrf0)  }
0x4cc: {  	(v2sf) =	vpush v2, $0xF;
	_ =	sdelay $0x1  }
0x4cd: {  	v2 =	vmul.f32 v37, v35;
	_ =	sdelay $0x1  }
0x4ce: {  	v1 =	vadd.f32 v1, v2;
	_ =	sdelay $0x1  }
0x4cf: {  	[tilespmem:v29+s2+$0x0] =	vst.idx.msk $0xffff, v1  }
0x4d0: {  	v1 =	vld.idx.msk [tilespmem:v27+s2+$0x0], $0xffff;
	_ =	sdelay $0x2  }
0x4d1: {  	v2 =	vmul.f32 v37, v33;
	_ =	sdelay $0x1  }
0x4d2: {  	v1 =	vadd.f32 v1, v2;
	_ =	sdelay $0x1  }
0x4d3: {  	[tilespmem:v27+s2+$0x0] =	vst.idx.msk $0xffff, v1  }
0x4d4: {  	v1 =	vld.idx.msk [tilespmem:v25+s2+$0x0], $0xffff;
	s0 =	spop (v2sf)  }
0x4d5: {  	s0 =	sxor.u32 $0x80000000, s0  }
0x4d6: {  	v2 =	vmov s0  }
0x4d7: {  	v3 =	vmul.f32 v37, v31;
	v58 =	vshrl.u32 v2, $0x8  }
0x4d8: {  	v2 =	vand.u32 $0xFF, v2  }
0x4d9: {  	v1 =	vadd.f32 v1, v3;
	_ =	sdelay $0x1  }
0x4da: {  	[tilespmem:v25+s2+$0x0] =	vst.idx.msk $0xffff, v1;
	v1 =	vimm.s32 $0x7FC  }
0x4db: {  	[tilespmem:v58+s20+$0x0] =	vst.idx.msk $0x1, v1;
	v1 =	vimm.s32 $0x731  }
0x4dc: {  	[tilespmem:v2+s21+$0x0] =	vst.idx.msk $0x1, v1  }
0x4dd: {  	_ =	swait.ge [sflag:s22], $0x800  }
0x4de: {  	[sflag:s22] =	ssyncset.done $0x0  }
0x4df: {  	[sflag:s22] =	ssyncadd.s32 $0xFFFFF800  }
0x4e0: {  	v45 =	vld [tilespmem:$0x2A80]  }
0x4e1: {  	v47 =	vld [tilespmem:$0x2A90];
	_ =	sdelay $0x1  }
0x4e2: {  	v44 =	vld [tilespmem:$0x2AA0];
	_ =	sdelay $0x1  }
0x4e3: {  	v43 =	vld [tilespmem:$0x2AB0]  }
0x4e4: {  	v40 =	vld [tilespmem:$0x2AC0]  }
0x4e5: {  	v39 =	vld [tilespmem:$0x2AD0]  }
0x4e6: {  	v1 =	vld.idx.msk [tilespmem:v45+s16+$0x0], $0xffff  }
0x4e7: {  	v2 =	vld.idx.msk [tilespmem:v47+s16+$0x0], $0xffff  }
0x4e8: {  	v36 =	vld [tilespmem:$0x2AE0]  }
0x4e9: {  	v3 =	vld.idx.msk [tilespmem:v44+s16+$0x0], $0xffff  }
0x4ea: {  	v32 =	vld [tilespmem:$0x2AF0]  }
0x4eb: {  	v4 =	vld.idx.msk [tilespmem:v43+s16+$0x0], $0xffff  }
0x4ec: {  	v28 =	vld [tilespmem:$0x2B00];
	v59 =	vadd.f32 v2, v1  }
0x4ed: {  	v14 =	vld.idx.msk [tilespmem:v40+s16+$0x0], $0xffff  }
0x4ee: {  	v26 =	vld [tilespmem:$0x2B10];
	v13 =	vadd.f32 v3, v59  }
0x4ef: {  	v16 =	vld.idx.msk [tilespmem:v39+s16+$0x0], $0xffff  }
0x4f0: {  	v24 =	vld [tilespmem:$0x2B20];
	v13 =	vadd.f32 v4, v13  }
0x4f1: {  	v17 =	vld.idx.msk [tilespmem:v36+s16+$0x0], $0xffff  }
0x4f2: {  	v23 =	vld [tilespmem:$0x2B30];
	v13 =	vadd.f32 v14, v13  }
0x4f3: {  	v18 =	vld.idx.msk [tilespmem:v32+s16+$0x0], $0xffff  }
0x4f4: {  	v22 =	vld [tilespmem:$0x2B40];
	v13 =	vadd.f32 v16, v13  }
0x4f5: {  	v19 =	vld.idx.msk [tilespmem:v28+s16+$0x0], $0xffff  }
0x4f6: {  	v13 =	vadd.f32 v17, v13  }
0x4f7: {  	v20 =	vld.idx.msk [tilespmem:v26+s16+$0x0], $0xffff  }
0x4f8: {  	v13 =	vadd.f32 v18, v13  }
0x4f9: {  	v21 =	vld.idx.msk [tilespmem:v24+s16+$0x0], $0xffff  }
0x4fa: {  	v53 =	vadd.s32 $0x732, v0;
	v13 =	vadd.f32 v19, v13  }
0x4fb: {  	v54 =	vld.idx.msk [tilespmem:v23+s16+$0x0], $0xffff  }
0x4fc: {  	v55 =	vadd.s32 $0x742, v0;
	v13 =	vadd.f32 v20, v13  }
0x4fd: {  	v56 =	vld.idx.msk [tilespmem:v22+s16+$0x0], $0xffff  }
0x4fe: {  	v57 =	vadd.s32 $0x752, v0;
	v13 =	vadd.f32 v21, v13  }
0x4ff: {  	v58 =	vld.idx.msk [tilespmem:v53+s16+$0x0], $0xffff  }
0x500: {  	v59 =	vadd.s32 $0x762, v0;
	v13 =	vadd.f32 v54, v13  }
0x501: {  	v60 =	vld.idx.msk [tilespmem:v55+s16+$0x0], $0xffff  }
0x502: {  	v51 =	vadd.s32 $0x772, v0;
	v13 =	vadd.f32 v56, v13  }
0x503: {  	v61 =	vld.idx.msk [tilespmem:v57+s16+$0x0], $0xffff  }
0x504: {  	v49 =	vadd.s32 $0x782, v0;
	v13 =	vadd.f32 v58, v13  }
0x505: {  	v62 =	vld.idx.msk [tilespmem:v59+s16+$0x0], $0xffff  }
0x506: {  	v46 =	vadd.s32 $0x792, v0;
	v13 =	vadd.f32 v60, v13  }
0x507: {  	v63 =	vld.idx.msk [tilespmem:v51+s16+$0x0], $0xffff  }
0x508: {  	v41 =	vadd.s32 $0x7A2, v0;
	v13 =	vadd.f32 v61, v13  }
0x509: {  	v52 =	vld.idx.msk [tilespmem:v49+s16+$0x0], $0xffff  }
0x50a: {  	v34 =	vadd.s32 $0x7B2, v0;
	v13 =	vadd.f32 v62, v13  }
0x50b: {  	v50 =	vld.idx.msk [tilespmem:v46+s16+$0x0], $0xffff  }
0x50c: {  	v30 =	vadd.s32 $0x7C2, v0;
	v13 =	vadd.f32 v63, v13  }
0x50d: {  	v48 =	vld.idx.msk [tilespmem:v41+s16+$0x0], $0xffff  }
0x50e: {  	v29 =	vadd.s32 $0x7D2, v0;
	v13 =	vadd.f32 v52, v13  }
0x50f: {  	v42 =	vld.idx.msk [tilespmem:v34+s16+$0x0], $0xffff  }
0x510: {  	v27 =	vadd.s32 $0x7E2, v0;
	v13 =	vadd.f32 v50, v13  }
0x511: {  	v38 =	vld.idx.msk [tilespmem:v30+s16+$0x0], $0xffff  }
0x512: {  	v25 =	vadd.s32 $0x7F2, v0;
	v13 =	vadd.f32 v48, v13  }
0x513: {  	v35 =	vld.idx.msk [tilespmem:v29+s16+$0x0], $0xffff  }
0x514: {  	v13 =	vadd.f32 v42, v13  }
0x515: {  	v33 =	vld.idx.msk [tilespmem:v27+s16+$0x0], $0xffff  }
0x516: {  	v13 =	vadd.f32 v38, v13  }
0x517: {  	v31 =	vld.idx.msk [tilespmem:v25+s16+$0x0], $0xffff  }
0x518: {  	v13 =	vadd.f32 v35, v13;
	_ =	sdelay $0x1  }
0x519: {  	v13 =	vadd.f32 v33, v13;
	_ =	sdelay $0x1  }
0x51a: {  	v13 =	vadd.f32 v31, v13;
	_ =	sdelay $0x1  }
0x51b: {  	(xrf2) =	vadd.scan.msk.f32 $0xffff, v13;
	_ =	sdelay $0x9  }
0x51c: {  	v13, _, _ =	vpop (xrf2)  }
0x51d: {  	v13 =	vbroadcast v13, $0xF;
	_ =	sdelay $0x1  }
0x51e: {  	(erf) = vrcp.f32 v13;
	_ =	sdelay $0x6  }
0x51f: {  	v13 =	vld.idx.msk [tilespmem:v45+s2+$0x0], $0xffff;
	_ =	sdelay $0x1  }
0x520: {  	v37 =	vpop (erf)  }
0x521: {  	v1 =	vmul.f32 v37, v1;
	_ =	sdelay $0x1  }
0x522: {  	v1 =	vadd.f32 v1, v13;
	_ =	sdelay $0x1  }
0x523: {  	[tilespmem:v45+s2+$0x0] =	vst.idx.msk $0xffff, v1  }
0x524: {  	v13 =	vld.idx.msk [tilespmem:v47+s2+$0x0], $0xffff;
	_ =	sdelay $0x2  }
0x525: {  	v2 =	vmul.f32 v37, v2;
	_ =	sdelay $0x1  }
0x526: {  	v2 =	vadd.f32 v2, v13;
	_ =	sdelay $0x1  }
0x527: {  	[tilespmem:v47+s2+$0x0] =	vst.idx.msk $0xffff, v2  }
0x528: {  	v13 =	vld.idx.msk [tilespmem:v44+s2+$0x0], $0xffff;
	_ =	sdelay $0x2  }
0x529: {  	v3 =	vmul.f32 v37, v3;
	_ =	sdelay $0x1  }
0x52a: {  	v3 =	vadd.f32 v3, v13;
	_ =	sdelay $0x1  }
0x52b: {  	[tilespmem:v44+s2+$0x0] =	vst.idx.msk $0xffff, v3  }
0x52c: {  	v13 =	vld.idx.msk [tilespmem:v43+s2+$0x0], $0xffff;
	_ =	sdelay $0x2  }
0x52d: {  	v4 =	vmul.f32 v37, v4;
	_ =	sdelay $0x1  }
0x52e: {  	v4 =	vadd.f32 v13, v4;
	_ =	sdelay $0x1  }
0x52f: {  	[tilespmem:v43+s2+$0x0] =	vst.idx.msk $0xffff, v4  }
0x530: {  	v13 =	vld.idx.msk [tilespmem:v40+s2+$0x0], $0xffff;
	_ =	sdelay $0x2  }
0x531: {  	v14 =	vmul.f32 v37, v14;
	_ =	sdelay $0x1  }
0x532: {  	v13 =	vadd.f32 v13, v14;
	_ =	sdelay $0x1  }
0x533: {  	[tilespmem:v40+s2+$0x0] =	vst.idx.msk $0xffff, v13  }
0x534: {  	v14 =	vld.idx.msk [tilespmem:v39+s2+$0x0], $0xffff;
	_ =	sdelay $0x2  }
0x535: {  	v16 =	vmul.f32 v37, v16;
	_ =	sdelay $0x1  }
0x536: {  	v14 =	vadd.f32 v14, v16;
	_ =	sdelay $0x1  }
0x537: {  	[tilespmem:v39+s2+$0x0] =	vst.idx.msk $0xffff, v14  }
0x538: {  	v16 =	vld.idx.msk [tilespmem:v36+s2+$0x0], $0xffff;
	_ =	sdelay $0x2  }
0x539: {  	v17 =	vmul.f32 v37, v17;
	_ =	sdelay $0x1  }
0x53a: {  	v16 =	vadd.f32 v16, v17;
	_ =	sdelay $0x1  }
0x53b: {  	[tilespmem:v36+s2+$0x0] =	vst.idx.msk $0xffff, v16  }
0x53c: {  	v17 =	vld.idx.msk [tilespmem:v32+s2+$0x0], $0xffff;
	_ =	sdelay $0x2  }
0x53d: {  	v18 =	vmul.f32 v37, v18;
	_ =	sdelay $0x1  }
0x53e: {  	v17 =	vadd.f32 v17, v18;
	_ =	sdelay $0x1  }
0x53f: {  	[tilespmem:v32+s2+$0x0] =	vst.idx.msk $0xffff, v17  }
0x540: {  	v18 =	vld.idx.msk [tilespmem:v28+s2+$0x0], $0xffff;
	_ =	sdelay $0x2  }
0x541: {  	v19 =	vmul.f32 v37, v19;
	_ =	sdelay $0x1  }
0x542: {  	v18 =	vadd.f32 v18, v19;
	_ =	sdelay $0x1  }
0x543: {  	[tilespmem:v28+s2+$0x0] =	vst.idx.msk $0xffff, v18  }
0x544: {  	v19 =	vld.idx.msk [tilespmem:v26+s2+$0x0], $0xffff;
	_ =	sdelay $0x2  }
0x545: {  	v20 =	vmul.f32 v37, v20;
	_ =	sdelay $0x1  }
0x546: {  	v19 =	vadd.f32 v19, v20;
	_ =	sdelay $0x1  }
0x547: {  	[tilespmem:v26+s2+$0x0] =	vst.idx.msk $0xffff, v19  }
0x548: {  	v20 =	vld.idx.msk [tilespmem:v24+s2+$0x0], $0xffff;
	_ =	sdelay $0x2  }
0x549: {  	v21 =	vmul.f32 v37, v21;
	_ =	sdelay $0x1  }
0x54a: {  	v20 =	vadd.f32 v20, v21;
	_ =	sdelay $0x1  }
0x54b: {  	[tilespmem:v24+s2+$0x0] =	vst.idx.msk $0xffff, v20  }
0x54c: {  	v21 =	vld.idx.msk [tilespmem:v23+s2+$0x0], $0xffff;
	_ =	sdelay $0x2  }
0x54d: {  	v54 =	vmul.f32 v37, v54;
	_ =	sdelay $0x1  }
0x54e: {  	v21 =	vadd.f32 v21, v54;
	_ =	sdelay $0x1  }
0x54f: {  	[tilespmem:v23+s2+$0x0] =	vst.idx.msk $0xffff, v21  }
0x550: {  	v54 =	vld.idx.msk [tilespmem:v22+s2+$0x0], $0xffff;
	_ =	sdelay $0x2  }
0x551: {  	v56 =	vmul.f32 v37, v56;
	_ =	sdelay $0x1  }
0x552: {  	v54 =	vadd.f32 v54, v56;
	_ =	sdelay $0x1  }
0x553: {  	[tilespmem:v22+s2+$0x0] =	vst.idx.msk $0xffff, v54  }
0x554: {  	v56 =	vld.idx.msk [tilespmem:v53+s2+$0x0], $0xffff;
	_ =	sdelay $0x2  }
0x555: {  	v58 =	vmul.f32 v37, v58;
	_ =	sdelay $0x1  }
0x556: {  	v56 =	vadd.f32 v56, v58;
	_ =	sdelay $0x1  }
0x557: {  	[tilespmem:v53+s2+$0x0] =	vst.idx.msk $0xffff, v56  }
0x558: {  	v53 =	vld.idx.msk [tilespmem:v55+s2+$0x0], $0xffff;
	_ =	sdelay $0x2  }
0x559: {  	v60 =	vmul.f32 v37, v60;
	_ =	sdelay $0x1  }
0x55a: {  	v53 =	vadd.f32 v53, v60;
	_ =	sdelay $0x1  }
0x55b: {  	[tilespmem:v55+s2+$0x0] =	vst.idx.msk $0xffff, v53  }
0x55c: {  	v60 =	vmin.f32 v1, v2;
	v53 =	vld.idx.msk [tilespmem:v57+s2+$0x0], $0xffff  }
0x55d: {  	v55 =	vmin.f32 v60, v3  }
0x55e: {  	v55 =	vmin.f32 v55, v4  }
0x55f: {  	v61 =	vmul.f32 v37, v61;
	v55 =	vmin.f32 v55, v13  }
0x560: {  	v55 =	vmin.f32 v55, v14  }
0x561: {  	v55 =	vmin.f32 v55, v16;
	v53 =	vadd.f32 v53, v61  }
0x562: {  	v58 =	vmin.f32 v55, v17  }
0x563: {  	[tilespmem:v57+s2+$0x0] =	vst.idx.msk $0xffff, v53;
	v53 =	vmin.f32 v58, v18  }
0x564: {  	v53 =	vmin.f32 v53, v19  }
0x565: {  	v53 =	vmin.f32 v53, v20  }
0x566: {  	v54 =	vnsel vm0, $0x7F800000, v54;
	v53 =	vmin.f32 v53, v21  }
0x567: {  	v53 =	vmin.f32 v53, v54  }
0x568: {  	v60 =	vld.idx.msk [tilespmem:v59+s2+$0x0], $0xffff;
	(xrf0) =	vmin.scan.msk.f32 $0xffff, v53;
	_ =	sdelay $0x2  }
0x569: {  	v61 =	vmul.f32 v37, v62;
	_ =	sdelay $0x1  }
0x56a: {  	v55 =	vadd.f32 v60, v61  }
0x56b: {  	v60, _, _ =	vpop (xrf0)  }
0x56c: {  	[tilespmem:v59+s2+$0x0] =	vst.idx.msk $0xffff, v55;
	v56 =	vbroadcast v60, $0xF  }
0x56d: {  	v47 =	vshll.u32 v47, $0x8;
	v62 =	vld.idx.msk [tilespmem:v51+s2+$0x0], $0xffff  }
0x56e: {  	v45 =	vshll.u32 v45, $0x8;
	v47 =	vor.u32 v6, v47;
	vm1 =	veq.f32 v2, v56  }
0x56f: {  	v2 =	vor.u32 v0, v45;
	v61 =	vnsel vm1, $0x7FFFFFFF, v47  }
0x570: {  	v63 =	vmul.f32 v37, v63;
	vm1 =	vlt.s32 v2, v61  }
0x571: {  	vm2 =	veq.f32 v1, v56;
	v1 =	vsel vm1, v2, v61;
	v2 =	vshll.u32 v44, $0x8  }
0x572: {  	v53 =	vadd.f32 v62, v63;
	v2 =	vor.u32 v7, v2;
	v7 =	vld [tilespmem:$0x1FF50];
	_ =	sdelay $0x1  }
0x573: {  	[tilespmem:v51+s2+$0x0] =	vst.idx.msk $0xffff, v53;
	v1 =	vsel vm2, v1, v61  }
0x574: {  	v62 =	vld.idx.msk [tilespmem:v49+s2+$0x0], $0xffff;
	vm1 =	vlt.s32 v1, v2  }
0x575: {  	vm2 =	veq.f32 v3, v56;
	v3 =	vshll.u32 v43, $0x8;
	v2 =	vsel vm1, v1, v2  }
0x576: {  	v1 =	vsel vm2, v2, v1;
	v2 =	vor.u32 v7, v3  }
0x577: {  	v63 =	vmul.f32 v37, v52;
	vm1 =	vlt.s32 v1, v2  }
0x578: {  	v40 =	vshll.u32 v40, $0x8;
	vm2 =	veq.f32 v4, v56;
	v2 =	vsel vm1, v1, v2  }
0x579: {  	v3 =	vadd.f32 v62, v63;
	v1 =	vsel vm2, v2, v1;
	v2 =	vor.u32 v8, v40  }
0x57a: {  	vm1 =	vlt.s32 v1, v2  }
0x57b: {  	v43 =	vshll.u32 v39, $0x8;
	[tilespmem:v49+s2+$0x0] =	vst.idx.msk $0xffff, v3;
	vm2 =	veq.f32 v13, v56;
	v2 =	vsel vm1, v1, v2  }
0x57c: {  	v3 =	vld.idx.msk [tilespmem:v46+s2+$0x0], $0xffff;
	v1 =	vsel vm2, v2, v1;
	v2 =	vor.u32 v5, v43  }
0x57d: {  	vm1 =	vlt.s32 v1, v2  }
0x57e: {  	v45 =	vshll.u32 v36, $0x8;
	vm2 =	veq.f32 v14, v56;
	v2 =	vsel vm1, v1, v2  }
0x57f: {  	v44 =	vmul.f32 v37, v50;
	v1 =	vsel vm2, v2, v1;
	v2 =	vor.u32 v15, v45  }
0x580: {  	v47 =	vshll.u32 v32, $0x8;
	vm1 =	vlt.s32 v1, v2  }
0x581: {  	v3 =	vadd.f32 v3, v44;
	vm2 =	veq.f32 v16, v56;
	v2 =	vsel vm1, v1, v2  }
0x582: {  	v1 =	vsel vm2, v2, v1;
	v2 =	vor.u32 v10, v47  }
0x583: {  	[tilespmem:v46+s2+$0x0] =	vst.idx.msk $0xffff, v3;
	vm1 =	vlt.s32 v1, v2  }
0x584: {  	v49 =	vshll.u32 v28, $0x8;
	v3 =	vld.idx.msk [tilespmem:v41+s2+$0x0], $0xffff;
	vm2 =	veq.f32 v17, v56;
	v2 =	vsel vm1, v1, v2  }
0x585: {  	v1 =	vsel vm2, v2, v1;
	v2 =	vor.u32 v11, v49  }
0x586: {  	v51 =	vshll.u32 v26, $0x8;
	v8 =	vmov v5;
	v5 =	vld [tilespmem:$0x1FFC0];
	vm1 =	vlt.s32 v1, v2  }
0x587: {  	v50 =	vmul.f32 v37, v48;
	vm2 =	veq.f32 v18, v56;
	v2 =	vsel vm1, v1, v2  }
0x588: {  	v1 =	vsel vm2, v2, v1;
	v2 =	vor.u32 v12, v51  }
0x589: {  	v6 =	vld [tilespmem:$0x1FFD0];
	v3 =	vadd.f32 v3, v50;
	vm1 =	vlt.s32 v1, v2  }
0x58a: {  	v52 =	vshll.u32 v24, $0x8;
	vm2 =	veq.f32 v19, v56;
	v2 =	vsel vm1, v1, v2  }
0x58b: {  	[tilespmem:v41+s2+$0x0] =	vst.idx.msk $0xffff, v3;
	v1 =	vsel vm2, v2, v1;
	v2 =	vor.u32 v5, v52  }
0x58c: {  	v3 =	vld.idx.msk [tilespmem:v34+s2+$0x0], $0xffff;
	vm1 =	vlt.s32 v1, v2  }
0x58d: {  	v53 =	vshll.u32 v23, $0x8;
	vm2 =	veq.f32 v20, v56;
	v2 =	vsel vm1, v1, v2  }
0x58e: {  	v1 =	vsel vm2, v2, v1;
	v2 =	vor.u32 v6, v53  }
0x58f: {  	v55 =	vmul.f32 v37, v42;
	vm1 =	vlt.s32 v1, v2  }
0x590: {  	v57 =	vshll.u32 v22, $0x8;
	vm2 =	veq.f32 v21, v56;
	v2 =	vsel vm1, v1, v2  }
0x591: {  	v3 =	vadd.f32 v3, v55;
	v1 =	vsel vm2, v2, v1;
	v2 =	vor.u32 v9, v57  }
0x592: {  	vm1 =	vlt.s32 v1, v2  }
0x593: {  	[tilespmem:v34+s2+$0x0] =	vst.idx.msk $0xffff, v3;
	vm2 =	veq.f32 v54, v56;
	v2 =	vsel vm1, v1, v2  }
0x594: {  	v3 =	vld.idx.msk [tilespmem:v30+s2+$0x0], $0xffff;
	v1 =	vsel vm2, v2, v1  }
0x595: {  	v1 =	vxor.u32 $0x80000000, v1  }
0x596: {  	(xrf0) =	vmin.scan.msk.u32 $0xffff, v1  }
0x597: {  	v1 =	vmul.f32 v37, v38;
	_ =	sdelay $0x1  }
0x598: {  	v1 =	vadd.f32 v3, v1;
	_ =	sdelay $0x1  }
0x599: {  	[tilespmem:v30+s2+$0x0] =	vst.idx.msk $0xffff, v1  }
0x59a: {  	v1 =	vld.idx.msk [tilespmem:v29+s2+$0x0], $0xffff;
	v2, _, _ =	vpop (xrf0)  }
0x59b: {  	(v2sf) =	vpush v2, $0xF;
	_ =	sdelay $0x1  }
0x59c: {  	v2 =	vmul.f32 v37, v35;
	_ =	sdelay $0x1  }
0x59d: {  	v1 =	vadd.f32 v1, v2;
	_ =	sdelay $0x1  }
0x59e: {  	[tilespmem:v29+s2+$0x0] =	vst.idx.msk $0xffff, v1  }
0x59f: {  	v1 =	vld.idx.msk [tilespmem:v27+s2+$0x0], $0xffff;
	_ =	sdelay $0x2  }
0x5a0: {  	v2 =	vmul.f32 v37, v33;
	_ =	sdelay $0x1  }
0x5a1: {  	v1 =	vadd.f32 v1, v2;
	_ =	sdelay $0x1  }
0x5a2: {  	[tilespmem:v27+s2+$0x0] =	vst.idx.msk $0xffff, v1  }
0x5a3: {  	v1 =	vld.idx.msk [tilespmem:v25+s2+$0x0], $0xffff;
	s30 =	spop (v2sf)  }
0x5a4: {  	s0 =	sxor.u32 $0x80000000, s30  }
0x5a5: {  	v2 =	vmov s0  }
0x5a6: {  	v3 =	vmul.f32 v37, v31;
	v58 =	vshrl.u32 v2, $0x8  }
0x5a7: {  	v2 =	vand.u32 $0xFF, v2  }
0x5a8: {  	v1 =	vadd.f32 v1, v3;
	_ =	sdelay $0x1  }
0x5a9: {  	[tilespmem:v25+s2+$0x0] =	vst.idx.msk $0xffff, v1;
	v1 =	vimm.s32 $0x7FD  }
0x5aa: {  	[tilespmem:v58+s20+$0x0] =	vst.idx.msk $0x1, v1;
	v1 =	vimm.s32 $0x732  }
0x5ab: {  	[tilespmem:v2+s21+$0x0] =	vst.idx.msk $0x1, v1  }
0x5ac: {  	_ =	swait.ge [sflag:s23], $0x800  }
0x5ad: {  	[sflag:s23] =	ssyncset.done $0x0  }
0x5ae: {  	[sflag:s23] =	ssyncadd.s32 $0xFFFFF800  }
0x5af: {  	v45 =	vld [tilespmem:$0x2A80]  }
0x5b0: {  	v48 =	vld [tilespmem:$0x2A90];
	_ =	sdelay $0x1  }
0x5b1: {  	v44 =	vld [tilespmem:$0x2AA0];
	_ =	sdelay $0x1  }
0x5b2: {  	v43 =	vld [tilespmem:$0x2AB0]  }
0x5b3: {  	v40 =	vld [tilespmem:$0x2AC0]  }
0x5b4: {  	v39 =	vld [tilespmem:$0x2AD0]  }
0x5b5: {  	v1 =	vld.idx.msk [tilespmem:v45+s17+$0x0], $0xffff  }
0x5b6: {  	v2 =	vld.idx.msk [tilespmem:v48+s17+$0x0], $0xffff  }
0x5b7: {  	v36 =	vld [tilespmem:$0x2AE0]  }
0x5b8: {  	v3 =	vld.idx.msk [tilespmem:v44+s17+$0x0], $0xffff  }
0x5b9: {  	v32 =	vld [tilespmem:$0x2AF0]  }
0x5ba: {  	v4 =	vld.idx.msk [tilespmem:v43+s17+$0x0], $0xffff  }
0x5bb: {  	v28 =	vld [tilespmem:$0x2B00];
	v59 =	vadd.f32 v2, v1  }
0x5bc: {  	v14 =	vld.idx.msk [tilespmem:v40+s17+$0x0], $0xffff  }
0x5bd: {  	v26 =	vld [tilespmem:$0x2B10];
	v13 =	vadd.f32 v3, v59  }
0x5be: {  	v16 =	vld.idx.msk [tilespmem:v39+s17+$0x0], $0xffff  }
0x5bf: {  	v24 =	vld [tilespmem:$0x2B20];
	v13 =	vadd.f32 v4, v13  }
0x5c0: {  	v17 =	vld.idx.msk [tilespmem:v36+s17+$0x0], $0xffff  }
0x5c1: {  	v23 =	vld [tilespmem:$0x2B30];
	v13 =	vadd.f32 v14, v13  }
0x5c2: {  	v18 =	vld.idx.msk [tilespmem:v32+s17+$0x0], $0xffff  }
0x5c3: {  	v22 =	vld [tilespmem:$0x2B40];
	v13 =	vadd.f32 v16, v13  }
0x5c4: {  	v19 =	vld.idx.msk [tilespmem:v28+s17+$0x0], $0xffff  }
0x5c5: {  	v13 =	vadd.f32 v17, v13  }
0x5c6: {  	v20 =	vld.idx.msk [tilespmem:v26+s17+$0x0], $0xffff  }
0x5c7: {  	v13 =	vadd.f32 v18, v13  }
0x5c8: {  	v21 =	vld.idx.msk [tilespmem:v24+s17+$0x0], $0xffff  }
0x5c9: {  	v53 =	vadd.s32 $0x733, v0;
	v13 =	vadd.f32 v19, v13  }
0x5ca: {  	v54 =	vld.idx.msk [tilespmem:v23+s17+$0x0], $0xffff  }
0x5cb: {  	v55 =	vadd.s32 $0x743, v0;
	v13 =	vadd.f32 v20, v13  }
0x5cc: {  	v56 =	vld.idx.msk [tilespmem:v22+s17+$0x0], $0xffff  }
0x5cd: {  	v57 =	vadd.s32 $0x753, v0;
	v13 =	vadd.f32 v21, v13  }
0x5ce: {  	v58 =	vld.idx.msk [tilespmem:v53+s17+$0x0], $0xffff  }
0x5cf: {  	v59 =	vadd.s32 $0x763, v0;
	v13 =	vadd.f32 v54, v13  }
0x5d0: {  	v60 =	vld.idx.msk [tilespmem:v55+s17+$0x0], $0xffff  }
0x5d1: {  	v51 =	vadd.s32 $0x773, v0;
	v13 =	vadd.f32 v56, v13  }
0x5d2: {  	v61 =	vld.idx.msk [tilespmem:v57+s17+$0x0], $0xffff  }
0x5d3: {  	v49 =	vadd.s32 $0x783, v0;
	v13 =	vadd.f32 v58, v13  }
0x5d4: {  	v62 =	vld.idx.msk [tilespmem:v59+s17+$0x0], $0xffff  }
0x5d5: {  	v46 =	vadd.s32 $0x793, v0;
	v13 =	vadd.f32 v60, v13  }
0x5d6: {  	v63 =	vld.idx.msk [tilespmem:v51+s17+$0x0], $0xffff  }
0x5d7: {  	v41 =	vadd.s32 $0x7A3, v0;
	v13 =	vadd.f32 v61, v13  }
0x5d8: {  	v52 =	vld.idx.msk [tilespmem:v49+s17+$0x0], $0xffff  }
0x5d9: {  	v34 =	vadd.s32 $0x7B3, v0;
	v13 =	vadd.f32 v62, v13  }
0x5da: {  	v50 =	vld.idx.msk [tilespmem:v46+s17+$0x0], $0xffff  }
0x5db: {  	v30 =	vadd.s32 $0x7C3, v0;
	v13 =	vadd.f32 v63, v13  }
0x5dc: {  	v47 =	vld.idx.msk [tilespmem:v41+s17+$0x0], $0xffff  }
0x5dd: {  	v29 =	vadd.s32 $0x7D3, v0;
	v13 =	vadd.f32 v52, v13  }
0x5de: {  	v42 =	vld.idx.msk [tilespmem:v34+s17+$0x0], $0xffff  }
0x5df: {  	v27 =	vadd.s32 $0x7E3, v0;
	v13 =	vadd.f32 v50, v13  }
0x5e0: {  	v38 =	vld.idx.msk [tilespmem:v30+s17+$0x0], $0xffff  }
0x5e1: {  	v25 =	vadd.s32 $0x7F3, v0;
	v13 =	vadd.f32 v47, v13  }
0x5e2: {  	v35 =	vld.idx.msk [tilespmem:v29+s17+$0x0], $0xffff  }
0x5e3: {  	v13 =	vadd.f32 v42, v13  }
0x5e4: {  	v33 =	vld.idx.msk [tilespmem:v27+s17+$0x0], $0xffff  }
0x5e5: {  	v13 =	vadd.f32 v38, v13  }
0x5e6: {  	v31 =	vld.idx.msk [tilespmem:v25+s17+$0x0], $0xffff  }
0x5e7: {  	v13 =	vadd.f32 v35, v13;
	_ =	sdelay $0x1  }
0x5e8: {  	v13 =	vadd.f32 v33, v13;
	_ =	sdelay $0x1  }
0x5e9: {  	v13 =	vadd.f32 v31, v13;
	_ =	sdelay $0x1  }
0x5ea: {  	(xrf2) =	vadd.scan.msk.f32 $0xffff, v13;
	_ =	sdelay $0x9  }
0x5eb: {  	v13, _, _ =	vpop (xrf2)  }
0x5ec: {  	v13 =	vbroadcast v13, $0xF;
	_ =	sdelay $0x1  }
0x5ed: {  	(erf) = vrcp.f32 v13;
	_ =	sdelay $0x6  }
0x5ee: {  	v13 =	vld.idx.msk [tilespmem:v45+s2+$0x0], $0xffff;
	_ =	sdelay $0x1  }
0x5ef: {  	v37 =	vpop (erf)  }
0x5f0: {  	v1 =	vmul.f32 v37, v1;
	_ =	sdelay $0x1  }
0x5f1: {  	v1 =	vadd.f32 v1, v13;
	_ =	sdelay $0x1  }
0x5f2: {  	[tilespmem:v45+s2+$0x0] =	vst.idx.msk $0xffff, v1  }
0x5f3: {  	v13 =	vld.idx.msk [tilespmem:v48+s2+$0x0], $0xffff;
	_ =	sdelay $0x2  }
0x5f4: {  	v2 =	vmul.f32 v37, v2;
	_ =	sdelay $0x1  }
0x5f5: {  	v2 =	vadd.f32 v2, v13;
	_ =	sdelay $0x1  }
0x5f6: {  	[tilespmem:v48+s2+$0x0] =	vst.idx.msk $0xffff, v2  }
0x5f7: {  	v13 =	vld.idx.msk [tilespmem:v44+s2+$0x0], $0xffff;
	_ =	sdelay $0x2  }
0x5f8: {  	v3 =	vmul.f32 v37, v3;
	_ =	sdelay $0x1  }
0x5f9: {  	v3 =	vadd.f32 v3, v13;
	_ =	sdelay $0x1  }
0x5fa: {  	[tilespmem:v44+s2+$0x0] =	vst.idx.msk $0xffff, v3  }
0x5fb: {  	v13 =	vld.idx.msk [tilespmem:v43+s2+$0x0], $0xffff;
	_ =	sdelay $0x2  }
0x5fc: {  	v4 =	vmul.f32 v37, v4;
	_ =	sdelay $0x1  }
0x5fd: {  	v4 =	vadd.f32 v13, v4;
	_ =	sdelay $0x1  }
0x5fe: {  	[tilespmem:v43+s2+$0x0] =	vst.idx.msk $0xffff, v4  }
0x5ff: {  	v13 =	vld.idx.msk [tilespmem:v40+s2+$0x0], $0xffff;
	_ =	sdelay $0x2  }
0x600: {  	v14 =	vmul.f32 v37, v14;
	_ =	sdelay $0x1  }
0x601: {  	v13 =	vadd.f32 v13, v14;
	_ =	sdelay $0x1  }
0x602: {  	[tilespmem:v40+s2+$0x0] =	vst.idx.msk $0xffff, v13  }
0x603: {  	v14 =	vld.idx.msk [tilespmem:v39+s2+$0x0], $0xffff;
	_ =	sdelay $0x2  }
0x604: {  	v16 =	vmul.f32 v37, v16;
	_ =	sdelay $0x1  }
0x605: {  	v14 =	vadd.f32 v14, v16;
	_ =	sdelay $0x1  }
0x606: {  	[tilespmem:v39+s2+$0x0] =	vst.idx.msk $0xffff, v14  }
0x607: {  	v16 =	vld.idx.msk [tilespmem:v36+s2+$0x0], $0xffff;
	_ =	sdelay $0x2  }
0x608: {  	v17 =	vmul.f32 v37, v17;
	_ =	sdelay $0x1  }
0x609: {  	v16 =	vadd.f32 v16, v17;
	_ =	sdelay $0x1  }
0x60a: {  	[tilespmem:v36+s2+$0x0] =	vst.idx.msk $0xffff, v16  }
0x60b: {  	v17 =	vld.idx.msk [tilespmem:v32+s2+$0x0], $0xffff;
	_ =	sdelay $0x2  }
0x60c: {  	v18 =	vmul.f32 v37, v18;
	_ =	sdelay $0x1  }
0x60d: {  	v17 =	vadd.f32 v17, v18;
	_ =	sdelay $0x1  }
0x60e: {  	[tilespmem:v32+s2+$0x0] =	vst.idx.msk $0xffff, v17  }
0x60f: {  	v18 =	vld.idx.msk [tilespmem:v28+s2+$0x0], $0xffff;
	_ =	sdelay $0x2  }
0x610: {  	v19 =	vmul.f32 v37, v19;
	_ =	sdelay $0x1  }
0x611: {  	v18 =	vadd.f32 v18, v19;
	_ =	sdelay $0x1  }
0x612: {  	[tilespmem:v28+s2+$0x0] =	vst.idx.msk $0xffff, v18  }
0x613: {  	v19 =	vld.idx.msk [tilespmem:v26+s2+$0x0], $0xffff;
	_ =	sdelay $0x2  }
0x614: {  	v20 =	vmul.f32 v37, v20;
	_ =	sdelay $0x1  }
0x615: {  	v19 =	vadd.f32 v19, v20;
	_ =	sdelay $0x1  }
0x616: {  	[tilespmem:v26+s2+$0x0] =	vst.idx.msk $0xffff, v19  }
0x617: {  	v20 =	vld.idx.msk [tilespmem:v24+s2+$0x0], $0xffff;
	_ =	sdelay $0x2  }
0x618: {  	v21 =	vmul.f32 v37, v21;
	_ =	sdelay $0x1  }
0x619: {  	v20 =	vadd.f32 v20, v21;
	_ =	sdelay $0x1  }
0x61a: {  	[tilespmem:v24+s2+$0x0] =	vst.idx.msk $0xffff, v20  }
0x61b: {  	v21 =	vld.idx.msk [tilespmem:v23+s2+$0x0], $0xffff;
	_ =	sdelay $0x2  }
0x61c: {  	v54 =	vmul.f32 v37, v54;
	_ =	sdelay $0x1  }
0x61d: {  	v21 =	vadd.f32 v21, v54;
	_ =	sdelay $0x1  }
0x61e: {  	[tilespmem:v23+s2+$0x0] =	vst.idx.msk $0xffff, v21  }
0x61f: {  	v54 =	vld.idx.msk [tilespmem:v22+s2+$0x0], $0xffff;
	_ =	sdelay $0x2  }
0x620: {  	v56 =	vmul.f32 v37, v56;
	_ =	sdelay $0x1  }
0x621: {  	v54 =	vadd.f32 v54, v56;
	_ =	sdelay $0x1  }
0x622: {  	[tilespmem:v22+s2+$0x0] =	vst.idx.msk $0xffff, v54  }
0x623: {  	v56 =	vld.idx.msk [tilespmem:v53+s2+$0x0], $0xffff;
	_ =	sdelay $0x2  }
0x624: {  	v58 =	vmul.f32 v37, v58;
	_ =	sdelay $0x1  }
0x625: {  	v56 =	vadd.f32 v56, v58;
	_ =	sdelay $0x1  }
0x626: {  	[tilespmem:v53+s2+$0x0] =	vst.idx.msk $0xffff, v56  }
0x627: {  	v53 =	vld.idx.msk [tilespmem:v55+s2+$0x0], $0xffff;
	_ =	sdelay $0x2  }
0x628: {  	v60 =	vmul.f32 v37, v60;
	_ =	sdelay $0x1  }
0x629: {  	v53 =	vadd.f32 v53, v60;
	_ =	sdelay $0x1  }
0x62a: {  	[tilespmem:v55+s2+$0x0] =	vst.idx.msk $0xffff, v53  }
0x62b: {  	v53 =	vld.idx.msk [tilespmem:v57+s2+$0x0], $0xffff;
	_ =	sdelay $0x2  }
0x62c: {  	v61 =	vmul.f32 v37, v61;
	_ =	sdelay $0x1  }
0x62d: {  	v60 =	vmin.f32 v1, v2;
	v53 =	vadd.f32 v53, v61  }
0x62e: {  	v55 =	vmin.f32 v60, v3  }
0x62f: {  	v55 =	vmin.f32 v55, v4;
	[tilespmem:v57+s2+$0x0] =	vst.idx.msk $0xffff, v53  }
0x630: {  	v55 =	vmin.f32 v55, v13;
	v60 =	vld.idx.msk [tilespmem:v59+s2+$0x0], $0xffff  }
0x631: {  	v55 =	vmin.f32 v55, v14  }
0x632: {  	v55 =	vmin.f32 v55, v16  }
0x633: {  	v58 =	vmin.f32 v55, v17;
	v61 =	vmul.f32 v37, v62  }
0x634: {  	v53 =	vmin.f32 v58, v18  }
0x635: {  	v53 =	vmin.f32 v53, v19;
	v55 =	vadd.f32 v60, v61  }
0x636: {  	v53 =	vmin.f32 v53, v20  }
0x637: {  	v54 =	vnsel vm0, $0x7F800000, v54;
	v53 =	vmin.f32 v53, v21;
	[tilespmem:v59+s2+$0x0] =	vst.idx.msk $0xffff, v55  }
0x638: {  	v53 =	vmin.f32 v53, v54;
	v62 =	vld.idx.msk [tilespmem:v51+s2+$0x0], $0xffff  }
0x639: {  	(xrf0) =	vmin.scan.msk.f32 $0xffff, v53;
	_ =	sdelay $0x1  }
0x63a: {  	v60 =	vmul.f32 v37, v63;
	_ =	sdelay $0x1  }
0x63b: {  	v53 =	vadd.f32 v62, v60;
	v62 =	vld [tilespmem:$0x1FF30];
	_ =	sdelay $0x1  }
0x63c: {  	v61, _, _ =	vpop (xrf0)  }
0x63d: {  	v56 =	vbroadcast v61, $0xF  }
0x63e: {  	v48 =	vshll.u32 v48, $0x8;
	v63 =	vld [tilespmem:$0x1FF40]  }
0x63f: {  	vm1 =	veq.f32 v2, v56;
	v2 =	vshll.u32 v45, $0x8;
	v45 =	vor.u32 v62, v48  }
0x640: {  	v2 =	vor.u32 v0, v2;
	v45 =	vnsel vm1, $0x7FFFFFFF, v45  }
0x641: {  	vm1 =	vlt.s32 v2, v45  }
0x642: {  	v44 =	vshll.u32 v44, $0x8;
	vm2 =	veq.f32 v1, v56;
	[tilespmem:v51+s2+$0x0] =	vst.idx.msk $0xffff, v53;
	v2 =	vsel vm1, v2, v45  }
0x643: {  	v44 =	vor.u32 v63, v44;
	v1 =	vld.idx.msk [tilespmem:v49+s2+$0x0], $0xffff;
	v2 =	vsel vm2, v2, v45  }
0x644: {  	vm2 =	vlt.s32 v2, v44  }
0x645: {  	v43 =	vshll.u32 v43, $0x8;
	vm1 =	veq.f32 v3, v56;
	v44 =	vsel vm2, v2, v44  }
0x646: {  	v43 =	vor.u32 v7, v43;
	v3 =	vmul.f32 v37, v52;
	v2 =	vsel vm1, v44, v2  }
0x647: {  	vm1 =	vlt.s32 v2, v43  }
0x648: {  	v1 =	vadd.f32 v1, v3;
	vm2 =	veq.f32 v4, v56;
	v3 =	vsel vm1, v2, v43  }
0x649: {  	v2 =	vsel vm2, v3, v2;
	v3 =	vld [tilespmem:$0x1FF60];
	_ =	sdelay $0x3  }
0x64a: {  	v48 =	vshll.u32 v40, $0x8  }
0x64b: {  	v3 =	vor.u32 v3, v48  }
0x64c: {  	vm1 =	vlt.s32 v2, v3  }
0x64d: {  	[tilespmem:v49+s2+$0x0] =	vst.idx.msk $0xffff, v1;
	v49 =	vshll.u32 v39, $0x8;
	vm2 =	veq.f32 v13, v56;
	v3 =	vsel vm1, v2, v3  }
0x64e: {  	v1 =	vld.idx.msk [tilespmem:v46+s2+$0x0], $0xffff;
	v2 =	vsel vm2, v3, v2;
	v3 =	vor.u32 v8, v49  }
0x64f: {  	vm2 =	vlt.s32 v2, v3  }
0x650: {  	v52 =	vshll.u32 v36, $0x8;
	vm1 =	veq.f32 v14, v56;
	v3 =	vsel vm2, v2, v3  }
0x651: {  	v51 =	vmul.f32 v37, v50;
	v2 =	vsel vm1, v3, v2;
	v3 =	vor.u32 v15, v52  }
0x652: {  	v53 =	vshll.u32 v32, $0x8;
	vm1 =	vlt.s32 v2, v3  }
0x653: {  	v1 =	vadd.f32 v1, v51;
	vm2 =	veq.f32 v16, v56;
	v3 =	vsel vm1, v2, v3  }
0x654: {  	v2 =	vsel vm2, v3, v2;
	v3 =	vor.u32 v10, v53  }
0x655: {  	[tilespmem:v46+s2+$0x0] =	vst.idx.msk $0xffff, v1;
	vm1 =	vlt.s32 v2, v3  }
0x656: {  	v55 =	vshll.u32 v28, $0x8;
	v1 =	vld.idx.msk [tilespmem:v41+s2+$0x0], $0xffff;
	vm2 =	veq.f32 v17, v56;
	v3 =	vsel vm1, v2, v3  }
0x657: {  	v2 =	vsel vm2, v3, v2;
	v3 =	vor.u32 v11, v55  }
0x658: {  	v57 =	vmul.f32 v37, v47;
	vm2 =	vlt.s32 v2, v3  }
0x659: {  	v58 =	vshll.u32 v26, $0x8;
	vm1 =	veq.f32 v18, v56;
	v3 =	vsel vm2, v2, v3  }
0x65a: {  	v2 =	vsel vm1, v3, v2;
	v3 =	vor.u32 v12, v58  }
0x65b: {  	v1 =	vadd.f32 v1, v57;
	vm1 =	vlt.s32 v2, v3  }
0x65c: {  	v59 =	vshll.u32 v24, $0x8;
	vm2 =	veq.f32 v19, v56;
	v3 =	vsel vm1, v2, v3  }
0x65d: {  	[tilespmem:v41+s2+$0x0] =	vst.idx.msk $0xffff, v1;
	v1 =	vsel vm2, v3, v2;
	v2 =	vor.u32 v5, v59  }
0x65e: {  	v3 =	vld.idx.msk [tilespmem:v34+s2+$0x0], $0xffff;
	vm1 =	vlt.s32 v1, v2  }
0x65f: {  	v60 =	vshll.u32 v23, $0x8;
	vm2 =	veq.f32 v20, v56;
	v2 =	vsel vm1, v1, v2  }
0x660: {  	v1 =	vsel vm2, v2, v1;
	v2 =	vor.u32 v6, v60  }
0x661: {  	v61 =	vmul.f32 v37, v42;
	vm1 =	vlt.s32 v1, v2  }
0x662: {  	v62 =	vshll.u32 v22, $0x8;
	vm2 =	veq.f32 v21, v56;
	v2 =	vsel vm1, v1, v2  }
0x663: {  	v3 =	vadd.f32 v3, v61;
	v1 =	vsel vm2, v2, v1;
	v2 =	vor.u32 v9, v62  }
0x664: {  	vm1 =	vlt.s32 v1, v2  }
0x665: {  	vm2 =	veq.f32 v54, v56;
	[tilespmem:v34+s2+$0x0] =	vst.idx.msk $0xffff, v3;
	v2 =	vsel vm1, v1, v2  }
0x666: {  	v1 =	vsel vm2, v2, v1;
	v2 =	vld.idx.msk [tilespmem:v30+s2+$0x0], $0xffff  }
0x667: {  	v1 =	vxor.u32 $0x80000000, v1  }
0x668: {  	(xrf0) =	vmin.scan.msk.u32 $0xffff, v1  }
0x669: {  	v1 =	vmul.f32 v37, v38;
	_ =	sdelay $0x1  }
0x66a: {  	v1 =	vadd.f32 v2, v1;
	_ =	sdelay $0x1  }
0x66b: {  	[tilespmem:v30+s2+$0x0] =	vst.idx.msk $0xffff, v1  }
0x66c: {  	v1 =	vld.idx.msk [tilespmem:v29+s2+$0x0], $0xffff;
	v2, _, _ =	vpop (xrf0)  }
0x66d: {  	(v2sf) =	vpush v2, $0xF;
	_ =	sdelay $0x1  }
0x66e: {  	v2 =	vmul.f32 v37, v35;
	_ =	sdelay $0x1  }
0x66f: {  	v1 =	vadd.f32 v1, v2;
	_ =	sdelay $0x1  }
0x670: {  	[tilespmem:v29+s2+$0x0] =	vst.idx.msk $0xffff, v1  }
0x671: {  	v1 =	vld.idx.msk [tilespmem:v27+s2+$0x0], $0xffff;
	_ =	sdelay $0x2  }
0x672: {  	v2 =	vmul.f32 v37, v33;
	_ =	sdelay $0x1  }
0x673: {  	v1 =	vadd.f32 v1, v2;
	_ =	sdelay $0x1  }
0x674: {  	[tilespmem:v27+s2+$0x0] =	vst.idx.msk $0xffff, v1  }
0x675: {  	v1 =	vld.idx.msk [tilespmem:v25+s2+$0x0], $0xffff;
	s31 =	spop (v2sf)  }
0x676: {  	s0 =	sxor.u32 $0x80000000, s31  }
0x677: {  	v2 =	vmov s0  }
0x678: {  	v3 =	vmul.f32 v37, v31;
	v63 =	vshrl.u32 v2, $0x8  }
0x679: {  	v2 =	vand.u32 $0xFF, v2  }
0x67a: {  	v1 =	vadd.f32 v1, v3;
	_ =	sdelay $0x1  }
0x67b: {  	[tilespmem:v25+s2+$0x0] =	vst.idx.msk $0xffff, v1;
	v1 =	vimm.s32 $0x7FE  }
0x67c: {  	[tilespmem:v63+s20+$0x0] =	vst.idx.msk $0x1, v1;
	v1 =	vimm.s32 $0x733  }
0x67d: {  	[tilespmem:v2+s21+$0x0] =	vst.idx.msk $0x1, v1  }
0x67e: {  	s25 =	sadd.s32 $0x1, s25;
	_ =	swait.ge [sflag:s24], $0x800  }
0x67f: {  	p0 =	sne.s32 s25, s11;
	[sflag:s24] =	ssyncset.done $0x0  }
.Ltmp2:
0x680: {  	[sflag:s24] =	ssyncadd.s32 $0xFFFFF800;
	(pc) =	sbr.rel @p0 .LBB2_2-.Ltmp2, $4  }
0x681: {  	[hbm4b:s9+s12] =	stream.strided.scatter [tilespmem:s20], [sflag:$0x5], $0x800, s13, s12, $0x38;
	[tilespmem:$0x3380] =	vst v63  }
0x682: {  	_ =	swait.ge [sflag:s14], $0x800  }
0x683: {  	[sflag:s14] =	ssyncset.done $0x0  }
0x684: {  	[sflag:s14] =	ssyncadd.s32 $0xFFFFF800  }
.LBB2_5:
0x685: {  	_ =	sfence.sel $0x180000  }
0x686: {  	[bflag:$0x0] =	sbarrier.arrive $0xFFFF  }
0x687: {  	_ =	strace $0x90000047  }
0x688: {  	s0 =	stileid.u32;
	[bflag:$0x2] =	sbarrier.arrive $0xFFFF  }
0x689: {  	p0 =	sne.s32 s0, $0x0;
	s0 =	rddreg [dreg:$0x2]  }
0x68a: {  	s0 =	sadd.s32 @!p0 $0x100000, s0  }
0x68b: {  	[sflag:s0] =	ssyncadd.tile.s32 @!p0 $0x1;
	_ =	shalt  }
.Lfunc_end2:
_tile_overlayer_lowered:
.L_overlay_start_2:
0x68c: {  	(tag) =	ssettag $0x2  }
0x68d: {  	s0 =	rddreg [dreg:$0x0];
	s2 =	stileid.u32  }
0x68e: {  	s1 =	rddreg [dreg:$0x1];
	p0 =	sne.s32 s2, $0x0  }
0x68f: {  	s3 =	rddreg [dreg:$0x2];
	[bflag:$0x3] =	sbarrier.arrive $0xFFFF;
	s2 =	simm.s32 @!p0 $0x1C05  }
0x690: {  	[timem:s3], [sflag:s2] =	dma.local @!p0 [hbm:s0], s1  }
0x691: {  	s0 =	simm.s32 @!p0 $0x5  }
0x692: {  	_ =	swait.ge @!p0 [sflag:s0], s1  }
0x693: {  	s1 =	ssub.s32 @!p0 $0x0, s1;
	[sflag:s0] =	ssyncset.done @!p0 $0x0  }
0x694: {  	[sflag:s0] =	ssyncadd.s32 @!p0 s1  }
0x695: {  	[bflag:$0x3] =	sbarrier.arrive $0xFFFF  }
0x696: {  	_ =	shalt  }

</sc_bundles>
